<compile_context>
chip_gen: v7x
topology: tpu7x:2x2x1
jax: 0.10.2.dev20260603
libtpu: 0.0.44.dev20260713+nightly
codegen_flags: <defaults>
</compile_context>

<pallas_src>
import functools

import jax
import jax.numpy as jnp
from jax import lax
from jax.experimental import pallas as pl
from jax.experimental.pallas import tpu as pltpu
from jax.experimental.pallas import tpu_sc as plsc

NC = 2
NS = 16
NW = NC * NS
D = 256
CAP = 2048
LCH = 128
RS_PAD = 10240


def _sread(ref, idx):
    return ref[pl.ds(idx, 16)][0]


def _sc_body(n_targets, x_hbm, dst_hbm, rs_hbm, ti_hbm, tj_hbm, w1_hbm, w2_hbm,
             out_hbm, rs_v, ib_v, jb_v, xia_v, xja_v, lia_v, lja_v, xv_v,
             w1_v, w2_v, ti_v, tj_v, out_v, red_v, sem):
    ntpw = n_targets // NW
    wid = lax.axis_index("s") * NC + lax.axis_index("c")
    base = wid * ntpw
    pltpu.sync_copy(rs_hbm, rs_v)
    pltpu.sync_copy(ti_hbm.at[pl.ds(base, ntpw)], ti_v.at[pl.ds(0, ntpw)])
    pltpu.sync_copy(tj_hbm.at[pl.ds(base, ntpw)], tj_v.at[pl.ds(0, ntpw)])
    pltpu.sync_copy(w1_hbm, w1_v)
    pltpu.sync_copy(w2_hbm, w2_v)
    iota = lax.iota(jnp.int32, 16)

    def prefetch(t, _):
        i = _sread(ti_v, t)
        j = _sread(tj_v, t)
        fbi = (_sread(rs_v, i) // 8) * 8
        fbj = (_sread(rs_v, j) // 8) * 8
        pltpu.async_copy(x_hbm.at[i], xia_v.at[pl.ds(t * D, D)], sem)
        pltpu.async_copy(x_hbm.at[j], xja_v.at[pl.ds(t * D, D)], sem)
        pltpu.async_copy(dst_hbm.at[pl.ds(fbi, LCH)],
                         lia_v.at[pl.ds(t * LCH, LCH)], sem)
        pltpu.async_copy(dst_hbm.at[pl.ds(fbj, LCH)],
                         lja_v.at[pl.ds(t * LCH, LCH)], sem)
        return 0

    lax.fori_loop(0, ntpw, prefetch, 0)

    def drain(t, _):
        pltpu.make_async_copy(x_hbm.at[0], xia_v.at[pl.ds(t * D, D)], sem).wait()
        pltpu.make_async_copy(x_hbm.at[0], xja_v.at[pl.ds(t * D, D)], sem).wait()
        pltpu.make_async_copy(dst_hbm.at[pl.ds(0, LCH)],
                              lia_v.at[pl.ds(t * LCH, LCH)], sem).wait()
        pltpu.make_async_copy(dst_hbm.at[pl.ds(0, LCH)],
                              lja_v.at[pl.ds(t * LCH, LCH)], sem).wait()
        return 0

    lax.fori_loop(0, ntpw, drain, 0)

    def _intersect(acc, jref, jbase, shj, kj, iref, ibase, shi, ki, niter):
        def per_chunk(c, acc):
            gpos = c * 16 + iota
            idx = jbase + shj + gpos
            jv = plsc.load_gather(jref, [idx])
            prev = plsc.load_gather(jref, [jnp.maximum(idx - 1, 0)])
            focc = (jv != prev) | (gpos == 0)
            lo = jnp.zeros((16,), jnp.int32)
            hi = jnp.full((16,), ki, jnp.int32)
            for _ in range(niter):
                mid = (lo + hi) // 2
                mv = plsc.load_gather(iref, [ibase + shi + mid])
                ltv = mv < jv
                lo = jnp.where(ltv, mid + 1, lo)
                hi = jnp.where(ltv, hi, mid)
            fv = plsc.load_gather(iref, [ibase + shi + lo])
            member = (gpos < kj) & (lo < ki) & (fv == jv) & focc

            def m_cond(st):
                m, _ = st
                p = plsc.all_reduce_population_count(m)
                p = p if p.ndim == 0 else p[0]
                return p > 0

            def m_body(st):
                m, a = st
                r = plsc.all_reduce_ffs(m)
                l = r if r.ndim == 0 else r[0]
                v = _sread(jref, jbase + shj + c * 16 + l)
                pltpu.sync_copy(x_hbm.at[v], xv_v)
                for cc in range(D // 16):
                    sl = pl.ds(cc * 16, 16)
                    a = a + xv_v[sl] * w2_v[sl]
                return m & (iota != l), a

            member, acc = lax.while_loop(m_cond, m_body, (member, acc))
            return acc

        return lax.fori_loop(0, (kj + 15) // 16, per_chunk, acc)

    def per_target(t, ovec):
        i = _sread(ti_v, t)
        j = _sread(tj_v, t)
        rsi = _sread(rs_v, i)
        rsj = _sread(rs_v, j)
        ki = _sread(rs_v, i + 1) - rsi
        kj = _sread(rs_v, j + 1) - rsj
        shi = rsi - (rsi // 8) * 8
        shj = rsj - (rsj // 8) * 8

        acc = jnp.zeros((16,), jnp.float32)
        for cc in range(D // 16):
            a_sl = pl.ds(t * D + cc * 16, 16)
            w_sl = pl.ds(cc * 16, 16)
            acc = acc + xia_v[a_sl] * xja_v[a_sl] * w1_v[w_sl]

        def fast(acc):
            return _intersect(acc, lja_v, t * LCH, shj, kj,
                              lia_v, t * LCH, shi, ki, 8)

        def slow(acc):
            kic = jnp.minimum(ki, CAP)
            kjc = jnp.minimum(kj, CAP)

            def cp_i(c, _):
                pltpu.sync_copy(dst_hbm.at[pl.ds(rsi - shi + c * LCH, LCH)],
                                ib_v.at[pl.ds(c * LCH, LCH)])
                return 0

            def cp_j(c, _):
                pltpu.sync_copy(dst_hbm.at[pl.ds(rsj - shj + c * LCH, LCH)],
                                jb_v.at[pl.ds(c * LCH, LCH)])
                return 0

            lax.fori_loop(0, (kic + shi + LCH - 1) // LCH, cp_i, 0)
            lax.fori_loop(0, (kjc + shj + LCH - 1) // LCH, cp_j, 0)
            return _intersect(acc, jb_v, 0, shj, kjc, ib_v, 0, shi, kic, 12)

        overflow = (shi + ki > LCH) | (shj + kj > LCH)
        acc = lax.cond(overflow, slow, fast, acc)

        for sh in (8, 4, 2, 1):
            red_v[...] = acc
            acc = acc + plsc.load_gather(red_v, [iota ^ sh])
        return jnp.where(iota == t % 16, acc, ovec)

    def per_group(g, _):
        ovec = lax.fori_loop(g * 16, g * 16 + 16, per_target,
                             jnp.zeros((16,), jnp.float32))
        out_v[pl.ds(g * 16, 16)] = ovec
        return 0

    lax.fori_loop(0, ntpw // 16, per_group, 0)
    pltpu.sync_copy(out_v, out_hbm.at[pl.ds(base, ntpw)])


@functools.partial(jax.jit, static_argnames=("n_nodes", "n_targets"))
def _ncn_sc(x, dst_pad, rs_pad, ti, tj, w1, w2, n_nodes, n_targets):
    ntpw = n_targets // NW
    mesh = plsc.VectorSubcoreMesh(core_axis_name="c", subcore_axis_name="s")
    f = pl.kernel(
        functools.partial(_sc_body, n_targets),
        out_type=jax.ShapeDtypeStruct((n_targets,), jnp.float32),
        mesh=mesh,
        scratch_types=[
            pltpu.VMEM((RS_PAD,), jnp.int32),
            pltpu.VMEM((CAP + LCH,), jnp.int32),
            pltpu.VMEM((CAP + LCH,), jnp.int32),
            pltpu.VMEM((ntpw * D + 16,), jnp.float32),
            pltpu.VMEM((ntpw * D + 16,), jnp.float32),
            pltpu.VMEM((ntpw * LCH + 16,), jnp.int32),
            pltpu.VMEM((ntpw * LCH + 16,), jnp.int32),
            pltpu.VMEM((D,), jnp.float32),
            pltpu.VMEM((D,), jnp.float32),
            pltpu.VMEM((D,), jnp.float32),
            pltpu.VMEM((ntpw + 16,), jnp.int32),
            pltpu.VMEM((ntpw + 16,), jnp.int32),
            pltpu.VMEM((ntpw,), jnp.float32),
            pltpu.VMEM((16,), jnp.float32),
            pltpu.SemaphoreType.DMA,
        ],
        compiler_params=pltpu.CompilerParams(needs_layout_passes=False),
    )
    return f(x, dst_pad, rs_pad, ti, tj, w1, w2)


def kernel(x, adj, tar_ei, NCN_mode, W_xslin, b_xslin):
    n_nodes, d = x.shape
    n_edges = adj.shape[1]
    n_targets = tar_ei.shape[1]
    w1 = W_xslin[0, :d]
    w2 = W_xslin[0, d:]
    keys = jnp.sort(adj[0] * n_nodes + adj[1])
    dst_pad = jnp.concatenate(
        [keys % n_nodes, jnp.full((LCH + 64,), n_nodes, jnp.int32)])
    counts = jnp.zeros((n_nodes,), jnp.int32).at[adj[0]].add(1)
    row_start = jnp.concatenate(
        [jnp.zeros((1,), jnp.int32), jnp.cumsum(counts, dtype=jnp.int32)])
    rs_pad = jnp.concatenate(
        [row_start, jnp.full((RS_PAD - n_nodes - 1,), n_edges, jnp.int32)])
    raw = _ncn_sc(x, dst_pad, rs_pad, tar_ei[0], tar_ei[1], w1, w2,
                  n_nodes=n_nodes, n_targets=n_targets)
    mode_ok = jnp.asarray(jnp.asarray(NCN_mode) == 1, x.dtype)
    return ((raw + b_xslin[0]) * mode_ok).reshape(n_targets, 1)

# --- scband reference (transcript-rebuilt; emitter-appended) ---
"""Pipeline reference for scband-ncnpredictor-76467597738497 (READ-ONLY COPY).

The authoritative reference and input builder live on the scoring server;
editing this copy changes nothing except your own understanding.
"""

import jax, jax.numpy as jnp
import numpy as np

N_NODES = 10000
N_EDGES = 160000
N_TARGET = 2048
D_FEAT = 256
OUT_CH = 1


def setup_inputs(seed: int = 0) -> dict:
    key = jax.random.key(seed)
    k1, k2, k3, k4, k5 = jax.random.split(key, 5)
    x = jax.random.normal(k1, (N_NODES, D_FEAT), dtype=jnp.float32)
    adj = jax.random.randint(k2, (2, N_EDGES), 0, N_NODES, dtype=jnp.int32)
    tar_ei = jax.random.randint(k3, (2, N_TARGET), 0, N_NODES, dtype=jnp.int32)
    W_xslin = jax.random.normal(k4, (OUT_CH, 2 * D_FEAT), dtype=jnp.float32) / jnp.sqrt(2.0 * D_FEAT)
    b_xslin = jax.random.normal(k5, (OUT_CH,), dtype=jnp.float32) * 0.01
    return {"x": x, "adj": adj, "tar_ei": tar_ei, "NCN_mode": 1, "W_xslin": W_xslin, "b_xslin": b_xslin}


def reference(x, adj, tar_ei, NCN_mode, W_xslin, b_xslin):
    mode_ok = jnp.asarray(NCN_mode == 1, x.dtype)
    N = x.shape[0]
    # densify adjacency (boolean incidence) from the edge list
    A = jnp.zeros((N, N), dtype=jnp.bool_).at[adj[0], adj[1]].set(True)
    # xij = x_i * x_j for each target edge
    xi = jnp.take(x, tar_ei[0], axis=0)
    xj = jnp.take(x, tar_ei[1], axis=0)
    xij = (xi * xj).reshape(-1, x.shape[1])
    # adjoverlap(adj_1, adj_1, tar_ei): common-neighbor indicator per target edge
    Ai = jnp.take(A, tar_ei[0], axis=0).astype(x.dtype)
    Aj = jnp.take(A, tar_ei[1], axis=0).astype(x.dtype)
    cn_1 = Ai * Aj  # [T, N] 0/1 mask == sparse CN matrix densified
    # spmm_add(cn_1, x): sum node features over common neighbors
    xcn_1 = cn_1 @ x
    xs = jnp.concatenate([xij, xcn_1], axis=-1)
    # NOTE: original code calls xs.relu() without assignment -> no-op, kept faithful
    xs = (xs @ W_xslin.T + b_xslin) * mode_ok
    return xs

if __name__ == "__main__":
    import jax
    _d = setup_inputs()
    print(jax.jit(kernel)(*tuple(_d.values())))

</pallas_src>

<mosaic_0001>
#map = affine_map<(d0, d1) -> (0, 0)>
#map1 = affine_map<(d0, d1) -> (0)>
module attributes {stable_mosaic.version = 14 : i64} {
  func.func @_sc_body(%arg0: i32, %arg1: i32, %arg2: memref<10000x256xf32, #tpu.memory_space<hbm>>, %arg3: memref<160192xi32, #tpu.memory_space<hbm>>, %arg4: memref<10240xi32, #tpu.memory_space<hbm>>, %arg5: memref<2048xi32, #tpu.memory_space<hbm>>, %arg6: memref<2048xi32, #tpu.memory_space<hbm>>, %arg7: memref<256xf32, #tpu.memory_space<hbm>>, %arg8: memref<256xf32, #tpu.memory_space<hbm>>, %arg9: memref<2048xf32, #tpu.memory_space<hbm>>, %arg10: memref<10240xi32, #tpu.memory_space<vmem>>, %arg11: memref<2176xi32, #tpu.memory_space<vmem>>, %arg12: memref<2176xi32, #tpu.memory_space<vmem>>, %arg13: memref<16400xf32, #tpu.memory_space<vmem>>, %arg14: memref<16400xf32, #tpu.memory_space<vmem>>, %arg15: memref<8208xi32, #tpu.memory_space<vmem>>, %arg16: memref<8208xi32, #tpu.memory_space<vmem>>, %arg17: memref<256xf32, #tpu.memory_space<vmem>>, %arg18: memref<256xf32, #tpu.memory_space<vmem>>, %arg19: memref<256xf32, #tpu.memory_space<vmem>>, %arg20: memref<80xi32, #tpu.memory_space<vmem>>, %arg21: memref<80xi32, #tpu.memory_space<vmem>>, %arg22: memref<64xf32, #tpu.memory_space<vmem>>, %arg23: memref<16xf32, #tpu.memory_space<vmem>>, %arg24: memref<!tpu.dma_semaphore, #tpu.memory_space<semaphore_mem>>) attributes {dimension_semantics = [#tpu.dimension_semantics<core_parallel>, #tpu.dimension_semantics<subcore_parallel>], iteration_bounds = array<i64: 2, 16>, scalar_prefetch = 0 : i64, scratch_operands = 15 : i64, tpu.core_type = #tpu.core_type<sc_vector_subcore>, window_params = [{transform_indices = #map}, {transform_indices = #map1}, {transform_indices = #map1}, {transform_indices = #map1}, {transform_indices = #map1}, {transform_indices = #map1}, {transform_indices = #map1}, {transform_indices = #map1}]} {
    %mul3A = arith.constant 2 : i32
    %mul3A_0 = arith.muli %arg1, %mul3A : i32
    %add3A = arith.addi %mul3A_0, %arg0 : i32
    %mul3A_1 = arith.constant 64 : i32
    %mul3A_2 = arith.muli %add3A, %mul3A_1 : i32
    "tpu.region"() ({
      %run_scoped3A = tpu.sem_alloc : memref<!tpu.dma_semaphore, #tpu.memory_space<semaphore_mem>>
      tpu.enqueue_dma source(%arg4 : memref<10240xi32, #tpu.memory_space<hbm>>) target(%arg10 : memref<10240xi32, #tpu.memory_space<vmem>>) target_semaphore(%run_scoped3A : memref<!tpu.dma_semaphore, #tpu.memory_space<semaphore_mem>>)
      tpu.wait_dma2 semaphore(%run_scoped3A : memref<!tpu.dma_semaphore, #tpu.memory_space<semaphore_mem>>) src(%arg4 : memref<10240xi32, #tpu.memory_space<hbm>>) dst(%arg10 : memref<10240xi32, #tpu.memory_space<vmem>>)
      tpu.yield
    }) : () -> ()
    "tpu.region"() ({
      %run_scoped3A = tpu.sem_alloc : memref<!tpu.dma_semaphore, #tpu.memory_space<semaphore_mem>>
      %dma_start3A = arith.constant 0 : i32
      %dma_start3A_23 = tpu.memref_slice %arg20[%dma_start3A] : memref<80xi32, #tpu.memory_space<vmem>> -> memref<64xi32, #tpu.memory_space<vmem>>
      %dma_start3A_24 = tpu.memref_slice %arg5[%mul3A_2] : memref<2048xi32, #tpu.memory_space<hbm>> -> memref<64xi32, #tpu.memory_space<hbm>>
      %dma_start3A_25 = arith.constant 0 : i32
      %dma_start3A_26 = tpu.memref_slice %arg20[%dma_start3A_25] : memref<80xi32, #tpu.memory_space<vmem>> -> memref<64xi32, #tpu.memory_space<vmem>>
      %dma_start3A_27 = tpu.memref_slice %arg5[%mul3A_2] : memref<2048xi32, #tpu.memory_space<hbm>> -> memref<64xi32, #tpu.memory_space<hbm>>
      tpu.enqueue_dma source(%dma_start3A_27 : memref<64xi32, #tpu.memory_space<hbm>>) target(%dma_start3A_26 : memref<64xi32, #tpu.memory_space<vmem>>) target_semaphore(%run_scoped3A : memref<!tpu.dma_semaphore, #tpu.memory_space<semaphore_mem>>)
      %dma_wait3A = arith.constant 0 : i32
      %dma_wait3A_28 = tpu.memref_slice %arg20[%dma_wait3A] : memref<80xi32, #tpu.memory_space<vmem>> -> memref<64xi32, #tpu.memory_space<vmem>>
      %dma_wait3A_29 = tpu.memref_slice %arg5[%mul3A_2] : memref<2048xi32, #tpu.memory_space<hbm>> -> memref<64xi32, #tpu.memory_space<hbm>>
      %dma_wait3A_30 = arith.constant 0 : i32
      %dma_wait3A_31 = tpu.memref_slice %arg20[%dma_wait3A_30] : memref<80xi32, #tpu.memory_space<vmem>> -> memref<64xi32, #tpu.memory_space<vmem>>
      %dma_wait3A_32 = tpu.memref_slice %arg5[%mul3A_2] : memref<2048xi32, #tpu.memory_space<hbm>> -> memref<64xi32, #tpu.memory_space<hbm>>
      tpu.wait_dma2 semaphore(%run_scoped3A : memref<!tpu.dma_semaphore, #tpu.memory_space<semaphore_mem>>) src(%dma_wait3A_32 : memref<64xi32, #tpu.memory_space<hbm>>) dst(%dma_wait3A_31 : memref<64xi32, #tpu.memory_space<vmem>>)
      tpu.yield
    }) : () -> ()
    "tpu.region"() ({
      %run_scoped3A = tpu.sem_alloc : memref<!tpu.dma_semaphore, #tpu.memory_space<semaphore_mem>>
      %dma_start3A = arith.constant 0 : i32
      %dma_start3A_23 = tpu.memref_slice %arg21[%dma_start3A] : memref<80xi32, #tpu.memory_space<vmem>> -> memref<64xi32, #tpu.memory_space<vmem>>
      %dma_start3A_24 = tpu.memref_slice %arg6[%mul3A_2] : memref<2048xi32, #tpu.memory_space<hbm>> -> memref<64xi32, #tpu.memory_space<hbm>>
      %dma_start3A_25 = arith.constant 0 : i32
      %dma_start3A_26 = tpu.memref_slice %arg21[%dma_start3A_25] : memref<80xi32, #tpu.memory_space<vmem>> -> memref<64xi32, #tpu.memory_space<vmem>>
      %dma_start3A_27 = tpu.memref_slice %arg6[%mul3A_2] : memref<2048xi32, #tpu.memory_space<hbm>> -> memref<64xi32, #tpu.memory_space<hbm>>
      tpu.enqueue_dma source(%dma_start3A_27 : memref<64xi32, #tpu.memory_space<hbm>>) target(%dma_start3A_26 : memref<64xi32, #tpu.memory_space<vmem>>) target_semaphore(%run_scoped3A : memref<!tpu.dma_semaphore, #tpu.memory_space<semaphore_mem>>)
      %dma_wait3A = arith.constant 0 : i32
      %dma_wait3A_28 = tpu.memref_slice %arg21[%dma_wait3A] : memref<80xi32, #tpu.memory_space<vmem>> -> memref<64xi32, #tpu.memory_space<vmem>>
      %dma_wait3A_29 = tpu.memref_slice %arg6[%mul3A_2] : memref<2048xi32, #tpu.memory_space<hbm>> -> memref<64xi32, #tpu.memory_space<hbm>>
      %dma_wait3A_30 = arith.constant 0 : i32
      %dma_wait3A_31 = tpu.memref_slice %arg21[%dma_wait3A_30] : memref<80xi32, #tpu.memory_space<vmem>> -> memref<64xi32, #tpu.memory_space<vmem>>
      %dma_wait3A_32 = tpu.memref_slice %arg6[%mul3A_2] : memref<2048xi32, #tpu.memory_space<hbm>> -> memref<64xi32, #tpu.memory_space<hbm>>
      tpu.wait_dma2 semaphore(%run_scoped3A : memref<!tpu.dma_semaphore, #tpu.memory_space<semaphore_mem>>) src(%dma_wait3A_32 : memref<64xi32, #tpu.memory_space<hbm>>) dst(%dma_wait3A_31 : memref<64xi32, #tpu.memory_space<vmem>>)
      tpu.yield
    }) : () -> ()
    "tpu.region"() ({
      %run_scoped3A = tpu.sem_alloc : memref<!tpu.dma_semaphore, #tpu.memory_space<semaphore_mem>>
      tpu.enqueue_dma source(%arg7 : memref<256xf32, #tpu.memory_space<hbm>>) target(%arg18 : memref<256xf32, #tpu.memory_space<vmem>>) target_semaphore(%run_scoped3A : memref<!tpu.dma_semaphore, #tpu.memory_space<semaphore_mem>>)
      tpu.wait_dma2 semaphore(%run_scoped3A : memref<!tpu.dma_semaphore, #tpu.memory_space<semaphore_mem>>) src(%arg7 : memref<256xf32, #tpu.memory_space<hbm>>) dst(%arg18 : memref<256xf32, #tpu.memory_space<vmem>>)
      tpu.yield
    }) : () -> ()
    "tpu.region"() ({
      %run_scoped3A = tpu.sem_alloc : memref<!tpu.dma_semaphore, #tpu.memory_space<semaphore_mem>>
      tpu.enqueue_dma source(%arg8 : memref<256xf32, #tpu.memory_space<hbm>>) target(%arg19 : memref<256xf32, #tpu.memory_space<vmem>>) target_semaphore(%run_scoped3A : memref<!tpu.dma_semaphore, #tpu.memory_space<semaphore_mem>>)
      tpu.wait_dma2 semaphore(%run_scoped3A : memref<!tpu.dma_semaphore, #tpu.memory_space<semaphore_mem>>) src(%arg8 : memref<256xf32, #tpu.memory_space<hbm>>) dst(%arg19 : memref<256xf32, #tpu.memory_space<vmem>>)
      tpu.yield
    }) : () -> ()
    %iota3A = tpu.iota {dimensions = array<i32: 0>} : vector<16xi32>
    %scan3A = arith.constant 0 : i32
    %scan3A_3 = arith.constant 0 : i32
    %scan3A_4 = arith.constant 64 : i32
    %scan3A_5 = arith.addi %scan3A_3, %scan3A_4 : i32
    %scan3A_6 = arith.constant 1 : i32
    %scan3A_7 = scf.for %scan3A_23 = %scan3A_3 to %scan3A_5 step %scan3A_6 iter_args(%scan3A_24 = %scan3A) -> (i32)  : i32 {
      %get3A = arith.index_cast %scan3A_23 : i32 to index
      %get3A_25 = tpu.vector_load %arg20[%get3A] {strides = array<i32>} : memref<80xi32, #tpu.memory_space<vmem>>, vector<16xi32>,
      %slice3A = vector.extract_strided_slice %get3A_25 {offsets = [0], sizes = [1], strides = [1]} : vector<16xi32> to vector<1xi32>
      %squeeze3A = vector.extract %slice3A[0] : i32 from vector<1xi32>
      %get3A_26 = arith.index_cast %scan3A_23 : i32 to index
      %get3A_27 = tpu.vector_load %arg21[%get3A_26] {strides = array<i32>} : memref<80xi32, #tpu.memory_space<vmem>>, vector<16xi32>,
      %slice3A_28 = vector.extract_strided_slice %get3A_27 {offsets = [0], sizes = [1], strides = [1]} : vector<16xi32> to vector<1xi32>
      %squeeze3A_29 = vector.extract %slice3A_28[0] : i32 from vector<1xi32>
      %get3A_30 = arith.index_cast %squeeze3A : i32 to index
      %get3A_31 = tpu.vector_load %arg10[%get3A_30] {strides = array<i32>} : memref<10240xi32, #tpu.memory_space<vmem>>, vector<16xi32>,
      %slice3A_32 = vector.extract_strided_slice %get3A_31 {offsets = [0], sizes = [1], strides = [1]} : vector<16xi32> to vector<1xi32>
      %squeeze3A_33 = vector.extract %slice3A_32[0] : i32 from vector<1xi32>
      %jit3A = arith.constant 8 : i32
      %div3A = arith.divsi %squeeze3A_33, %jit3A : i32
      %sign3A = arith.constant 0 : i32
      %sign3A_34 = arith.cmpi sgt, %squeeze3A_33, %sign3A : i32
      %sign3A_35 = arith.extui %sign3A_34 : i1 to i32
      %sign3A_36 = arith.constant 0 : i32
      %sign3A_37 = arith.cmpi slt, %squeeze3A_33, %sign3A_36 : i32
      %sign3A_38 = arith.extui %sign3A_37 : i1 to i32
      %sign3A_39 = arith.subi %sign3A_35, %sign3A_38 : i32
      %sign3A_40 = arith.constant 0 : i32
      %sign3A_41 = arith.cmpi sgt, %jit3A, %sign3A_40 : i32
      %sign3A_42 = arith.extui %sign3A_41 : i1 to i32
      %sign3A_43 = arith.constant 0 : i32
      %sign3A_44 = arith.cmpi slt, %jit3A, %sign3A_43 : i32
      %sign3A_45 = arith.extui %sign3A_44 : i1 to i32
      %sign3A_46 = arith.subi %sign3A_42, %sign3A_45 : i32
      %ne3A = arith.cmpi ne, %sign3A_39, %sign3A_46 : i32
      %rem3A = arith.remsi %squeeze3A_33, %jit3A : i32
      %ne3A_47 = arith.constant 0 : i32
      %ne3A_48 = arith.cmpi ne, %rem3A, %ne3A_47 : i32
      %and3A = arith.andi %ne3A, %ne3A_48 : i1
      %sub3A = arith.constant 1 : i32
      %sub3A_49 = arith.subi %div3A, %sub3A : i32
      %select_n3A = arith.select %and3A, %sub3A_49, %div3A : i32
      %mul3A_50 = arith.constant 8 : i32
      %mul3A_51 = arith.muli %select_n3A, %mul3A_50 : i32
      %get3A_52 = arith.index_cast %squeeze3A_29 : i32 to index
      %get3A_53 = tpu.vector_load %arg10[%get3A_52] {strides = array<i32>} : memref<10240xi32, #tpu.memory_space<vmem>>, vector<16xi32>,
      %slice3A_54 = vector.extract_strided_slice %get3A_53 {offsets = [0], sizes = [1], strides = [1]} : vector<16xi32> to vector<1xi32>
      %squeeze3A_55 = vector.extract %slice3A_54[0] : i32 from vector<1xi32>
      %jit3A_56 = arith.constant 8 : i32
      %div3A_57 = arith.divsi %squeeze3A_55, %jit3A_56 : i32
      %sign3A_58 = arith.constant 0 : i32
      %sign3A_59 = arith.cmpi sgt, %squeeze3A_55, %sign3A_58 : i32
      %sign3A_60 = arith.extui %sign3A_59 : i1 to i32
      %sign3A_61 = arith.constant 0 : i32
      %sign3A_62 = arith.cmpi slt, %squeeze3A_55, %sign3A_61 : i32
      %sign3A_63 = arith.extui %sign3A_62 : i1 to i32
      %sign3A_64 = arith.subi %sign3A_60, %sign3A_63 : i32
      %sign3A_65 = arith.constant 0 : i32
      %sign3A_66 = arith.cmpi sgt, %jit3A_56, %sign3A_65 : i32
      %sign3A_67 = arith.extui %sign3A_66 : i1 to i32
      %sign3A_68 = arith.constant 0 : i32
      %sign3A_69 = arith.cmpi slt, %jit3A_56, %sign3A_68 : i32
      %sign3A_70 = arith.extui %sign3A_69 : i1 to i32
      %sign3A_71 = arith.subi %sign3A_67, %sign3A_70 : i32
      %ne3A_72 = arith.cmpi ne, %sign3A_64, %sign3A_71 : i32
      %rem3A_73 = arith.remsi %squeeze3A_55, %jit3A_56 : i32
      %ne3A_74 = arith.constant 0 : i32
      %ne3A_75 = arith.cmpi ne, %rem3A_73, %ne3A_74 : i32
      %and3A_76 = arith.andi %ne3A_72, %ne3A_75 : i1
      %sub3A_77 = arith.constant 1 : i32
      %sub3A_78 = arith.subi %div3A_57, %sub3A_77 : i32
      %select_n3A_79 = arith.select %and3A_76, %sub3A_78, %div3A_57 : i32
      %mul3A_80 = arith.constant 8 : i32
      %mul3A_81 = arith.muli %select_n3A_79, %mul3A_80 : i32
      %mul3A_82 = arith.constant 256 : i32
      %mul3A_83 = arith.muli %scan3A_23, %mul3A_82 : i32
      %dma_start3A = tpu.memref_slice %arg13[%mul3A_83] : memref<16400xf32, #tpu.memory_space<vmem>> -> memref<256xf32, #tpu.memory_space<vmem>>
      %dma_start3A_84 = arith.constant 0 : i32
      %dma_start3A_85 = tpu.memref_slice %arg2[%squeeze3A, %dma_start3A_84] : memref<10000x256xf32, #tpu.memory_space<hbm>> -> memref<1x256xf32, #tpu.memory_space<hbm>>
      %dma_start3A_86 = tpu.memref_squeeze %dma_start3A_85 : memref<1x256xf32, #tpu.memory_space<hbm>> -> memref<256xf32, #tpu.memory_space<hbm>>
      %dma_start3A_87 = tpu.memref_slice %arg13[%mul3A_83] : memref<16400xf32, #tpu.memory_space<vmem>> -> memref<256xf32, #tpu.memory_space<vmem>>
      %dma_start3A_88 = arith.constant 0 : i32
      %dma_start3A_89 = tpu.memref_slice %arg2[%squeeze3A, %dma_start3A_88] : memref<10000x256xf32, #tpu.memory_space<hbm>> -> memref<1x256xf32, #tpu.memory_space<hbm>>
      %dma_start3A_90 = tpu.memref_squeeze %dma_start3A_89 : memref<1x256xf32, #tpu.memory_space<hbm>> -> memref<256xf32, #tpu.memory_space<hbm>>
      tpu.enqueue_dma source(%dma_start3A_90 : memref<256xf32, #tpu.memory_space<hbm>>) target(%dma_start3A_87 : memref<256xf32, #tpu.memory_space<vmem>>) target_semaphore(%arg24 : memref<!tpu.dma_semaphore, #tpu.memory_space<semaphore_mem>>)
      %mul3A_91 = arith.constant 256 : i32
      %mul3A_92 = arith.muli %scan3A_23, %mul3A_91 : i32
      %dma_start3A_93 = tpu.memref_slice %arg14[%mul3A_92] : memref<16400xf32, #tpu.memory_space<vmem>> -> memref<256xf32, #tpu.memory_space<vmem>>
      %dma_start3A_94 = arith.constant 0 : i32
      %dma_start3A_95 = tpu.memref_slice %arg2[%squeeze3A_29, %dma_start3A_94] : memref<10000x256xf32, #tpu.memory_space<hbm>> -> memref<1x256xf32, #tpu.memory_space<hbm>>
      %dma_start3A_96 = tpu.memref_squeeze %dma_start3A_95 : memref<1x256xf32, #tpu.memory_space<hbm>> -> memref<256xf32, #tpu.memory_space<hbm>>
      %dma_start3A_97 = tpu.memref_slice %arg14[%mul3A_92] : memref<16400xf32, #tpu.memory_space<vmem>> -> memref<256xf32, #tpu.memory_space<vmem>>
      %dma_start3A_98 = arith.constant 0 : i32
      %dma_start3A_99 = tpu.memref_slice %arg2[%squeeze3A_29, %dma_start3A_98] : memref<10000x256xf32, #tpu.memory_space<hbm>> -> memref<1x256xf32, #tpu.memory_space<hbm>>
      %dma_start3A_100 = tpu.memref_squeeze %dma_start3A_99 : memref<1x256xf32, #tpu.memory_space<hbm>> -> memref<256xf32, #tpu.memory_space<hbm>>
      tpu.enqueue_dma source(%dma_start3A_100 : memref<256xf32, #tpu.memory_space<hbm>>) target(%dma_start3A_97 : memref<256xf32, #tpu.memory_space<vmem>>) target_semaphore(%arg24 : memref<!tpu.dma_semaphore, #tpu.memory_space<semaphore_mem>>)
      %mul3A_101 = arith.constant 128 : i32
      %mul3A_102 = arith.muli %scan3A_23, %mul3A_101 : i32
      %dma_start3A_103 = tpu.memref_slice %arg15[%mul3A_102] : memref<8208xi32, #tpu.memory_space<vmem>> -> memref<128xi32, #tpu.memory_space<vmem>>
      %dma_start3A_104 = tpu.memref_slice %arg3[%mul3A_51] : memref<160192xi32, #tpu.memory_space<hbm>> -> memref<128xi32, #tpu.memory_space<hbm>>
      %dma_start3A_105 = tpu.memref_slice %arg15[%mul3A_102] : memref<8208xi32, #tpu.memory_space<vmem>> -> memref<128xi32, #tpu.memory_space<vmem>>
      %dma_start3A_106 = tpu.memref_slice %arg3[%mul3A_51] : memref<160192xi32, #tpu.memory_space<hbm>> -> memref<128xi32, #tpu.memory_space<hbm>>
      tpu.enqueue_dma source(%dma_start3A_106 : memref<128xi32, #tpu.memory_space<hbm>>) target(%dma_start3A_105 : memref<128xi32, #tpu.memory_space<vmem>>) target_semaphore(%arg24 : memref<!tpu.dma_semaphore, #tpu.memory_space<semaphore_mem>>)
      %mul3A_107 = arith.constant 128 : i32
      %mul3A_108 = arith.muli %scan3A_23, %mul3A_107 : i32
      %dma_start3A_109 = tpu.memref_slice %arg16[%mul3A_108] : memref<8208xi32, #tpu.memory_space<vmem>> -> memref<128xi32, #tpu.memory_space<vmem>>
      %dma_start3A_110 = tpu.memref_slice %arg3[%mul3A_81] : memref<160192xi32, #tpu.memory_space<hbm>> -> memref<128xi32, #tpu.memory_space<hbm>>
      %dma_start3A_111 = tpu.memref_slice %arg16[%mul3A_108] : memref<8208xi32, #tpu.memory_space<vmem>> -> memref<128xi32, #tpu.memory_space<vmem>>
      %dma_start3A_112 = tpu.memref_slice %arg3[%mul3A_81] : memref<160192xi32, #tpu.memory_space<hbm>> -> memref<128xi32, #tpu.memory_space<hbm>>
      tpu.enqueue_dma source(%dma_start3A_112 : memref<128xi32, #tpu.memory_space<hbm>>) target(%dma_start3A_111 : memref<128xi32, #tpu.memory_space<vmem>>) target_semaphore(%arg24 : memref<!tpu.dma_semaphore, #tpu.memory_space<semaphore_mem>>)
      %scan3A_113 = arith.constant 0 : i32
      scf.yield %scan3A_113 : i32
    }
    %scan3A_8 = arith.constant 64 : i32
    %scan3A_9 = arith.constant 0 : i32
    %scan3A_10 = arith.constant 0 : i32
    %scan3A_11 = arith.constant 64 : i32
    %scan3A_12 = arith.addi %scan3A_10, %scan3A_11 : i32
    %scan3A_13 = arith.constant 1 : i32
    %scan3A_14 = scf.for %scan3A_23 = %scan3A_10 to %scan3A_12 step %scan3A_13 iter_args(%scan3A_24 = %scan3A_9) -> (i32)  : i32 {
      %mul3A_25 = arith.constant 256 : i32
      %mul3A_26 = arith.muli %scan3A_23, %mul3A_25 : i32
      %dma_wait3A = arith.constant 0 : i32
      %dma_wait3A_27 = tpu.memref_slice %arg13[%mul3A_26] : memref<16400xf32, #tpu.memory_space<vmem>> -> memref<256xf32, #tpu.memory_space<vmem>>
      %dma_wait3A_28 = arith.constant 0 : i32
      %dma_wait3A_29 = tpu.memref_slice %arg2[%dma_wait3A, %dma_wait3A_28] : memref<10000x256xf32, #tpu.memory_space<hbm>> -> memref<1x256xf32, #tpu.memory_space<hbm>>
      %dma_wait3A_30 = tpu.memref_squeeze %dma_wait3A_29 : memref<1x256xf32, #tpu.memory_space<hbm>> -> memref<256xf32, #tpu.memory_space<hbm>>
      %dma_wait3A_31 = tpu.memref_slice %arg13[%mul3A_26] : memref<16400xf32, #tpu.memory_space<vmem>> -> memref<256xf32, #tpu.memory_space<vmem>>
      %dma_wait3A_32 = arith.constant 0 : i32
      %dma_wait3A_33 = tpu.memref_slice %arg2[%dma_wait3A, %dma_wait3A_32] : memref<10000x256xf32, #tpu.memory_space<hbm>> -> memref<1x256xf32, #tpu.memory_space<hbm>>
      %dma_wait3A_34 = tpu.memref_squeeze %dma_wait3A_33 : memref<1x256xf32, #tpu.memory_space<hbm>> -> memref<256xf32, #tpu.memory_space<hbm>>
      tpu.wait_dma2 semaphore(%arg24 : memref<!tpu.dma_semaphore, #tpu.memory_space<semaphore_mem>>) src(%dma_wait3A_34 : memref<256xf32, #tpu.memory_space<hbm>>) dst(%dma_wait3A_31 : memref<256xf32, #tpu.memory_space<vmem>>)
      %mul3A_35 = arith.constant 256 : i32
      %mul3A_36 = arith.muli %scan3A_23, %mul3A_35 : i32
      %dma_wait3A_37 = arith.constant 0 : i32
      %dma_wait3A_38 = tpu.memref_slice %arg14[%mul3A_36] : memref<16400xf32, #tpu.memory_space<vmem>> -> memref<256xf32, #tpu.memory_space<vmem>>
      %dma_wait3A_39 = arith.constant 0 : i32
      %dma_wait3A_40 = tpu.memref_slice %arg2[%dma_wait3A_37, %dma_wait3A_39] : memref<10000x256xf32, #tpu.memory_space<hbm>> -> memref<1x256xf32, #tpu.memory_space<hbm>>
      %dma_wait3A_41 = tpu.memref_squeeze %dma_wait3A_40 : memref<1x256xf32, #tpu.memory_space<hbm>> -> memref<256xf32, #tpu.memory_space<hbm>>
      %dma_wait3A_42 = tpu.memref_slice %arg14[%mul3A_36] : memref<16400xf32, #tpu.memory_space<vmem>> -> memref<256xf32, #tpu.memory_space<vmem>>
      %dma_wait3A_43 = arith.constant 0 : i32
      %dma_wait3A_44 = tpu.memref_slice %arg2[%dma_wait3A_37, %dma_wait3A_43] : memref<10000x256xf32, #tpu.memory_space<hbm>> -> memref<1x256xf32, #tpu.memory_space<hbm>>
      %dma_wait3A_45 = tpu.memref_squeeze %dma_wait3A_44 : memref<1x256xf32, #tpu.memory_space<hbm>> -> memref<256xf32, #tpu.memory_space<hbm>>
      tpu.wait_dma2 semaphore(%arg24 : memref<!tpu.dma_semaphore, #tpu.memory_space<semaphore_mem>>) src(%dma_wait3A_45 : memref<256xf32, #tpu.memory_space<hbm>>) dst(%dma_wait3A_42 : memref<256xf32, #tpu.memory_space<vmem>>)
      %mul3A_46 = arith.constant 128 : i32
      %mul3A_47 = arith.muli %scan3A_23, %mul3A_46 : i32
      %dma_wait3A_48 = tpu.memref_slice %arg15[%mul3A_47] : memref<8208xi32, #tpu.memory_space<vmem>> -> memref<128xi32, #tpu.memory_space<vmem>>
      %dma_wait3A_49 = arith.constant 0 : i32
      %dma_wait3A_50 = tpu.memref_slice %arg3[%dma_wait3A_49] : memref<160192xi32, #tpu.memory_space<hbm>> -> memref<128xi32, #tpu.memory_space<hbm>>
      %dma_wait3A_51 = tpu.memref_slice %arg15[%mul3A_47] : memref<8208xi32, #tpu.memory_space<vmem>> -> memref<128xi32, #tpu.memory_space<vmem>>
      %dma_wait3A_52 = arith.constant 0 : i32
      %dma_wait3A_53 = tpu.memref_slice %arg3[%dma_wait3A_52] : memref<160192xi32, #tpu.memory_space<hbm>> -> memref<128xi32, #tpu.memory_space<hbm>>
      tpu.wait_dma2 semaphore(%arg24 : memref<!tpu.dma_semaphore, #tpu.memory_space<semaphore_mem>>) src(%dma_wait3A_53 : memref<128xi32, #tpu.memory_space<hbm>>) dst(%dma_wait3A_51 : memref<128xi32, #tpu.memory_space<vmem>>)
      %mul3A_54 = arith.constant 128 : i32
      %mul3A_55 = arith.muli %scan3A_23, %mul3A_54 : i32
      %dma_wait3A_56 = tpu.memref_slice %arg16[%mul3A_55] : memref<8208xi32, #tpu.memory_space<vmem>> -> memref<128xi32, #tpu.memory_space<vmem>>
      %dma_wait3A_57 = arith.constant 0 : i32
      %dma_wait3A_58 = tpu.memref_slice %arg3[%dma_wait3A_57] : memref<160192xi32, #tpu.memory_space<hbm>> -> memref<128xi32, #tpu.memory_space<hbm>>
      %dma_wait3A_59 = tpu.memref_slice %arg16[%mul3A_55] : memref<8208xi32, #tpu.memory_space<vmem>> -> memref<128xi32, #tpu.memory_space<vmem>>
      %dma_wait3A_60 = arith.constant 0 : i32
      %dma_wait3A_61 = tpu.memref_slice %arg3[%dma_wait3A_60] : memref<160192xi32, #tpu.memory_space<hbm>> -> memref<128xi32, #tpu.memory_space<hbm>>
      tpu.wait_dma2 semaphore(%arg24 : memref<!tpu.dma_semaphore, #tpu.memory_space<semaphore_mem>>) src(%dma_wait3A_61 : memref<128xi32, #tpu.memory_space<hbm>>) dst(%dma_wait3A_59 : memref<128xi32, #tpu.memory_space<vmem>>)
      %scan3A_62 = arith.constant 0 : i32
      scf.yield %scan3A_62 : i32
    }
    %scan3A_15 = arith.constant 64 : i32
    %scan3A_16 = arith.constant 0 : i32
    %scan3A_17 = arith.constant 0 : i32
    %scan3A_18 = arith.constant 4 : i32
    %scan3A_19 = arith.addi %scan3A_17, %scan3A_18 : i32
    %scan3A_20 = arith.constant 1 : i32
    %scan3A_21 = scf.for %scan3A_23 = %scan3A_17 to %scan3A_19 step %scan3A_20 iter_args(%scan3A_24 = %scan3A_16) -> (i32)  : i32 {
      %mul3A_25 = arith.constant 16 : i32
      %mul3A_26 = arith.muli %scan3A_23, %mul3A_25 : i32
      %mul3A_27 = arith.constant 16 : i32
      %mul3A_28 = arith.muli %scan3A_23, %mul3A_27 : i32
      %add3A_29 = arith.constant 16 : i32
      %add3A_30 = arith.addi %mul3A_28, %add3A_29 : i32
      %broadcast_in_dim3A = arith.constant 0.000000e+00 : f32
      %broadcast_in_dim3A_31 = vector.broadcast %broadcast_in_dim3A : f32 to vector<16xf32>
      %while3A = arith.subi %add3A_30, %mul3A_26 : i32
      %while3A_32 = arith.addi %mul3A_26, %while3A : i32
      %while3A_33 = arith.constant 1 : i32
      %while3A_34 = arith.divsi %while3A, %while3A_33 : i32
      %while3A_35 = arith.muli %while3A_34, %while3A_33 : i32
      %while3A_36 = arith.addi %mul3A_26, %while3A_35 : i32
      %while3A_37 = arith.constant 1 : i32
      %while3A_38 = scf.for %while3A_45 = %mul3A_26 to %while3A_36 step %while3A_37 iter_args(%while3A_46 = %broadcast_in_dim3A_31) -> (vector<16xf32>)  : i32 {
        %get3A = arith.index_cast %while3A_45 : i32 to index
        %get3A_47 = tpu.vector_load %arg20[%get3A] {strides = array<i32>} : memref<80xi32, #tpu.memory_space<vmem>>, vector<16xi32>,
        %slice3A = vector.extract_strided_slice %get3A_47 {offsets = [0], sizes = [1], strides = [1]} : vector<16xi32> to vector<1xi32>
        %squeeze3A = vector.extract %slice3A[0] : i32 from vector<1xi32>
        %get3A_48 = arith.index_cast %while3A_45 : i32 to index
        %get3A_49 = tpu.vector_load %arg21[%get3A_48] {strides = array<i32>} : memref<80xi32, #tpu.memory_space<vmem>>, vector<16xi32>,
        %slice3A_50 = vector.extract_strided_slice %get3A_49 {offsets = [0], sizes = [1], strides = [1]} : vector<16xi32> to vector<1xi32>
        %squeeze3A_51 = vector.extract %slice3A_50[0] : i32 from vector<1xi32>
        %get3A_52 = arith.index_cast %squeeze3A : i32 to index
        %get3A_53 = tpu.vector_load %arg10[%get3A_52] {strides = array<i32>} : memref<10240xi32, #tpu.memory_space<vmem>>, vector<16xi32>,
        %slice3A_54 = vector.extract_strided_slice %get3A_53 {offsets = [0], sizes = [1], strides = [1]} : vector<16xi32> to vector<1xi32>
        %squeeze3A_55 = vector.extract %slice3A_54[0] : i32 from vector<1xi32>
        %get3A_56 = arith.index_cast %squeeze3A_51 : i32 to index
        %get3A_57 = tpu.vector_load %arg10[%get3A_56] {strides = array<i32>} : memref<10240xi32, #tpu.memory_space<vmem>>, vector<16xi32>,
        %slice3A_58 = vector.extract_strided_slice %get3A_57 {offsets = [0], sizes = [1], strides = [1]} : vector<16xi32> to vector<1xi32>
        %squeeze3A_59 = vector.extract %slice3A_58[0] : i32 from vector<1xi32>
        %add3A_60 = arith.constant 1 : i32
        %add3A_61 = arith.addi %squeeze3A, %add3A_60 : i32
        %get3A_62 = arith.index_cast %add3A_61 : i32 to index
        %get3A_63 = tpu.vector_load %arg10[%get3A_62] {strides = array<i32>} : memref<10240xi32, #tpu.memory_space<vmem>>, vector<16xi32>,
        %slice3A_64 = vector.extract_strided_slice %get3A_63 {offsets = [0], sizes = [1], strides = [1]} : vector<16xi32> to vector<1xi32>
        %squeeze3A_65 = vector.extract %slice3A_64[0] : i32 from vector<1xi32>
        %sub3A = arith.subi %squeeze3A_65, %squeeze3A_55 : i32
        %add3A_66 = arith.constant 1 : i32
        %add3A_67 = arith.addi %squeeze3A_51, %add3A_66 : i32
        %get3A_68 = arith.index_cast %add3A_67 : i32 to index
        %get3A_69 = tpu.vector_load %arg10[%get3A_68] {strides = array<i32>} : memref<10240xi32, #tpu.memory_space<vmem>>, vector<16xi32>,
        %slice3A_70 = vector.extract_strided_slice %get3A_69 {offsets = [0], sizes = [1], strides = [1]} : vector<16xi32> to vector<1xi32>
        %squeeze3A_71 = vector.extract %slice3A_70[0] : i32 from vector<1xi32>
        %sub3A_72 = arith.subi %squeeze3A_71, %squeeze3A_59 : i32
        %jit3A = arith.constant 8 : i32
        %div3A = arith.divsi %squeeze3A_55, %jit3A : i32
        %sign3A = arith.constant 0 : i32
        %sign3A_73 = arith.cmpi sgt, %squeeze3A_55, %sign3A : i32
        %sign3A_74 = arith.extui %sign3A_73 : i1 to i32
        %sign3A_75 = arith.constant 0 : i32
        %sign3A_76 = arith.cmpi slt, %squeeze3A_55, %sign3A_75 : i32
        %sign3A_77 = arith.extui %sign3A_76 : i1 to i32
        %sign3A_78 = arith.subi %sign3A_74, %sign3A_77 : i32
        %sign3A_79 = arith.constant 0 : i32
        %sign3A_80 = arith.cmpi sgt, %jit3A, %sign3A_79 : i32
        %sign3A_81 = arith.extui %sign3A_80 : i1 to i32
        %sign3A_82 = arith.constant 0 : i32
        %sign3A_83 = arith.cmpi slt, %jit3A, %sign3A_82 : i32
        %sign3A_84 = arith.extui %sign3A_83 : i1 to i32
        %sign3A_85 = arith.subi %sign3A_81, %sign3A_84 : i32
        %ne3A = arith.cmpi ne, %sign3A_78, %sign3A_85 : i32
        %rem3A = arith.remsi %squeeze3A_55, %jit3A : i32
        %ne3A_86 = arith.constant 0 : i32
        %ne3A_87 = arith.cmpi ne, %rem3A, %ne3A_86 : i32
        %and3A = arith.andi %ne3A, %ne3A_87 : i1
        %sub3A_88 = arith.constant 1 : i32
        %sub3A_89 = arith.subi %div3A, %sub3A_88 : i32
        %select_n3A = arith.select %and3A, %sub3A_89, %div3A : i32
        %mul3A_90 = arith.constant 8 : i32
        %mul3A_91 = arith.muli %select_n3A, %mul3A_90 : i32
        %sub3A_92 = arith.subi %squeeze3A_55, %mul3A_91 : i32
        %jit3A_93 = arith.constant 8 : i32
        %div3A_94 = arith.divsi %squeeze3A_59, %jit3A_93 : i32
        %sign3A_95 = arith.constant 0 : i32
        %sign3A_96 = arith.cmpi sgt, %squeeze3A_59, %sign3A_95 : i32
        %sign3A_97 = arith.extui %sign3A_96 : i1 to i32
        %sign3A_98 = arith.constant 0 : i32
        %sign3A_99 = arith.cmpi slt, %squeeze3A_59, %sign3A_98 : i32
        %sign3A_100 = arith.extui %sign3A_99 : i1 to i32
        %sign3A_101 = arith.subi %sign3A_97, %sign3A_100 : i32
        %sign3A_102 = arith.constant 0 : i32
        %sign3A_103 = arith.cmpi sgt, %jit3A_93, %sign3A_102 : i32
        %sign3A_104 = arith.extui %sign3A_103 : i1 to i32
        %sign3A_105 = arith.constant 0 : i32
        %sign3A_106 = arith.cmpi slt, %jit3A_93, %sign3A_105 : i32
        %sign3A_107 = arith.extui %sign3A_106 : i1 to i32
        %sign3A_108 = arith.subi %sign3A_104, %sign3A_107 : i32
        %ne3A_109 = arith.cmpi ne, %sign3A_101, %sign3A_108 : i32
        %rem3A_110 = arith.remsi %squeeze3A_59, %jit3A_93 : i32
        %ne3A_111 = arith.constant 0 : i32
        %ne3A_112 = arith.cmpi ne, %rem3A_110, %ne3A_111 : i32
        %and3A_113 = arith.andi %ne3A_109, %ne3A_112 : i1
        %sub3A_114 = arith.constant 1 : i32
        %sub3A_115 = arith.subi %div3A_94, %sub3A_114 : i32
        %select_n3A_116 = arith.select %and3A_113, %sub3A_115, %div3A_94 : i32
        %mul3A_117 = arith.constant 8 : i32
        %mul3A_118 = arith.muli %select_n3A_116, %mul3A_117 : i32
        %sub3A_119 = arith.subi %squeeze3A_59, %mul3A_118 : i32
        %broadcast_in_dim3A_120 = arith.constant 0.000000e+00 : f32
        %broadcast_in_dim3A_121 = vector.broadcast %broadcast_in_dim3A_120 : f32 to vector<16xf32>
        %mul3A_122 = arith.constant 256 : i32
        %mul3A_123 = arith.muli %while3A_45, %mul3A_122 : i32
        %add3A_124 = arith.constant 0 : i32
        %add3A_125 = arith.addi %mul3A_123, %add3A_124 : i32
        %get3A_126 = arith.index_cast %add3A_125 : i32 to index
        %get3A_127 = tpu.vector_load %arg13[%get3A_126] {strides = array<i32>} : memref<16400xf32, #tpu.memory_space<vmem>>, vector<16xf32>,
        %get3A_128 = arith.index_cast %add3A_125 : i32 to index
        %get3A_129 = tpu.vector_load %arg14[%get3A_128] {strides = array<i32>} : memref<16400xf32, #tpu.memory_space<vmem>>, vector<16xf32>,
        %mul3A_130 = arith.mulf %get3A_127, %get3A_129 : vector<16xf32>
        %get3A_131 = arith.constant 0 : index
        %get3A_132 = tpu.vector_load %arg18[%get3A_131] {strides = array<i32>} : memref<256xf32, #tpu.memory_space<vmem>>, vector<16xf32>,
        %mul3A_133 = arith.mulf %mul3A_130, %get3A_132 : vector<16xf32>
        %add3A_134 = arith.addf %broadcast_in_dim3A_121, %mul3A_133 : vector<16xf32>
        %mul3A_135 = arith.constant 256 : i32
        %mul3A_136 = arith.muli %while3A_45, %mul3A_135 : i32
        %add3A_137 = arith.constant 16 : i32
        %add3A_138 = arith.addi %mul3A_136, %add3A_137 : i32
        %get3A_139 = arith.index_cast %add3A_138 : i32 to index
        %get3A_140 = tpu.vector_load %arg13[%get3A_139] {strides = array<i32>} : memref<16400xf32, #tpu.memory_space<vmem>>, vector<16xf32>,
        %get3A_141 = arith.index_cast %add3A_138 : i32 to index
        %get3A_142 = tpu.vector_load %arg14[%get3A_141] {strides = array<i32>} : memref<16400xf32, #tpu.memory_space<vmem>>, vector<16xf32>,
        %mul3A_143 = arith.mulf %get3A_140, %get3A_142 : vector<16xf32>
        %get3A_144 = arith.constant 16 : index
        %get3A_145 = tpu.vector_load %arg18[%get3A_144] {strides = array<i32>} : memref<256xf32, #tpu.memory_space<vmem>>, vector<16xf32>,
        %mul3A_146 = arith.mulf %mul3A_143, %get3A_145 : vector<16xf32>
        %add3A_147 = arith.addf %add3A_134, %mul3A_146 : vector<16xf32>
        %mul3A_148 = arith.constant 256 : i32
        %mul3A_149 = arith.muli %while3A_45, %mul3A_148 : i32
        %add3A_150 = arith.constant 32 : i32
        %add3A_151 = arith.addi %mul3A_149, %add3A_150 : i32
        %get3A_152 = arith.index_cast %add3A_151 : i32 to index
        %get3A_153 = tpu.vector_load %arg13[%get3A_152] {strides = array<i32>} : memref<16400xf32, #tpu.memory_space<vmem>>, vector<16xf32>,
        %get3A_154 = arith.index_cast %add3A_151 : i32 to index
        %get3A_155 = tpu.vector_load %arg14[%get3A_154] {strides = array<i32>} : memref<16400xf32, #tpu.memory_space<vmem>>, vector<16xf32>,
        %mul3A_156 = arith.mulf %get3A_153, %get3A_155 : vector<16xf32>
        %get3A_157 = arith.constant 32 : index
        %get3A_158 = tpu.vector_load %arg18[%get3A_157] {strides = array<i32>} : memref<256xf32, #tpu.memory_space<vmem>>, vector<16xf32>,
        %mul3A_159 = arith.mulf %mul3A_156, %get3A_158 : vector<16xf32>
        %add3A_160 = arith.addf %add3A_147, %mul3A_159 : vector<16xf32>
        %mul3A_161 = arith.constant 256 : i32
        %mul3A_162 = arith.muli %while3A_45, %mul3A_161 : i32
        %add3A_163 = arith.constant 48 : i32
        %add3A_164 = arith.addi %mul3A_162, %add3A_163 : i32
        %get3A_165 = arith.index_cast %add3A_164 : i32 to index
        %get3A_166 = tpu.vector_load %arg13[%get3A_165] {strides = array<i32>} : memref<16400xf32, #tpu.memory_space<vmem>>, vector<16xf32>,
        %get3A_167 = arith.index_cast %add3A_164 : i32 to index
        %get3A_168 = tpu.vector_load %arg14[%get3A_167] {strides = array<i32>} : memref<16400xf32, #tpu.memory_space<vmem>>, vector<16xf32>,
        %mul3A_169 = arith.mulf %get3A_166, %get3A_168 : vector<16xf32>
        %get3A_170 = arith.constant 48 : index
        %get3A_171 = tpu.vector_load %arg18[%get3A_170] {strides = array<i32>} : memref<256xf32, #tpu.memory_space<vmem>>, vector<16xf32>,
        %mul3A_172 = arith.mulf %mul3A_169, %get3A_171 : vector<16xf32>
        %add3A_173 = arith.addf %add3A_160, %mul3A_172 : vector<16xf32>
        %mul3A_174 = arith.constant 256 : i32
        %mul3A_175 = arith.muli %while3A_45, %mul3A_174 : i32
        %add3A_176 = arith.constant 64 : i32
        %add3A_177 = arith.addi %mul3A_175, %add3A_176 : i32
        %get3A_178 = arith.index_cast %add3A_177 : i32 to index
        %get3A_179 = tpu.vector_load %arg13[%get3A_178] {strides = array<i32>} : memref<16400xf32, #tpu.memory_space<vmem>>, vector<16xf32>,
        %get3A_180 = arith.index_cast %add3A_177 : i32 to index
        %get3A_181 = tpu.vector_load %arg14[%get3A_180] {strides = array<i32>} : memref<16400xf32, #tpu.memory_space<vmem>>, vector<16xf32>,
        %mul3A_182 = arith.mulf %get3A_179, %get3A_181 : vector<16xf32>
        %get3A_183 = arith.constant 64 : index
        %get3A_184 = tpu.vector_load %arg18[%get3A_183] {strides = array<i32>} : memref<256xf32, #tpu.memory_space<vmem>>, vector<16xf32>,
        %mul3A_185 = arith.mulf %mul3A_182, %get3A_184 : vector<16xf32>
        %add3A_186 = arith.addf %add3A_173, %mul3A_185 : vector<16xf32>
        %mul3A_187 = arith.constant 256 : i32
        %mul3A_188 = arith.muli %while3A_45, %mul3A_187 : i32
        %add3A_189 = arith.constant 80 : i32
        %add3A_190 = arith.addi %mul3A_188, %add3A_189 : i32
        %get3A_191 = arith.index_cast %add3A_190 : i32 to index
        %get3A_192 = tpu.vector_load %arg13[%get3A_191] {strides = array<i32>} : memref<16400xf32, #tpu.memory_space<vmem>>, vector<16xf32>,
        %get3A_193 = arith.index_cast %add3A_190 : i32 to index
        %get3A_194 = tpu.vector_load %arg14[%get3A_193] {strides = array<i32>} : memref<16400xf32, #tpu.memory_space<vmem>>, vector<16xf32>,
        %mul3A_195 = arith.mulf %get3A_192, %get3A_194 : vector<16xf32>
        %get3A_196 = arith.constant 80 : index
        %get3A_197 = tpu.vector_load %arg18[%get3A_196] {strides = array<i32>} : memref<256xf32, #tpu.memory_space<vmem>>, vector<16xf32>,
        %mul3A_198 = arith.mulf %mul3A_195, %get3A_197 : vector<16xf32>
        %add3A_199 = arith.addf %add3A_186, %mul3A_198 : vector<16xf32>
        %mul3A_200 = arith.constant 256 : i32
        %mul3A_201 = arith.muli %while3A_45, %mul3A_200 : i32
        %add3A_202 = arith.constant 96 : i32
        %add3A_203 = arith.addi %mul3A_201, %add3A_202 : i32
        %get3A_204 = arith.index_cast %add3A_203 : i32 to index
        %get3A_205 = tpu.vector_load %arg13[%get3A_204] {strides = array<i32>} : memref<16400xf32, #tpu.memory_space<vmem>>, vector<16xf32>,
        %get3A_206 = arith.index_cast %add3A_203 : i32 to index
        %get3A_207 = tpu.vector_load %arg14[%get3A_206] {strides = array<i32>} : memref<16400xf32, #tpu.memory_space<vmem>>, vector<16xf32>,
        %mul3A_208 = arith.mulf %get3A_205, %get3A_207 : vector<16xf32>
        %get3A_209 = arith.constant 96 : index
        %get3A_210 = tpu.vector_load %arg18[%get3A_209] {strides = array<i32>} : memref<256xf32, #tpu.memory_space<vmem>>, vector<16xf32>,
        %mul3A_211 = arith.mulf %mul3A_208, %get3A_210 : vector<16xf32>
        %add3A_212 = arith.addf %add3A_199, %mul3A_211 : vector<16xf32>
        %mul3A_213 = arith.constant 256 : i32
        %mul3A_214 = arith.muli %while3A_45, %mul3A_213 : i32
        %add3A_215 = arith.constant 112 : i32
        %add3A_216 = arith.addi %mul3A_214, %add3A_215 : i32
        %get3A_217 = arith.index_cast %add3A_216 : i32 to index
        %get3A_218 = tpu.vector_load %arg13[%get3A_217] {strides = array<i32>} : memref<16400xf32, #tpu.memory_space<vmem>>, vector<16xf32>,
        %get3A_219 = arith.index_cast %add3A_216 : i32 to index
        %get3A_220 = tpu.vector_load %arg14[%get3A_219] {strides = array<i32>} : memref<16400xf32, #tpu.memory_space<vmem>>, vector<16xf32>,
        %mul3A_221 = arith.mulf %get3A_218, %get3A_220 : vector<16xf32>
        %get3A_222 = arith.constant 112 : index
        %get3A_223 = tpu.vector_load %arg18[%get3A_222] {strides = array<i32>} : memref<256xf32, #tpu.memory_space<vmem>>, vector<16xf32>,
        %mul3A_224 = arith.mulf %mul3A_221, %get3A_223 : vector<16xf32>
        %add3A_225 = arith.addf %add3A_212, %mul3A_224 : vector<16xf32>
        %mul3A_226 = arith.constant 256 : i32
        %mul3A_227 = arith.muli %while3A_45, %mul3A_226 : i32
        %add3A_228 = arith.constant 128 : i32
        %add3A_229 = arith.addi %mul3A_227, %add3A_228 : i32
        %get3A_230 = arith.index_cast %add3A_229 : i32 to index
        %get3A_231 = tpu.vector_load %arg13[%get3A_230] {strides = array<i32>} : memref<16400xf32, #tpu.memory_space<vmem>>, vector<16xf32>,
        %get3A_232 = arith.index_cast %add3A_229 : i32 to index
        %get3A_233 = tpu.vector_load %arg14[%get3A_232] {strides = array<i32>} : memref<16400xf32, #tpu.memory_space<vmem>>, vector<16xf32>,
        %mul3A_234 = arith.mulf %get3A_231, %get3A_233 : vector<16xf32>
        %get3A_235 = arith.constant 128 : index
        %get3A_236 = tpu.vector_load %arg18[%get3A_235] {strides = array<i32>} : memref<256xf32, #tpu.memory_space<vmem>>, vector<16xf32>,
        %mul3A_237 = arith.mulf %mul3A_234, %get3A_236 : vector<16xf32>
        %add3A_238 = arith.addf %add3A_225, %mul3A_237 : vector<16xf32>
        %mul3A_239 = arith.constant 256 : i32
        %mul3A_240 = arith.muli %while3A_45, %mul3A_239 : i32
        %add3A_241 = arith.constant 144 : i32
        %add3A_242 = arith.addi %mul3A_240, %add3A_241 : i32
        %get3A_243 = arith.index_cast %add3A_242 : i32 to index
        %get3A_244 = tpu.vector_load %arg13[%get3A_243] {strides = array<i32>} : memref<16400xf32, #tpu.memory_space<vmem>>, vector<16xf32>,
        %get3A_245 = arith.index_cast %add3A_242 : i32 to index
        %get3A_246 = tpu.vector_load %arg14[%get3A_245] {strides = array<i32>} : memref<16400xf32, #tpu.memory_space<vmem>>, vector<16xf32>,
        %mul3A_247 = arith.mulf %get3A_244, %get3A_246 : vector<16xf32>
        %get3A_248 = arith.constant 144 : index
        %get3A_249 = tpu.vector_load %arg18[%get3A_248] {strides = array<i32>} : memref<256xf32, #tpu.memory_space<vmem>>, vector<16xf32>,
        %mul3A_250 = arith.mulf %mul3A_247, %get3A_249 : vector<16xf32>
        %add3A_251 = arith.addf %add3A_238, %mul3A_250 : vector<16xf32>
        %mul3A_252 = arith.constant 256 : i32
        %mul3A_253 = arith.muli %while3A_45, %mul3A_252 : i32
        %add3A_254 = arith.constant 160 : i32
        %add3A_255 = arith.addi %mul3A_253, %add3A_254 : i32
        %get3A_256 = arith.index_cast %add3A_255 : i32 to index
        %get3A_257 = tpu.vector_load %arg13[%get3A_256] {strides = array<i32>} : memref<16400xf32, #tpu.memory_space<vmem>>, vector<16xf32>,
        %get3A_258 = arith.index_cast %add3A_255 : i32 to index
        %get3A_259 = tpu.vector_load %arg14[%get3A_258] {strides = array<i32>} : memref<16400xf32, #tpu.memory_space<vmem>>, vector<16xf32>,
        %mul3A_260 = arith.mulf %get3A_257, %get3A_259 : vector<16xf32>
        %get3A_261 = arith.constant 160 : index
        %get3A_262 = tpu.vector_load %arg18[%get3A_261] {strides = array<i32>} : memref<256xf32, #tpu.memory_space<vmem>>, vector<16xf32>,
        %mul3A_263 = arith.mulf %mul3A_260, %get3A_262 : vector<16xf32>
        %add3A_264 = arith.addf %add3A_251, %mul3A_263 : vector<16xf32>
        %mul3A_265 = arith.constant 256 : i32
        %mul3A_266 = arith.muli %while3A_45, %mul3A_265 : i32
        %add3A_267 = arith.constant 176 : i32
        %add3A_268 = arith.addi %mul3A_266, %add3A_267 : i32
        %get3A_269 = arith.index_cast %add3A_268 : i32 to index
        %get3A_270 = tpu.vector_load %arg13[%get3A_269] {strides = array<i32>} : memref<16400xf32, #tpu.memory_space<vmem>>, vector<16xf32>,
        %get3A_271 = arith.index_cast %add3A_268 : i32 to index
        %get3A_272 = tpu.vector_load %arg14[%get3A_271] {strides = array<i32>} : memref<16400xf32, #tpu.memory_space<vmem>>, vector<16xf32>,
        %mul3A_273 = arith.mulf %get3A_270, %get3A_272 : vector<16xf32>
        %get3A_274 = arith.constant 176 : index
        %get3A_275 = tpu.vector_load %arg18[%get3A_274] {strides = array<i32>} : memref<256xf32, #tpu.memory_space<vmem>>, vector<16xf32>,
        %mul3A_276 = arith.mulf %mul3A_273, %get3A_275 : vector<16xf32>
        %add3A_277 = arith.addf %add3A_264, %mul3A_276 : vector<16xf32>
        %mul3A_278 = arith.constant 256 : i32
        %mul3A_279 = arith.muli %while3A_45, %mul3A_278 : i32
        %add3A_280 = arith.constant 192 : i32
        %add3A_281 = arith.addi %mul3A_279, %add3A_280 : i32
        %get3A_282 = arith.index_cast %add3A_281 : i32 to index
        %get3A_283 = tpu.vector_load %arg13[%get3A_282] {strides = array<i32>} : memref<16400xf32, #tpu.memory_space<vmem>>, vector<16xf32>,
        %get3A_284 = arith.index_cast %add3A_281 : i32 to index
        %get3A_285 = tpu.vector_load %arg14[%get3A_284] {strides = array<i32>} : memref<16400xf32, #tpu.memory_space<vmem>>, vector<16xf32>,
        %mul3A_286 = arith.mulf %get3A_283, %get3A_285 : vector<16xf32>
        %get3A_287 = arith.constant 192 : index
        %get3A_288 = tpu.vector_load %arg18[%get3A_287] {strides = array<i32>} : memref<256xf32, #tpu.memory_space<vmem>>, vector<16xf32>,
        %mul3A_289 = arith.mulf %mul3A_286, %get3A_288 : vector<16xf32>
        %add3A_290 = arith.addf %add3A_277, %mul3A_289 : vector<16xf32>
        %mul3A_291 = arith.constant 256 : i32
        %mul3A_292 = arith.muli %while3A_45, %mul3A_291 : i32
        %add3A_293 = arith.constant 208 : i32
        %add3A_294 = arith.addi %mul3A_292, %add3A_293 : i32
        %get3A_295 = arith.index_cast %add3A_294 : i32 to index
        %get3A_296 = tpu.vector_load %arg13[%get3A_295] {strides = array<i32>} : memref<16400xf32, #tpu.memory_space<vmem>>, vector<16xf32>,
        %get3A_297 = arith.index_cast %add3A_294 : i32 to index
        %get3A_298 = tpu.vector_load %arg14[%get3A_297] {strides = array<i32>} : memref<16400xf32, #tpu.memory_space<vmem>>, vector<16xf32>,
        %mul3A_299 = arith.mulf %get3A_296, %get3A_298 : vector<16xf32>
        %get3A_300 = arith.constant 208 : index
        %get3A_301 = tpu.vector_load %arg18[%get3A_300] {strides = array<i32>} : memref<256xf32, #tpu.memory_space<vmem>>, vector<16xf32>,
        %mul3A_302 = arith.mulf %mul3A_299, %get3A_301 : vector<16xf32>
        %add3A_303 = arith.addf %add3A_290, %mul3A_302 : vector<16xf32>
        %mul3A_304 = arith.constant 256 : i32
        %mul3A_305 = arith.muli %while3A_45, %mul3A_304 : i32
        %add3A_306 = arith.constant 224 : i32
        %add3A_307 = arith.addi %mul3A_305, %add3A_306 : i32
        %get3A_308 = arith.index_cast %add3A_307 : i32 to index
        %get3A_309 = tpu.vector_load %arg13[%get3A_308] {strides = array<i32>} : memref<16400xf32, #tpu.memory_space<vmem>>, vector<16xf32>,
        %get3A_310 = arith.index_cast %add3A_307 : i32 to index
        %get3A_311 = tpu.vector_load %arg14[%get3A_310] {strides = array<i32>} : memref<16400xf32, #tpu.memory_space<vmem>>, vector<16xf32>,
        %mul3A_312 = arith.mulf %get3A_309, %get3A_311 : vector<16xf32>
        %get3A_313 = arith.constant 224 : index
        %get3A_314 = tpu.vector_load %arg18[%get3A_313] {strides = array<i32>} : memref<256xf32, #tpu.memory_space<vmem>>, vector<16xf32>,
        %mul3A_315 = arith.mulf %mul3A_312, %get3A_314 : vector<16xf32>
        %add3A_316 = arith.addf %add3A_303, %mul3A_315 : vector<16xf32>
        %mul3A_317 = arith.constant 256 : i32
        %mul3A_318 = arith.muli %while3A_45, %mul3A_317 : i32
        %add3A_319 = arith.constant 240 : i32
        %add3A_320 = arith.addi %mul3A_318, %add3A_319 : i32
        %get3A_321 = arith.index_cast %add3A_320 : i32 to index
        %get3A_322 = tpu.vector_load %arg13[%get3A_321] {strides = array<i32>} : memref<16400xf32, #tpu.memory_space<vmem>>, vector<16xf32>,
        %get3A_323 = arith.index_cast %add3A_320 : i32 to index
        %get3A_324 = tpu.vector_load %arg14[%get3A_323] {strides = array<i32>} : memref<16400xf32, #tpu.memory_space<vmem>>, vector<16xf32>,
        %mul3A_325 = arith.mulf %get3A_322, %get3A_324 : vector<16xf32>
        %get3A_326 = arith.constant 240 : index
        %get3A_327 = tpu.vector_load %arg18[%get3A_326] {strides = array<i32>} : memref<256xf32, #tpu.memory_space<vmem>>, vector<16xf32>,
        %mul3A_328 = arith.mulf %mul3A_325, %get3A_327 : vector<16xf32>
        %add3A_329 = arith.addf %add3A_316, %mul3A_328 : vector<16xf32>
        %add3A_330 = arith.addi %sub3A_92, %sub3A : i32
        %gt3A = arith.constant 128 : i32
        %gt3A_331 = arith.cmpi sgt, %add3A_330, %gt3A : i32
        %add3A_332 = arith.addi %sub3A_119, %sub3A_72 : i32
        %gt3A_333 = arith.constant 128 : i32
        %gt3A_334 = arith.cmpi sgt, %add3A_332, %gt3A_333 : i32
        %or3A = arith.ori %gt3A_331, %gt3A_334 : i1
        %convert_element_type3A = arith.extui %or3A : i1 to i32
        %cond3A = arith.constant 0 : i32
        %cond3A_335 = arith.cmpi ne, %convert_element_type3A, %cond3A : i32
        %cond3A_336 = scf.if %cond3A_335 -> (vector<16xf32>) {
          %min3A = arith.constant 2048 : i32
          %min3A_380 = arith.minsi %sub3A, %min3A : i32
          %min3A_381 = arith.constant 2048 : i32
          %min3A_382 = arith.minsi %sub3A_72, %min3A_381 : i32
          %add3A_383 = arith.addi %min3A_380, %sub3A_92 : i32
          %add3A_384 = arith.constant 128 : i32
          %add3A_385 = arith.addi %add3A_383, %add3A_384 : i32
          %sub3A_386 = arith.constant 1 : i32
          %sub3A_387 = arith.subi %add3A_385, %sub3A_386 : i32
          %jit3A_388 = arith.constant 128 : i32
          %div3A_389 = arith.divsi %sub3A_387, %jit3A_388 : i32
          %sign3A_390 = arith.constant 0 : i32
          %sign3A_391 = arith.cmpi sgt, %sub3A_387, %sign3A_390 : i32
          %sign3A_392 = arith.extui %sign3A_391 : i1 to i32
          %sign3A_393 = arith.constant 0 : i32
          %sign3A_394 = arith.cmpi slt, %sub3A_387, %sign3A_393 : i32
          %sign3A_395 = arith.extui %sign3A_394 : i1 to i32
          %sign3A_396 = arith.subi %sign3A_392, %sign3A_395 : i32
          %sign3A_397 = arith.constant 0 : i32
          %sign3A_398 = arith.cmpi sgt, %jit3A_388, %sign3A_397 : i32
          %sign3A_399 = arith.extui %sign3A_398 : i1 to i32
          %sign3A_400 = arith.constant 0 : i32
          %sign3A_401 = arith.cmpi slt, %jit3A_388, %sign3A_400 : i32
          %sign3A_402 = arith.extui %sign3A_401 : i1 to i32
          %sign3A_403 = arith.subi %sign3A_399, %sign3A_402 : i32
          %ne3A_404 = arith.cmpi ne, %sign3A_396, %sign3A_403 : i32
          %rem3A_405 = arith.remsi %sub3A_387, %jit3A_388 : i32
          %ne3A_406 = arith.constant 0 : i32
          %ne3A_407 = arith.cmpi ne, %rem3A_405, %ne3A_406 : i32
          %and3A_408 = arith.andi %ne3A_404, %ne3A_407 : i1
          %sub3A_409 = arith.constant 1 : i32
          %sub3A_410 = arith.subi %div3A_389, %sub3A_409 : i32
          %select_n3A_411 = arith.select %and3A_408, %sub3A_410, %div3A_389 : i32
          %while3A_412 = arith.constant 0 : i32
          %while3A_413 = arith.constant 0 : i32
          %while3A_414 = arith.subi %select_n3A_411, %while3A_412 : i32
          %while3A_415 = arith.addi %while3A_412, %while3A_414 : i32
          %while3A_416 = arith.constant 1 : i32
          %while3A_417 = arith.divsi %while3A_414, %while3A_416 : i32
          %while3A_418 = arith.muli %while3A_417, %while3A_416 : i32
          %while3A_419 = arith.addi %while3A_412, %while3A_418 : i32
          %while3A_420 = arith.constant 1 : i32
          %while3A_421 = scf.for %while3A_502 = %while3A_412 to %while3A_419 step %while3A_420 iter_args(%while3A_503 = %while3A_413) -> (i32)  : i32 {
            %sub3A_504 = arith.subi %squeeze3A_55, %sub3A_92 : i32
            %mul3A_505 = arith.constant 128 : i32
            %mul3A_506 = arith.muli %while3A_502, %mul3A_505 : i32
            %add3A_507 = arith.addi %sub3A_504, %mul3A_506 : i32
            %mul3A_508 = arith.constant 128 : i32
            %mul3A_509 = arith.muli %while3A_502, %mul3A_508 : i32
            "tpu.region"() ({
              %run_scoped3A = tpu.sem_alloc : memref<!tpu.dma_semaphore, #tpu.memory_space<semaphore_mem>>
              %dma_start3A = tpu.memref_slice %arg11[%mul3A_509] : memref<2176xi32, #tpu.memory_space<vmem>> -> memref<128xi32, #tpu.memory_space<vmem>>
              %dma_start3A_511 = tpu.memref_slice %arg3[%add3A_507] : memref<160192xi32, #tpu.memory_space<hbm>> -> memref<128xi32, #tpu.memory_space<hbm>>
              %dma_start3A_512 = tpu.memref_slice %arg11[%mul3A_509] : memref<2176xi32, #tpu.memory_space<vmem>> -> memref<128xi32, #tpu.memory_space<vmem>>
              %dma_start3A_513 = tpu.memref_slice %arg3[%add3A_507] : memref<160192xi32, #tpu.memory_space<hbm>> -> memref<128xi32, #tpu.memory_space<hbm>>
              tpu.enqueue_dma source(%dma_start3A_513 : memref<128xi32, #tpu.memory_space<hbm>>) target(%dma_start3A_512 : memref<128xi32, #tpu.memory_space<vmem>>) target_semaphore(%run_scoped3A : memref<!tpu.dma_semaphore, #tpu.memory_space<semaphore_mem>>)
              %dma_wait3A = tpu.memref_slice %arg11[%mul3A_509] : memref<2176xi32, #tpu.memory_space<vmem>> -> memref<128xi32, #tpu.memory_space<vmem>>
              %dma_wait3A_514 = tpu.memref_slice %arg3[%add3A_507] : memref<160192xi32, #tpu.memory_space<hbm>> -> memref<128xi32, #tpu.memory_space<hbm>>
              %dma_wait3A_515 = tpu.memref_slice %arg11[%mul3A_509] : memref<2176xi32, #tpu.memory_space<vmem>> -> memref<128xi32, #tpu.memory_space<vmem>>
              %dma_wait3A_516 = tpu.memref_slice %arg3[%add3A_507] : memref<160192xi32, #tpu.memory_space<hbm>> -> memref<128xi32, #tpu.memory_space<hbm>>
              tpu.wait_dma2 semaphore(%run_scoped3A : memref<!tpu.dma_semaphore, #tpu.memory_space<semaphore_mem>>) src(%dma_wait3A_516 : memref<128xi32, #tpu.memory_space<hbm>>) dst(%dma_wait3A_515 : memref<128xi32, #tpu.memory_space<vmem>>)
              tpu.yield
            }) : () -> ()
            %while3A_510 = arith.constant 0 : i32
            scf.yield %while3A_510 : i32
          }
          %while3A_422 = arith.constant 1 : i32
          %while3A_423 = scf.for %while3A_502 = %while3A_419 to %while3A_415 step %while3A_422 iter_args(%while3A_503 = %while3A_421) -> (i32)  : i32 {
            %sub3A_504 = arith.subi %squeeze3A_55, %sub3A_92 : i32
            %mul3A_505 = arith.constant 128 : i32
            %mul3A_506 = arith.muli %while3A_502, %mul3A_505 : i32
            %add3A_507 = arith.addi %sub3A_504, %mul3A_506 : i32
            %mul3A_508 = arith.constant 128 : i32
            %mul3A_509 = arith.muli %while3A_502, %mul3A_508 : i32
            "tpu.region"() ({
              %run_scoped3A = tpu.sem_alloc : memref<!tpu.dma_semaphore, #tpu.memory_space<semaphore_mem>>
              %dma_start3A = tpu.memref_slice %arg11[%mul3A_509] : memref<2176xi32, #tpu.memory_space<vmem>> -> memref<128xi32, #tpu.memory_space<vmem>>
              %dma_start3A_511 = tpu.memref_slice %arg3[%add3A_507] : memref<160192xi32, #tpu.memory_space<hbm>> -> memref<128xi32, #tpu.memory_space<hbm>>
              %dma_start3A_512 = tpu.memref_slice %arg11[%mul3A_509] : memref<2176xi32, #tpu.memory_space<vmem>> -> memref<128xi32, #tpu.memory_space<vmem>>
              %dma_start3A_513 = tpu.memref_slice %arg3[%add3A_507] : memref<160192xi32, #tpu.memory_space<hbm>> -> memref<128xi32, #tpu.memory_space<hbm>>
              tpu.enqueue_dma source(%dma_start3A_513 : memref<128xi32, #tpu.memory_space<hbm>>) target(%dma_start3A_512 : memref<128xi32, #tpu.memory_space<vmem>>) target_semaphore(%run_scoped3A : memref<!tpu.dma_semaphore, #tpu.memory_space<semaphore_mem>>)
              %dma_wait3A = tpu.memref_slice %arg11[%mul3A_509] : memref<2176xi32, #tpu.memory_space<vmem>> -> memref<128xi32, #tpu.memory_space<vmem>>
              %dma_wait3A_514 = tpu.memref_slice %arg3[%add3A_507] : memref<160192xi32, #tpu.memory_space<hbm>> -> memref<128xi32, #tpu.memory_space<hbm>>
              %dma_wait3A_515 = tpu.memref_slice %arg11[%mul3A_509] : memref<2176xi32, #tpu.memory_space<vmem>> -> memref<128xi32, #tpu.memory_space<vmem>>
              %dma_wait3A_516 = tpu.memref_slice %arg3[%add3A_507] : memref<160192xi32, #tpu.memory_space<hbm>> -> memref<128xi32, #tpu.memory_space<hbm>>
              tpu.wait_dma2 semaphore(%run_scoped3A : memref<!tpu.dma_semaphore, #tpu.memory_space<semaphore_mem>>) src(%dma_wait3A_516 : memref<128xi32, #tpu.memory_space<hbm>>) dst(%dma_wait3A_515 : memref<128xi32, #tpu.memory_space<vmem>>)
              tpu.yield
            }) : () -> ()
            %while3A_510 = arith.constant 0 : i32
            scf.yield %while3A_510 : i32
          }
          %add3A_424 = arith.addi %min3A_382, %sub3A_119 : i32
          %add3A_425 = arith.constant 128 : i32
          %add3A_426 = arith.addi %add3A_424, %add3A_425 : i32
          %sub3A_427 = arith.constant 1 : i32
          %sub3A_428 = arith.subi %add3A_426, %sub3A_427 : i32
          %jit3A_429 = arith.constant 128 : i32
          %div3A_430 = arith.divsi %sub3A_428, %jit3A_429 : i32
          %sign3A_431 = arith.constant 0 : i32
          %sign3A_432 = arith.cmpi sgt, %sub3A_428, %sign3A_431 : i32
          %sign3A_433 = arith.extui %sign3A_432 : i1 to i32
          %sign3A_434 = arith.constant 0 : i32
          %sign3A_435 = arith.cmpi slt, %sub3A_428, %sign3A_434 : i32
          %sign3A_436 = arith.extui %sign3A_435 : i1 to i32
          %sign3A_437 = arith.subi %sign3A_433, %sign3A_436 : i32
          %sign3A_438 = arith.constant 0 : i32
          %sign3A_439 = arith.cmpi sgt, %jit3A_429, %sign3A_438 : i32
          %sign3A_440 = arith.extui %sign3A_439 : i1 to i32
          %sign3A_441 = arith.constant 0 : i32
          %sign3A_442 = arith.cmpi slt, %jit3A_429, %sign3A_441 : i32
          %sign3A_443 = arith.extui %sign3A_442 : i1 to i32
          %sign3A_444 = arith.subi %sign3A_440, %sign3A_443 : i32
          %ne3A_445 = arith.cmpi ne, %sign3A_437, %sign3A_444 : i32
          %rem3A_446 = arith.remsi %sub3A_428, %jit3A_429 : i32
          %ne3A_447 = arith.constant 0 : i32
          %ne3A_448 = arith.cmpi ne, %rem3A_446, %ne3A_447 : i32
          %and3A_449 = arith.andi %ne3A_445, %ne3A_448 : i1
          %sub3A_450 = arith.constant 1 : i32
          %sub3A_451 = arith.subi %div3A_430, %sub3A_450 : i32
          %select_n3A_452 = arith.select %and3A_449, %sub3A_451, %div3A_430 : i32
          %while3A_453 = arith.constant 0 : i32
          %while3A_454 = arith.constant 0 : i32
          %while3A_455 = arith.subi %select_n3A_452, %while3A_453 : i32
          %while3A_456 = arith.addi %while3A_453, %while3A_455 : i32
          %while3A_457 = arith.constant 1 : i32
          %while3A_458 = arith.divsi %while3A_455, %while3A_457 : i32
          %while3A_459 = arith.muli %while3A_458, %while3A_457 : i32
          %while3A_460 = arith.addi %while3A_453, %while3A_459 : i32
          %while3A_461 = arith.constant 1 : i32
          %while3A_462 = scf.for %while3A_502 = %while3A_453 to %while3A_460 step %while3A_461 iter_args(%while3A_503 = %while3A_454) -> (i32)  : i32 {
            %sub3A_504 = arith.subi %squeeze3A_59, %sub3A_119 : i32
            %mul3A_505 = arith.constant 128 : i32
            %mul3A_506 = arith.muli %while3A_502, %mul3A_505 : i32
            %add3A_507 = arith.addi %sub3A_504, %mul3A_506 : i32
            %mul3A_508 = arith.constant 128 : i32
            %mul3A_509 = arith.muli %while3A_502, %mul3A_508 : i32
            "tpu.region"() ({
              %run_scoped3A = tpu.sem_alloc : memref<!tpu.dma_semaphore, #tpu.memory_space<semaphore_mem>>
              %dma_start3A = tpu.memref_slice %arg12[%mul3A_509] : memref<2176xi32, #tpu.memory_space<vmem>> -> memref<128xi32, #tpu.memory_space<vmem>>
              %dma_start3A_511 = tpu.memref_slice %arg3[%add3A_507] : memref<160192xi32, #tpu.memory_space<hbm>> -> memref<128xi32, #tpu.memory_space<hbm>>
              %dma_start3A_512 = tpu.memref_slice %arg12[%mul3A_509] : memref<2176xi32, #tpu.memory_space<vmem>> -> memref<128xi32, #tpu.memory_space<vmem>>
              %dma_start3A_513 = tpu.memref_slice %arg3[%add3A_507] : memref<160192xi32, #tpu.memory_space<hbm>> -> memref<128xi32, #tpu.memory_space<hbm>>
              tpu.enqueue_dma source(%dma_start3A_513 : memref<128xi32, #tpu.memory_space<hbm>>) target(%dma_start3A_512 : memref<128xi32, #tpu.memory_space<vmem>>) target_semaphore(%run_scoped3A : memref<!tpu.dma_semaphore, #tpu.memory_space<semaphore_mem>>)
              %dma_wait3A = tpu.memref_slice %arg12[%mul3A_509] : memref<2176xi32, #tpu.memory_space<vmem>> -> memref<128xi32, #tpu.memory_space<vmem>>
              %dma_wait3A_514 = tpu.memref_slice %arg3[%add3A_507] : memref<160192xi32, #tpu.memory_space<hbm>> -> memref<128xi32, #tpu.memory_space<hbm>>
              %dma_wait3A_515 = tpu.memref_slice %arg12[%mul3A_509] : memref<2176xi32, #tpu.memory_space<vmem>> -> memref<128xi32, #tpu.memory_space<vmem>>
              %dma_wait3A_516 = tpu.memref_slice %arg3[%add3A_507] : memref<160192xi32, #tpu.memory_space<hbm>> -> memref<128xi32, #tpu.memory_space<hbm>>
              tpu.wait_dma2 semaphore(%run_scoped3A : memref<!tpu.dma_semaphore, #tpu.memory_space<semaphore_mem>>) src(%dma_wait3A_516 : memref<128xi32, #tpu.memory_space<hbm>>) dst(%dma_wait3A_515 : memref<128xi32, #tpu.memory_space<vmem>>)
              tpu.yield
            }) : () -> ()
            %while3A_510 = arith.constant 0 : i32
            scf.yield %while3A_510 : i32
          }
          %while3A_463 = arith.constant 1 : i32
          %while3A_464 = scf.for %while3A_502 = %while3A_460 to %while3A_456 step %while3A_463 iter_args(%while3A_503 = %while3A_462) -> (i32)  : i32 {
            %sub3A_504 = arith.subi %squeeze3A_59, %sub3A_119 : i32
            %mul3A_505 = arith.constant 128 : i32
            %mul3A_506 = arith.muli %while3A_502, %mul3A_505 : i32
            %add3A_507 = arith.addi %sub3A_504, %mul3A_506 : i32
            %mul3A_508 = arith.constant 128 : i32
            %mul3A_509 = arith.muli %while3A_502, %mul3A_508 : i32
            "tpu.region"() ({
              %run_scoped3A = tpu.sem_alloc : memref<!tpu.dma_semaphore, #tpu.memory_space<semaphore_mem>>
              %dma_start3A = tpu.memref_slice %arg12[%mul3A_509] : memref<2176xi32, #tpu.memory_space<vmem>> -> memref<128xi32, #tpu.memory_space<vmem>>
              %dma_start3A_511 = tpu.memref_slice %arg3[%add3A_507] : memref<160192xi32, #tpu.memory_space<hbm>> -> memref<128xi32, #tpu.memory_space<hbm>>
              %dma_start3A_512 = tpu.memref_slice %arg12[%mul3A_509] : memref<2176xi32, #tpu.memory_space<vmem>> -> memref<128xi32, #tpu.memory_space<vmem>>
              %dma_start3A_513 = tpu.memref_slice %arg3[%add3A_507] : memref<160192xi32, #tpu.memory_space<hbm>> -> memref<128xi32, #tpu.memory_space<hbm>>
              tpu.enqueue_dma source(%dma_start3A_513 : memref<128xi32, #tpu.memory_space<hbm>>) target(%dma_start3A_512 : memref<128xi32, #tpu.memory_space<vmem>>) target_semaphore(%run_scoped3A : memref<!tpu.dma_semaphore, #tpu.memory_space<semaphore_mem>>)
              %dma_wait3A = tpu.memref_slice %arg12[%mul3A_509] : memref<2176xi32, #tpu.memory_space<vmem>> -> memref<128xi32, #tpu.memory_space<vmem>>
              %dma_wait3A_514 = tpu.memref_slice %arg3[%add3A_507] : memref<160192xi32, #tpu.memory_space<hbm>> -> memref<128xi32, #tpu.memory_space<hbm>>
              %dma_wait3A_515 = tpu.memref_slice %arg12[%mul3A_509] : memref<2176xi32, #tpu.memory_space<vmem>> -> memref<128xi32, #tpu.memory_space<vmem>>
              %dma_wait3A_516 = tpu.memref_slice %arg3[%add3A_507] : memref<160192xi32, #tpu.memory_space<hbm>> -> memref<128xi32, #tpu.memory_space<hbm>>
              tpu.wait_dma2 semaphore(%run_scoped3A : memref<!tpu.dma_semaphore, #tpu.memory_space<semaphore_mem>>) src(%dma_wait3A_516 : memref<128xi32, #tpu.memory_space<hbm>>) dst(%dma_wait3A_515 : memref<128xi32, #tpu.memory_space<vmem>>)
              tpu.yield
            }) : () -> ()
            %while3A_510 = arith.constant 0 : i32
            scf.yield %while3A_510 : i32
          }
          %add3A_465 = arith.constant 15 : i32
          %add3A_466 = arith.addi %min3A_382, %add3A_465 : i32
          %jit3A_467 = arith.constant 16 : i32
          %div3A_468 = arith.divsi %add3A_466, %jit3A_467 : i32
          %sign3A_469 = arith.constant 0 : i32
          %sign3A_470 = arith.cmpi sgt, %add3A_466, %sign3A_469 : i32
          %sign3A_471 = arith.extui %sign3A_470 : i1 to i32
          %sign3A_472 = arith.constant 0 : i32
          %sign3A_473 = arith.cmpi slt, %add3A_466, %sign3A_472 : i32
          %sign3A_474 = arith.extui %sign3A_473 : i1 to i32
          %sign3A_475 = arith.subi %sign3A_471, %sign3A_474 : i32
          %sign3A_476 = arith.constant 0 : i32
          %sign3A_477 = arith.cmpi sgt, %jit3A_467, %sign3A_476 : i32
          %sign3A_478 = arith.extui %sign3A_477 : i1 to i32
          %sign3A_479 = arith.constant 0 : i32
          %sign3A_480 = arith.cmpi slt, %jit3A_467, %sign3A_479 : i32
          %sign3A_481 = arith.extui %sign3A_480 : i1 to i32
          %sign3A_482 = arith.subi %sign3A_478, %sign3A_481 : i32
          %ne3A_483 = arith.cmpi ne, %sign3A_475, %sign3A_482 : i32
          %rem3A_484 = arith.remsi %add3A_466, %jit3A_467 : i32
          %ne3A_485 = arith.constant 0 : i32
          %ne3A_486 = arith.cmpi ne, %rem3A_484, %ne3A_485 : i32
          %and3A_487 = arith.andi %ne3A_483, %ne3A_486 : i1
          %sub3A_488 = arith.constant 1 : i32
          %sub3A_489 = arith.subi %div3A_468, %sub3A_488 : i32
          %select_n3A_490 = arith.select %and3A_487, %sub3A_489, %div3A_468 : i32
          %while3A_491 = arith.constant 0 : i32
          %while3A_492 = arith.subi %select_n3A_490, %while3A_491 : i32
          %while3A_493 = arith.addi %while3A_491, %while3A_492 : i32
          %while3A_494 = arith.constant 1 : i32
          %while3A_495 = arith.divsi %while3A_492, %while3A_494 : i32
          %while3A_496 = arith.muli %while3A_495, %while3A_494 : i32
          %while3A_497 = arith.addi %while3A_491, %while3A_496 : i32
          %while3A_498 = arith.constant 1 : i32
          %while3A_499 = scf.for %while3A_502 = %while3A_491 to %while3A_497 step %while3A_498 iter_args(%while3A_503 = %add3A_329) -> (vector<16xf32>)  : i32 {
            %mul3A_504 = arith.constant 16 : i32
            %mul3A_505 = arith.muli %while3A_502, %mul3A_504 : i32
            %add3A_506 = vector.broadcast %mul3A_505 : i32 to vector<16xi32>
            %add3A_507 = arith.addi %add3A_506, %iota3A : vector<16xi32>
            %add3A_508 = arith.constant 0 : i32
            %add3A_509 = arith.addi %add3A_508, %sub3A_119 : i32
            %add3A_510 = vector.broadcast %add3A_509 : i32 to vector<16xi32>
            %add3A_511 = arith.addi %add3A_510, %add3A_507 : vector<16xi32>
            %gather3A_512 = tpu.vector_load_idx %arg12[%add3A_511] : memref<2176xi32, #tpu.memory_space<vmem>>[vector<16xi32>], vector<16xi32>,
            %sub3A_513 = arith.constant 1 : i32
            %sub3A_514 = vector.broadcast %sub3A_513 : i32 to vector<16xi32>
            %sub3A_515 = arith.subi %add3A_511, %sub3A_514 : vector<16xi32>
            %max3A = arith.constant 0 : i32
            %max3A_516 = vector.broadcast %max3A : i32 to vector<16xi32>
            %max3A_517 = arith.maxsi %sub3A_515, %max3A_516 : vector<16xi32>
            %gather3A_518 = tpu.vector_load_idx %arg12[%max3A_517] : memref<2176xi32, #tpu.memory_space<vmem>>[vector<16xi32>], vector<16xi32>,
            %ne3A_519 = arith.cmpi ne, %gather3A_512, %gather3A_518 : vector<16xi32>
            %eq3A_520 = arith.constant 0 : i32
            %eq3A_521 = vector.broadcast %eq3A_520 : i32 to vector<16xi32>
            %eq3A_522 = arith.cmpi eq, %add3A_507, %eq3A_521 : vector<16xi32>
            %or3A_523 = arith.ori %ne3A_519, %eq3A_522 : vector<16xi1>
            %broadcast_in_dim3A_524 = arith.constant 0 : i32
            %broadcast_in_dim3A_525 = vector.broadcast %broadcast_in_dim3A_524 : i32 to vector<16xi32>
            %broadcast_in_dim3A_526 = vector.broadcast %min3A_380 : i32 to vector<16xi32>
            %add3A_527 = arith.addi %broadcast_in_dim3A_525, %broadcast_in_dim3A_526 : vector<16xi32>
            %jit3A_528 = arith.constant 2 : i32
            %div3A_529 = vector.broadcast %jit3A_528 : i32 to vector<16xi32>
            %div3A_530 = arith.divsi %add3A_527, %div3A_529 : vector<16xi32>
            %sign3A_531 = arith.constant 0 : i32
            %sign3A_532 = vector.broadcast %sign3A_531 : i32 to vector<16xi32>
            %sign3A_533 = arith.cmpi sgt, %add3A_527, %sign3A_532 : vector<16xi32>
            %sign3A_534 = arith.extui %sign3A_533 : vector<16xi1> to vector<16xi32>
            %sign3A_535 = arith.constant 0 : i32
            %sign3A_536 = vector.broadcast %sign3A_535 : i32 to vector<16xi32>
            %sign3A_537 = arith.cmpi slt, %add3A_527, %sign3A_536 : vector<16xi32>
            %sign3A_538 = arith.extui %sign3A_537 : vector<16xi1> to vector<16xi32>
            %sign3A_539 = arith.subi %sign3A_534, %sign3A_538 : vector<16xi32>
            %sign3A_540 = arith.constant 0 : i32
            %sign3A_541 = arith.cmpi sgt, %jit3A_528, %sign3A_540 : i32
            %sign3A_542 = arith.extui %sign3A_541 : i1 to i32
            %sign3A_543 = arith.constant 0 : i32
            %sign3A_544 = arith.cmpi slt, %jit3A_528, %sign3A_543 : i32
            %sign3A_545 = arith.extui %sign3A_544 : i1 to i32
            %sign3A_546 = arith.subi %sign3A_542, %sign3A_545 : i32
            %ne3A_547 = vector.broadcast %sign3A_546 : i32 to vector<16xi32>
            %ne3A_548 = arith.cmpi ne, %sign3A_539, %ne3A_547 : vector<16xi32>
            %rem3A_549 = vector.broadcast %jit3A_528 : i32 to vector<16xi32>
            %rem3A_550 = arith.remsi %add3A_527, %rem3A_549 : vector<16xi32>
            %ne3A_551 = arith.constant 0 : i32
            %ne3A_552 = vector.broadcast %ne3A_551 : i32 to vector<16xi32>
            %ne3A_553 = arith.cmpi ne, %rem3A_550, %ne3A_552 : vector<16xi32>
            %and3A_554 = arith.andi %ne3A_548, %ne3A_553 : vector<16xi1>
            %sub3A_555 = arith.constant 1 : i32
            %sub3A_556 = vector.broadcast %sub3A_555 : i32 to vector<16xi32>
            %sub3A_557 = arith.subi %div3A_530, %sub3A_556 : vector<16xi32>
            %select_n3A_558 = arith.select %and3A_554, %sub3A_557, %div3A_530 : vector<16xi1>, vector<16xi32>
            %add3A_559 = arith.constant 0 : i32
            %add3A_560 = arith.addi %add3A_559, %sub3A_92 : i32
            %add3A_561 = vector.broadcast %add3A_560 : i32 to vector<16xi32>
            %add3A_562 = arith.addi %add3A_561, %select_n3A_558 : vector<16xi32>
            %gather3A_563 = tpu.vector_load_idx %arg11[%add3A_562] : memref<2176xi32, #tpu.memory_space<vmem>>[vector<16xi32>], vector<16xi32>,
            %lt3A_564 = arith.cmpi slt, %gather3A_563, %gather3A_512 : vector<16xi32>
            %add3A_565 = arith.constant 1 : i32
            %add3A_566 = vector.broadcast %add3A_565 : i32 to vector<16xi32>
            %add3A_567 = arith.addi %select_n3A_558, %add3A_566 : vector<16xi32>
            %select_n3A_568 = arith.select %lt3A_564, %add3A_567, %broadcast_in_dim3A_525 : vector<16xi1>, vector<16xi32>
            %select_n3A_569 = arith.select %lt3A_564, %broadcast_in_dim3A_526, %select_n3A_558 : vector<16xi1>, vector<16xi32>
            %add3A_570 = arith.addi %select_n3A_568, %select_n3A_569 : vector<16xi32>
            %jit3A_571 = arith.constant 2 : i32
            %div3A_572 = vector.broadcast %jit3A_571 : i32 to vector<16xi32>
            %div3A_573 = arith.divsi %add3A_570, %div3A_572 : vector<16xi32>
            %sign3A_574 = arith.constant 0 : i32
            %sign3A_575 = vector.broadcast %sign3A_574 : i32 to vector<16xi32>
            %sign3A_576 = arith.cmpi sgt, %add3A_570, %sign3A_575 : vector<16xi32>
            %sign3A_577 = arith.extui %sign3A_576 : vector<16xi1> to vector<16xi32>
            %sign3A_578 = arith.constant 0 : i32
            %sign3A_579 = vector.broadcast %sign3A_578 : i32 to vector<16xi32>
            %sign3A_580 = arith.cmpi slt, %add3A_570, %sign3A_579 : vector<16xi32>
            %sign3A_581 = arith.extui %sign3A_580 : vector<16xi1> to vector<16xi32>
            %sign3A_582 = arith.subi %sign3A_577, %sign3A_581 : vector<16xi32>
            %sign3A_583 = arith.constant 0 : i32
            %sign3A_584 = arith.cmpi sgt, %jit3A_571, %sign3A_583 : i32
            %sign3A_585 = arith.extui %sign3A_584 : i1 to i32
            %sign3A_586 = arith.constant 0 : i32
            %sign3A_587 = arith.cmpi slt, %jit3A_571, %sign3A_586 : i32
            %sign3A_588 = arith.extui %sign3A_587 : i1 to i32
            %sign3A_589 = arith.subi %sign3A_585, %sign3A_588 : i32
            %ne3A_590 = vector.broadcast %sign3A_589 : i32 to vector<16xi32>
            %ne3A_591 = arith.cmpi ne, %sign3A_582, %ne3A_590 : vector<16xi32>
            %rem3A_592 = vector.broadcast %jit3A_571 : i32 to vector<16xi32>
            %rem3A_593 = arith.remsi %add3A_570, %rem3A_592 : vector<16xi32>
            %ne3A_594 = arith.constant 0 : i32
            %ne3A_595 = vector.broadcast %ne3A_594 : i32 to vector<16xi32>
            %ne3A_596 = arith.cmpi ne, %rem3A_593, %ne3A_595 : vector<16xi32>
            %and3A_597 = arith.andi %ne3A_591, %ne3A_596 : vector<16xi1>
            %sub3A_598 = arith.constant 1 : i32
            %sub3A_599 = vector.broadcast %sub3A_598 : i32 to vector<16xi32>
            %sub3A_600 = arith.subi %div3A_573, %sub3A_599 : vector<16xi32>
            %select_n3A_601 = arith.select %and3A_597, %sub3A_600, %div3A_573 : vector<16xi1>, vector<16xi32>
            %add3A_602 = arith.constant 0 : i32
            %add3A_603 = arith.addi %add3A_602, %sub3A_92 : i32
            %add3A_604 = vector.broadcast %add3A_603 : i32 to vector<16xi32>
            %add3A_605 = arith.addi %add3A_604, %select_n3A_601 : vector<16xi32>
            %gather3A_606 = tpu.vector_load_idx %arg11[%add3A_605] : memref<2176xi32, #tpu.memory_space<vmem>>[vector<16xi32>], vector<16xi32>,
            %lt3A_607 = arith.cmpi slt, %gather3A_606, %gather3A_512 : vector<16xi32>
            %add3A_608 = arith.constant 1 : i32
            %add3A_609 = vector.broadcast %add3A_608 : i32 to vector<16xi32>
            %add3A_610 = arith.addi %select_n3A_601, %add3A_609 : vector<16xi32>
            %select_n3A_611 = arith.select %lt3A_607, %add3A_610, %select_n3A_568 : vector<16xi1>, vector<16xi32>
            %select_n3A_612 = arith.select %lt3A_607, %select_n3A_569, %select_n3A_601 : vector<16xi1>, vector<16xi32>
            %add3A_613 = arith.addi %select_n3A_611, %select_n3A_612 : vector<16xi32>
            %jit3A_614 = arith.constant 2 : i32
            %div3A_615 = vector.broadcast %jit3A_614 : i32 to vector<16xi32>
            %div3A_616 = arith.divsi %add3A_613, %div3A_615 : vector<16xi32>
            %sign3A_617 = arith.constant 0 : i32
            %sign3A_618 = vector.broadcast %sign3A_617 : i32 to vector<16xi32>
            %sign3A_619 = arith.cmpi sgt, %add3A_613, %sign3A_618 : vector<16xi32>
            %sign3A_620 = arith.extui %sign3A_619 : vector<16xi1> to vector<16xi32>
            %sign3A_621 = arith.constant 0 : i32
            %sign3A_622 = vector.broadcast %sign3A_621 : i32 to vector<16xi32>
            %sign3A_623 = arith.cmpi slt, %add3A_613, %sign3A_622 : vector<16xi32>
            %sign3A_624 = arith.extui %sign3A_623 : vector<16xi1> to vector<16xi32>
            %sign3A_625 = arith.subi %sign3A_620, %sign3A_624 : vector<16xi32>
            %sign3A_626 = arith.constant 0 : i32
            %sign3A_627 = arith.cmpi sgt, %jit3A_614, %sign3A_626 : i32
            %sign3A_628 = arith.extui %sign3A_627 : i1 to i32
            %sign3A_629 = arith.constant 0 : i32
            %sign3A_630 = arith.cmpi slt, %jit3A_614, %sign3A_629 : i32
            %sign3A_631 = arith.extui %sign3A_630 : i1 to i32
            %sign3A_632 = arith.subi %sign3A_628, %sign3A_631 : i32
            %ne3A_633 = vector.broadcast %sign3A_632 : i32 to vector<16xi32>
            %ne3A_634 = arith.cmpi ne, %sign3A_625, %ne3A_633 : vector<16xi32>
            %rem3A_635 = vector.broadcast %jit3A_614 : i32 to vector<16xi32>
            %rem3A_636 = arith.remsi %add3A_613, %rem3A_635 : vector<16xi32>
            %ne3A_637 = arith.constant 0 : i32
            %ne3A_638 = vector.broadcast %ne3A_637 : i32 to vector<16xi32>
            %ne3A_639 = arith.cmpi ne, %rem3A_636, %ne3A_638 : vector<16xi32>
            %and3A_640 = arith.andi %ne3A_634, %ne3A_639 : vector<16xi1>
            %sub3A_641 = arith.constant 1 : i32
            %sub3A_642 = vector.broadcast %sub3A_641 : i32 to vector<16xi32>
            %sub3A_643 = arith.subi %div3A_616, %sub3A_642 : vector<16xi32>
            %select_n3A_644 = arith.select %and3A_640, %sub3A_643, %div3A_616 : vector<16xi1>, vector<16xi32>
            %add3A_645 = arith.constant 0 : i32
            %add3A_646 = arith.addi %add3A_645, %sub3A_92 : i32
            %add3A_647 = vector.broadcast %add3A_646 : i32 to vector<16xi32>
            %add3A_648 = arith.addi %add3A_647, %select_n3A_644 : vector<16xi32>
            %gather3A_649 = tpu.vector_load_idx %arg11[%add3A_648] : memref<2176xi32, #tpu.memory_space<vmem>>[vector<16xi32>], vector<16xi32>,
            %lt3A_650 = arith.cmpi slt, %gather3A_649, %gather3A_512 : vector<16xi32>
            %add3A_651 = arith.constant 1 : i32
            %add3A_652 = vector.broadcast %add3A_651 : i32 to vector<16xi32>
            %add3A_653 = arith.addi %select_n3A_644, %add3A_652 : vector<16xi32>
            %select_n3A_654 = arith.select %lt3A_650, %add3A_653, %select_n3A_611 : vector<16xi1>, vector<16xi32>
            %select_n3A_655 = arith.select %lt3A_650, %select_n3A_612, %select_n3A_644 : vector<16xi1>, vector<16xi32>
            %add3A_656 = arith.addi %select_n3A_654, %select_n3A_655 : vector<16xi32>
            %jit3A_657 = arith.constant 2 : i32
            %div3A_658 = vector.broadcast %jit3A_657 : i32 to vector<16xi32>
            %div3A_659 = arith.divsi %add3A_656, %div3A_658 : vector<16xi32>
            %sign3A_660 = arith.constant 0 : i32
            %sign3A_661 = vector.broadcast %sign3A_660 : i32 to vector<16xi32>
            %sign3A_662 = arith.cmpi sgt, %add3A_656, %sign3A_661 : vector<16xi32>
            %sign3A_663 = arith.extui %sign3A_662 : vector<16xi1> to vector<16xi32>
            %sign3A_664 = arith.constant 0 : i32
            %sign3A_665 = vector.broadcast %sign3A_664 : i32 to vector<16xi32>
            %sign3A_666 = arith.cmpi slt, %add3A_656, %sign3A_665 : vector<16xi32>
            %sign3A_667 = arith.extui %sign3A_666 : vector<16xi1> to vector<16xi32>
            %sign3A_668 = arith.subi %sign3A_663, %sign3A_667 : vector<16xi32>
            %sign3A_669 = arith.constant 0 : i32
            %sign3A_670 = arith.cmpi sgt, %jit3A_657, %sign3A_669 : i32
            %sign3A_671 = arith.extui %sign3A_670 : i1 to i32
            %sign3A_672 = arith.constant 0 : i32
            %sign3A_673 = arith.cmpi slt, %jit3A_657, %sign3A_672 : i32
            %sign3A_674 = arith.extui %sign3A_673 : i1 to i32
            %sign3A_675 = arith.subi %sign3A_671, %sign3A_674 : i32
            %ne3A_676 = vector.broadcast %sign3A_675 : i32 to vector<16xi32>
            %ne3A_677 = arith.cmpi ne, %sign3A_668, %ne3A_676 : vector<16xi32>
            %rem3A_678 = vector.broadcast %jit3A_657 : i32 to vector<16xi32>
            %rem3A_679 = arith.remsi %add3A_656, %rem3A_678 : vector<16xi32>
            %ne3A_680 = arith.constant 0 : i32
            %ne3A_681 = vector.broadcast %ne3A_680 : i32 to vector<16xi32>
            %ne3A_682 = arith.cmpi ne, %rem3A_679, %ne3A_681 : vector<16xi32>
            %and3A_683 = arith.andi %ne3A_677, %ne3A_682 : vector<16xi1>
            %sub3A_684 = arith.constant 1 : i32
            %sub3A_685 = vector.broadcast %sub3A_684 : i32 to vector<16xi32>
            %sub3A_686 = arith.subi %div3A_659, %sub3A_685 : vector<16xi32>
            %select_n3A_687 = arith.select %and3A_683, %sub3A_686, %div3A_659 : vector<16xi1>, vector<16xi32>
            %add3A_688 = arith.constant 0 : i32
            %add3A_689 = arith.addi %add3A_688, %sub3A_92 : i32
            %add3A_690 = vector.broadcast %add3A_689 : i32 to vector<16xi32>
            %add3A_691 = arith.addi %add3A_690, %select_n3A_687 : vector<16xi32>
            %gather3A_692 = tpu.vector_load_idx %arg11[%add3A_691] : memref<2176xi32, #tpu.memory_space<vmem>>[vector<16xi32>], vector<16xi32>,
            %lt3A_693 = arith.cmpi slt, %gather3A_692, %gather3A_512 : vector<16xi32>
            %add3A_694 = arith.constant 1 : i32
            %add3A_695 = vector.broadcast %add3A_694 : i32 to vector<16xi32>
            %add3A_696 = arith.addi %select_n3A_687, %add3A_695 : vector<16xi32>
            %select_n3A_697 = arith.select %lt3A_693, %add3A_696, %select_n3A_654 : vector<16xi1>, vector<16xi32>
            %select_n3A_698 = arith.select %lt3A_693, %select_n3A_655, %select_n3A_687 : vector<16xi1>, vector<16xi32>
            %add3A_699 = arith.addi %select_n3A_697, %select_n3A_698 : vector<16xi32>
            %jit3A_700 = arith.constant 2 : i32
            %div3A_701 = vector.broadcast %jit3A_700 : i32 to vector<16xi32>
            %div3A_702 = arith.divsi %add3A_699, %div3A_701 : vector<16xi32>
            %sign3A_703 = arith.constant 0 : i32
            %sign3A_704 = vector.broadcast %sign3A_703 : i32 to vector<16xi32>
            %sign3A_705 = arith.cmpi sgt, %add3A_699, %sign3A_704 : vector<16xi32>
            %sign3A_706 = arith.extui %sign3A_705 : vector<16xi1> to vector<16xi32>
            %sign3A_707 = arith.constant 0 : i32
            %sign3A_708 = vector.broadcast %sign3A_707 : i32 to vector<16xi32>
            %sign3A_709 = arith.cmpi slt, %add3A_699, %sign3A_708 : vector<16xi32>
            %sign3A_710 = arith.extui %sign3A_709 : vector<16xi1> to vector<16xi32>
            %sign3A_711 = arith.subi %sign3A_706, %sign3A_710 : vector<16xi32>
            %sign3A_712 = arith.constant 0 : i32
            %sign3A_713 = arith.cmpi sgt, %jit3A_700, %sign3A_712 : i32
            %sign3A_714 = arith.extui %sign3A_713 : i1 to i32
            %sign3A_715 = arith.constant 0 : i32
            %sign3A_716 = arith.cmpi slt, %jit3A_700, %sign3A_715 : i32
            %sign3A_717 = arith.extui %sign3A_716 : i1 to i32
            %sign3A_718 = arith.subi %sign3A_714, %sign3A_717 : i32
            %ne3A_719 = vector.broadcast %sign3A_718 : i32 to vector<16xi32>
            %ne3A_720 = arith.cmpi ne, %sign3A_711, %ne3A_719 : vector<16xi32>
            %rem3A_721 = vector.broadcast %jit3A_700 : i32 to vector<16xi32>
            %rem3A_722 = arith.remsi %add3A_699, %rem3A_721 : vector<16xi32>
            %ne3A_723 = arith.constant 0 : i32
            %ne3A_724 = vector.broadcast %ne3A_723 : i32 to vector<16xi32>
            %ne3A_725 = arith.cmpi ne, %rem3A_722, %ne3A_724 : vector<16xi32>
            %and3A_726 = arith.andi %ne3A_720, %ne3A_725 : vector<16xi1>
            %sub3A_727 = arith.constant 1 : i32
            %sub3A_728 = vector.broadcast %sub3A_727 : i32 to vector<16xi32>
            %sub3A_729 = arith.subi %div3A_702, %sub3A_728 : vector<16xi32>
            %select_n3A_730 = arith.select %and3A_726, %sub3A_729, %div3A_702 : vector<16xi1>, vector<16xi32>
            %add3A_731 = arith.constant 0 : i32
            %add3A_732 = arith.addi %add3A_731, %sub3A_92 : i32
            %add3A_733 = vector.broadcast %add3A_732 : i32 to vector<16xi32>
            %add3A_734 = arith.addi %add3A_733, %select_n3A_730 : vector<16xi32>
            %gather3A_735 = tpu.vector_load_idx %arg11[%add3A_734] : memref<2176xi32, #tpu.memory_space<vmem>>[vector<16xi32>], vector<16xi32>,
            %lt3A_736 = arith.cmpi slt, %gather3A_735, %gather3A_512 : vector<16xi32>
            %add3A_737 = arith.constant 1 : i32
            %add3A_738 = vector.broadcast %add3A_737 : i32 to vector<16xi32>
            %add3A_739 = arith.addi %select_n3A_730, %add3A_738 : vector<16xi32>
            %select_n3A_740 = arith.select %lt3A_736, %add3A_739, %select_n3A_697 : vector<16xi1>, vector<16xi32>
            %select_n3A_741 = arith.select %lt3A_736, %select_n3A_698, %select_n3A_730 : vector<16xi1>, vector<16xi32>
            %add3A_742 = arith.addi %select_n3A_740, %select_n3A_741 : vector<16xi32>
            %jit3A_743 = arith.constant 2 : i32
            %div3A_744 = vector.broadcast %jit3A_743 : i32 to vector<16xi32>
            %div3A_745 = arith.divsi %add3A_742, %div3A_744 : vector<16xi32>
            %sign3A_746 = arith.constant 0 : i32
            %sign3A_747 = vector.broadcast %sign3A_746 : i32 to vector<16xi32>
            %sign3A_748 = arith.cmpi sgt, %add3A_742, %sign3A_747 : vector<16xi32>
            %sign3A_749 = arith.extui %sign3A_748 : vector<16xi1> to vector<16xi32>
            %sign3A_750 = arith.constant 0 : i32
            %sign3A_751 = vector.broadcast %sign3A_750 : i32 to vector<16xi32>
            %sign3A_752 = arith.cmpi slt, %add3A_742, %sign3A_751 : vector<16xi32>
            %sign3A_753 = arith.extui %sign3A_752 : vector<16xi1> to vector<16xi32>
            %sign3A_754 = arith.subi %sign3A_749, %sign3A_753 : vector<16xi32>
            %sign3A_755 = arith.constant 0 : i32
            %sign3A_756 = arith.cmpi sgt, %jit3A_743, %sign3A_755 : i32
            %sign3A_757 = arith.extui %sign3A_756 : i1 to i32
            %sign3A_758 = arith.constant 0 : i32
            %sign3A_759 = arith.cmpi slt, %jit3A_743, %sign3A_758 : i32
            %sign3A_760 = arith.extui %sign3A_759 : i1 to i32
            %sign3A_761 = arith.subi %sign3A_757, %sign3A_760 : i32
            %ne3A_762 = vector.broadcast %sign3A_761 : i32 to vector<16xi32>
            %ne3A_763 = arith.cmpi ne, %sign3A_754, %ne3A_762 : vector<16xi32>
            %rem3A_764 = vector.broadcast %jit3A_743 : i32 to vector<16xi32>
            %rem3A_765 = arith.remsi %add3A_742, %rem3A_764 : vector<16xi32>
            %ne3A_766 = arith.constant 0 : i32
            %ne3A_767 = vector.broadcast %ne3A_766 : i32 to vector<16xi32>
            %ne3A_768 = arith.cmpi ne, %rem3A_765, %ne3A_767 : vector<16xi32>
            %and3A_769 = arith.andi %ne3A_763, %ne3A_768 : vector<16xi1>
            %sub3A_770 = arith.constant 1 : i32
            %sub3A_771 = vector.broadcast %sub3A_770 : i32 to vector<16xi32>
            %sub3A_772 = arith.subi %div3A_745, %sub3A_771 : vector<16xi32>
            %select_n3A_773 = arith.select %and3A_769, %sub3A_772, %div3A_745 : vector<16xi1>, vector<16xi32>
            %add3A_774 = arith.constant 0 : i32
            %add3A_775 = arith.addi %add3A_774, %sub3A_92 : i32
            %add3A_776 = vector.broadcast %add3A_775 : i32 to vector<16xi32>
            %add3A_777 = arith.addi %add3A_776, %select_n3A_773 : vector<16xi32>
            %gather3A_778 = tpu.vector_load_idx %arg11[%add3A_777] : memref<2176xi32, #tpu.memory_space<vmem>>[vector<16xi32>], vector<16xi32>,
            %lt3A_779 = arith.cmpi slt, %gather3A_778, %gather3A_512 : vector<16xi32>
            %add3A_780 = arith.constant 1 : i32
            %add3A_781 = vector.broadcast %add3A_780 : i32 to vector<16xi32>
            %add3A_782 = arith.addi %select_n3A_773, %add3A_781 : vector<16xi32>
            %select_n3A_783 = arith.select %lt3A_779, %add3A_782, %select_n3A_740 : vector<16xi1>, vector<16xi32>
            %select_n3A_784 = arith.select %lt3A_779, %select_n3A_741, %select_n3A_773 : vector<16xi1>, vector<16xi32>
            %add3A_785 = arith.addi %select_n3A_783, %select_n3A_784 : vector<16xi32>
            %jit3A_786 = arith.constant 2 : i32
            %div3A_787 = vector.broadcast %jit3A_786 : i32 to vector<16xi32>
            %div3A_788 = arith.divsi %add3A_785, %div3A_787 : vector<16xi32>
            %sign3A_789 = arith.constant 0 : i32
            %sign3A_790 = vector.broadcast %sign3A_789 : i32 to vector<16xi32>
            %sign3A_791 = arith.cmpi sgt, %add3A_785, %sign3A_790 : vector<16xi32>
            %sign3A_792 = arith.extui %sign3A_791 : vector<16xi1> to vector<16xi32>
            %sign3A_793 = arith.constant 0 : i32
            %sign3A_794 = vector.broadcast %sign3A_793 : i32 to vector<16xi32>
            %sign3A_795 = arith.cmpi slt, %add3A_785, %sign3A_794 : vector<16xi32>
            %sign3A_796 = arith.extui %sign3A_795 : vector<16xi1> to vector<16xi32>
            %sign3A_797 = arith.subi %sign3A_792, %sign3A_796 : vector<16xi32>
            %sign3A_798 = arith.constant 0 : i32
            %sign3A_799 = arith.cmpi sgt, %jit3A_786, %sign3A_798 : i32
            %sign3A_800 = arith.extui %sign3A_799 : i1 to i32
            %sign3A_801 = arith.constant 0 : i32
            %sign3A_802 = arith.cmpi slt, %jit3A_786, %sign3A_801 : i32
            %sign3A_803 = arith.extui %sign3A_802 : i1 to i32
            %sign3A_804 = arith.subi %sign3A_800, %sign3A_803 : i32
            %ne3A_805 = vector.broadcast %sign3A_804 : i32 to vector<16xi32>
            %ne3A_806 = arith.cmpi ne, %sign3A_797, %ne3A_805 : vector<16xi32>
            %rem3A_807 = vector.broadcast %jit3A_786 : i32 to vector<16xi32>
            %rem3A_808 = arith.remsi %add3A_785, %rem3A_807 : vector<16xi32>
            %ne3A_809 = arith.constant 0 : i32
            %ne3A_810 = vector.broadcast %ne3A_809 : i32 to vector<16xi32>
            %ne3A_811 = arith.cmpi ne, %rem3A_808, %ne3A_810 : vector<16xi32>
            %and3A_812 = arith.andi %ne3A_806, %ne3A_811 : vector<16xi1>
            %sub3A_813 = arith.constant 1 : i32
            %sub3A_814 = vector.broadcast %sub3A_813 : i32 to vector<16xi32>
            %sub3A_815 = arith.subi %div3A_788, %sub3A_814 : vector<16xi32>
            %select_n3A_816 = arith.select %and3A_812, %sub3A_815, %div3A_788 : vector<16xi1>, vector<16xi32>
            %add3A_817 = arith.constant 0 : i32
            %add3A_818 = arith.addi %add3A_817, %sub3A_92 : i32
            %add3A_819 = vector.broadcast %add3A_818 : i32 to vector<16xi32>
            %add3A_820 = arith.addi %add3A_819, %select_n3A_816 : vector<16xi32>
            %gather3A_821 = tpu.vector_load_idx %arg11[%add3A_820] : memref<2176xi32, #tpu.memory_space<vmem>>[vector<16xi32>], vector<16xi32>,
            %lt3A_822 = arith.cmpi slt, %gather3A_821, %gather3A_512 : vector<16xi32>
            %add3A_823 = arith.constant 1 : i32
            %add3A_824 = vector.broadcast %add3A_823 : i32 to vector<16xi32>
            %add3A_825 = arith.addi %select_n3A_816, %add3A_824 : vector<16xi32>
            %select_n3A_826 = arith.select %lt3A_822, %add3A_825, %select_n3A_783 : vector<16xi1>, vector<16xi32>
            %select_n3A_827 = arith.select %lt3A_822, %select_n3A_784, %select_n3A_816 : vector<16xi1>, vector<16xi32>
            %add3A_828 = arith.addi %select_n3A_826, %select_n3A_827 : vector<16xi32>
            %jit3A_829 = arith.constant 2 : i32
            %div3A_830 = vector.broadcast %jit3A_829 : i32 to vector<16xi32>
            %div3A_831 = arith.divsi %add3A_828, %div3A_830 : vector<16xi32>
            %sign3A_832 = arith.constant 0 : i32
            %sign3A_833 = vector.broadcast %sign3A_832 : i32 to vector<16xi32>
            %sign3A_834 = arith.cmpi sgt, %add3A_828, %sign3A_833 : vector<16xi32>
            %sign3A_835 = arith.extui %sign3A_834 : vector<16xi1> to vector<16xi32>
            %sign3A_836 = arith.constant 0 : i32
            %sign3A_837 = vector.broadcast %sign3A_836 : i32 to vector<16xi32>
            %sign3A_838 = arith.cmpi slt, %add3A_828, %sign3A_837 : vector<16xi32>
            %sign3A_839 = arith.extui %sign3A_838 : vector<16xi1> to vector<16xi32>
            %sign3A_840 = arith.subi %sign3A_835, %sign3A_839 : vector<16xi32>
            %sign3A_841 = arith.constant 0 : i32
            %sign3A_842 = arith.cmpi sgt, %jit3A_829, %sign3A_841 : i32
            %sign3A_843 = arith.extui %sign3A_842 : i1 to i32
            %sign3A_844 = arith.constant 0 : i32
            %sign3A_845 = arith.cmpi slt, %jit3A_829, %sign3A_844 : i32
            %sign3A_846 = arith.extui %sign3A_845 : i1 to i32
            %sign3A_847 = arith.subi %sign3A_843, %sign3A_846 : i32
            %ne3A_848 = vector.broadcast %sign3A_847 : i32 to vector<16xi32>
            %ne3A_849 = arith.cmpi ne, %sign3A_840, %ne3A_848 : vector<16xi32>
            %rem3A_850 = vector.broadcast %jit3A_829 : i32 to vector<16xi32>
            %rem3A_851 = arith.remsi %add3A_828, %rem3A_850 : vector<16xi32>
            %ne3A_852 = arith.constant 0 : i32
            %ne3A_853 = vector.broadcast %ne3A_852 : i32 to vector<16xi32>
            %ne3A_854 = arith.cmpi ne, %rem3A_851, %ne3A_853 : vector<16xi32>
            %and3A_855 = arith.andi %ne3A_849, %ne3A_854 : vector<16xi1>
            %sub3A_856 = arith.constant 1 : i32
            %sub3A_857 = vector.broadcast %sub3A_856 : i32 to vector<16xi32>
            %sub3A_858 = arith.subi %div3A_831, %sub3A_857 : vector<16xi32>
            %select_n3A_859 = arith.select %and3A_855, %sub3A_858, %div3A_831 : vector<16xi1>, vector<16xi32>
            %add3A_860 = arith.constant 0 : i32
            %add3A_861 = arith.addi %add3A_860, %sub3A_92 : i32
            %add3A_862 = vector.broadcast %add3A_861 : i32 to vector<16xi32>
            %add3A_863 = arith.addi %add3A_862, %select_n3A_859 : vector<16xi32>
            %gather3A_864 = tpu.vector_load_idx %arg11[%add3A_863] : memref<2176xi32, #tpu.memory_space<vmem>>[vector<16xi32>], vector<16xi32>,
            %lt3A_865 = arith.cmpi slt, %gather3A_864, %gather3A_512 : vector<16xi32>
            %add3A_866 = arith.constant 1 : i32
            %add3A_867 = vector.broadcast %add3A_866 : i32 to vector<16xi32>
            %add3A_868 = arith.addi %select_n3A_859, %add3A_867 : vector<16xi32>
            %select_n3A_869 = arith.select %lt3A_865, %add3A_868, %select_n3A_826 : vector<16xi1>, vector<16xi32>
            %select_n3A_870 = arith.select %lt3A_865, %select_n3A_827, %select_n3A_859 : vector<16xi1>, vector<16xi32>
            %add3A_871 = arith.addi %select_n3A_869, %select_n3A_870 : vector<16xi32>
            %jit3A_872 = arith.constant 2 : i32
            %div3A_873 = vector.broadcast %jit3A_872 : i32 to vector<16xi32>
            %div3A_874 = arith.divsi %add3A_871, %div3A_873 : vector<16xi32>
            %sign3A_875 = arith.constant 0 : i32
            %sign3A_876 = vector.broadcast %sign3A_875 : i32 to vector<16xi32>
            %sign3A_877 = arith.cmpi sgt, %add3A_871, %sign3A_876 : vector<16xi32>
            %sign3A_878 = arith.extui %sign3A_877 : vector<16xi1> to vector<16xi32>
            %sign3A_879 = arith.constant 0 : i32
            %sign3A_880 = vector.broadcast %sign3A_879 : i32 to vector<16xi32>
            %sign3A_881 = arith.cmpi slt, %add3A_871, %sign3A_880 : vector<16xi32>
            %sign3A_882 = arith.extui %sign3A_881 : vector<16xi1> to vector<16xi32>
            %sign3A_883 = arith.subi %sign3A_878, %sign3A_882 : vector<16xi32>
            %sign3A_884 = arith.constant 0 : i32
            %sign3A_885 = arith.cmpi sgt, %jit3A_872, %sign3A_884 : i32
            %sign3A_886 = arith.extui %sign3A_885 : i1 to i32
            %sign3A_887 = arith.constant 0 : i32
            %sign3A_888 = arith.cmpi slt, %jit3A_872, %sign3A_887 : i32
            %sign3A_889 = arith.extui %sign3A_888 : i1 to i32
            %sign3A_890 = arith.subi %sign3A_886, %sign3A_889 : i32
            %ne3A_891 = vector.broadcast %sign3A_890 : i32 to vector<16xi32>
            %ne3A_892 = arith.cmpi ne, %sign3A_883, %ne3A_891 : vector<16xi32>
            %rem3A_893 = vector.broadcast %jit3A_872 : i32 to vector<16xi32>
            %rem3A_894 = arith.remsi %add3A_871, %rem3A_893 : vector<16xi32>
            %ne3A_895 = arith.constant 0 : i32
            %ne3A_896 = vector.broadcast %ne3A_895 : i32 to vector<16xi32>
            %ne3A_897 = arith.cmpi ne, %rem3A_894, %ne3A_896 : vector<16xi32>
            %and3A_898 = arith.andi %ne3A_892, %ne3A_897 : vector<16xi1>
            %sub3A_899 = arith.constant 1 : i32
            %sub3A_900 = vector.broadcast %sub3A_899 : i32 to vector<16xi32>
            %sub3A_901 = arith.subi %div3A_874, %sub3A_900 : vector<16xi32>
            %select_n3A_902 = arith.select %and3A_898, %sub3A_901, %div3A_874 : vector<16xi1>, vector<16xi32>
            %add3A_903 = arith.constant 0 : i32
            %add3A_904 = arith.addi %add3A_903, %sub3A_92 : i32
            %add3A_905 = vector.broadcast %add3A_904 : i32 to vector<16xi32>
            %add3A_906 = arith.addi %add3A_905, %select_n3A_902 : vector<16xi32>
            %gather3A_907 = tpu.vector_load_idx %arg11[%add3A_906] : memref<2176xi32, #tpu.memory_space<vmem>>[vector<16xi32>], vector<16xi32>,
            %lt3A_908 = arith.cmpi slt, %gather3A_907, %gather3A_512 : vector<16xi32>
            %add3A_909 = arith.constant 1 : i32
            %add3A_910 = vector.broadcast %add3A_909 : i32 to vector<16xi32>
            %add3A_911 = arith.addi %select_n3A_902, %add3A_910 : vector<16xi32>
            %select_n3A_912 = arith.select %lt3A_908, %add3A_911, %select_n3A_869 : vector<16xi1>, vector<16xi32>
            %select_n3A_913 = arith.select %lt3A_908, %select_n3A_870, %select_n3A_902 : vector<16xi1>, vector<16xi32>
            %add3A_914 = arith.addi %select_n3A_912, %select_n3A_913 : vector<16xi32>
            %jit3A_915 = arith.constant 2 : i32
            %div3A_916 = vector.broadcast %jit3A_915 : i32 to vector<16xi32>
            %div3A_917 = arith.divsi %add3A_914, %div3A_916 : vector<16xi32>
            %sign3A_918 = arith.constant 0 : i32
            %sign3A_919 = vector.broadcast %sign3A_918 : i32 to vector<16xi32>
            %sign3A_920 = arith.cmpi sgt, %add3A_914, %sign3A_919 : vector<16xi32>
            %sign3A_921 = arith.extui %sign3A_920 : vector<16xi1> to vector<16xi32>
            %sign3A_922 = arith.constant 0 : i32
            %sign3A_923 = vector.broadcast %sign3A_922 : i32 to vector<16xi32>
            %sign3A_924 = arith.cmpi slt, %add3A_914, %sign3A_923 : vector<16xi32>
            %sign3A_925 = arith.extui %sign3A_924 : vector<16xi1> to vector<16xi32>
            %sign3A_926 = arith.subi %sign3A_921, %sign3A_925 : vector<16xi32>
            %sign3A_927 = arith.constant 0 : i32
            %sign3A_928 = arith.cmpi sgt, %jit3A_915, %sign3A_927 : i32
            %sign3A_929 = arith.extui %sign3A_928 : i1 to i32
            %sign3A_930 = arith.constant 0 : i32
            %sign3A_931 = arith.cmpi slt, %jit3A_915, %sign3A_930 : i32
            %sign3A_932 = arith.extui %sign3A_931 : i1 to i32
            %sign3A_933 = arith.subi %sign3A_929, %sign3A_932 : i32
            %ne3A_934 = vector.broadcast %sign3A_933 : i32 to vector<16xi32>
            %ne3A_935 = arith.cmpi ne, %sign3A_926, %ne3A_934 : vector<16xi32>
            %rem3A_936 = vector.broadcast %jit3A_915 : i32 to vector<16xi32>
            %rem3A_937 = arith.remsi %add3A_914, %rem3A_936 : vector<16xi32>
            %ne3A_938 = arith.constant 0 : i32
            %ne3A_939 = vector.broadcast %ne3A_938 : i32 to vector<16xi32>
            %ne3A_940 = arith.cmpi ne, %rem3A_937, %ne3A_939 : vector<16xi32>
            %and3A_941 = arith.andi %ne3A_935, %ne3A_940 : vector<16xi1>
            %sub3A_942 = arith.constant 1 : i32
            %sub3A_943 = vector.broadcast %sub3A_942 : i32 to vector<16xi32>
            %sub3A_944 = arith.subi %div3A_917, %sub3A_943 : vector<16xi32>
            %select_n3A_945 = arith.select %and3A_941, %sub3A_944, %div3A_917 : vector<16xi1>, vector<16xi32>
            %add3A_946 = arith.constant 0 : i32
            %add3A_947 = arith.addi %add3A_946, %sub3A_92 : i32
            %add3A_948 = vector.broadcast %add3A_947 : i32 to vector<16xi32>
            %add3A_949 = arith.addi %add3A_948, %select_n3A_945 : vector<16xi32>
            %gather3A_950 = tpu.vector_load_idx %arg11[%add3A_949] : memref<2176xi32, #tpu.memory_space<vmem>>[vector<16xi32>], vector<16xi32>,
            %lt3A_951 = arith.cmpi slt, %gather3A_950, %gather3A_512 : vector<16xi32>
            %add3A_952 = arith.constant 1 : i32
            %add3A_953 = vector.broadcast %add3A_952 : i32 to vector<16xi32>
            %add3A_954 = arith.addi %select_n3A_945, %add3A_953 : vector<16xi32>
            %select_n3A_955 = arith.select %lt3A_951, %add3A_954, %select_n3A_912 : vector<16xi1>, vector<16xi32>
            %select_n3A_956 = arith.select %lt3A_951, %select_n3A_913, %select_n3A_945 : vector<16xi1>, vector<16xi32>
            %add3A_957 = arith.addi %select_n3A_955, %select_n3A_956 : vector<16xi32>
            %jit3A_958 = arith.constant 2 : i32
            %div3A_959 = vector.broadcast %jit3A_958 : i32 to vector<16xi32>
            %div3A_960 = arith.divsi %add3A_957, %div3A_959 : vector<16xi32>
            %sign3A_961 = arith.constant 0 : i32
            %sign3A_962 = vector.broadcast %sign3A_961 : i32 to vector<16xi32>
            %sign3A_963 = arith.cmpi sgt, %add3A_957, %sign3A_962 : vector<16xi32>
            %sign3A_964 = arith.extui %sign3A_963 : vector<16xi1> to vector<16xi32>
            %sign3A_965 = arith.constant 0 : i32
            %sign3A_966 = vector.broadcast %sign3A_965 : i32 to vector<16xi32>
            %sign3A_967 = arith.cmpi slt, %add3A_957, %sign3A_966 : vector<16xi32>
            %sign3A_968 = arith.extui %sign3A_967 : vector<16xi1> to vector<16xi32>
            %sign3A_969 = arith.subi %sign3A_964, %sign3A_968 : vector<16xi32>
            %sign3A_970 = arith.constant 0 : i32
            %sign3A_971 = arith.cmpi sgt, %jit3A_958, %sign3A_970 : i32
            %sign3A_972 = arith.extui %sign3A_971 : i1 to i32
            %sign3A_973 = arith.constant 0 : i32
            %sign3A_974 = arith.cmpi slt, %jit3A_958, %sign3A_973 : i32
            %sign3A_975 = arith.extui %sign3A_974 : i1 to i32
            %sign3A_976 = arith.subi %sign3A_972, %sign3A_975 : i32
            %ne3A_977 = vector.broadcast %sign3A_976 : i32 to vector<16xi32>
            %ne3A_978 = arith.cmpi ne, %sign3A_969, %ne3A_977 : vector<16xi32>
            %rem3A_979 = vector.broadcast %jit3A_958 : i32 to vector<16xi32>
            %rem3A_980 = arith.remsi %add3A_957, %rem3A_979 : vector<16xi32>
            %ne3A_981 = arith.constant 0 : i32
            %ne3A_982 = vector.broadcast %ne3A_981 : i32 to vector<16xi32>
            %ne3A_983 = arith.cmpi ne, %rem3A_980, %ne3A_982 : vector<16xi32>
            %and3A_984 = arith.andi %ne3A_978, %ne3A_983 : vector<16xi1>
            %sub3A_985 = arith.constant 1 : i32
            %sub3A_986 = vector.broadcast %sub3A_985 : i32 to vector<16xi32>
            %sub3A_987 = arith.subi %div3A_960, %sub3A_986 : vector<16xi32>
            %select_n3A_988 = arith.select %and3A_984, %sub3A_987, %div3A_960 : vector<16xi1>, vector<16xi32>
            %add3A_989 = arith.constant 0 : i32
            %add3A_990 = arith.addi %add3A_989, %sub3A_92 : i32
            %add3A_991 = vector.broadcast %add3A_990 : i32 to vector<16xi32>
            %add3A_992 = arith.addi %add3A_991, %select_n3A_988 : vector<16xi32>
            %gather3A_993 = tpu.vector_load_idx %arg11[%add3A_992] : memref<2176xi32, #tpu.memory_space<vmem>>[vector<16xi32>], vector<16xi32>,
            %lt3A_994 = arith.cmpi slt, %gather3A_993, %gather3A_512 : vector<16xi32>
            %add3A_995 = arith.constant 1 : i32
            %add3A_996 = vector.broadcast %add3A_995 : i32 to vector<16xi32>
            %add3A_997 = arith.addi %select_n3A_988, %add3A_996 : vector<16xi32>
            %select_n3A_998 = arith.select %lt3A_994, %add3A_997, %select_n3A_955 : vector<16xi1>, vector<16xi32>
            %select_n3A_999 = arith.select %lt3A_994, %select_n3A_956, %select_n3A_988 : vector<16xi1>, vector<16xi32>
            %add3A_1000 = arith.addi %select_n3A_998, %select_n3A_999 : vector<16xi32>
            %jit3A_1001 = arith.constant 2 : i32
            %div3A_1002 = vector.broadcast %jit3A_1001 : i32 to vector<16xi32>
            %div3A_1003 = arith.divsi %add3A_1000, %div3A_1002 : vector<16xi32>
            %sign3A_1004 = arith.constant 0 : i32
            %sign3A_1005 = vector.broadcast %sign3A_1004 : i32 to vector<16xi32>
            %sign3A_1006 = arith.cmpi sgt, %add3A_1000, %sign3A_1005 : vector<16xi32>
            %sign3A_1007 = arith.extui %sign3A_1006 : vector<16xi1> to vector<16xi32>
            %sign3A_1008 = arith.constant 0 : i32
            %sign3A_1009 = vector.broadcast %sign3A_1008 : i32 to vector<16xi32>
            %sign3A_1010 = arith.cmpi slt, %add3A_1000, %sign3A_1009 : vector<16xi32>
            %sign3A_1011 = arith.extui %sign3A_1010 : vector<16xi1> to vector<16xi32>
            %sign3A_1012 = arith.subi %sign3A_1007, %sign3A_1011 : vector<16xi32>
            %sign3A_1013 = arith.constant 0 : i32
            %sign3A_1014 = arith.cmpi sgt, %jit3A_1001, %sign3A_1013 : i32
            %sign3A_1015 = arith.extui %sign3A_1014 : i1 to i32
            %sign3A_1016 = arith.constant 0 : i32
            %sign3A_1017 = arith.cmpi slt, %jit3A_1001, %sign3A_1016 : i32
            %sign3A_1018 = arith.extui %sign3A_1017 : i1 to i32
            %sign3A_1019 = arith.subi %sign3A_1015, %sign3A_1018 : i32
            %ne3A_1020 = vector.broadcast %sign3A_1019 : i32 to vector<16xi32>
            %ne3A_1021 = arith.cmpi ne, %sign3A_1012, %ne3A_1020 : vector<16xi32>
            %rem3A_1022 = vector.broadcast %jit3A_1001 : i32 to vector<16xi32>
            %rem3A_1023 = arith.remsi %add3A_1000, %rem3A_1022 : vector<16xi32>
            %ne3A_1024 = arith.constant 0 : i32
            %ne3A_1025 = vector.broadcast %ne3A_1024 : i32 to vector<16xi32>
            %ne3A_1026 = arith.cmpi ne, %rem3A_1023, %ne3A_1025 : vector<16xi32>
            %and3A_1027 = arith.andi %ne3A_1021, %ne3A_1026 : vector<16xi1>
            %sub3A_1028 = arith.constant 1 : i32
            %sub3A_1029 = vector.broadcast %sub3A_1028 : i32 to vector<16xi32>
            %sub3A_1030 = arith.subi %div3A_1003, %sub3A_1029 : vector<16xi32>
            %select_n3A_1031 = arith.select %and3A_1027, %sub3A_1030, %div3A_1003 : vector<16xi1>, vector<16xi32>
            %add3A_1032 = arith.constant 0 : i32
            %add3A_1033 = arith.addi %add3A_1032, %sub3A_92 : i32
            %add3A_1034 = vector.broadcast %add3A_1033 : i32 to vector<16xi32>
            %add3A_1035 = arith.addi %add3A_1034, %select_n3A_1031 : vector<16xi32>
            %gather3A_1036 = tpu.vector_load_idx %arg11[%add3A_1035] : memref<2176xi32, #tpu.memory_space<vmem>>[vector<16xi32>], vector<16xi32>,
            %lt3A_1037 = arith.cmpi slt, %gather3A_1036, %gather3A_512 : vector<16xi32>
            %add3A_1038 = arith.constant 1 : i32
            %add3A_1039 = vector.broadcast %add3A_1038 : i32 to vector<16xi32>
            %add3A_1040 = arith.addi %select_n3A_1031, %add3A_1039 : vector<16xi32>
            %select_n3A_1041 = arith.select %lt3A_1037, %add3A_1040, %select_n3A_998 : vector<16xi1>, vector<16xi32>
            %select_n3A_1042 = arith.select %lt3A_1037, %select_n3A_999, %select_n3A_1031 : vector<16xi1>, vector<16xi32>
            %add3A_1043 = arith.constant 0 : i32
            %add3A_1044 = arith.addi %add3A_1043, %sub3A_92 : i32
            %add3A_1045 = vector.broadcast %add3A_1044 : i32 to vector<16xi32>
            %add3A_1046 = arith.addi %add3A_1045, %select_n3A_1041 : vector<16xi32>
            %gather3A_1047 = tpu.vector_load_idx %arg11[%add3A_1046] : memref<2176xi32, #tpu.memory_space<vmem>>[vector<16xi32>], vector<16xi32>,
            %lt3A_1048 = vector.broadcast %min3A_382 : i32 to vector<16xi32>
            %lt3A_1049 = arith.cmpi slt, %add3A_507, %lt3A_1048 : vector<16xi32>
            %lt3A_1050 = vector.broadcast %min3A_380 : i32 to vector<16xi32>
            %lt3A_1051 = arith.cmpi slt, %select_n3A_1041, %lt3A_1050 : vector<16xi32>
            %and3A_1052 = arith.andi %lt3A_1049, %lt3A_1051 : vector<16xi1>
            %eq3A_1053 = arith.cmpi eq, %gather3A_1047, %gather3A_512 : vector<16xi32>
            %and3A_1054 = arith.andi %and3A_1052, %eq3A_1053 : vector<16xi1>
            %and3A_1055 = arith.andi %and3A_1054, %or3A_523 : vector<16xi1>
            %while3A_1056:2 = scf.while (%while3A_1057 = %and3A_1055, %while3A_1058 = %while3A_503) : (vector<16xi1>, vector<16xf32>) -> (vector<16xi1>, vector<16xf32>) {
              %all_reduce_population_count3A = tpu.all_reduce %while3A_1057 {dim = 0 : i64, kind = #tpu.reduction_kind<sum>} : vector<16xi1> -> vector<16xi32>
              %slice3A_1059 = vector.extract_strided_slice %all_reduce_population_count3A {offsets = [0], sizes = [1], strides = [1]} : vector<16xi32> to vector<1xi32>
              %squeeze3A_1060 = vector.extract %slice3A_1059[0] : i32 from vector<1xi32>
              %gt3A_1061 = arith.constant 0 : i32
              %gt3A_1062 = arith.cmpi sgt, %squeeze3A_1060, %gt3A_1061 : i32
              scf.condition(%gt3A_1062) %while3A_1057, %while3A_1058 : vector<16xi1>, vector<16xf32>
            } do {
            ^bb0(%while3A_1057: vector<16xi1>, %while3A_1058: vector<16xf32>):
              %all_reduce_ffs3A = tpu.all_reduce %while3A_1057 {dim = 0 : i64, kind = #tpu.reduction_kind<find_first_set>} : vector<16xi1> -> vector<16xi32>
              %slice3A_1059 = vector.extract_strided_slice %all_reduce_ffs3A {offsets = [0], sizes = [1], strides = [1]} : vector<16xi32> to vector<1xi32>
              %squeeze3A_1060 = vector.extract %slice3A_1059[0] : i32 from vector<1xi32>
              %add3A_1061 = arith.constant 0 : i32
              %add3A_1062 = arith.addi %add3A_1061, %sub3A_119 : i32
              %mul3A_1063 = arith.constant 16 : i32
              %mul3A_1064 = arith.muli %while3A_502, %mul3A_1063 : i32
              %add3A_1065 = arith.addi %add3A_1062, %mul3A_1064 : i32
              %add3A_1066 = arith.addi %add3A_1065, %squeeze3A_1060 : i32
              %get3A_1067 = arith.index_cast %add3A_1066 : i32 to index
              %get3A_1068 = tpu.vector_load %arg12[%get3A_1067] {strides = array<i32>} : memref<2176xi32, #tpu.memory_space<vmem>>, vector<16xi32>,
              %slice3A_1069 = vector.extract_strided_slice %get3A_1068 {offsets = [0], sizes = [1], strides = [1]} : vector<16xi32> to vector<1xi32>
              %squeeze3A_1070 = vector.extract %slice3A_1069[0] : i32 from vector<1xi32>
              "tpu.region"() ({
                %run_scoped3A = tpu.sem_alloc : memref<!tpu.dma_semaphore, #tpu.memory_space<semaphore_mem>>
                %dma_start3A = arith.constant 0 : i32
                %dma_start3A_1170 = tpu.memref_slice %arg2[%squeeze3A_1070, %dma_start3A] : memref<10000x256xf32, #tpu.memory_space<hbm>> -> memref<1x256xf32, #tpu.memory_space<hbm>>
                %dma_start3A_1171 = tpu.memref_squeeze %dma_start3A_1170 : memref<1x256xf32, #tpu.memory_space<hbm>> -> memref<256xf32, #tpu.memory_space<hbm>>
                %dma_start3A_1172 = arith.constant 0 : i32
                %dma_start3A_1173 = tpu.memref_slice %arg2[%squeeze3A_1070, %dma_start3A_1172] : memref<10000x256xf32, #tpu.memory_space<hbm>> -> memref<1x256xf32, #tpu.memory_space<hbm>>
                %dma_start3A_1174 = tpu.memref_squeeze %dma_start3A_1173 : memref<1x256xf32, #tpu.memory_space<hbm>> -> memref<256xf32, #tpu.memory_space<hbm>>
                tpu.enqueue_dma source(%dma_start3A_1174 : memref<256xf32, #tpu.memory_space<hbm>>) target(%arg17 : memref<256xf32, #tpu.memory_space<vmem>>) target_semaphore(%run_scoped3A : memref<!tpu.dma_semaphore, #tpu.memory_space<semaphore_mem>>)
                %dma_wait3A = arith.constant 0 : i32
                %dma_wait3A_1175 = tpu.memref_slice %arg2[%squeeze3A_1070, %dma_wait3A] : memref<10000x256xf32, #tpu.memory_space<hbm>> -> memref<1x256xf32, #tpu.memory_space<hbm>>
                %dma_wait3A_1176 = tpu.memref_squeeze %dma_wait3A_1175 : memref<1x256xf32, #tpu.memory_space<hbm>> -> memref<256xf32, #tpu.memory_space<hbm>>
                %dma_wait3A_1177 = arith.constant 0 : i32
                %dma_wait3A_1178 = tpu.memref_slice %arg2[%squeeze3A_1070, %dma_wait3A_1177] : memref<10000x256xf32, #tpu.memory_space<hbm>> -> memref<1x256xf32, #tpu.memory_space<hbm>>
                %dma_wait3A_1179 = tpu.memref_squeeze %dma_wait3A_1178 : memref<1x256xf32, #tpu.memory_space<hbm>> -> memref<256xf32, #tpu.memory_space<hbm>>
                tpu.wait_dma2 semaphore(%run_scoped3A : memref<!tpu.dma_semaphore, #tpu.memory_space<semaphore_mem>>) src(%dma_wait3A_1179 : memref<256xf32, #tpu.memory_space<hbm>>) dst(%arg17 : memref<256xf32, #tpu.memory_space<vmem>>)
                tpu.yield
              }) : () -> ()
              %get3A_1071 = arith.constant 0 : index
              %get3A_1072 = tpu.vector_load %arg17[%get3A_1071] {strides = array<i32>} : memref<256xf32, #tpu.memory_space<vmem>>, vector<16xf32>,
              %get3A_1073 = arith.constant 0 : index
              %get3A_1074 = tpu.vector_load %arg19[%get3A_1073] {strides = array<i32>} : memref<256xf32, #tpu.memory_space<vmem>>, vector<16xf32>,
              %mul3A_1075 = arith.mulf %get3A_1072, %get3A_1074 : vector<16xf32>
              %add3A_1076 = arith.addf %while3A_1058, %mul3A_1075 : vector<16xf32>
              %get3A_1077 = arith.constant 16 : index
              %get3A_1078 = tpu.vector_load %arg17[%get3A_1077] {strides = array<i32>} : memref<256xf32, #tpu.memory_space<vmem>>, vector<16xf32>,
              %get3A_1079 = arith.constant 16 : index
              %get3A_1080 = tpu.vector_load %arg19[%get3A_1079] {strides = array<i32>} : memref<256xf32, #tpu.memory_space<vmem>>, vector<16xf32>,
              %mul3A_1081 = arith.mulf %get3A_1078, %get3A_1080 : vector<16xf32>
              %add3A_1082 = arith.addf %add3A_1076, %mul3A_1081 : vector<16xf32>
              %get3A_1083 = arith.constant 32 : index
              %get3A_1084 = tpu.vector_load %arg17[%get3A_1083] {strides = array<i32>} : memref<256xf32, #tpu.memory_space<vmem>>, vector<16xf32>,
              %get3A_1085 = arith.constant 32 : index
              %get3A_1086 = tpu.vector_load %arg19[%get3A_1085] {strides = array<i32>} : memref<256xf32, #tpu.memory_space<vmem>>, vector<16xf32>,
              %mul3A_1087 = arith.mulf %get3A_1084, %get3A_1086 : vector<16xf32>
              %add3A_1088 = arith.addf %add3A_1082, %mul3A_1087 : vector<16xf32>
              %get3A_1089 = arith.constant 48 : index
              %get3A_1090 = tpu.vector_load %arg17[%get3A_1089] {strides = array<i32>} : memref<256xf32, #tpu.memory_space<vmem>>, vector<16xf32>,
              %get3A_1091 = arith.constant 48 : index
              %get3A_1092 = tpu.vector_load %arg19[%get3A_1091] {strides = array<i32>} : memref<256xf32, #tpu.memory_space<vmem>>, vector<16xf32>,
              %mul3A_1093 = arith.mulf %get3A_1090, %get3A_1092 : vector<16xf32>
              %add3A_1094 = arith.addf %add3A_1088, %mul3A_1093 : vector<16xf32>
              %get3A_1095 = arith.constant 64 : index
              %get3A_1096 = tpu.vector_load %arg17[%get3A_1095] {strides = array<i32>} : memref<256xf32, #tpu.memory_space<vmem>>, vector<16xf32>,
              %get3A_1097 = arith.constant 64 : index
              %get3A_1098 = tpu.vector_load %arg19[%get3A_1097] {strides = array<i32>} : memref<256xf32, #tpu.memory_space<vmem>>, vector<16xf32>,
              %mul3A_1099 = arith.mulf %get3A_1096, %get3A_1098 : vector<16xf32>
              %add3A_1100 = arith.addf %add3A_1094, %mul3A_1099 : vector<16xf32>
              %get3A_1101 = arith.constant 80 : index
              %get3A_1102 = tpu.vector_load %arg17[%get3A_1101] {strides = array<i32>} : memref<256xf32, #tpu.memory_space<vmem>>, vector<16xf32>,
              %get3A_1103 = arith.constant 80 : index
              %get3A_1104 = tpu.vector_load %arg19[%get3A_1103] {strides = array<i32>} : memref<256xf32, #tpu.memory_space<vmem>>, vector<16xf32>,
              %mul3A_1105 = arith.mulf %get3A_1102, %get3A_1104 : vector<16xf32>
              %add3A_1106 = arith.addf %add3A_1100, %mul3A_1105 : vector<16xf32>
              %get3A_1107 = arith.constant 96 : index
              %get3A_1108 = tpu.vector_load %arg17[%get3A_1107] {strides = array<i32>} : memref<256xf32, #tpu.memory_space<vmem>>, vector<16xf32>,
              %get3A_1109 = arith.constant 96 : index
              %get3A_1110 = tpu.vector_load %arg19[%get3A_1109] {strides = array<i32>} : memref<256xf32, #tpu.memory_space<vmem>>, vector<16xf32>,
              %mul3A_1111 = arith.mulf %get3A_1108, %get3A_1110 : vector<16xf32>
              %add3A_1112 = arith.addf %add3A_1106, %mul3A_1111 : vector<16xf32>
              %get3A_1113 = arith.constant 112 : index
              %get3A_1114 = tpu.vector_load %arg17[%get3A_1113] {strides = array<i32>} : memref<256xf32, #tpu.memory_space<vmem>>, vector<16xf32>,
              %get3A_1115 = arith.constant 112 : index
              %get3A_1116 = tpu.vector_load %arg19[%get3A_1115] {strides = array<i32>} : memref<256xf32, #tpu.memory_space<vmem>>, vector<16xf32>,
              %mul3A_1117 = arith.mulf %get3A_1114, %get3A_1116 : vector<16xf32>
              %add3A_1118 = arith.addf %add3A_1112, %mul3A_1117 : vector<16xf32>
              %get3A_1119 = arith.constant 128 : index
              %get3A_1120 = tpu.vector_load %arg17[%get3A_1119] {strides = array<i32>} : memref<256xf32, #tpu.memory_space<vmem>>, vector<16xf32>,
              %get3A_1121 = arith.constant 128 : index
              %get3A_1122 = tpu.vector_load %arg19[%get3A_1121] {strides = array<i32>} : memref<256xf32, #tpu.memory_space<vmem>>, vector<16xf32>,
              %mul3A_1123 = arith.mulf %get3A_1120, %get3A_1122 : vector<16xf32>
              %add3A_1124 = arith.addf %add3A_1118, %mul3A_1123 : vector<16xf32>
              %get3A_1125 = arith.constant 144 : index
              %get3A_1126 = tpu.vector_load %arg17[%get3A_1125] {strides = array<i32>} : memref<256xf32, #tpu.memory_space<vmem>>, vector<16xf32>,
              %get3A_1127 = arith.constant 144 : index
              %get3A_1128 = tpu.vector_load %arg19[%get3A_1127] {strides = array<i32>} : memref<256xf32, #tpu.memory_space<vmem>>, vector<16xf32>,
              %mul3A_1129 = arith.mulf %get3A_1126, %get3A_1128 : vector<16xf32>
              %add3A_1130 = arith.addf %add3A_1124, %mul3A_1129 : vector<16xf32>
              %get3A_1131 = arith.constant 160 : index
              %get3A_1132 = tpu.vector_load %arg17[%get3A_1131] {strides = array<i32>} : memref<256xf32, #tpu.memory_space<vmem>>, vector<16xf32>,
              %get3A_1133 = arith.constant 160 : index
              %get3A_1134 = tpu.vector_load %arg19[%get3A_1133] {strides = array<i32>} : memref<256xf32, #tpu.memory_space<vmem>>, vector<16xf32>,
              %mul3A_1135 = arith.mulf %get3A_1132, %get3A_1134 : vector<16xf32>
              %add3A_1136 = arith.addf %add3A_1130, %mul3A_1135 : vector<16xf32>
              %get3A_1137 = arith.constant 176 : index
              %get3A_1138 = tpu.vector_load %arg17[%get3A_1137] {strides = array<i32>} : memref<256xf32, #tpu.memory_space<vmem>>, vector<16xf32>,
              %get3A_1139 = arith.constant 176 : index
              %get3A_1140 = tpu.vector_load %arg19[%get3A_1139] {strides = array<i32>} : memref<256xf32, #tpu.memory_space<vmem>>, vector<16xf32>,
              %mul3A_1141 = arith.mulf %get3A_1138, %get3A_1140 : vector<16xf32>
              %add3A_1142 = arith.addf %add3A_1136, %mul3A_1141 : vector<16xf32>
              %get3A_1143 = arith.constant 192 : index
              %get3A_1144 = tpu.vector_load %arg17[%get3A_1143] {strides = array<i32>} : memref<256xf32, #tpu.memory_space<vmem>>, vector<16xf32>,
              %get3A_1145 = arith.constant 192 : index
              %get3A_1146 = tpu.vector_load %arg19[%get3A_1145] {strides = array<i32>} : memref<256xf32, #tpu.memory_space<vmem>>, vector<16xf32>,
              %mul3A_1147 = arith.mulf %get3A_1144, %get3A_1146 : vector<16xf32>
              %add3A_1148 = arith.addf %add3A_1142, %mul3A_1147 : vector<16xf32>
              %get3A_1149 = arith.constant 208 : index
              %get3A_1150 = tpu.vector_load %arg17[%get3A_1149] {strides = array<i32>} : memref<256xf32, #tpu.memory_space<vmem>>, vector<16xf32>,
              %get3A_1151 = arith.constant 208 : index
              %get3A_1152 = tpu.vector_load %arg19[%get3A_1151] {strides = array<i32>} : memref<256xf32, #tpu.memory_space<vmem>>, vector<16xf32>,
              %mul3A_1153 = arith.mulf %get3A_1150, %get3A_1152 : vector<16xf32>
              %add3A_1154 = arith.addf %add3A_1148, %mul3A_1153 : vector<16xf32>
              %get3A_1155 = arith.constant 224 : index
              %get3A_1156 = tpu.vector_load %arg17[%get3A_1155] {strides = array<i32>} : memref<256xf32, #tpu.memory_space<vmem>>, vector<16xf32>,
              %get3A_1157 = arith.constant 224 : index
              %get3A_1158 = tpu.vector_load %arg19[%get3A_1157] {strides = array<i32>} : memref<256xf32, #tpu.memory_space<vmem>>, vector<16xf32>,
              %mul3A_1159 = arith.mulf %get3A_1156, %get3A_1158 : vector<16xf32>
              %add3A_1160 = arith.addf %add3A_1154, %mul3A_1159 : vector<16xf32>
              %get3A_1161 = arith.constant 240 : index
              %get3A_1162 = tpu.vector_load %arg17[%get3A_1161] {strides = array<i32>} : memref<256xf32, #tpu.memory_space<vmem>>, vector<16xf32>,
              %get3A_1163 = arith.constant 240 : index
              %get3A_1164 = tpu.vector_load %arg19[%get3A_1163] {strides = array<i32>} : memref<256xf32, #tpu.memory_space<vmem>>, vector<16xf32>,
              %mul3A_1165 = arith.mulf %get3A_1162, %get3A_1164 : vector<16xf32>
              %add3A_1166 = arith.addf %add3A_1160, %mul3A_1165 : vector<16xf32>
              %ne3A_1167 = vector.broadcast %squeeze3A_1060 : i32 to vector<16xi32>
              %ne3A_1168 = arith.cmpi ne, %iota3A, %ne3A_1167 : vector<16xi32>
              %and3A_1169 = arith.andi %while3A_1057, %ne3A_1168 : vector<16xi1>
              scf.yield %and3A_1169, %add3A_1166 : vector<16xi1>, vector<16xf32>
            }
            scf.yield %while3A_1056#1 : vector<16xf32>
          }
          %while3A_500 = arith.constant 1 : i32
          %while3A_501 = scf.for %while3A_502 = %while3A_497 to %while3A_493 step %while3A_500 iter_args(%while3A_503 = %while3A_499) -> (vector<16xf32>)  : i32 {
            %mul3A_504 = arith.constant 16 : i32
            %mul3A_505 = arith.muli %while3A_502, %mul3A_504 : i32
            %add3A_506 = vector.broadcast %mul3A_505 : i32 to vector<16xi32>
            %add3A_507 = arith.addi %add3A_506, %iota3A : vector<16xi32>
            %add3A_508 = arith.constant 0 : i32
            %add3A_509 = arith.addi %add3A_508, %sub3A_119 : i32
            %add3A_510 = vector.broadcast %add3A_509 : i32 to vector<16xi32>
            %add3A_511 = arith.addi %add3A_510, %add3A_507 : vector<16xi32>
            %gather3A_512 = tpu.vector_load_idx %arg12[%add3A_511] : memref<2176xi32, #tpu.memory_space<vmem>>[vector<16xi32>], vector<16xi32>,
            %sub3A_513 = arith.constant 1 : i32
            %sub3A_514 = vector.broadcast %sub3A_513 : i32 to vector<16xi32>
            %sub3A_515 = arith.subi %add3A_511, %sub3A_514 : vector<16xi32>
            %max3A = arith.constant 0 : i32
            %max3A_516 = vector.broadcast %max3A : i32 to vector<16xi32>
            %max3A_517 = arith.maxsi %sub3A_515, %max3A_516 : vector<16xi32>
            %gather3A_518 = tpu.vector_load_idx %arg12[%max3A_517] : memref<2176xi32, #tpu.memory_space<vmem>>[vector<16xi32>], vector<16xi32>,
            %ne3A_519 = arith.cmpi ne, %gather3A_512, %gather3A_518 : vector<16xi32>
            %eq3A_520 = arith.constant 0 : i32
            %eq3A_521 = vector.broadcast %eq3A_520 : i32 to vector<16xi32>
            %eq3A_522 = arith.cmpi eq, %add3A_507, %eq3A_521 : vector<16xi32>
            %or3A_523 = arith.ori %ne3A_519, %eq3A_522 : vector<16xi1>
            %broadcast_in_dim3A_524 = arith.constant 0 : i32
            %broadcast_in_dim3A_525 = vector.broadcast %broadcast_in_dim3A_524 : i32 to vector<16xi32>
            %broadcast_in_dim3A_526 = vector.broadcast %min3A_380 : i32 to vector<16xi32>
            %add3A_527 = arith.addi %broadcast_in_dim3A_525, %broadcast_in_dim3A_526 : vector<16xi32>
            %jit3A_528 = arith.constant 2 : i32
            %div3A_529 = vector.broadcast %jit3A_528 : i32 to vector<16xi32>
            %div3A_530 = arith.divsi %add3A_527, %div3A_529 : vector<16xi32>
            %sign3A_531 = arith.constant 0 : i32
            %sign3A_532 = vector.broadcast %sign3A_531 : i32 to vector<16xi32>
            %sign3A_533 = arith.cmpi sgt, %add3A_527, %sign3A_532 : vector<16xi32>
            %sign3A_534 = arith.extui %sign3A_533 : vector<16xi1> to vector<16xi32>
            %sign3A_535 = arith.constant 0 : i32
            %sign3A_536 = vector.broadcast %sign3A_535 : i32 to vector<16xi32>
            %sign3A_537 = arith.cmpi slt, %add3A_527, %sign3A_536 : vector<16xi32>
            %sign3A_538 = arith.extui %sign3A_537 : vector<16xi1> to vector<16xi32>
            %sign3A_539 = arith.subi %sign3A_534, %sign3A_538 : vector<16xi32>
            %sign3A_540 = arith.constant 0 : i32
            %sign3A_541 = arith.cmpi sgt, %jit3A_528, %sign3A_540 : i32
            %sign3A_542 = arith.extui %sign3A_541 : i1 to i32
            %sign3A_543 = arith.constant 0 : i32
            %sign3A_544 = arith.cmpi slt, %jit3A_528, %sign3A_543 : i32
            %sign3A_545 = arith.extui %sign3A_544 : i1 to i32
            %sign3A_546 = arith.subi %sign3A_542, %sign3A_545 : i32
            %ne3A_547 = vector.broadcast %sign3A_546 : i32 to vector<16xi32>
            %ne3A_548 = arith.cmpi ne, %sign3A_539, %ne3A_547 : vector<16xi32>
            %rem3A_549 = vector.broadcast %jit3A_528 : i32 to vector<16xi32>
            %rem3A_550 = arith.remsi %add3A_527, %rem3A_549 : vector<16xi32>
            %ne3A_551 = arith.constant 0 : i32
            %ne3A_552 = vector.broadcast %ne3A_551 : i32 to vector<16xi32>
            %ne3A_553 = arith.cmpi ne, %rem3A_550, %ne3A_552 : vector<16xi32>
            %and3A_554 = arith.andi %ne3A_548, %ne3A_553 : vector<16xi1>
            %sub3A_555 = arith.constant 1 : i32
            %sub3A_556 = vector.broadcast %sub3A_555 : i32 to vector<16xi32>
            %sub3A_557 = arith.subi %div3A_530, %sub3A_556 : vector<16xi32>
            %select_n3A_558 = arith.select %and3A_554, %sub3A_557, %div3A_530 : vector<16xi1>, vector<16xi32>
            %add3A_559 = arith.constant 0 : i32
            %add3A_560 = arith.addi %add3A_559, %sub3A_92 : i32
            %add3A_561 = vector.broadcast %add3A_560 : i32 to vector<16xi32>
            %add3A_562 = arith.addi %add3A_561, %select_n3A_558 : vector<16xi32>
            %gather3A_563 = tpu.vector_load_idx %arg11[%add3A_562] : memref<2176xi32, #tpu.memory_space<vmem>>[vector<16xi32>], vector<16xi32>,
            %lt3A_564 = arith.cmpi slt, %gather3A_563, %gather3A_512 : vector<16xi32>
            %add3A_565 = arith.constant 1 : i32
            %add3A_566 = vector.broadcast %add3A_565 : i32 to vector<16xi32>
            %add3A_567 = arith.addi %select_n3A_558, %add3A_566 : vector<16xi32>
            %select_n3A_568 = arith.select %lt3A_564, %add3A_567, %broadcast_in_dim3A_525 : vector<16xi1>, vector<16xi32>
            %select_n3A_569 = arith.select %lt3A_564, %broadcast_in_dim3A_526, %select_n3A_558 : vector<16xi1>, vector<16xi32>
            %add3A_570 = arith.addi %select_n3A_568, %select_n3A_569 : vector<16xi32>
            %jit3A_571 = arith.constant 2 : i32
            %div3A_572 = vector.broadcast %jit3A_571 : i32 to vector<16xi32>
            %div3A_573 = arith.divsi %add3A_570, %div3A_572 : vector<16xi32>
            %sign3A_574 = arith.constant 0 : i32
            %sign3A_575 = vector.broadcast %sign3A_574 : i32 to vector<16xi32>
            %sign3A_576 = arith.cmpi sgt, %add3A_570, %sign3A_575 : vector<16xi32>
            %sign3A_577 = arith.extui %sign3A_576 : vector<16xi1> to vector<16xi32>
            %sign3A_578 = arith.constant 0 : i32
            %sign3A_579 = vector.broadcast %sign3A_578 : i32 to vector<16xi32>
            %sign3A_580 = arith.cmpi slt, %add3A_570, %sign3A_579 : vector<16xi32>
            %sign3A_581 = arith.extui %sign3A_580 : vector<16xi1> to vector<16xi32>
            %sign3A_582 = arith.subi %sign3A_577, %sign3A_581 : vector<16xi32>
            %sign3A_583 = arith.constant 0 : i32
            %sign3A_584 = arith.cmpi sgt, %jit3A_571, %sign3A_583 : i32
            %sign3A_585 = arith.extui %sign3A_584 : i1 to i32
            %sign3A_586 = arith.constant 0 : i32
            %sign3A_587 = arith.cmpi slt, %jit3A_571, %sign3A_586 : i32
            %sign3A_588 = arith.extui %sign3A_587 : i1 to i32
            %sign3A_589 = arith.subi %sign3A_585, %sign3A_588 : i32
            %ne3A_590 = vector.broadcast %sign3A_589 : i32 to vector<16xi32>
            %ne3A_591 = arith.cmpi ne, %sign3A_582, %ne3A_590 : vector<16xi32>
            %rem3A_592 = vector.broadcast %jit3A_571 : i32 to vector<16xi32>
            %rem3A_593 = arith.remsi %add3A_570, %rem3A_592 : vector<16xi32>
            %ne3A_594 = arith.constant 0 : i32
            %ne3A_595 = vector.broadcast %ne3A_594 : i32 to vector<16xi32>
            %ne3A_596 = arith.cmpi ne, %rem3A_593, %ne3A_595 : vector<16xi32>
            %and3A_597 = arith.andi %ne3A_591, %ne3A_596 : vector<16xi1>
            %sub3A_598 = arith.constant 1 : i32
            %sub3A_599 = vector.broadcast %sub3A_598 : i32 to vector<16xi32>
            %sub3A_600 = arith.subi %div3A_573, %sub3A_599 : vector<16xi32>
            %select_n3A_601 = arith.select %and3A_597, %sub3A_600, %div3A_573 : vector<16xi1>, vector<16xi32>
            %add3A_602 = arith.constant 0 : i32
            %add3A_603 = arith.addi %add3A_602, %sub3A_92 : i32
            %add3A_604 = vector.broadcast %add3A_603 : i32 to vector<16xi32>
            %add3A_605 = arith.addi %add3A_604, %select_n3A_601 : vector<16xi32>
            %gather3A_606 = tpu.vector_load_idx %arg11[%add3A_605] : memref<2176xi32, #tpu.memory_space<vmem>>[vector<16xi32>], vector<16xi32>,
            %lt3A_607 = arith.cmpi slt, %gather3A_606, %gather3A_512 : vector<16xi32>
            %add3A_608 = arith.constant 1 : i32
            %add3A_609 = vector.broadcast %add3A_608 : i32 to vector<16xi32>
            %add3A_610 = arith.addi %select_n3A_601, %add3A_609 : vector<16xi32>
            %select_n3A_611 = arith.select %lt3A_607, %add3A_610, %select_n3A_568 : vector<16xi1>, vector<16xi32>
            %select_n3A_612 = arith.select %lt3A_607, %select_n3A_569, %select_n3A_601 : vector<16xi1>, vector<16xi32>
            %add3A_613 = arith.addi %select_n3A_611, %select_n3A_612 : vector<16xi32>
            %jit3A_614 = arith.constant 2 : i32
            %div3A_615 = vector.broadcast %jit3A_614 : i32 to vector<16xi32>
            %div3A_616 = arith.divsi %add3A_613, %div3A_615 : vector<16xi32>
            %sign3A_617 = arith.constant 0 : i32
            %sign3A_618 = vector.broadcast %sign3A_617 : i32 to vector<16xi32>
            %sign3A_619 = arith.cmpi sgt, %add3A_613, %sign3A_618 : vector<16xi32>
            %sign3A_620 = arith.extui %sign3A_619 : vector<16xi1> to vector<16xi32>
            %sign3A_621 = arith.constant 0 : i32
            %sign3A_622 = vector.broadcast %sign3A_621 : i32 to vector<16xi32>
            %sign3A_623 = arith.cmpi slt, %add3A_613, %sign3A_622 : vector<16xi32>
            %sign3A_624 = arith.extui %sign3A_623 : vector<16xi1> to vector<16xi32>
            %sign3A_625 = arith.subi %sign3A_620, %sign3A_624 : vector<16xi32>
            %sign3A_626 = arith.constant 0 : i32
            %sign3A_627 = arith.cmpi sgt, %jit3A_614, %sign3A_626 : i32
            %sign3A_628 = arith.extui %sign3A_627 : i1 to i32
            %sign3A_629 = arith.constant 0 : i32
            %sign3A_630 = arith.cmpi slt, %jit3A_614, %sign3A_629 : i32
            %sign3A_631 = arith.extui %sign3A_630 : i1 to i32
            %sign3A_632 = arith.subi %sign3A_628, %sign3A_631 : i32
            %ne3A_633 = vector.broadcast %sign3A_632 : i32 to vector<16xi32>
            %ne3A_634 = arith.cmpi ne, %sign3A_625, %ne3A_633 : vector<16xi32>
            %rem3A_635 = vector.broadcast %jit3A_614 : i32 to vector<16xi32>
            %rem3A_636 = arith.remsi %add3A_613, %rem3A_635 : vector<16xi32>
            %ne3A_637 = arith.constant 0 : i32
            %ne3A_638 = vector.broadcast %ne3A_637 : i32 to vector<16xi32>
            %ne3A_639 = arith.cmpi ne, %rem3A_636, %ne3A_638 : vector<16xi32>
            %and3A_640 = arith.andi %ne3A_634, %ne3A_639 : vector<16xi1>
            %sub3A_641 = arith.constant 1 : i32
            %sub3A_642 = vector.broadcast %sub3A_641 : i32 to vector<16xi32>
            %sub3A_643 = arith.subi %div3A_616, %sub3A_642 : vector<16xi32>
            %select_n3A_644 = arith.select %and3A_640, %sub3A_643, %div3A_616 : vector<16xi1>, vector<16xi32>
            %add3A_645 = arith.constant 0 : i32
            %add3A_646 = arith.addi %add3A_645, %sub3A_92 : i32
            %add3A_647 = vector.broadcast %add3A_646 : i32 to vector<16xi32>
            %add3A_648 = arith.addi %add3A_647, %select_n3A_644 : vector<16xi32>
            %gather3A_649 = tpu.vector_load_idx %arg11[%add3A_648] : memref<2176xi32, #tpu.memory_space<vmem>>[vector<16xi32>], vector<16xi32>,
            %lt3A_650 = arith.cmpi slt, %gather3A_649, %gather3A_512 : vector<16xi32>
            %add3A_651 = arith.constant 1 : i32
            %add3A_652 = vector.broadcast %add3A_651 : i32 to vector<16xi32>
            %add3A_653 = arith.addi %select_n3A_644, %add3A_652 : vector<16xi32>
            %select_n3A_654 = arith.select %lt3A_650, %add3A_653, %select_n3A_611 : vector<16xi1>, vector<16xi32>
            %select_n3A_655 = arith.select %lt3A_650, %select_n3A_612, %select_n3A_644 : vector<16xi1>, vector<16xi32>
            %add3A_656 = arith.addi %select_n3A_654, %select_n3A_655 : vector<16xi32>
            %jit3A_657 = arith.constant 2 : i32
            %div3A_658 = vector.broadcast %jit3A_657 : i32 to vector<16xi32>
            %div3A_659 = arith.divsi %add3A_656, %div3A_658 : vector<16xi32>
            %sign3A_660 = arith.constant 0 : i32
            %sign3A_661 = vector.broadcast %sign3A_660 : i32 to vector<16xi32>
            %sign3A_662 = arith.cmpi sgt, %add3A_656, %sign3A_661 : vector<16xi32>
            %sign3A_663 = arith.extui %sign3A_662 : vector<16xi1> to vector<16xi32>
            %sign3A_664 = arith.constant 0 : i32
            %sign3A_665 = vector.broadcast %sign3A_664 : i32 to vector<16xi32>
            %sign3A_666 = arith.cmpi slt, %add3A_656, %sign3A_665 : vector<16xi32>
            %sign3A_667 = arith.extui %sign3A_666 : vector<16xi1> to vector<16xi32>
            %sign3A_668 = arith.subi %sign3A_663, %sign3A_667 : vector<16xi32>
            %sign3A_669 = arith.constant 0 : i32
            %sign3A_670 = arith.cmpi sgt, %jit3A_657, %sign3A_669 : i32
            %sign3A_671 = arith.extui %sign3A_670 : i1 to i32
            %sign3A_672 = arith.constant 0 : i32
            %sign3A_673 = arith.cmpi slt, %jit3A_657, %sign3A_672 : i32
            %sign3A_674 = arith.extui %sign3A_673 : i1 to i32
            %sign3A_675 = arith.subi %sign3A_671, %sign3A_674 : i32
            %ne3A_676 = vector.broadcast %sign3A_675 : i32 to vector<16xi32>
            %ne3A_677 = arith.cmpi ne, %sign3A_668, %ne3A_676 : vector<16xi32>
            %rem3A_678 = vector.broadcast %jit3A_657 : i32 to vector<16xi32>
            %rem3A_679 = arith.remsi %add3A_656, %rem3A_678 : vector<16xi32>
            %ne3A_680 = arith.constant 0 : i32
            %ne3A_681 = vector.broadcast %ne3A_680 : i32 to vector<16xi32>
            %ne3A_682 = arith.cmpi ne, %rem3A_679, %ne3A_681 : vector<16xi32>
            %and3A_683 = arith.andi %ne3A_677, %ne3A_682 : vector<16xi1>
            %sub3A_684 = arith.constant 1 : i32
            %sub3A_685 = vector.broadcast %sub3A_684 : i32 to vector<16xi32>
            %sub3A_686 = arith.subi %div3A_659, %sub3A_685 : vector<16xi32>
            %select_n3A_687 = arith.select %and3A_683, %sub3A_686, %div3A_659 : vector<16xi1>, vector<16xi32>
            %add3A_688 = arith.constant 0 : i32
            %add3A_689 = arith.addi %add3A_688, %sub3A_92 : i32
            %add3A_690 = vector.broadcast %add3A_689 : i32 to vector<16xi32>
            %add3A_691 = arith.addi %add3A_690, %select_n3A_687 : vector<16xi32>
            %gather3A_692 = tpu.vector_load_idx %arg11[%add3A_691] : memref<2176xi32, #tpu.memory_space<vmem>>[vector<16xi32>], vector<16xi32>,
            %lt3A_693 = arith.cmpi slt, %gather3A_692, %gather3A_512 : vector<16xi32>
            %add3A_694 = arith.constant 1 : i32
            %add3A_695 = vector.broadcast %add3A_694 : i32 to vector<16xi32>
            %add3A_696 = arith.addi %select_n3A_687, %add3A_695 : vector<16xi32>
            %select_n3A_697 = arith.select %lt3A_693, %add3A_696, %select_n3A_654 : vector<16xi1>, vector<16xi32>
            %select_n3A_698 = arith.select %lt3A_693, %select_n3A_655, %select_n3A_687 : vector<16xi1>, vector<16xi32>
            %add3A_699 = arith.addi %select_n3A_697, %select_n3A_698 : vector<16xi32>
            %jit3A_700 = arith.constant 2 : i32
            %div3A_701 = vector.broadcast %jit3A_700 : i32 to vector<16xi32>
            %div3A_702 = arith.divsi %add3A_699, %div3A_701 : vector<16xi32>
            %sign3A_703 = arith.constant 0 : i32
            %sign3A_704 = vector.broadcast %sign3A_703 : i32 to vector<16xi32>
            %sign3A_705 = arith.cmpi sgt, %add3A_699, %sign3A_704 : vector<16xi32>
            %sign3A_706 = arith.extui %sign3A_705 : vector<16xi1> to vector<16xi32>
            %sign3A_707 = arith.constant 0 : i32
            %sign3A_708 = vector.broadcast %sign3A_707 : i32 to vector<16xi32>
            %sign3A_709 = arith.cmpi slt, %add3A_699, %sign3A_708 : vector<16xi32>
            %sign3A_710 = arith.extui %sign3A_709 : vector<16xi1> to vector<16xi32>
            %sign3A_711 = arith.subi %sign3A_706, %sign3A_710 : vector<16xi32>
            %sign3A_712 = arith.constant 0 : i32
            %sign3A_713 = arith.cmpi sgt, %jit3A_700, %sign3A_712 : i32
            %sign3A_714 = arith.extui %sign3A_713 : i1 to i32
            %sign3A_715 = arith.constant 0 : i32
            %sign3A_716 = arith.cmpi slt, %jit3A_700, %sign3A_715 : i32
            %sign3A_717 = arith.extui %sign3A_716 : i1 to i32
            %sign3A_718 = arith.subi %sign3A_714, %sign3A_717 : i32
            %ne3A_719 = vector.broadcast %sign3A_718 : i32 to vector<16xi32>
            %ne3A_720 = arith.cmpi ne, %sign3A_711, %ne3A_719 : vector<16xi32>
            %rem3A_721 = vector.broadcast %jit3A_700 : i32 to vector<16xi32>
            %rem3A_722 = arith.remsi %add3A_699, %rem3A_721 : vector<16xi32>
            %ne3A_723 = arith.constant 0 : i32
            %ne3A_724 = vector.broadcast %ne3A_723 : i32 to vector<16xi32>
            %ne3A_725 = arith.cmpi ne, %rem3A_722, %ne3A_724 : vector<16xi32>
            %and3A_726 = arith.andi %ne3A_720, %ne3A_725 : vector<16xi1>
            %sub3A_727 = arith.constant 1 : i32
            %sub3A_728 = vector.broadcast %sub3A_727 : i32 to vector<16xi32>
            %sub3A_729 = arith.subi %div3A_702, %sub3A_728 : vector<16xi32>
            %select_n3A_730 = arith.select %and3A_726, %sub3A_729, %div3A_702 : vector<16xi1>, vector<16xi32>
            %add3A_731 = arith.constant 0 : i32
            %add3A_732 = arith.addi %add3A_731, %sub3A_92 : i32
            %add3A_733 = vector.broadcast %add3A_732 : i32 to vector<16xi32>
            %add3A_734 = arith.addi %add3A_733, %select_n3A_730 : vector<16xi32>
            %gather3A_735 = tpu.vector_load_idx %arg11[%add3A_734] : memref<2176xi32, #tpu.memory_space<vmem>>[vector<16xi32>], vector<16xi32>,
            %lt3A_736 = arith.cmpi slt, %gather3A_735, %gather3A_512 : vector<16xi32>
            %add3A_737 = arith.constant 1 : i32
            %add3A_738 = vector.broadcast %add3A_737 : i32 to vector<16xi32>
            %add3A_739 = arith.addi %select_n3A_730, %add3A_738 : vector<16xi32>
            %select_n3A_740 = arith.select %lt3A_736, %add3A_739, %select_n3A_697 : vector<16xi1>, vector<16xi32>
            %select_n3A_741 = arith.select %lt3A_736, %select_n3A_698, %select_n3A_730 : vector<16xi1>, vector<16xi32>
            %add3A_742 = arith.addi %select_n3A_740, %select_n3A_741 : vector<16xi32>
            %jit3A_743 = arith.constant 2 : i32
            %div3A_744 = vector.broadcast %jit3A_743 : i32 to vector<16xi32>
            %div3A_745 = arith.divsi %add3A_742, %div3A_744 : vector<16xi32>
            %sign3A_746 = arith.constant 0 : i32
            %sign3A_747 = vector.broadcast %sign3A_746 : i32 to vector<16xi32>
            %sign3A_748 = arith.cmpi sgt, %add3A_742, %sign3A_747 : vector<16xi32>
            %sign3A_749 = arith.extui %sign3A_748 : vector<16xi1> to vector<16xi32>
            %sign3A_750 = arith.constant 0 : i32
            %sign3A_751 = vector.broadcast %sign3A_750 : i32 to vector<16xi32>
            %sign3A_752 = arith.cmpi slt, %add3A_742, %sign3A_751 : vector<16xi32>
            %sign3A_753 = arith.extui %sign3A_752 : vector<16xi1> to vector<16xi32>
            %sign3A_754 = arith.subi %sign3A_749, %sign3A_753 : vector<16xi32>
            %sign3A_755 = arith.constant 0 : i32
            %sign3A_756 = arith.cmpi sgt, %jit3A_743, %sign3A_755 : i32
            %sign3A_757 = arith.extui %sign3A_756 : i1 to i32
            %sign3A_758 = arith.constant 0 : i32
            %sign3A_759 = arith.cmpi slt, %jit3A_743, %sign3A_758 : i32
            %sign3A_760 = arith.extui %sign3A_759 : i1 to i32
            %sign3A_761 = arith.subi %sign3A_757, %sign3A_760 : i32
            %ne3A_762 = vector.broadcast %sign3A_761 : i32 to vector<16xi32>
            %ne3A_763 = arith.cmpi ne, %sign3A_754, %ne3A_762 : vector<16xi32>
            %rem3A_764 = vector.broadcast %jit3A_743 : i32 to vector<16xi32>
            %rem3A_765 = arith.remsi %add3A_742, %rem3A_764 : vector<16xi32>
            %ne3A_766 = arith.constant 0 : i32
            %ne3A_767 = vector.broadcast %ne3A_766 : i32 to vector<16xi32>
            %ne3A_768 = arith.cmpi ne, %rem3A_765, %ne3A_767 : vector<16xi32>
            %and3A_769 = arith.andi %ne3A_763, %ne3A_768 : vector<16xi1>
            %sub3A_770 = arith.constant 1 : i32
            %sub3A_771 = vector.broadcast %sub3A_770 : i32 to vector<16xi32>
            %sub3A_772 = arith.subi %div3A_745, %sub3A_771 : vector<16xi32>
            %select_n3A_773 = arith.select %and3A_769, %sub3A_772, %div3A_745 : vector<16xi1>, vector<16xi32>
            %add3A_774 = arith.constant 0 : i32
            %add3A_775 = arith.addi %add3A_774, %sub3A_92 : i32
            %add3A_776 = vector.broadcast %add3A_775 : i32 to vector<16xi32>
            %add3A_777 = arith.addi %add3A_776, %select_n3A_773 : vector<16xi32>
            %gather3A_778 = tpu.vector_load_idx %arg11[%add3A_777] : memref<2176xi32, #tpu.memory_space<vmem>>[vector<16xi32>], vector<16xi32>,
            %lt3A_779 = arith.cmpi slt, %gather3A_778, %gather3A_512 : vector<16xi32>
            %add3A_780 = arith.constant 1 : i32
            %add3A_781 = vector.broadcast %add3A_780 : i32 to vector<16xi32>
            %add3A_782 = arith.addi %select_n3A_773, %add3A_781 : vector<16xi32>
            %select_n3A_783 = arith.select %lt3A_779, %add3A_782, %select_n3A_740 : vector<16xi1>, vector<16xi32>
            %select_n3A_784 = arith.select %lt3A_779, %select_n3A_741, %select_n3A_773 : vector<16xi1>, vector<16xi32>
            %add3A_785 = arith.addi %select_n3A_783, %select_n3A_784 : vector<16xi32>
            %jit3A_786 = arith.constant 2 : i32
            %div3A_787 = vector.broadcast %jit3A_786 : i32 to vector<16xi32>
            %div3A_788 = arith.divsi %add3A_785, %div3A_787 : vector<16xi32>
            %sign3A_789 = arith.constant 0 : i32
            %sign3A_790 = vector.broadcast %sign3A_789 : i32 to vector<16xi32>
            %sign3A_791 = arith.cmpi sgt, %add3A_785, %sign3A_790 : vector<16xi32>
            %sign3A_792 = arith.extui %sign3A_791 : vector<16xi1> to vector<16xi32>
            %sign3A_793 = arith.constant 0 : i32
            %sign3A_794 = vector.broadcast %sign3A_793 : i32 to vector<16xi32>
            %sign3A_795 = arith.cmpi slt, %add3A_785, %sign3A_794 : vector<16xi32>
            %sign3A_796 = arith.extui %sign3A_795 : vector<16xi1> to vector<16xi32>
            %sign3A_797 = arith.subi %sign3A_792, %sign3A_796 : vector<16xi32>
            %sign3A_798 = arith.constant 0 : i32
            %sign3A_799 = arith.cmpi sgt, %jit3A_786, %sign3A_798 : i32
            %sign3A_800 = arith.extui %sign3A_799 : i1 to i32
            %sign3A_801 = arith.constant 0 : i32
            %sign3A_802 = arith.cmpi slt, %jit3A_786, %sign3A_801 : i32
            %sign3A_803 = arith.extui %sign3A_802 : i1 to i32
            %sign3A_804 = arith.subi %sign3A_800, %sign3A_803 : i32
            %ne3A_805 = vector.broadcast %sign3A_804 : i32 to vector<16xi32>
            %ne3A_806 = arith.cmpi ne, %sign3A_797, %ne3A_805 : vector<16xi32>
            %rem3A_807 = vector.broadcast %jit3A_786 : i32 to vector<16xi32>
            %rem3A_808 = arith.remsi %add3A_785, %rem3A_807 : vector<16xi32>
            %ne3A_809 = arith.constant 0 : i32
            %ne3A_810 = vector.broadcast %ne3A_809 : i32 to vector<16xi32>
            %ne3A_811 = arith.cmpi ne, %rem3A_808, %ne3A_810 : vector<16xi32>
            %and3A_812 = arith.andi %ne3A_806, %ne3A_811 : vector<16xi1>
            %sub3A_813 = arith.constant 1 : i32
            %sub3A_814 = vector.broadcast %sub3A_813 : i32 to vector<16xi32>
            %sub3A_815 = arith.subi %div3A_788, %sub3A_814 : vector<16xi32>
            %select_n3A_816 = arith.select %and3A_812, %sub3A_815, %div3A_788 : vector<16xi1>, vector<16xi32>
            %add3A_817 = arith.constant 0 : i32
            %add3A_818 = arith.addi %add3A_817, %sub3A_92 : i32
            %add3A_819 = vector.broadcast %add3A_818 : i32 to vector<16xi32>
            %add3A_820 = arith.addi %add3A_819, %select_n3A_816 : vector<16xi32>
            %gather3A_821 = tpu.vector_load_idx %arg11[%add3A_820] : memref<2176xi32, #tpu.memory_space<vmem>>[vector<16xi32>], vector<16xi32>,
            %lt3A_822 = arith.cmpi slt, %gather3A_821, %gather3A_512 : vector<16xi32>
            %add3A_823 = arith.constant 1 : i32
            %add3A_824 = vector.broadcast %add3A_823 : i32 to vector<16xi32>
            %add3A_825 = arith.addi %select_n3A_816, %add3A_824 : vector<16xi32>
            %select_n3A_826 = arith.select %lt3A_822, %add3A_825, %select_n3A_783 : vector<16xi1>, vector<16xi32>
            %select_n3A_827 = arith.select %lt3A_822, %select_n3A_784, %select_n3A_816 : vector<16xi1>, vector<16xi32>
            %add3A_828 = arith.addi %select_n3A_826, %select_n3A_827 : vector<16xi32>
            %jit3A_829 = arith.constant 2 : i32
            %div3A_830 = vector.broadcast %jit3A_829 : i32 to vector<16xi32>
            %div3A_831 = arith.divsi %add3A_828, %div3A_830 : vector<16xi32>
            %sign3A_832 = arith.constant 0 : i32
            %sign3A_833 = vector.broadcast %sign3A_832 : i32 to vector<16xi32>
            %sign3A_834 = arith.cmpi sgt, %add3A_828, %sign3A_833 : vector<16xi32>
            %sign3A_835 = arith.extui %sign3A_834 : vector<16xi1> to vector<16xi32>
            %sign3A_836 = arith.constant 0 : i32
            %sign3A_837 = vector.broadcast %sign3A_836 : i32 to vector<16xi32>
            %sign3A_838 = arith.cmpi slt, %add3A_828, %sign3A_837 : vector<16xi32>
            %sign3A_839 = arith.extui %sign3A_838 : vector<16xi1> to vector<16xi32>
            %sign3A_840 = arith.subi %sign3A_835, %sign3A_839 : vector<16xi32>
            %sign3A_841 = arith.constant 0 : i32
            %sign3A_842 = arith.cmpi sgt, %jit3A_829, %sign3A_841 : i32
            %sign3A_843 = arith.extui %sign3A_842 : i1 to i32
            %sign3A_844 = arith.constant 0 : i32
            %sign3A_845 = arith.cmpi slt, %jit3A_829, %sign3A_844 : i32
            %sign3A_846 = arith.extui %sign3A_845 : i1 to i32
            %sign3A_847 = arith.subi %sign3A_843, %sign3A_846 : i32
            %ne3A_848 = vector.broadcast %sign3A_847 : i32 to vector<16xi32>
            %ne3A_849 = arith.cmpi ne, %sign3A_840, %ne3A_848 : vector<16xi32>
            %rem3A_850 = vector.broadcast %jit3A_829 : i32 to vector<16xi32>
            %rem3A_851 = arith.remsi %add3A_828, %rem3A_850 : vector<16xi32>
            %ne3A_852 = arith.constant 0 : i32
            %ne3A_853 = vector.broadcast %ne3A_852 : i32 to vector<16xi32>
            %ne3A_854 = arith.cmpi ne, %rem3A_851, %ne3A_853 : vector<16xi32>
            %and3A_855 = arith.andi %ne3A_849, %ne3A_854 : vector<16xi1>
            %sub3A_856 = arith.constant 1 : i32
            %sub3A_857 = vector.broadcast %sub3A_856 : i32 to vector<16xi32>
            %sub3A_858 = arith.subi %div3A_831, %sub3A_857 : vector<16xi32>
            %select_n3A_859 = arith.select %and3A_855, %sub3A_858, %div3A_831 : vector<16xi1>, vector<16xi32>
            %add3A_860 = arith.constant 0 : i32
            %add3A_861 = arith.addi %add3A_860, %sub3A_92 : i32
            %add3A_862 = vector.broadcast %add3A_861 : i32 to vector<16xi32>
            %add3A_863 = arith.addi %add3A_862, %select_n3A_859 : vector<16xi32>
            %gather3A_864 = tpu.vector_load_idx %arg11[%add3A_863] : memref<2176xi32, #tpu.memory_space<vmem>>[vector<16xi32>], vector<16xi32>,
            %lt3A_865 = arith.cmpi slt, %gather3A_864, %gather3A_512 : vector<16xi32>
            %add3A_866 = arith.constant 1 : i32
            %add3A_867 = vector.broadcast %add3A_866 : i32 to vector<16xi32>
            %add3A_868 = arith.addi %select_n3A_859, %add3A_867 : vector<16xi32>
            %select_n3A_869 = arith.select %lt3A_865, %add3A_868, %select_n3A_826 : vector<16xi1>, vector<16xi32>
            %select_n3A_870 = arith.select %lt3A_865, %select_n3A_827, %select_n3A_859 : vector<16xi1>, vector<16xi32>
            %add3A_871 = arith.addi %select_n3A_869, %select_n3A_870 : vector<16xi32>
            %jit3A_872 = arith.constant 2 : i32
            %div3A_873 = vector.broadcast %jit3A_872 : i32 to vector<16xi32>
            %div3A_874 = arith.divsi %add3A_871, %div3A_873 : vector<16xi32>
            %sign3A_875 = arith.constant 0 : i32
            %sign3A_876 = vector.broadcast %sign3A_875 : i32 to vector<16xi32>
            %sign3A_877 = arith.cmpi sgt, %add3A_871, %sign3A_876 : vector<16xi32>
            %sign3A_878 = arith.extui %sign3A_877 : vector<16xi1> to vector<16xi32>
            %sign3A_879 = arith.constant 0 : i32
            %sign3A_880 = vector.broadcast %sign3A_879 : i32 to vector<16xi32>
            %sign3A_881 = arith.cmpi slt, %add3A_871, %sign3A_880 : vector<16xi32>
            %sign3A_882 = arith.extui %sign3A_881 : vector<16xi1> to vector<16xi32>
            %sign3A_883 = arith.subi %sign3A_878, %sign3A_882 : vector<16xi32>
            %sign3A_884 = arith.constant 0 : i32
            %sign3A_885 = arith.cmpi sgt, %jit3A_872, %sign3A_884 : i32
            %sign3A_886 = arith.extui %sign3A_885 : i1 to i32
            %sign3A_887 = arith.constant 0 : i32
            %sign3A_888 = arith.cmpi slt, %jit3A_872, %sign3A_887 : i32
            %sign3A_889 = arith.extui %sign3A_888 : i1 to i32
            %sign3A_890 = arith.subi %sign3A_886, %sign3A_889 : i32
            %ne3A_891 = vector.broadcast %sign3A_890 : i32 to vector<16xi32>
            %ne3A_892 = arith.cmpi ne, %sign3A_883, %ne3A_891 : vector<16xi32>
            %rem3A_893 = vector.broadcast %jit3A_872 : i32 to vector<16xi32>
            %rem3A_894 = arith.remsi %add3A_871, %rem3A_893 : vector<16xi32>
            %ne3A_895 = arith.constant 0 : i32
            %ne3A_896 = vector.broadcast %ne3A_895 : i32 to vector<16xi32>
            %ne3A_897 = arith.cmpi ne, %rem3A_894, %ne3A_896 : vector<16xi32>
            %and3A_898 = arith.andi %ne3A_892, %ne3A_897 : vector<16xi1>
            %sub3A_899 = arith.constant 1 : i32
            %sub3A_900 = vector.broadcast %sub3A_899 : i32 to vector<16xi32>
            %sub3A_901 = arith.subi %div3A_874, %sub3A_900 : vector<16xi32>
            %select_n3A_902 = arith.select %and3A_898, %sub3A_901, %div3A_874 : vector<16xi1>, vector<16xi32>
            %add3A_903 = arith.constant 0 : i32
            %add3A_904 = arith.addi %add3A_903, %sub3A_92 : i32
            %add3A_905 = vector.broadcast %add3A_904 : i32 to vector<16xi32>
            %add3A_906 = arith.addi %add3A_905, %select_n3A_902 : vector<16xi32>
            %gather3A_907 = tpu.vector_load_idx %arg11[%add3A_906] : memref<2176xi32, #tpu.memory_space<vmem>>[vector<16xi32>], vector<16xi32>,
            %lt3A_908 = arith.cmpi slt, %gather3A_907, %gather3A_512 : vector<16xi32>
            %add3A_909 = arith.constant 1 : i32
            %add3A_910 = vector.broadcast %add3A_909 : i32 to vector<16xi32>
            %add3A_911 = arith.addi %select_n3A_902, %add3A_910 : vector<16xi32>
            %select_n3A_912 = arith.select %lt3A_908, %add3A_911, %select_n3A_869 : vector<16xi1>, vector<16xi32>
            %select_n3A_913 = arith.select %lt3A_908, %select_n3A_870, %select_n3A_902 : vector<16xi1>, vector<16xi32>
            %add3A_914 = arith.addi %select_n3A_912, %select_n3A_913 : vector<16xi32>
            %jit3A_915 = arith.constant 2 : i32
            %div3A_916 = vector.broadcast %jit3A_915 : i32 to vector<16xi32>
            %div3A_917 = arith.divsi %add3A_914, %div3A_916 : vector<16xi32>
            %sign3A_918 = arith.constant 0 : i32
            %sign3A_919 = vector.broadcast %sign3A_918 : i32 to vector<16xi32>
            %sign3A_920 = arith.cmpi sgt, %add3A_914, %sign3A_919 : vector<16xi32>
            %sign3A_921 = arith.extui %sign3A_920 : vector<16xi1> to vector<16xi32>
            %sign3A_922 = arith.constant 0 : i32
            %sign3A_923 = vector.broadcast %sign3A_922 : i32 to vector<16xi32>
            %sign3A_924 = arith.cmpi slt, %add3A_914, %sign3A_923 : vector<16xi32>
            %sign3A_925 = arith.extui %sign3A_924 : vector<16xi1> to vector<16xi32>
            %sign3A_926 = arith.subi %sign3A_921, %sign3A_925 : vector<16xi32>
            %sign3A_927 = arith.constant 0 : i32
            %sign3A_928 = arith.cmpi sgt, %jit3A_915, %sign3A_927 : i32
            %sign3A_929 = arith.extui %sign3A_928 : i1 to i32
            %sign3A_930 = arith.constant 0 : i32
            %sign3A_931 = arith.cmpi slt, %jit3A_915, %sign3A_930 : i32
            %sign3A_932 = arith.extui %sign3A_931 : i1 to i32
            %sign3A_933 = arith.subi %sign3A_929, %sign3A_932 : i32
            %ne3A_934 = vector.broadcast %sign3A_933 : i32 to vector<16xi32>
            %ne3A_935 = arith.cmpi ne, %sign3A_926, %ne3A_934 : vector<16xi32>
            %rem3A_936 = vector.broadcast %jit3A_915 : i32 to vector<16xi32>
            %rem3A_937 = arith.remsi %add3A_914, %rem3A_936 : vector<16xi32>
            %ne3A_938 = arith.constant 0 : i32
            %ne3A_939 = vector.broadcast %ne3A_938 : i32 to vector<16xi32>
            %ne3A_940 = arith.cmpi ne, %rem3A_937, %ne3A_939 : vector<16xi32>
            %and3A_941 = arith.andi %ne3A_935, %ne3A_940 : vector<16xi1>
            %sub3A_942 = arith.constant 1 : i32
            %sub3A_943 = vector.broadcast %sub3A_942 : i32 to vector<16xi32>
            %sub3A_944 = arith.subi %div3A_917, %sub3A_943 : vector<16xi32>
            %select_n3A_945 = arith.select %and3A_941, %sub3A_944, %div3A_917 : vector<16xi1>, vector<16xi32>
            %add3A_946 = arith.constant 0 : i32
            %add3A_947 = arith.addi %add3A_946, %sub3A_92 : i32
            %add3A_948 = vector.broadcast %add3A_947 : i32 to vector<16xi32>
            %add3A_949 = arith.addi %add3A_948, %select_n3A_945 : vector<16xi32>
            %gather3A_950 = tpu.vector_load_idx %arg11[%add3A_949] : memref<2176xi32, #tpu.memory_space<vmem>>[vector<16xi32>], vector<16xi32>,
            %lt3A_951 = arith.cmpi slt, %gather3A_950, %gather3A_512 : vector<16xi32>
            %add3A_952 = arith.constant 1 : i32
            %add3A_953 = vector.broadcast %add3A_952 : i32 to vector<16xi32>
            %add3A_954 = arith.addi %select_n3A_945, %add3A_953 : vector<16xi32>
            %select_n3A_955 = arith.select %lt3A_951, %add3A_954, %select_n3A_912 : vector<16xi1>, vector<16xi32>
            %select_n3A_956 = arith.select %lt3A_951, %select_n3A_913, %select_n3A_945 : vector<16xi1>, vector<16xi32>
            %add3A_957 = arith.addi %select_n3A_955, %select_n3A_956 : vector<16xi32>
            %jit3A_958 = arith.constant 2 : i32
            %div3A_959 = vector.broadcast %jit3A_958 : i32 to vector<16xi32>
            %div3A_960 = arith.divsi %add3A_957, %div3A_959 : vector<16xi32>
            %sign3A_961 = arith.constant 0 : i32
            %sign3A_962 = vector.broadcast %sign3A_961 : i32 to vector<16xi32>
            %sign3A_963 = arith.cmpi sgt, %add3A_957, %sign3A_962 : vector<16xi32>
            %sign3A_964 = arith.extui %sign3A_963 : vector<16xi1> to vector<16xi32>
            %sign3A_965 = arith.constant 0 : i32
            %sign3A_966 = vector.broadcast %sign3A_965 : i32 to vector<16xi32>
            %sign3A_967 = arith.cmpi slt, %add3A_957, %sign3A_966 : vector<16xi32>
            %sign3A_968 = arith.extui %sign3A_967 : vector<16xi1> to vector<16xi32>
            %sign3A_969 = arith.subi %sign3A_964, %sign3A_968 : vector<16xi32>
            %sign3A_970 = arith.constant 0 : i32
            %sign3A_971 = arith.cmpi sgt, %jit3A_958, %sign3A_970 : i32
            %sign3A_972 = arith.extui %sign3A_971 : i1 to i32
            %sign3A_973 = arith.constant 0 : i32
            %sign3A_974 = arith.cmpi slt, %jit3A_958, %sign3A_973 : i32
            %sign3A_975 = arith.extui %sign3A_974 : i1 to i32
            %sign3A_976 = arith.subi %sign3A_972, %sign3A_975 : i32
            %ne3A_977 = vector.broadcast %sign3A_976 : i32 to vector<16xi32>
            %ne3A_978 = arith.cmpi ne, %sign3A_969, %ne3A_977 : vector<16xi32>
            %rem3A_979 = vector.broadcast %jit3A_958 : i32 to vector<16xi32>
            %rem3A_980 = arith.remsi %add3A_957, %rem3A_979 : vector<16xi32>
            %ne3A_981 = arith.constant 0 : i32
            %ne3A_982 = vector.broadcast %ne3A_981 : i32 to vector<16xi32>
            %ne3A_983 = arith.cmpi ne, %rem3A_980, %ne3A_982 : vector<16xi32>
            %and3A_984 = arith.andi %ne3A_978, %ne3A_983 : vector<16xi1>
            %sub3A_985 = arith.constant 1 : i32
            %sub3A_986 = vector.broadcast %sub3A_985 : i32 to vector<16xi32>
            %sub3A_987 = arith.subi %div3A_960, %sub3A_986 : vector<16xi32>
            %select_n3A_988 = arith.select %and3A_984, %sub3A_987, %div3A_960 : vector<16xi1>, vector<16xi32>
            %add3A_989 = arith.constant 0 : i32
            %add3A_990 = arith.addi %add3A_989, %sub3A_92 : i32
            %add3A_991 = vector.broadcast %add3A_990 : i32 to vector<16xi32>
            %add3A_992 = arith.addi %add3A_991, %select_n3A_988 : vector<16xi32>
            %gather3A_993 = tpu.vector_load_idx %arg11[%add3A_992] : memref<2176xi32, #tpu.memory_space<vmem>>[vector<16xi32>], vector<16xi32>,
            %lt3A_994 = arith.cmpi slt, %gather3A_993, %gather3A_512 : vector<16xi32>
            %add3A_995 = arith.constant 1 : i32
            %add3A_996 = vector.broadcast %add3A_995 : i32 to vector<16xi32>
            %add3A_997 = arith.addi %select_n3A_988, %add3A_996 : vector<16xi32>
            %select_n3A_998 = arith.select %lt3A_994, %add3A_997, %select_n3A_955 : vector<16xi1>, vector<16xi32>
            %select_n3A_999 = arith.select %lt3A_994, %select_n3A_956, %select_n3A_988 : vector<16xi1>, vector<16xi32>
            %add3A_1000 = arith.addi %select_n3A_998, %select_n3A_999 : vector<16xi32>
            %jit3A_1001 = arith.constant 2 : i32
            %div3A_1002 = vector.broadcast %jit3A_1001 : i32 to vector<16xi32>
            %div3A_1003 = arith.divsi %add3A_1000, %div3A_1002 : vector<16xi32>
            %sign3A_1004 = arith.constant 0 : i32
            %sign3A_1005 = vector.broadcast %sign3A_1004 : i32 to vector<16xi32>
            %sign3A_1006 = arith.cmpi sgt, %add3A_1000, %sign3A_1005 : vector<16xi32>
            %sign3A_1007 = arith.extui %sign3A_1006 : vector<16xi1> to vector<16xi32>
            %sign3A_1008 = arith.constant 0 : i32
            %sign3A_1009 = vector.broadcast %sign3A_1008 : i32 to vector<16xi32>
            %sign3A_1010 = arith.cmpi slt, %add3A_1000, %sign3A_1009 : vector<16xi32>
            %sign3A_1011 = arith.extui %sign3A_1010 : vector<16xi1> to vector<16xi32>
            %sign3A_1012 = arith.subi %sign3A_1007, %sign3A_1011 : vector<16xi32>
            %sign3A_1013 = arith.constant 0 : i32
            %sign3A_1014 = arith.cmpi sgt, %jit3A_1001, %sign3A_1013 : i32
            %sign3A_1015 = arith.extui %sign3A_1014 : i1 to i32
            %sign3A_1016 = arith.constant 0 : i32
            %sign3A_1017 = arith.cmpi slt, %jit3A_1001, %sign3A_1016 : i32
            %sign3A_1018 = arith.extui %sign3A_1017 : i1 to i32
            %sign3A_1019 = arith.subi %sign3A_1015, %sign3A_1018 : i32
            %ne3A_1020 = vector.broadcast %sign3A_1019 : i32 to vector<16xi32>
            %ne3A_1021 = arith.cmpi ne, %sign3A_1012, %ne3A_1020 : vector<16xi32>
            %rem3A_1022 = vector.broadcast %jit3A_1001 : i32 to vector<16xi32>
            %rem3A_1023 = arith.remsi %add3A_1000, %rem3A_1022 : vector<16xi32>
            %ne3A_1024 = arith.constant 0 : i32
            %ne3A_1025 = vector.broadcast %ne3A_1024 : i32 to vector<16xi32>
            %ne3A_1026 = arith.cmpi ne, %rem3A_1023, %ne3A_1025 : vector<16xi32>
            %and3A_1027 = arith.andi %ne3A_1021, %ne3A_1026 : vector<16xi1>
            %sub3A_1028 = arith.constant 1 : i32
            %sub3A_1029 = vector.broadcast %sub3A_1028 : i32 to vector<16xi32>
            %sub3A_1030 = arith.subi %div3A_1003, %sub3A_1029 : vector<16xi32>
            %select_n3A_1031 = arith.select %and3A_1027, %sub3A_1030, %div3A_1003 : vector<16xi1>, vector<16xi32>
            %add3A_1032 = arith.constant 0 : i32
            %add3A_1033 = arith.addi %add3A_1032, %sub3A_92 : i32
            %add3A_1034 = vector.broadcast %add3A_1033 : i32 to vector<16xi32>
            %add3A_1035 = arith.addi %add3A_1034, %select_n3A_1031 : vector<16xi32>
            %gather3A_1036 = tpu.vector_load_idx %arg11[%add3A_1035] : memref<2176xi32, #tpu.memory_space<vmem>>[vector<16xi32>], vector<16xi32>,
            %lt3A_1037 = arith.cmpi slt, %gather3A_1036, %gather3A_512 : vector<16xi32>
            %add3A_1038 = arith.constant 1 : i32
            %add3A_1039 = vector.broadcast %add3A_1038 : i32 to vector<16xi32>
            %add3A_1040 = arith.addi %select_n3A_1031, %add3A_1039 : vector<16xi32>
            %select_n3A_1041 = arith.select %lt3A_1037, %add3A_1040, %select_n3A_998 : vector<16xi1>, vector<16xi32>
            %select_n3A_1042 = arith.select %lt3A_1037, %select_n3A_999, %select_n3A_1031 : vector<16xi1>, vector<16xi32>
            %add3A_1043 = arith.constant 0 : i32
            %add3A_1044 = arith.addi %add3A_1043, %sub3A_92 : i32
            %add3A_1045 = vector.broadcast %add3A_1044 : i32 to vector<16xi32>
            %add3A_1046 = arith.addi %add3A_1045, %select_n3A_1041 : vector<16xi32>
            %gather3A_1047 = tpu.vector_load_idx %arg11[%add3A_1046] : memref<2176xi32, #tpu.memory_space<vmem>>[vector<16xi32>], vector<16xi32>,
            %lt3A_1048 = vector.broadcast %min3A_382 : i32 to vector<16xi32>
            %lt3A_1049 = arith.cmpi slt, %add3A_507, %lt3A_1048 : vector<16xi32>
            %lt3A_1050 = vector.broadcast %min3A_380 : i32 to vector<16xi32>
            %lt3A_1051 = arith.cmpi slt, %select_n3A_1041, %lt3A_1050 : vector<16xi32>
            %and3A_1052 = arith.andi %lt3A_1049, %lt3A_1051 : vector<16xi1>
            %eq3A_1053 = arith.cmpi eq, %gather3A_1047, %gather3A_512 : vector<16xi32>
            %and3A_1054 = arith.andi %and3A_1052, %eq3A_1053 : vector<16xi1>
            %and3A_1055 = arith.andi %and3A_1054, %or3A_523 : vector<16xi1>
            %while3A_1056:2 = scf.while (%while3A_1057 = %and3A_1055, %while3A_1058 = %while3A_503) : (vector<16xi1>, vector<16xf32>) -> (vector<16xi1>, vector<16xf32>) {
              %all_reduce_population_count3A = tpu.all_reduce %while3A_1057 {dim = 0 : i64, kind = #tpu.reduction_kind<sum>} : vector<16xi1> -> vector<16xi32>
              %slice3A_1059 = vector.extract_strided_slice %all_reduce_population_count3A {offsets = [0], sizes = [1], strides = [1]} : vector<16xi32> to vector<1xi32>
              %squeeze3A_1060 = vector.extract %slice3A_1059[0] : i32 from vector<1xi32>
              %gt3A_1061 = arith.constant 0 : i32
              %gt3A_1062 = arith.cmpi sgt, %squeeze3A_1060, %gt3A_1061 : i32
              scf.condition(%gt3A_1062) %while3A_1057, %while3A_1058 : vector<16xi1>, vector<16xf32>
            } do {
            ^bb0(%while3A_1057: vector<16xi1>, %while3A_1058: vector<16xf32>):
              %all_reduce_ffs3A = tpu.all_reduce %while3A_1057 {dim = 0 : i64, kind = #tpu.reduction_kind<find_first_set>} : vector<16xi1> -> vector<16xi32>
              %slice3A_1059 = vector.extract_strided_slice %all_reduce_ffs3A {offsets = [0], sizes = [1], strides = [1]} : vector<16xi32> to vector<1xi32>
              %squeeze3A_1060 = vector.extract %slice3A_1059[0] : i32 from vector<1xi32>
              %add3A_1061 = arith.constant 0 : i32
              %add3A_1062 = arith.addi %add3A_1061, %sub3A_119 : i32
              %mul3A_1063 = arith.constant 16 : i32
              %mul3A_1064 = arith.muli %while3A_502, %mul3A_1063 : i32
              %add3A_1065 = arith.addi %add3A_1062, %mul3A_1064 : i32
              %add3A_1066 = arith.addi %add3A_1065, %squeeze3A_1060 : i32
              %get3A_1067 = arith.index_cast %add3A_1066 : i32 to index
              %get3A_1068 = tpu.vector_load %arg12[%get3A_1067] {strides = array<i32>} : memref<2176xi32, #tpu.memory_space<vmem>>, vector<16xi32>,
              %slice3A_1069 = vector.extract_strided_slice %get3A_1068 {offsets = [0], sizes = [1], strides = [1]} : vector<16xi32> to vector<1xi32>
              %squeeze3A_1070 = vector.extract %slice3A_1069[0] : i32 from vector<1xi32>
              "tpu.region"() ({
                %run_scoped3A = tpu.sem_alloc : memref<!tpu.dma_semaphore, #tpu.memory_space<semaphore_mem>>
                %dma_start3A = arith.constant 0 : i32
                %dma_start3A_1170 = tpu.memref_slice %arg2[%squeeze3A_1070, %dma_start3A] : memref<10000x256xf32, #tpu.memory_space<hbm>> -> memref<1x256xf32, #tpu.memory_space<hbm>>
                %dma_start3A_1171 = tpu.memref_squeeze %dma_start3A_1170 : memref<1x256xf32, #tpu.memory_space<hbm>> -> memref<256xf32, #tpu.memory_space<hbm>>
                %dma_start3A_1172 = arith.constant 0 : i32
                %dma_start3A_1173 = tpu.memref_slice %arg2[%squeeze3A_1070, %dma_start3A_1172] : memref<10000x256xf32, #tpu.memory_space<hbm>> -> memref<1x256xf32, #tpu.memory_space<hbm>>
                %dma_start3A_1174 = tpu.memref_squeeze %dma_start3A_1173 : memref<1x256xf32, #tpu.memory_space<hbm>> -> memref<256xf32, #tpu.memory_space<hbm>>
                tpu.enqueue_dma source(%dma_start3A_1174 : memref<256xf32, #tpu.memory_space<hbm>>) target(%arg17 : memref<256xf32, #tpu.memory_space<vmem>>) target_semaphore(%run_scoped3A : memref<!tpu.dma_semaphore, #tpu.memory_space<semaphore_mem>>)
                %dma_wait3A = arith.constant 0 : i32
                %dma_wait3A_1175 = tpu.memref_slice %arg2[%squeeze3A_1070, %dma_wait3A] : memref<10000x256xf32, #tpu.memory_space<hbm>> -> memref<1x256xf32, #tpu.memory_space<hbm>>
                %dma_wait3A_1176 = tpu.memref_squeeze %dma_wait3A_1175 : memref<1x256xf32, #tpu.memory_space<hbm>> -> memref<256xf32, #tpu.memory_space<hbm>>
                %dma_wait3A_1177 = arith.constant 0 : i32
                %dma_wait3A_1178 = tpu.memref_slice %arg2[%squeeze3A_1070, %dma_wait3A_1177] : memref<10000x256xf32, #tpu.memory_space<hbm>> -> memref<1x256xf32, #tpu.memory_space<hbm>>
                %dma_wait3A_1179 = tpu.memref_squeeze %dma_wait3A_1178 : memref<1x256xf32, #tpu.memory_space<hbm>> -> memref<256xf32, #tpu.memory_space<hbm>>
                tpu.wait_dma2 semaphore(%run_scoped3A : memref<!tpu.dma_semaphore, #tpu.memory_space<semaphore_mem>>) src(%dma_wait3A_1179 : memref<256xf32, #tpu.memory_space<hbm>>) dst(%arg17 : memref<256xf32, #tpu.memory_space<vmem>>)
                tpu.yield
              }) : () -> ()
              %get3A_1071 = arith.constant 0 : index
              %get3A_1072 = tpu.vector_load %arg17[%get3A_1071] {strides = array<i32>} : memref<256xf32, #tpu.memory_space<vmem>>, vector<16xf32>,
              %get3A_1073 = arith.constant 0 : index
              %get3A_1074 = tpu.vector_load %arg19[%get3A_1073] {strides = array<i32>} : memref<256xf32, #tpu.memory_space<vmem>>, vector<16xf32>,
              %mul3A_1075 = arith.mulf %get3A_1072, %get3A_1074 : vector<16xf32>
              %add3A_1076 = arith.addf %while3A_1058, %mul3A_1075 : vector<16xf32>
              %get3A_1077 = arith.constant 16 : index
              %get3A_1078 = tpu.vector_load %arg17[%get3A_1077] {strides = array<i32>} : memref<256xf32, #tpu.memory_space<vmem>>, vector<16xf32>,
              %get3A_1079 = arith.constant 16 : index
              %get3A_1080 = tpu.vector_load %arg19[%get3A_1079] {strides = array<i32>} : memref<256xf32, #tpu.memory_space<vmem>>, vector<16xf32>,
              %mul3A_1081 = arith.mulf %get3A_1078, %get3A_1080 : vector<16xf32>
              %add3A_1082 = arith.addf %add3A_1076, %mul3A_1081 : vector<16xf32>
              %get3A_1083 = arith.constant 32 : index
              %get3A_1084 = tpu.vector_load %arg17[%get3A_1083] {strides = array<i32>} : memref<256xf32, #tpu.memory_space<vmem>>, vector<16xf32>,
              %get3A_1085 = arith.constant 32 : index
              %get3A_1086 = tpu.vector_load %arg19[%get3A_1085] {strides = array<i32>} : memref<256xf32, #tpu.memory_space<vmem>>, vector<16xf32>,
              %mul3A_1087 = arith.mulf %get3A_1084, %get3A_1086 : vector<16xf32>
              %add3A_1088 = arith.addf %add3A_1082, %mul3A_1087 : vector<16xf32>
              %get3A_1089 = arith.constant 48 : index
              %get3A_1090 = tpu.vector_load %arg17[%get3A_1089] {strides = array<i32>} : memref<256xf32, #tpu.memory_space<vmem>>, vector<16xf32>,
              %get3A_1091 = arith.constant 48 : index
              %get3A_1092 = tpu.vector_load %arg19[%get3A_1091] {strides = array<i32>} : memref<256xf32, #tpu.memory_space<vmem>>, vector<16xf32>,
              %mul3A_1093 = arith.mulf %get3A_1090, %get3A_1092 : vector<16xf32>
              %add3A_1094 = arith.addf %add3A_1088, %mul3A_1093 : vector<16xf32>
              %get3A_1095 = arith.constant 64 : index
              %get3A_1096 = tpu.vector_load %arg17[%get3A_1095] {strides = array<i32>} : memref<256xf32, #tpu.memory_space<vmem>>, vector<16xf32>,
              %get3A_1097 = arith.constant 64 : index
              %get3A_1098 = tpu.vector_load %arg19[%get3A_1097] {strides = array<i32>} : memref<256xf32, #tpu.memory_space<vmem>>, vector<16xf32>,
              %mul3A_1099 = arith.mulf %get3A_1096, %get3A_1098 : vector<16xf32>
              %add3A_1100 = arith.addf %add3A_1094, %mul3A_1099 : vector<16xf32>
              %get3A_1101 = arith.constant 80 : index
              %get3A_1102 = tpu.vector_load %arg17[%get3A_1101] {strides = array<i32>} : memref<256xf32, #tpu.memory_space<vmem>>, vector<16xf32>,
              %get3A_1103 = arith.constant 80 : index
              %get3A_1104 = tpu.vector_load %arg19[%get3A_1103] {strides = array<i32>} : memref<256xf32, #tpu.memory_space<vmem>>, vector<16xf32>,
              %mul3A_1105 = arith.mulf %get3A_1102, %get3A_1104 : vector<16xf32>
              %add3A_1106 = arith.addf %add3A_1100, %mul3A_1105 : vector<16xf32>
              %get3A_1107 = arith.constant 96 : index
              %get3A_1108 = tpu.vector_load %arg17[%get3A_1107] {strides = array<i32>} : memref<256xf32, #tpu.memory_space<vmem>>, vector<16xf32>,
              %get3A_1109 = arith.constant 96 : index
              %get3A_1110 = tpu.vector_load %arg19[%get3A_1109] {strides = array<i32>} : memref<256xf32, #tpu.memory_space<vmem>>, vector<16xf32>,
              %mul3A_1111 = arith.mulf %get3A_1108, %get3A_1110 : vector<16xf32>
              %add3A_1112 = arith.addf %add3A_1106, %mul3A_1111 : vector<16xf32>
              %get3A_1113 = arith.constant 112 : index
              %get3A_1114 = tpu.vector_load %arg17[%get3A_1113] {strides = array<i32>} : memref<256xf32, #tpu.memory_space<vmem>>, vector<16xf32>,
              %get3A_1115 = arith.constant 112 : index
              %get3A_1116 = tpu.vector_load %arg19[%get3A_1115] {strides = array<i32>} : memref<256xf32, #tpu.memory_space<vmem>>, vector<16xf32>,
              %mul3A_1117 = arith.mulf %get3A_1114, %get3A_1116 : vector<16xf32>
              %add3A_1118 = arith.addf %add3A_1112, %mul3A_1117 : vector<16xf32>
              %get3A_1119 = arith.constant 128 : index
              %get3A_1120 = tpu.vector_load %arg17[%get3A_1119] {strides = array<i32>} : memref<256xf32, #tpu.memory_space<vmem>>, vector<16xf32>,
              %get3A_1121 = arith.constant 128 : index
              %get3A_1122 = tpu.vector_load %arg19[%get3A_1121] {strides = array<i32>} : memref<256xf32, #tpu.memory_space<vmem>>, vector<16xf32>,
              %mul3A_1123 = arith.mulf %get3A_1120, %get3A_1122 : vector<16xf32>
              %add3A_1124 = arith.addf %add3A_1118, %mul3A_1123 : vector<16xf32>
              %get3A_1125 = arith.constant 144 : index
              %get3A_1126 = tpu.vector_load %arg17[%get3A_1125] {strides = array<i32>} : memref<256xf32, #tpu.memory_space<vmem>>, vector<16xf32>,
              %get3A_1127 = arith.constant 144 : index
              %get3A_1128 = tpu.vector_load %arg19[%get3A_1127] {strides = array<i32>} : memref<256xf32, #tpu.memory_space<vmem>>, vector<16xf32>,
              %mul3A_1129 = arith.mulf %get3A_1126, %get3A_1128 : vector<16xf32>
              %add3A_1130 = arith.addf %add3A_1124, %mul3A_1129 : vector<16xf32>
              %get3A_1131 = arith.constant 160 : index
              %get3A_1132 = tpu.vector_load %arg17[%get3A_1131] {strides = array<i32>} : memref<256xf32, #tpu.memory_space<vmem>>, vector<16xf32>,
              %get3A_1133 = arith.constant 160 : index
              %get3A_1134 = tpu.vector_load %arg19[%get3A_1133] {strides = array<i32>} : memref<256xf32, #tpu.memory_space<vmem>>, vector<16xf32>,
              %mul3A_1135 = arith.mulf %get3A_1132, %get3A_1134 : vector<16xf32>
              %add3A_1136 = arith.addf %add3A_1130, %mul3A_1135 : vector<16xf32>
              %get3A_1137 = arith.constant 176 : index
              %get3A_1138 = tpu.vector_load %arg17[%get3A_1137] {strides = array<i32>} : memref<256xf32, #tpu.memory_space<vmem>>, vector<16xf32>,
              %get3A_1139 = arith.constant 176 : index
              %get3A_1140 = tpu.vector_load %arg19[%get3A_1139] {strides = array<i32>} : memref<256xf32, #tpu.memory_space<vmem>>, vector<16xf32>,
              %mul3A_1141 = arith.mulf %get3A_1138, %get3A_1140 : vector<16xf32>
              %add3A_1142 = arith.addf %add3A_1136, %mul3A_1141 : vector<16xf32>
              %get3A_1143 = arith.constant 192 : index
              %get3A_1144 = tpu.vector_load %arg17[%get3A_1143] {strides = array<i32>} : memref<256xf32, #tpu.memory_space<vmem>>, vector<16xf32>,
              %get3A_1145 = arith.constant 192 : index
              %get3A_1146 = tpu.vector_load %arg19[%get3A_1145] {strides = array<i32>} : memref<256xf32, #tpu.memory_space<vmem>>, vector<16xf32>,
              %mul3A_1147 = arith.mulf %get3A_1144, %get3A_1146 : vector<16xf32>
              %add3A_1148 = arith.addf %add3A_1142, %mul3A_1147 : vector<16xf32>
              %get3A_1149 = arith.constant 208 : index
              %get3A_1150 = tpu.vector_load %arg17[%get3A_1149] {strides = array<i32>} : memref<256xf32, #tpu.memory_space<vmem>>, vector<16xf32>,
              %get3A_1151 = arith.constant 208 : index
              %get3A_1152 = tpu.vector_load %arg19[%get3A_1151] {strides = array<i32>} : memref<256xf32, #tpu.memory_space<vmem>>, vector<16xf32>,
              %mul3A_1153 = arith.mulf %get3A_1150, %get3A_1152 : vector<16xf32>
              %add3A_1154 = arith.addf %add3A_1148, %mul3A_1153 : vector<16xf32>
              %get3A_1155 = arith.constant 224 : index
              %get3A_1156 = tpu.vector_load %arg17[%get3A_1155] {strides = array<i32>} : memref<256xf32, #tpu.memory_space<vmem>>, vector<16xf32>,
              %get3A_1157 = arith.constant 224 : index
              %get3A_1158 = tpu.vector_load %arg19[%get3A_1157] {strides = array<i32>} : memref<256xf32, #tpu.memory_space<vmem>>, vector<16xf32>,
              %mul3A_1159 = arith.mulf %get3A_1156, %get3A_1158 : vector<16xf32>
              %add3A_1160 = arith.addf %add3A_1154, %mul3A_1159 : vector<16xf32>
              %get3A_1161 = arith.constant 240 : index
              %get3A_1162 = tpu.vector_load %arg17[%get3A_1161] {strides = array<i32>} : memref<256xf32, #tpu.memory_space<vmem>>, vector<16xf32>,
              %get3A_1163 = arith.constant 240 : index
              %get3A_1164 = tpu.vector_load %arg19[%get3A_1163] {strides = array<i32>} : memref<256xf32, #tpu.memory_space<vmem>>, vector<16xf32>,
              %mul3A_1165 = arith.mulf %get3A_1162, %get3A_1164 : vector<16xf32>
              %add3A_1166 = arith.addf %add3A_1160, %mul3A_1165 : vector<16xf32>
              %ne3A_1167 = vector.broadcast %squeeze3A_1060 : i32 to vector<16xi32>
              %ne3A_1168 = arith.cmpi ne, %iota3A, %ne3A_1167 : vector<16xi32>
              %and3A_1169 = arith.andi %while3A_1057, %ne3A_1168 : vector<16xi1>
              scf.yield %and3A_1169, %add3A_1166 : vector<16xi1>, vector<16xf32>
            }
            scf.yield %while3A_1056#1 : vector<16xf32>
          }
          scf.yield %while3A_501 : vector<16xf32>
        } else {
          %mul3A_380 = arith.constant 128 : i32
          %mul3A_381 = arith.muli %while3A_45, %mul3A_380 : i32
          %mul3A_382 = arith.constant 128 : i32
          %mul3A_383 = arith.muli %while3A_45, %mul3A_382 : i32
          %add3A_384 = arith.constant 15 : i32
          %add3A_385 = arith.addi %sub3A_72, %add3A_384 : i32
          %jit3A_386 = arith.constant 16 : i32
          %div3A_387 = arith.divsi %add3A_385, %jit3A_386 : i32
          %sign3A_388 = arith.constant 0 : i32
          %sign3A_389 = arith.cmpi sgt, %add3A_385, %sign3A_388 : i32
          %sign3A_390 = arith.extui %sign3A_389 : i1 to i32
          %sign3A_391 = arith.constant 0 : i32
          %sign3A_392 = arith.cmpi slt, %add3A_385, %sign3A_391 : i32
          %sign3A_393 = arith.extui %sign3A_392 : i1 to i32
          %sign3A_394 = arith.subi %sign3A_390, %sign3A_393 : i32
          %sign3A_395 = arith.constant 0 : i32
          %sign3A_396 = arith.cmpi sgt, %jit3A_386, %sign3A_395 : i32
          %sign3A_397 = arith.extui %sign3A_396 : i1 to i32
          %sign3A_398 = arith.constant 0 : i32
          %sign3A_399 = arith.cmpi slt, %jit3A_386, %sign3A_398 : i32
          %sign3A_400 = arith.extui %sign3A_399 : i1 to i32
          %sign3A_401 = arith.subi %sign3A_397, %sign3A_400 : i32
          %ne3A_402 = arith.cmpi ne, %sign3A_394, %sign3A_401 : i32
          %rem3A_403 = arith.remsi %add3A_385, %jit3A_386 : i32
          %ne3A_404 = arith.constant 0 : i32
          %ne3A_405 = arith.cmpi ne, %rem3A_403, %ne3A_404 : i32
          %and3A_406 = arith.andi %ne3A_402, %ne3A_405 : i1
          %sub3A_407 = arith.constant 1 : i32
          %sub3A_408 = arith.subi %div3A_387, %sub3A_407 : i32
          %select_n3A_409 = arith.select %and3A_406, %sub3A_408, %div3A_387 : i32
          %while3A_410 = arith.constant 0 : i32
          %while3A_411 = arith.subi %select_n3A_409, %while3A_410 : i32
          %while3A_412 = arith.addi %while3A_410, %while3A_411 : i32
          %while3A_413 = arith.constant 1 : i32
          %while3A_414 = arith.divsi %while3A_411, %while3A_413 : i32
          %while3A_415 = arith.muli %while3A_414, %while3A_413 : i32
          %while3A_416 = arith.addi %while3A_410, %while3A_415 : i32
          %while3A_417 = arith.constant 1 : i32
          %while3A_418 = scf.for %while3A_421 = %while3A_410 to %while3A_416 step %while3A_417 iter_args(%while3A_422 = %add3A_329) -> (vector<16xf32>)  : i32 {
            %mul3A_423 = arith.constant 16 : i32
            %mul3A_424 = arith.muli %while3A_421, %mul3A_423 : i32
            %add3A_425 = vector.broadcast %mul3A_424 : i32 to vector<16xi32>
            %add3A_426 = arith.addi %add3A_425, %iota3A : vector<16xi32>
            %add3A_427 = arith.addi %mul3A_381, %sub3A_119 : i32
            %add3A_428 = vector.broadcast %add3A_427 : i32 to vector<16xi32>
            %add3A_429 = arith.addi %add3A_428, %add3A_426 : vector<16xi32>
            %gather3A_430 = tpu.vector_load_idx %arg16[%add3A_429] : memref<8208xi32, #tpu.memory_space<vmem>>[vector<16xi32>], vector<16xi32>,
            %sub3A_431 = arith.constant 1 : i32
            %sub3A_432 = vector.broadcast %sub3A_431 : i32 to vector<16xi32>
            %sub3A_433 = arith.subi %add3A_429, %sub3A_432 : vector<16xi32>
            %max3A = arith.constant 0 : i32
            %max3A_434 = vector.broadcast %max3A : i32 to vector<16xi32>
            %max3A_435 = arith.maxsi %sub3A_433, %max3A_434 : vector<16xi32>
            %gather3A_436 = tpu.vector_load_idx %arg16[%max3A_435] : memref<8208xi32, #tpu.memory_space<vmem>>[vector<16xi32>], vector<16xi32>,
            %ne3A_437 = arith.cmpi ne, %gather3A_430, %gather3A_436 : vector<16xi32>
            %eq3A_438 = arith.constant 0 : i32
            %eq3A_439 = vector.broadcast %eq3A_438 : i32 to vector<16xi32>
            %eq3A_440 = arith.cmpi eq, %add3A_426, %eq3A_439 : vector<16xi32>
            %or3A_441 = arith.ori %ne3A_437, %eq3A_440 : vector<16xi1>
            %broadcast_in_dim3A_442 = arith.constant 0 : i32
            %broadcast_in_dim3A_443 = vector.broadcast %broadcast_in_dim3A_442 : i32 to vector<16xi32>
            %broadcast_in_dim3A_444 = vector.broadcast %sub3A : i32 to vector<16xi32>
            %add3A_445 = arith.addi %broadcast_in_dim3A_443, %broadcast_in_dim3A_444 : vector<16xi32>
            %jit3A_446 = arith.constant 2 : i32
            %div3A_447 = vector.broadcast %jit3A_446 : i32 to vector<16xi32>
            %div3A_448 = arith.divsi %add3A_445, %div3A_447 : vector<16xi32>
            %sign3A_449 = arith.constant 0 : i32
            %sign3A_450 = vector.broadcast %sign3A_449 : i32 to vector<16xi32>
            %sign3A_451 = arith.cmpi sgt, %add3A_445, %sign3A_450 : vector<16xi32>
            %sign3A_452 = arith.extui %sign3A_451 : vector<16xi1> to vector<16xi32>
            %sign3A_453 = arith.constant 0 : i32
            %sign3A_454 = vector.broadcast %sign3A_453 : i32 to vector<16xi32>
            %sign3A_455 = arith.cmpi slt, %add3A_445, %sign3A_454 : vector<16xi32>
            %sign3A_456 = arith.extui %sign3A_455 : vector<16xi1> to vector<16xi32>
            %sign3A_457 = arith.subi %sign3A_452, %sign3A_456 : vector<16xi32>
            %sign3A_458 = arith.constant 0 : i32
            %sign3A_459 = arith.cmpi sgt, %jit3A_446, %sign3A_458 : i32
            %sign3A_460 = arith.extui %sign3A_459 : i1 to i32
            %sign3A_461 = arith.constant 0 : i32
            %sign3A_462 = arith.cmpi slt, %jit3A_446, %sign3A_461 : i32
            %sign3A_463 = arith.extui %sign3A_462 : i1 to i32
            %sign3A_464 = arith.subi %sign3A_460, %sign3A_463 : i32
            %ne3A_465 = vector.broadcast %sign3A_464 : i32 to vector<16xi32>
            %ne3A_466 = arith.cmpi ne, %sign3A_457, %ne3A_465 : vector<16xi32>
            %rem3A_467 = vector.broadcast %jit3A_446 : i32 to vector<16xi32>
            %rem3A_468 = arith.remsi %add3A_445, %rem3A_467 : vector<16xi32>
            %ne3A_469 = arith.constant 0 : i32
            %ne3A_470 = vector.broadcast %ne3A_469 : i32 to vector<16xi32>
            %ne3A_471 = arith.cmpi ne, %rem3A_468, %ne3A_470 : vector<16xi32>
            %and3A_472 = arith.andi %ne3A_466, %ne3A_471 : vector<16xi1>
            %sub3A_473 = arith.constant 1 : i32
            %sub3A_474 = vector.broadcast %sub3A_473 : i32 to vector<16xi32>
            %sub3A_475 = arith.subi %div3A_448, %sub3A_474 : vector<16xi32>
            %select_n3A_476 = arith.select %and3A_472, %sub3A_475, %div3A_448 : vector<16xi1>, vector<16xi32>
            %add3A_477 = arith.addi %mul3A_383, %sub3A_92 : i32
            %add3A_478 = vector.broadcast %add3A_477 : i32 to vector<16xi32>
            %add3A_479 = arith.addi %add3A_478, %select_n3A_476 : vector<16xi32>
            %gather3A_480 = tpu.vector_load_idx %arg15[%add3A_479] : memref<8208xi32, #tpu.memory_space<vmem>>[vector<16xi32>], vector<16xi32>,
            %lt3A_481 = arith.cmpi slt, %gather3A_480, %gather3A_430 : vector<16xi32>
            %add3A_482 = arith.constant 1 : i32
            %add3A_483 = vector.broadcast %add3A_482 : i32 to vector<16xi32>
            %add3A_484 = arith.addi %select_n3A_476, %add3A_483 : vector<16xi32>
            %select_n3A_485 = arith.select %lt3A_481, %add3A_484, %broadcast_in_dim3A_443 : vector<16xi1>, vector<16xi32>
            %select_n3A_486 = arith.select %lt3A_481, %broadcast_in_dim3A_444, %select_n3A_476 : vector<16xi1>, vector<16xi32>
            %add3A_487 = arith.addi %select_n3A_485, %select_n3A_486 : vector<16xi32>
            %jit3A_488 = arith.constant 2 : i32
            %div3A_489 = vector.broadcast %jit3A_488 : i32 to vector<16xi32>
            %div3A_490 = arith.divsi %add3A_487, %div3A_489 : vector<16xi32>
            %sign3A_491 = arith.constant 0 : i32
            %sign3A_492 = vector.broadcast %sign3A_491 : i32 to vector<16xi32>
            %sign3A_493 = arith.cmpi sgt, %add3A_487, %sign3A_492 : vector<16xi32>
            %sign3A_494 = arith.extui %sign3A_493 : vector<16xi1> to vector<16xi32>
            %sign3A_495 = arith.constant 0 : i32
            %sign3A_496 = vector.broadcast %sign3A_495 : i32 to vector<16xi32>
            %sign3A_497 = arith.cmpi slt, %add3A_487, %sign3A_496 : vector<16xi32>
            %sign3A_498 = arith.extui %sign3A_497 : vector<16xi1> to vector<16xi32>
            %sign3A_499 = arith.subi %sign3A_494, %sign3A_498 : vector<16xi32>
            %sign3A_500 = arith.constant 0 : i32
            %sign3A_501 = arith.cmpi sgt, %jit3A_488, %sign3A_500 : i32
            %sign3A_502 = arith.extui %sign3A_501 : i1 to i32
            %sign3A_503 = arith.constant 0 : i32
            %sign3A_504 = arith.cmpi slt, %jit3A_488, %sign3A_503 : i32
            %sign3A_505 = arith.extui %sign3A_504 : i1 to i32
            %sign3A_506 = arith.subi %sign3A_502, %sign3A_505 : i32
            %ne3A_507 = vector.broadcast %sign3A_506 : i32 to vector<16xi32>
            %ne3A_508 = arith.cmpi ne, %sign3A_499, %ne3A_507 : vector<16xi32>
            %rem3A_509 = vector.broadcast %jit3A_488 : i32 to vector<16xi32>
            %rem3A_510 = arith.remsi %add3A_487, %rem3A_509 : vector<16xi32>
            %ne3A_511 = arith.constant 0 : i32
            %ne3A_512 = vector.broadcast %ne3A_511 : i32 to vector<16xi32>
            %ne3A_513 = arith.cmpi ne, %rem3A_510, %ne3A_512 : vector<16xi32>
            %and3A_514 = arith.andi %ne3A_508, %ne3A_513 : vector<16xi1>
            %sub3A_515 = arith.constant 1 : i32
            %sub3A_516 = vector.broadcast %sub3A_515 : i32 to vector<16xi32>
            %sub3A_517 = arith.subi %div3A_490, %sub3A_516 : vector<16xi32>
            %select_n3A_518 = arith.select %and3A_514, %sub3A_517, %div3A_490 : vector<16xi1>, vector<16xi32>
            %add3A_519 = arith.addi %mul3A_383, %sub3A_92 : i32
            %add3A_520 = vector.broadcast %add3A_519 : i32 to vector<16xi32>
            %add3A_521 = arith.addi %add3A_520, %select_n3A_518 : vector<16xi32>
            %gather3A_522 = tpu.vector_load_idx %arg15[%add3A_521] : memref<8208xi32, #tpu.memory_space<vmem>>[vector<16xi32>], vector<16xi32>,
            %lt3A_523 = arith.cmpi slt, %gather3A_522, %gather3A_430 : vector<16xi32>
            %add3A_524 = arith.constant 1 : i32
            %add3A_525 = vector.broadcast %add3A_524 : i32 to vector<16xi32>
            %add3A_526 = arith.addi %select_n3A_518, %add3A_525 : vector<16xi32>
            %select_n3A_527 = arith.select %lt3A_523, %add3A_526, %select_n3A_485 : vector<16xi1>, vector<16xi32>
            %select_n3A_528 = arith.select %lt3A_523, %select_n3A_486, %select_n3A_518 : vector<16xi1>, vector<16xi32>
            %add3A_529 = arith.addi %select_n3A_527, %select_n3A_528 : vector<16xi32>
            %jit3A_530 = arith.constant 2 : i32
            %div3A_531 = vector.broadcast %jit3A_530 : i32 to vector<16xi32>
            %div3A_532 = arith.divsi %add3A_529, %div3A_531 : vector<16xi32>
            %sign3A_533 = arith.constant 0 : i32
            %sign3A_534 = vector.broadcast %sign3A_533 : i32 to vector<16xi32>
            %sign3A_535 = arith.cmpi sgt, %add3A_529, %sign3A_534 : vector<16xi32>
            %sign3A_536 = arith.extui %sign3A_535 : vector<16xi1> to vector<16xi32>
            %sign3A_537 = arith.constant 0 : i32
            %sign3A_538 = vector.broadcast %sign3A_537 : i32 to vector<16xi32>
            %sign3A_539 = arith.cmpi slt, %add3A_529, %sign3A_538 : vector<16xi32>
            %sign3A_540 = arith.extui %sign3A_539 : vector<16xi1> to vector<16xi32>
            %sign3A_541 = arith.subi %sign3A_536, %sign3A_540 : vector<16xi32>
            %sign3A_542 = arith.constant 0 : i32
            %sign3A_543 = arith.cmpi sgt, %jit3A_530, %sign3A_542 : i32
            %sign3A_544 = arith.extui %sign3A_543 : i1 to i32
            %sign3A_545 = arith.constant 0 : i32
            %sign3A_546 = arith.cmpi slt, %jit3A_530, %sign3A_545 : i32
            %sign3A_547 = arith.extui %sign3A_546 : i1 to i32
            %sign3A_548 = arith.subi %sign3A_544, %sign3A_547 : i32
            %ne3A_549 = vector.broadcast %sign3A_548 : i32 to vector<16xi32>
            %ne3A_550 = arith.cmpi ne, %sign3A_541, %ne3A_549 : vector<16xi32>
            %rem3A_551 = vector.broadcast %jit3A_530 : i32 to vector<16xi32>
            %rem3A_552 = arith.remsi %add3A_529, %rem3A_551 : vector<16xi32>
            %ne3A_553 = arith.constant 0 : i32
            %ne3A_554 = vector.broadcast %ne3A_553 : i32 to vector<16xi32>
            %ne3A_555 = arith.cmpi ne, %rem3A_552, %ne3A_554 : vector<16xi32>
            %and3A_556 = arith.andi %ne3A_550, %ne3A_555 : vector<16xi1>
            %sub3A_557 = arith.constant 1 : i32
            %sub3A_558 = vector.broadcast %sub3A_557 : i32 to vector<16xi32>
            %sub3A_559 = arith.subi %div3A_532, %sub3A_558 : vector<16xi32>
            %select_n3A_560 = arith.select %and3A_556, %sub3A_559, %div3A_532 : vector<16xi1>, vector<16xi32>
            %add3A_561 = arith.addi %mul3A_383, %sub3A_92 : i32
            %add3A_562 = vector.broadcast %add3A_561 : i32 to vector<16xi32>
            %add3A_563 = arith.addi %add3A_562, %select_n3A_560 : vector<16xi32>
            %gather3A_564 = tpu.vector_load_idx %arg15[%add3A_563] : memref<8208xi32, #tpu.memory_space<vmem>>[vector<16xi32>], vector<16xi32>,
            %lt3A_565 = arith.cmpi slt, %gather3A_564, %gather3A_430 : vector<16xi32>
            %add3A_566 = arith.constant 1 : i32
            %add3A_567 = vector.broadcast %add3A_566 : i32 to vector<16xi32>
            %add3A_568 = arith.addi %select_n3A_560, %add3A_567 : vector<16xi32>
            %select_n3A_569 = arith.select %lt3A_565, %add3A_568, %select_n3A_527 : vector<16xi1>, vector<16xi32>
            %select_n3A_570 = arith.select %lt3A_565, %select_n3A_528, %select_n3A_560 : vector<16xi1>, vector<16xi32>
            %add3A_571 = arith.addi %select_n3A_569, %select_n3A_570 : vector<16xi32>
            %jit3A_572 = arith.constant 2 : i32
            %div3A_573 = vector.broadcast %jit3A_572 : i32 to vector<16xi32>
            %div3A_574 = arith.divsi %add3A_571, %div3A_573 : vector<16xi32>
            %sign3A_575 = arith.constant 0 : i32
            %sign3A_576 = vector.broadcast %sign3A_575 : i32 to vector<16xi32>
            %sign3A_577 = arith.cmpi sgt, %add3A_571, %sign3A_576 : vector<16xi32>
            %sign3A_578 = arith.extui %sign3A_577 : vector<16xi1> to vector<16xi32>
            %sign3A_579 = arith.constant 0 : i32
            %sign3A_580 = vector.broadcast %sign3A_579 : i32 to vector<16xi32>
            %sign3A_581 = arith.cmpi slt, %add3A_571, %sign3A_580 : vector<16xi32>
            %sign3A_582 = arith.extui %sign3A_581 : vector<16xi1> to vector<16xi32>
            %sign3A_583 = arith.subi %sign3A_578, %sign3A_582 : vector<16xi32>
            %sign3A_584 = arith.constant 0 : i32
            %sign3A_585 = arith.cmpi sgt, %jit3A_572, %sign3A_584 : i32
            %sign3A_586 = arith.extui %sign3A_585 : i1 to i32
            %sign3A_587 = arith.constant 0 : i32
            %sign3A_588 = arith.cmpi slt, %jit3A_572, %sign3A_587 : i32
            %sign3A_589 = arith.extui %sign3A_588 : i1 to i32
            %sign3A_590 = arith.subi %sign3A_586, %sign3A_589 : i32
            %ne3A_591 = vector.broadcast %sign3A_590 : i32 to vector<16xi32>
            %ne3A_592 = arith.cmpi ne, %sign3A_583, %ne3A_591 : vector<16xi32>
            %rem3A_593 = vector.broadcast %jit3A_572 : i32 to vector<16xi32>
            %rem3A_594 = arith.remsi %add3A_571, %rem3A_593 : vector<16xi32>
            %ne3A_595 = arith.constant 0 : i32
            %ne3A_596 = vector.broadcast %ne3A_595 : i32 to vector<16xi32>
            %ne3A_597 = arith.cmpi ne, %rem3A_594, %ne3A_596 : vector<16xi32>
            %and3A_598 = arith.andi %ne3A_592, %ne3A_597 : vector<16xi1>
            %sub3A_599 = arith.constant 1 : i32
            %sub3A_600 = vector.broadcast %sub3A_599 : i32 to vector<16xi32>
            %sub3A_601 = arith.subi %div3A_574, %sub3A_600 : vector<16xi32>
            %select_n3A_602 = arith.select %and3A_598, %sub3A_601, %div3A_574 : vector<16xi1>, vector<16xi32>
            %add3A_603 = arith.addi %mul3A_383, %sub3A_92 : i32
            %add3A_604 = vector.broadcast %add3A_603 : i32 to vector<16xi32>
            %add3A_605 = arith.addi %add3A_604, %select_n3A_602 : vector<16xi32>
            %gather3A_606 = tpu.vector_load_idx %arg15[%add3A_605] : memref<8208xi32, #tpu.memory_space<vmem>>[vector<16xi32>], vector<16xi32>,
            %lt3A_607 = arith.cmpi slt, %gather3A_606, %gather3A_430 : vector<16xi32>
            %add3A_608 = arith.constant 1 : i32
            %add3A_609 = vector.broadcast %add3A_608 : i32 to vector<16xi32>
            %add3A_610 = arith.addi %select_n3A_602, %add3A_609 : vector<16xi32>
            %select_n3A_611 = arith.select %lt3A_607, %add3A_610, %select_n3A_569 : vector<16xi1>, vector<16xi32>
            %select_n3A_612 = arith.select %lt3A_607, %select_n3A_570, %select_n3A_602 : vector<16xi1>, vector<16xi32>
            %add3A_613 = arith.addi %select_n3A_611, %select_n3A_612 : vector<16xi32>
            %jit3A_614 = arith.constant 2 : i32
            %div3A_615 = vector.broadcast %jit3A_614 : i32 to vector<16xi32>
            %div3A_616 = arith.divsi %add3A_613, %div3A_615 : vector<16xi32>
            %sign3A_617 = arith.constant 0 : i32
            %sign3A_618 = vector.broadcast %sign3A_617 : i32 to vector<16xi32>
            %sign3A_619 = arith.cmpi sgt, %add3A_613, %sign3A_618 : vector<16xi32>
            %sign3A_620 = arith.extui %sign3A_619 : vector<16xi1> to vector<16xi32>
            %sign3A_621 = arith.constant 0 : i32
            %sign3A_622 = vector.broadcast %sign3A_621 : i32 to vector<16xi32>
            %sign3A_623 = arith.cmpi slt, %add3A_613, %sign3A_622 : vector<16xi32>
            %sign3A_624 = arith.extui %sign3A_623 : vector<16xi1> to vector<16xi32>
            %sign3A_625 = arith.subi %sign3A_620, %sign3A_624 : vector<16xi32>
            %sign3A_626 = arith.constant 0 : i32
            %sign3A_627 = arith.cmpi sgt, %jit3A_614, %sign3A_626 : i32
            %sign3A_628 = arith.extui %sign3A_627 : i1 to i32
            %sign3A_629 = arith.constant 0 : i32
            %sign3A_630 = arith.cmpi slt, %jit3A_614, %sign3A_629 : i32
            %sign3A_631 = arith.extui %sign3A_630 : i1 to i32
            %sign3A_632 = arith.subi %sign3A_628, %sign3A_631 : i32
            %ne3A_633 = vector.broadcast %sign3A_632 : i32 to vector<16xi32>
            %ne3A_634 = arith.cmpi ne, %sign3A_625, %ne3A_633 : vector<16xi32>
            %rem3A_635 = vector.broadcast %jit3A_614 : i32 to vector<16xi32>
            %rem3A_636 = arith.remsi %add3A_613, %rem3A_635 : vector<16xi32>
            %ne3A_637 = arith.constant 0 : i32
            %ne3A_638 = vector.broadcast %ne3A_637 : i32 to vector<16xi32>
            %ne3A_639 = arith.cmpi ne, %rem3A_636, %ne3A_638 : vector<16xi32>
            %and3A_640 = arith.andi %ne3A_634, %ne3A_639 : vector<16xi1>
            %sub3A_641 = arith.constant 1 : i32
            %sub3A_642 = vector.broadcast %sub3A_641 : i32 to vector<16xi32>
            %sub3A_643 = arith.subi %div3A_616, %sub3A_642 : vector<16xi32>
            %select_n3A_644 = arith.select %and3A_640, %sub3A_643, %div3A_616 : vector<16xi1>, vector<16xi32>
            %add3A_645 = arith.addi %mul3A_383, %sub3A_92 : i32
            %add3A_646 = vector.broadcast %add3A_645 : i32 to vector<16xi32>
            %add3A_647 = arith.addi %add3A_646, %select_n3A_644 : vector<16xi32>
            %gather3A_648 = tpu.vector_load_idx %arg15[%add3A_647] : memref<8208xi32, #tpu.memory_space<vmem>>[vector<16xi32>], vector<16xi32>,
            %lt3A_649 = arith.cmpi slt, %gather3A_648, %gather3A_430 : vector<16xi32>
            %add3A_650 = arith.constant 1 : i32
            %add3A_651 = vector.broadcast %add3A_650 : i32 to vector<16xi32>
            %add3A_652 = arith.addi %select_n3A_644, %add3A_651 : vector<16xi32>
            %select_n3A_653 = arith.select %lt3A_649, %add3A_652, %select_n3A_611 : vector<16xi1>, vector<16xi32>
            %select_n3A_654 = arith.select %lt3A_649, %select_n3A_612, %select_n3A_644 : vector<16xi1>, vector<16xi32>
            %add3A_655 = arith.addi %select_n3A_653, %select_n3A_654 : vector<16xi32>
            %jit3A_656 = arith.constant 2 : i32
            %div3A_657 = vector.broadcast %jit3A_656 : i32 to vector<16xi32>
            %div3A_658 = arith.divsi %add3A_655, %div3A_657 : vector<16xi32>
            %sign3A_659 = arith.constant 0 : i32
            %sign3A_660 = vector.broadcast %sign3A_659 : i32 to vector<16xi32>
            %sign3A_661 = arith.cmpi sgt, %add3A_655, %sign3A_660 : vector<16xi32>
            %sign3A_662 = arith.extui %sign3A_661 : vector<16xi1> to vector<16xi32>
            %sign3A_663 = arith.constant 0 : i32
            %sign3A_664 = vector.broadcast %sign3A_663 : i32 to vector<16xi32>
            %sign3A_665 = arith.cmpi slt, %add3A_655, %sign3A_664 : vector<16xi32>
            %sign3A_666 = arith.extui %sign3A_665 : vector<16xi1> to vector<16xi32>
            %sign3A_667 = arith.subi %sign3A_662, %sign3A_666 : vector<16xi32>
            %sign3A_668 = arith.constant 0 : i32
            %sign3A_669 = arith.cmpi sgt, %jit3A_656, %sign3A_668 : i32
            %sign3A_670 = arith.extui %sign3A_669 : i1 to i32
            %sign3A_671 = arith.constant 0 : i32
            %sign3A_672 = arith.cmpi slt, %jit3A_656, %sign3A_671 : i32
            %sign3A_673 = arith.extui %sign3A_672 : i1 to i32
            %sign3A_674 = arith.subi %sign3A_670, %sign3A_673 : i32
            %ne3A_675 = vector.broadcast %sign3A_674 : i32 to vector<16xi32>
            %ne3A_676 = arith.cmpi ne, %sign3A_667, %ne3A_675 : vector<16xi32>
            %rem3A_677 = vector.broadcast %jit3A_656 : i32 to vector<16xi32>
            %rem3A_678 = arith.remsi %add3A_655, %rem3A_677 : vector<16xi32>
            %ne3A_679 = arith.constant 0 : i32
            %ne3A_680 = vector.broadcast %ne3A_679 : i32 to vector<16xi32>
            %ne3A_681 = arith.cmpi ne, %rem3A_678, %ne3A_680 : vector<16xi32>
            %and3A_682 = arith.andi %ne3A_676, %ne3A_681 : vector<16xi1>
            %sub3A_683 = arith.constant 1 : i32
            %sub3A_684 = vector.broadcast %sub3A_683 : i32 to vector<16xi32>
            %sub3A_685 = arith.subi %div3A_658, %sub3A_684 : vector<16xi32>
            %select_n3A_686 = arith.select %and3A_682, %sub3A_685, %div3A_658 : vector<16xi1>, vector<16xi32>
            %add3A_687 = arith.addi %mul3A_383, %sub3A_92 : i32
            %add3A_688 = vector.broadcast %add3A_687 : i32 to vector<16xi32>
            %add3A_689 = arith.addi %add3A_688, %select_n3A_686 : vector<16xi32>
            %gather3A_690 = tpu.vector_load_idx %arg15[%add3A_689] : memref<8208xi32, #tpu.memory_space<vmem>>[vector<16xi32>], vector<16xi32>,
            %lt3A_691 = arith.cmpi slt, %gather3A_690, %gather3A_430 : vector<16xi32>
            %add3A_692 = arith.constant 1 : i32
            %add3A_693 = vector.broadcast %add3A_692 : i32 to vector<16xi32>
            %add3A_694 = arith.addi %select_n3A_686, %add3A_693 : vector<16xi32>
            %select_n3A_695 = arith.select %lt3A_691, %add3A_694, %select_n3A_653 : vector<16xi1>, vector<16xi32>
            %select_n3A_696 = arith.select %lt3A_691, %select_n3A_654, %select_n3A_686 : vector<16xi1>, vector<16xi32>
            %add3A_697 = arith.addi %select_n3A_695, %select_n3A_696 : vector<16xi32>
            %jit3A_698 = arith.constant 2 : i32
            %div3A_699 = vector.broadcast %jit3A_698 : i32 to vector<16xi32>
            %div3A_700 = arith.divsi %add3A_697, %div3A_699 : vector<16xi32>
            %sign3A_701 = arith.constant 0 : i32
            %sign3A_702 = vector.broadcast %sign3A_701 : i32 to vector<16xi32>
            %sign3A_703 = arith.cmpi sgt, %add3A_697, %sign3A_702 : vector<16xi32>
            %sign3A_704 = arith.extui %sign3A_703 : vector<16xi1> to vector<16xi32>
            %sign3A_705 = arith.constant 0 : i32
            %sign3A_706 = vector.broadcast %sign3A_705 : i32 to vector<16xi32>
            %sign3A_707 = arith.cmpi slt, %add3A_697, %sign3A_706 : vector<16xi32>
            %sign3A_708 = arith.extui %sign3A_707 : vector<16xi1> to vector<16xi32>
            %sign3A_709 = arith.subi %sign3A_704, %sign3A_708 : vector<16xi32>
            %sign3A_710 = arith.constant 0 : i32
            %sign3A_711 = arith.cmpi sgt, %jit3A_698, %sign3A_710 : i32
            %sign3A_712 = arith.extui %sign3A_711 : i1 to i32
            %sign3A_713 = arith.constant 0 : i32
            %sign3A_714 = arith.cmpi slt, %jit3A_698, %sign3A_713 : i32
            %sign3A_715 = arith.extui %sign3A_714 : i1 to i32
            %sign3A_716 = arith.subi %sign3A_712, %sign3A_715 : i32
            %ne3A_717 = vector.broadcast %sign3A_716 : i32 to vector<16xi32>
            %ne3A_718 = arith.cmpi ne, %sign3A_709, %ne3A_717 : vector<16xi32>
            %rem3A_719 = vector.broadcast %jit3A_698 : i32 to vector<16xi32>
            %rem3A_720 = arith.remsi %add3A_697, %rem3A_719 : vector<16xi32>
            %ne3A_721 = arith.constant 0 : i32
            %ne3A_722 = vector.broadcast %ne3A_721 : i32 to vector<16xi32>
            %ne3A_723 = arith.cmpi ne, %rem3A_720, %ne3A_722 : vector<16xi32>
            %and3A_724 = arith.andi %ne3A_718, %ne3A_723 : vector<16xi1>
            %sub3A_725 = arith.constant 1 : i32
            %sub3A_726 = vector.broadcast %sub3A_725 : i32 to vector<16xi32>
            %sub3A_727 = arith.subi %div3A_700, %sub3A_726 : vector<16xi32>
            %select_n3A_728 = arith.select %and3A_724, %sub3A_727, %div3A_700 : vector<16xi1>, vector<16xi32>
            %add3A_729 = arith.addi %mul3A_383, %sub3A_92 : i32
            %add3A_730 = vector.broadcast %add3A_729 : i32 to vector<16xi32>
            %add3A_731 = arith.addi %add3A_730, %select_n3A_728 : vector<16xi32>
            %gather3A_732 = tpu.vector_load_idx %arg15[%add3A_731] : memref<8208xi32, #tpu.memory_space<vmem>>[vector<16xi32>], vector<16xi32>,
            %lt3A_733 = arith.cmpi slt, %gather3A_732, %gather3A_430 : vector<16xi32>
            %add3A_734 = arith.constant 1 : i32
            %add3A_735 = vector.broadcast %add3A_734 : i32 to vector<16xi32>
            %add3A_736 = arith.addi %select_n3A_728, %add3A_735 : vector<16xi32>
            %select_n3A_737 = arith.select %lt3A_733, %add3A_736, %select_n3A_695 : vector<16xi1>, vector<16xi32>
            %select_n3A_738 = arith.select %lt3A_733, %select_n3A_696, %select_n3A_728 : vector<16xi1>, vector<16xi32>
            %add3A_739 = arith.addi %select_n3A_737, %select_n3A_738 : vector<16xi32>
            %jit3A_740 = arith.constant 2 : i32
            %div3A_741 = vector.broadcast %jit3A_740 : i32 to vector<16xi32>
            %div3A_742 = arith.divsi %add3A_739, %div3A_741 : vector<16xi32>
            %sign3A_743 = arith.constant 0 : i32
            %sign3A_744 = vector.broadcast %sign3A_743 : i32 to vector<16xi32>
            %sign3A_745 = arith.cmpi sgt, %add3A_739, %sign3A_744 : vector<16xi32>
            %sign3A_746 = arith.extui %sign3A_745 : vector<16xi1> to vector<16xi32>
            %sign3A_747 = arith.constant 0 : i32
            %sign3A_748 = vector.broadcast %sign3A_747 : i32 to vector<16xi32>
            %sign3A_749 = arith.cmpi slt, %add3A_739, %sign3A_748 : vector<16xi32>
            %sign3A_750 = arith.extui %sign3A_749 : vector<16xi1> to vector<16xi32>
            %sign3A_751 = arith.subi %sign3A_746, %sign3A_750 : vector<16xi32>
            %sign3A_752 = arith.constant 0 : i32
            %sign3A_753 = arith.cmpi sgt, %jit3A_740, %sign3A_752 : i32
            %sign3A_754 = arith.extui %sign3A_753 : i1 to i32
            %sign3A_755 = arith.constant 0 : i32
            %sign3A_756 = arith.cmpi slt, %jit3A_740, %sign3A_755 : i32
            %sign3A_757 = arith.extui %sign3A_756 : i1 to i32
            %sign3A_758 = arith.subi %sign3A_754, %sign3A_757 : i32
            %ne3A_759 = vector.broadcast %sign3A_758 : i32 to vector<16xi32>
            %ne3A_760 = arith.cmpi ne, %sign3A_751, %ne3A_759 : vector<16xi32>
            %rem3A_761 = vector.broadcast %jit3A_740 : i32 to vector<16xi32>
            %rem3A_762 = arith.remsi %add3A_739, %rem3A_761 : vector<16xi32>
            %ne3A_763 = arith.constant 0 : i32
            %ne3A_764 = vector.broadcast %ne3A_763 : i32 to vector<16xi32>
            %ne3A_765 = arith.cmpi ne, %rem3A_762, %ne3A_764 : vector<16xi32>
            %and3A_766 = arith.andi %ne3A_760, %ne3A_765 : vector<16xi1>
            %sub3A_767 = arith.constant 1 : i32
            %sub3A_768 = vector.broadcast %sub3A_767 : i32 to vector<16xi32>
            %sub3A_769 = arith.subi %div3A_742, %sub3A_768 : vector<16xi32>
            %select_n3A_770 = arith.select %and3A_766, %sub3A_769, %div3A_742 : vector<16xi1>, vector<16xi32>
            %add3A_771 = arith.addi %mul3A_383, %sub3A_92 : i32
            %add3A_772 = vector.broadcast %add3A_771 : i32 to vector<16xi32>
            %add3A_773 = arith.addi %add3A_772, %select_n3A_770 : vector<16xi32>
            %gather3A_774 = tpu.vector_load_idx %arg15[%add3A_773] : memref<8208xi32, #tpu.memory_space<vmem>>[vector<16xi32>], vector<16xi32>,
            %lt3A_775 = arith.cmpi slt, %gather3A_774, %gather3A_430 : vector<16xi32>
            %add3A_776 = arith.constant 1 : i32
            %add3A_777 = vector.broadcast %add3A_776 : i32 to vector<16xi32>
            %add3A_778 = arith.addi %select_n3A_770, %add3A_777 : vector<16xi32>
            %select_n3A_779 = arith.select %lt3A_775, %add3A_778, %select_n3A_737 : vector<16xi1>, vector<16xi32>
            %select_n3A_780 = arith.select %lt3A_775, %select_n3A_738, %select_n3A_770 : vector<16xi1>, vector<16xi32>
            %add3A_781 = arith.addi %mul3A_383, %sub3A_92 : i32
            %add3A_782 = vector.broadcast %add3A_781 : i32 to vector<16xi32>
            %add3A_783 = arith.addi %add3A_782, %select_n3A_779 : vector<16xi32>
            %gather3A_784 = tpu.vector_load_idx %arg15[%add3A_783] : memref<8208xi32, #tpu.memory_space<vmem>>[vector<16xi32>], vector<16xi32>,
            %lt3A_785 = vector.broadcast %sub3A_72 : i32 to vector<16xi32>
            %lt3A_786 = arith.cmpi slt, %add3A_426, %lt3A_785 : vector<16xi32>
            %lt3A_787 = vector.broadcast %sub3A : i32 to vector<16xi32>
            %lt3A_788 = arith.cmpi slt, %select_n3A_779, %lt3A_787 : vector<16xi32>
            %and3A_789 = arith.andi %lt3A_786, %lt3A_788 : vector<16xi1>
            %eq3A_790 = arith.cmpi eq, %gather3A_784, %gather3A_430 : vector<16xi32>
            %and3A_791 = arith.andi %and3A_789, %eq3A_790 : vector<16xi1>
            %and3A_792 = arith.andi %and3A_791, %or3A_441 : vector<16xi1>
            %while3A_793:2 = scf.while (%while3A_794 = %and3A_792, %while3A_795 = %while3A_422) : (vector<16xi1>, vector<16xf32>) -> (vector<16xi1>, vector<16xf32>) {
              %all_reduce_population_count3A = tpu.all_reduce %while3A_794 {dim = 0 : i64, kind = #tpu.reduction_kind<sum>} : vector<16xi1> -> vector<16xi32>
              %slice3A_796 = vector.extract_strided_slice %all_reduce_population_count3A {offsets = [0], sizes = [1], strides = [1]} : vector<16xi32> to vector<1xi32>
              %squeeze3A_797 = vector.extract %slice3A_796[0] : i32 from vector<1xi32>
              %gt3A_798 = arith.constant 0 : i32
              %gt3A_799 = arith.cmpi sgt, %squeeze3A_797, %gt3A_798 : i32
              scf.condition(%gt3A_799) %while3A_794, %while3A_795 : vector<16xi1>, vector<16xf32>
            } do {
            ^bb0(%while3A_794: vector<16xi1>, %while3A_795: vector<16xf32>):
              %all_reduce_ffs3A = tpu.all_reduce %while3A_794 {dim = 0 : i64, kind = #tpu.reduction_kind<find_first_set>} : vector<16xi1> -> vector<16xi32>
              %slice3A_796 = vector.extract_strided_slice %all_reduce_ffs3A {offsets = [0], sizes = [1], strides = [1]} : vector<16xi32> to vector<1xi32>
              %squeeze3A_797 = vector.extract %slice3A_796[0] : i32 from vector<1xi32>
              %add3A_798 = arith.addi %mul3A_381, %sub3A_119 : i32
              %mul3A_799 = arith.constant 16 : i32
              %mul3A_800 = arith.muli %while3A_421, %mul3A_799 : i32
              %add3A_801 = arith.addi %add3A_798, %mul3A_800 : i32
              %add3A_802 = arith.addi %add3A_801, %squeeze3A_797 : i32
              %get3A_803 = arith.index_cast %add3A_802 : i32 to index
              %get3A_804 = tpu.vector_load %arg16[%get3A_803] {strides = array<i32>} : memref<8208xi32, #tpu.memory_space<vmem>>, vector<16xi32>,
              %slice3A_805 = vector.extract_strided_slice %get3A_804 {offsets = [0], sizes = [1], strides = [1]} : vector<16xi32> to vector<1xi32>
              %squeeze3A_806 = vector.extract %slice3A_805[0] : i32 from vector<1xi32>
              "tpu.region"() ({
                %run_scoped3A = tpu.sem_alloc : memref<!tpu.dma_semaphore, #tpu.memory_space<semaphore_mem>>
                %dma_start3A = arith.constant 0 : i32
                %dma_start3A_906 = tpu.memref_slice %arg2[%squeeze3A_806, %dma_start3A] : memref<10000x256xf32, #tpu.memory_space<hbm>> -> memref<1x256xf32, #tpu.memory_space<hbm>>
                %dma_start3A_907 = tpu.memref_squeeze %dma_start3A_906 : memref<1x256xf32, #tpu.memory_space<hbm>> -> memref<256xf32, #tpu.memory_space<hbm>>
                %dma_start3A_908 = arith.constant 0 : i32
                %dma_start3A_909 = tpu.memref_slice %arg2[%squeeze3A_806, %dma_start3A_908] : memref<10000x256xf32, #tpu.memory_space<hbm>> -> memref<1x256xf32, #tpu.memory_space<hbm>>
                %dma_start3A_910 = tpu.memref_squeeze %dma_start3A_909 : memref<1x256xf32, #tpu.memory_space<hbm>> -> memref<256xf32, #tpu.memory_space<hbm>>
                tpu.enqueue_dma source(%dma_start3A_910 : memref<256xf32, #tpu.memory_space<hbm>>) target(%arg17 : memref<256xf32, #tpu.memory_space<vmem>>) target_semaphore(%run_scoped3A : memref<!tpu.dma_semaphore, #tpu.memory_space<semaphore_mem>>)
                %dma_wait3A = arith.constant 0 : i32
                %dma_wait3A_911 = tpu.memref_slice %arg2[%squeeze3A_806, %dma_wait3A] : memref<10000x256xf32, #tpu.memory_space<hbm>> -> memref<1x256xf32, #tpu.memory_space<hbm>>
                %dma_wait3A_912 = tpu.memref_squeeze %dma_wait3A_911 : memref<1x256xf32, #tpu.memory_space<hbm>> -> memref<256xf32, #tpu.memory_space<hbm>>
                %dma_wait3A_913 = arith.constant 0 : i32
                %dma_wait3A_914 = tpu.memref_slice %arg2[%squeeze3A_806, %dma_wait3A_913] : memref<10000x256xf32, #tpu.memory_space<hbm>> -> memref<1x256xf32, #tpu.memory_space<hbm>>
                %dma_wait3A_915 = tpu.memref_squeeze %dma_wait3A_914 : memref<1x256xf32, #tpu.memory_space<hbm>> -> memref<256xf32, #tpu.memory_space<hbm>>
                tpu.wait_dma2 semaphore(%run_scoped3A : memref<!tpu.dma_semaphore, #tpu.memory_space<semaphore_mem>>) src(%dma_wait3A_915 : memref<256xf32, #tpu.memory_space<hbm>>) dst(%arg17 : memref<256xf32, #tpu.memory_space<vmem>>)
                tpu.yield
              }) : () -> ()
              %get3A_807 = arith.constant 0 : index
              %get3A_808 = tpu.vector_load %arg17[%get3A_807] {strides = array<i32>} : memref<256xf32, #tpu.memory_space<vmem>>, vector<16xf32>,
              %get3A_809 = arith.constant 0 : index
              %get3A_810 = tpu.vector_load %arg19[%get3A_809] {strides = array<i32>} : memref<256xf32, #tpu.memory_space<vmem>>, vector<16xf32>,
              %mul3A_811 = arith.mulf %get3A_808, %get3A_810 : vector<16xf32>
              %add3A_812 = arith.addf %while3A_795, %mul3A_811 : vector<16xf32>
              %get3A_813 = arith.constant 16 : index
              %get3A_814 = tpu.vector_load %arg17[%get3A_813] {strides = array<i32>} : memref<256xf32, #tpu.memory_space<vmem>>, vector<16xf32>,
              %get3A_815 = arith.constant 16 : index
              %get3A_816 = tpu.vector_load %arg19[%get3A_815] {strides = array<i32>} : memref<256xf32, #tpu.memory_space<vmem>>, vector<16xf32>,
              %mul3A_817 = arith.mulf %get3A_814, %get3A_816 : vector<16xf32>
              %add3A_818 = arith.addf %add3A_812, %mul3A_817 : vector<16xf32>
              %get3A_819 = arith.constant 32 : index
              %get3A_820 = tpu.vector_load %arg17[%get3A_819] {strides = array<i32>} : memref<256xf32, #tpu.memory_space<vmem>>, vector<16xf32>,
              %get3A_821 = arith.constant 32 : index
              %get3A_822 = tpu.vector_load %arg19[%get3A_821] {strides = array<i32>} : memref<256xf32, #tpu.memory_space<vmem>>, vector<16xf32>,
              %mul3A_823 = arith.mulf %get3A_820, %get3A_822 : vector<16xf32>
              %add3A_824 = arith.addf %add3A_818, %mul3A_823 : vector<16xf32>
              %get3A_825 = arith.constant 48 : index
              %get3A_826 = tpu.vector_load %arg17[%get3A_825] {strides = array<i32>} : memref<256xf32, #tpu.memory_space<vmem>>, vector<16xf32>,
              %get3A_827 = arith.constant 48 : index
              %get3A_828 = tpu.vector_load %arg19[%get3A_827] {strides = array<i32>} : memref<256xf32, #tpu.memory_space<vmem>>, vector<16xf32>,
              %mul3A_829 = arith.mulf %get3A_826, %get3A_828 : vector<16xf32>
              %add3A_830 = arith.addf %add3A_824, %mul3A_829 : vector<16xf32>
              %get3A_831 = arith.constant 64 : index
              %get3A_832 = tpu.vector_load %arg17[%get3A_831] {strides = array<i32>} : memref<256xf32, #tpu.memory_space<vmem>>, vector<16xf32>,
              %get3A_833 = arith.constant 64 : index
              %get3A_834 = tpu.vector_load %arg19[%get3A_833] {strides = array<i32>} : memref<256xf32, #tpu.memory_space<vmem>>, vector<16xf32>,
              %mul3A_835 = arith.mulf %get3A_832, %get3A_834 : vector<16xf32>
              %add3A_836 = arith.addf %add3A_830, %mul3A_835 : vector<16xf32>
              %get3A_837 = arith.constant 80 : index
              %get3A_838 = tpu.vector_load %arg17[%get3A_837] {strides = array<i32>} : memref<256xf32, #tpu.memory_space<vmem>>, vector<16xf32>,
              %get3A_839 = arith.constant 80 : index
              %get3A_840 = tpu.vector_load %arg19[%get3A_839] {strides = array<i32>} : memref<256xf32, #tpu.memory_space<vmem>>, vector<16xf32>,
              %mul3A_841 = arith.mulf %get3A_838, %get3A_840 : vector<16xf32>
              %add3A_842 = arith.addf %add3A_836, %mul3A_841 : vector<16xf32>
              %get3A_843 = arith.constant 96 : index
              %get3A_844 = tpu.vector_load %arg17[%get3A_843] {strides = array<i32>} : memref<256xf32, #tpu.memory_space<vmem>>, vector<16xf32>,
              %get3A_845 = arith.constant 96 : index
              %get3A_846 = tpu.vector_load %arg19[%get3A_845] {strides = array<i32>} : memref<256xf32, #tpu.memory_space<vmem>>, vector<16xf32>,
              %mul3A_847 = arith.mulf %get3A_844, %get3A_846 : vector<16xf32>
              %add3A_848 = arith.addf %add3A_842, %mul3A_847 : vector<16xf32>
              %get3A_849 = arith.constant 112 : index
              %get3A_850 = tpu.vector_load %arg17[%get3A_849] {strides = array<i32>} : memref<256xf32, #tpu.memory_space<vmem>>, vector<16xf32>,
              %get3A_851 = arith.constant 112 : index
              %get3A_852 = tpu.vector_load %arg19[%get3A_851] {strides = array<i32>} : memref<256xf32, #tpu.memory_space<vmem>>, vector<16xf32>,
              %mul3A_853 = arith.mulf %get3A_850, %get3A_852 : vector<16xf32>
              %add3A_854 = arith.addf %add3A_848, %mul3A_853 : vector<16xf32>
              %get3A_855 = arith.constant 128 : index
              %get3A_856 = tpu.vector_load %arg17[%get3A_855] {strides = array<i32>} : memref<256xf32, #tpu.memory_space<vmem>>, vector<16xf32>,
              %get3A_857 = arith.constant 128 : index
              %get3A_858 = tpu.vector_load %arg19[%get3A_857] {strides = array<i32>} : memref<256xf32, #tpu.memory_space<vmem>>, vector<16xf32>,
              %mul3A_859 = arith.mulf %get3A_856, %get3A_858 : vector<16xf32>
              %add3A_860 = arith.addf %add3A_854, %mul3A_859 : vector<16xf32>
              %get3A_861 = arith.constant 144 : index
              %get3A_862 = tpu.vector_load %arg17[%get3A_861] {strides = array<i32>} : memref<256xf32, #tpu.memory_space<vmem>>, vector<16xf32>,
              %get3A_863 = arith.constant 144 : index
              %get3A_864 = tpu.vector_load %arg19[%get3A_863] {strides = array<i32>} : memref<256xf32, #tpu.memory_space<vmem>>, vector<16xf32>,
              %mul3A_865 = arith.mulf %get3A_862, %get3A_864 : vector<16xf32>
              %add3A_866 = arith.addf %add3A_860, %mul3A_865 : vector<16xf32>
              %get3A_867 = arith.constant 160 : index
              %get3A_868 = tpu.vector_load %arg17[%get3A_867] {strides = array<i32>} : memref<256xf32, #tpu.memory_space<vmem>>, vector<16xf32>,
              %get3A_869 = arith.constant 160 : index
              %get3A_870 = tpu.vector_load %arg19[%get3A_869] {strides = array<i32>} : memref<256xf32, #tpu.memory_space<vmem>>, vector<16xf32>,
              %mul3A_871 = arith.mulf %get3A_868, %get3A_870 : vector<16xf32>
              %add3A_872 = arith.addf %add3A_866, %mul3A_871 : vector<16xf32>
              %get3A_873 = arith.constant 176 : index
              %get3A_874 = tpu.vector_load %arg17[%get3A_873] {strides = array<i32>} : memref<256xf32, #tpu.memory_space<vmem>>, vector<16xf32>,
              %get3A_875 = arith.constant 176 : index
              %get3A_876 = tpu.vector_load %arg19[%get3A_875] {strides = array<i32>} : memref<256xf32, #tpu.memory_space<vmem>>, vector<16xf32>,
              %mul3A_877 = arith.mulf %get3A_874, %get3A_876 : vector<16xf32>
              %add3A_878 = arith.addf %add3A_872, %mul3A_877 : vector<16xf32>
              %get3A_879 = arith.constant 192 : index
              %get3A_880 = tpu.vector_load %arg17[%get3A_879] {strides = array<i32>} : memref<256xf32, #tpu.memory_space<vmem>>, vector<16xf32>,
              %get3A_881 = arith.constant 192 : index
              %get3A_882 = tpu.vector_load %arg19[%get3A_881] {strides = array<i32>} : memref<256xf32, #tpu.memory_space<vmem>>, vector<16xf32>,
              %mul3A_883 = arith.mulf %get3A_880, %get3A_882 : vector<16xf32>
              %add3A_884 = arith.addf %add3A_878, %mul3A_883 : vector<16xf32>
              %get3A_885 = arith.constant 208 : index
              %get3A_886 = tpu.vector_load %arg17[%get3A_885] {strides = array<i32>} : memref<256xf32, #tpu.memory_space<vmem>>, vector<16xf32>,
              %get3A_887 = arith.constant 208 : index
              %get3A_888 = tpu.vector_load %arg19[%get3A_887] {strides = array<i32>} : memref<256xf32, #tpu.memory_space<vmem>>, vector<16xf32>,
              %mul3A_889 = arith.mulf %get3A_886, %get3A_888 : vector<16xf32>
              %add3A_890 = arith.addf %add3A_884, %mul3A_889 : vector<16xf32>
              %get3A_891 = arith.constant 224 : index
              %get3A_892 = tpu.vector_load %arg17[%get3A_891] {strides = array<i32>} : memref<256xf32, #tpu.memory_space<vmem>>, vector<16xf32>,
              %get3A_893 = arith.constant 224 : index
              %get3A_894 = tpu.vector_load %arg19[%get3A_893] {strides = array<i32>} : memref<256xf32, #tpu.memory_space<vmem>>, vector<16xf32>,
              %mul3A_895 = arith.mulf %get3A_892, %get3A_894 : vector<16xf32>
              %add3A_896 = arith.addf %add3A_890, %mul3A_895 : vector<16xf32>
              %get3A_897 = arith.constant 240 : index
              %get3A_898 = tpu.vector_load %arg17[%get3A_897] {strides = array<i32>} : memref<256xf32, #tpu.memory_space<vmem>>, vector<16xf32>,
              %get3A_899 = arith.constant 240 : index
              %get3A_900 = tpu.vector_load %arg19[%get3A_899] {strides = array<i32>} : memref<256xf32, #tpu.memory_space<vmem>>, vector<16xf32>,
              %mul3A_901 = arith.mulf %get3A_898, %get3A_900 : vector<16xf32>
              %add3A_902 = arith.addf %add3A_896, %mul3A_901 : vector<16xf32>
              %ne3A_903 = vector.broadcast %squeeze3A_797 : i32 to vector<16xi32>
              %ne3A_904 = arith.cmpi ne, %iota3A, %ne3A_903 : vector<16xi32>
              %and3A_905 = arith.andi %while3A_794, %ne3A_904 : vector<16xi1>
              scf.yield %and3A_905, %add3A_902 : vector<16xi1>, vector<16xf32>
            }
            scf.yield %while3A_793#1 : vector<16xf32>
          }
          %while3A_419 = arith.constant 1 : i32
          %while3A_420 = scf.for %while3A_421 = %while3A_416 to %while3A_412 step %while3A_419 iter_args(%while3A_422 = %while3A_418) -> (vector<16xf32>)  : i32 {
            %mul3A_423 = arith.constant 16 : i32
            %mul3A_424 = arith.muli %while3A_421, %mul3A_423 : i32
            %add3A_425 = vector.broadcast %mul3A_424 : i32 to vector<16xi32>
            %add3A_426 = arith.addi %add3A_425, %iota3A : vector<16xi32>
            %add3A_427 = arith.addi %mul3A_381, %sub3A_119 : i32
            %add3A_428 = vector.broadcast %add3A_427 : i32 to vector<16xi32>
            %add3A_429 = arith.addi %add3A_428, %add3A_426 : vector<16xi32>
            %gather3A_430 = tpu.vector_load_idx %arg16[%add3A_429] : memref<8208xi32, #tpu.memory_space<vmem>>[vector<16xi32>], vector<16xi32>,
            %sub3A_431 = arith.constant 1 : i32
            %sub3A_432 = vector.broadcast %sub3A_431 : i32 to vector<16xi32>
            %sub3A_433 = arith.subi %add3A_429, %sub3A_432 : vector<16xi32>
            %max3A = arith.constant 0 : i32
            %max3A_434 = vector.broadcast %max3A : i32 to vector<16xi32>
            %max3A_435 = arith.maxsi %sub3A_433, %max3A_434 : vector<16xi32>
            %gather3A_436 = tpu.vector_load_idx %arg16[%max3A_435] : memref<8208xi32, #tpu.memory_space<vmem>>[vector<16xi32>], vector<16xi32>,
            %ne3A_437 = arith.cmpi ne, %gather3A_430, %gather3A_436 : vector<16xi32>
            %eq3A_438 = arith.constant 0 : i32
            %eq3A_439 = vector.broadcast %eq3A_438 : i32 to vector<16xi32>
            %eq3A_440 = arith.cmpi eq, %add3A_426, %eq3A_439 : vector<16xi32>
            %or3A_441 = arith.ori %ne3A_437, %eq3A_440 : vector<16xi1>
            %broadcast_in_dim3A_442 = arith.constant 0 : i32
            %broadcast_in_dim3A_443 = vector.broadcast %broadcast_in_dim3A_442 : i32 to vector<16xi32>
            %broadcast_in_dim3A_444 = vector.broadcast %sub3A : i32 to vector<16xi32>
            %add3A_445 = arith.addi %broadcast_in_dim3A_443, %broadcast_in_dim3A_444 : vector<16xi32>
            %jit3A_446 = arith.constant 2 : i32
            %div3A_447 = vector.broadcast %jit3A_446 : i32 to vector<16xi32>
            %div3A_448 = arith.divsi %add3A_445, %div3A_447 : vector<16xi32>
            %sign3A_449 = arith.constant 0 : i32
            %sign3A_450 = vector.broadcast %sign3A_449 : i32 to vector<16xi32>
            %sign3A_451 = arith.cmpi sgt, %add3A_445, %sign3A_450 : vector<16xi32>
            %sign3A_452 = arith.extui %sign3A_451 : vector<16xi1> to vector<16xi32>
            %sign3A_453 = arith.constant 0 : i32
            %sign3A_454 = vector.broadcast %sign3A_453 : i32 to vector<16xi32>
            %sign3A_455 = arith.cmpi slt, %add3A_445, %sign3A_454 : vector<16xi32>
            %sign3A_456 = arith.extui %sign3A_455 : vector<16xi1> to vector<16xi32>
            %sign3A_457 = arith.subi %sign3A_452, %sign3A_456 : vector<16xi32>
            %sign3A_458 = arith.constant 0 : i32
            %sign3A_459 = arith.cmpi sgt, %jit3A_446, %sign3A_458 : i32
            %sign3A_460 = arith.extui %sign3A_459 : i1 to i32
            %sign3A_461 = arith.constant 0 : i32
            %sign3A_462 = arith.cmpi slt, %jit3A_446, %sign3A_461 : i32
            %sign3A_463 = arith.extui %sign3A_462 : i1 to i32
            %sign3A_464 = arith.subi %sign3A_460, %sign3A_463 : i32
            %ne3A_465 = vector.broadcast %sign3A_464 : i32 to vector<16xi32>
            %ne3A_466 = arith.cmpi ne, %sign3A_457, %ne3A_465 : vector<16xi32>
            %rem3A_467 = vector.broadcast %jit3A_446 : i32 to vector<16xi32>
            %rem3A_468 = arith.remsi %add3A_445, %rem3A_467 : vector<16xi32>
            %ne3A_469 = arith.constant 0 : i32
            %ne3A_470 = vector.broadcast %ne3A_469 : i32 to vector<16xi32>
            %ne3A_471 = arith.cmpi ne, %rem3A_468, %ne3A_470 : vector<16xi32>
            %and3A_472 = arith.andi %ne3A_466, %ne3A_471 : vector<16xi1>
            %sub3A_473 = arith.constant 1 : i32
            %sub3A_474 = vector.broadcast %sub3A_473 : i32 to vector<16xi32>
            %sub3A_475 = arith.subi %div3A_448, %sub3A_474 : vector<16xi32>
            %select_n3A_476 = arith.select %and3A_472, %sub3A_475, %div3A_448 : vector<16xi1>, vector<16xi32>
            %add3A_477 = arith.addi %mul3A_383, %sub3A_92 : i32
            %add3A_478 = vector.broadcast %add3A_477 : i32 to vector<16xi32>
            %add3A_479 = arith.addi %add3A_478, %select_n3A_476 : vector<16xi32>
            %gather3A_480 = tpu.vector_load_idx %arg15[%add3A_479] : memref<8208xi32, #tpu.memory_space<vmem>>[vector<16xi32>], vector<16xi32>,
            %lt3A_481 = arith.cmpi slt, %gather3A_480, %gather3A_430 : vector<16xi32>
            %add3A_482 = arith.constant 1 : i32
            %add3A_483 = vector.broadcast %add3A_482 : i32 to vector<16xi32>
            %add3A_484 = arith.addi %select_n3A_476, %add3A_483 : vector<16xi32>
            %select_n3A_485 = arith.select %lt3A_481, %add3A_484, %broadcast_in_dim3A_443 : vector<16xi1>, vector<16xi32>
            %select_n3A_486 = arith.select %lt3A_481, %broadcast_in_dim3A_444, %select_n3A_476 : vector<16xi1>, vector<16xi32>
            %add3A_487 = arith.addi %select_n3A_485, %select_n3A_486 : vector<16xi32>
            %jit3A_488 = arith.constant 2 : i32
            %div3A_489 = vector.broadcast %jit3A_488 : i32 to vector<16xi32>
            %div3A_490 = arith.divsi %add3A_487, %div3A_489 : vector<16xi32>
            %sign3A_491 = arith.constant 0 : i32
            %sign3A_492 = vector.broadcast %sign3A_491 : i32 to vector<16xi32>
            %sign3A_493 = arith.cmpi sgt, %add3A_487, %sign3A_492 : vector<16xi32>
            %sign3A_494 = arith.extui %sign3A_493 : vector<16xi1> to vector<16xi32>
            %sign3A_495 = arith.constant 0 : i32
            %sign3A_496 = vector.broadcast %sign3A_495 : i32 to vector<16xi32>
            %sign3A_497 = arith.cmpi slt, %add3A_487, %sign3A_496 : vector<16xi32>
            %sign3A_498 = arith.extui %sign3A_497 : vector<16xi1> to vector<16xi32>
            %sign3A_499 = arith.subi %sign3A_494, %sign3A_498 : vector<16xi32>
            %sign3A_500 = arith.constant 0 : i32
            %sign3A_501 = arith.cmpi sgt, %jit3A_488, %sign3A_500 : i32
            %sign3A_502 = arith.extui %sign3A_501 : i1 to i32
            %sign3A_503 = arith.constant 0 : i32
            %sign3A_504 = arith.cmpi slt, %jit3A_488, %sign3A_503 : i32
            %sign3A_505 = arith.extui %sign3A_504 : i1 to i32
            %sign3A_506 = arith.subi %sign3A_502, %sign3A_505 : i32
            %ne3A_507 = vector.broadcast %sign3A_506 : i32 to vector<16xi32>
            %ne3A_508 = arith.cmpi ne, %sign3A_499, %ne3A_507 : vector<16xi32>
            %rem3A_509 = vector.broadcast %jit3A_488 : i32 to vector<16xi32>
            %rem3A_510 = arith.remsi %add3A_487, %rem3A_509 : vector<16xi32>
            %ne3A_511 = arith.constant 0 : i32
            %ne3A_512 = vector.broadcast %ne3A_511 : i32 to vector<16xi32>
            %ne3A_513 = arith.cmpi ne, %rem3A_510, %ne3A_512 : vector<16xi32>
            %and3A_514 = arith.andi %ne3A_508, %ne3A_513 : vector<16xi1>
            %sub3A_515 = arith.constant 1 : i32
            %sub3A_516 = vector.broadcast %sub3A_515 : i32 to vector<16xi32>
            %sub3A_517 = arith.subi %div3A_490, %sub3A_516 : vector<16xi32>
            %select_n3A_518 = arith.select %and3A_514, %sub3A_517, %div3A_490 : vector<16xi1>, vector<16xi32>
            %add3A_519 = arith.addi %mul3A_383, %sub3A_92 : i32
            %add3A_520 = vector.broadcast %add3A_519 : i32 to vector<16xi32>
            %add3A_521 = arith.addi %add3A_520, %select_n3A_518 : vector<16xi32>
            %gather3A_522 = tpu.vector_load_idx %arg15[%add3A_521] : memref<8208xi32, #tpu.memory_space<vmem>>[vector<16xi32>], vector<16xi32>,
            %lt3A_523 = arith.cmpi slt, %gather3A_522, %gather3A_430 : vector<16xi32>
            %add3A_524 = arith.constant 1 : i32
            %add3A_525 = vector.broadcast %add3A_524 : i32 to vector<16xi32>
            %add3A_526 = arith.addi %select_n3A_518, %add3A_525 : vector<16xi32>
            %select_n3A_527 = arith.select %lt3A_523, %add3A_526, %select_n3A_485 : vector<16xi1>, vector<16xi32>
            %select_n3A_528 = arith.select %lt3A_523, %select_n3A_486, %select_n3A_518 : vector<16xi1>, vector<16xi32>
            %add3A_529 = arith.addi %select_n3A_527, %select_n3A_528 : vector<16xi32>
            %jit3A_530 = arith.constant 2 : i32
            %div3A_531 = vector.broadcast %jit3A_530 : i32 to vector<16xi32>
            %div3A_532 = arith.divsi %add3A_529, %div3A_531 : vector<16xi32>
            %sign3A_533 = arith.constant 0 : i32
            %sign3A_534 = vector.broadcast %sign3A_533 : i32 to vector<16xi32>
            %sign3A_535 = arith.cmpi sgt, %add3A_529, %sign3A_534 : vector<16xi32>
            %sign3A_536 = arith.extui %sign3A_535 : vector<16xi1> to vector<16xi32>
            %sign3A_537 = arith.constant 0 : i32
            %sign3A_538 = vector.broadcast %sign3A_537 : i32 to vector<16xi32>
            %sign3A_539 = arith.cmpi slt, %add3A_529, %sign3A_538 : vector<16xi32>
            %sign3A_540 = arith.extui %sign3A_539 : vector<16xi1> to vector<16xi32>
            %sign3A_541 = arith.subi %sign3A_536, %sign3A_540 : vector<16xi32>
            %sign3A_542 = arith.constant 0 : i32
            %sign3A_543 = arith.cmpi sgt, %jit3A_530, %sign3A_542 : i32
            %sign3A_544 = arith.extui %sign3A_543 : i1 to i32
            %sign3A_545 = arith.constant 0 : i32
            %sign3A_546 = arith.cmpi slt, %jit3A_530, %sign3A_545 : i32
            %sign3A_547 = arith.extui %sign3A_546 : i1 to i32
            %sign3A_548 = arith.subi %sign3A_544, %sign3A_547 : i32
            %ne3A_549 = vector.broadcast %sign3A_548 : i32 to vector<16xi32>
            %ne3A_550 = arith.cmpi ne, %sign3A_541, %ne3A_549 : vector<16xi32>
            %rem3A_551 = vector.broadcast %jit3A_530 : i32 to vector<16xi32>
            %rem3A_552 = arith.remsi %add3A_529, %rem3A_551 : vector<16xi32>
            %ne3A_553 = arith.constant 0 : i32
            %ne3A_554 = vector.broadcast %ne3A_553 : i32 to vector<16xi32>
            %ne3A_555 = arith.cmpi ne, %rem3A_552, %ne3A_554 : vector<16xi32>
            %and3A_556 = arith.andi %ne3A_550, %ne3A_555 : vector<16xi1>
            %sub3A_557 = arith.constant 1 : i32
            %sub3A_558 = vector.broadcast %sub3A_557 : i32 to vector<16xi32>
            %sub3A_559 = arith.subi %div3A_532, %sub3A_558 : vector<16xi32>
            %select_n3A_560 = arith.select %and3A_556, %sub3A_559, %div3A_532 : vector<16xi1>, vector<16xi32>
            %add3A_561 = arith.addi %mul3A_383, %sub3A_92 : i32
            %add3A_562 = vector.broadcast %add3A_561 : i32 to vector<16xi32>
            %add3A_563 = arith.addi %add3A_562, %select_n3A_560 : vector<16xi32>
            %gather3A_564 = tpu.vector_load_idx %arg15[%add3A_563] : memref<8208xi32, #tpu.memory_space<vmem>>[vector<16xi32>], vector<16xi32>,
            %lt3A_565 = arith.cmpi slt, %gather3A_564, %gather3A_430 : vector<16xi32>
            %add3A_566 = arith.constant 1 : i32
            %add3A_567 = vector.broadcast %add3A_566 : i32 to vector<16xi32>
            %add3A_568 = arith.addi %select_n3A_560, %add3A_567 : vector<16xi32>
            %select_n3A_569 = arith.select %lt3A_565, %add3A_568, %select_n3A_527 : vector<16xi1>, vector<16xi32>
            %select_n3A_570 = arith.select %lt3A_565, %select_n3A_528, %select_n3A_560 : vector<16xi1>, vector<16xi32>
            %add3A_571 = arith.addi %select_n3A_569, %select_n3A_570 : vector<16xi32>
            %jit3A_572 = arith.constant 2 : i32
            %div3A_573 = vector.broadcast %jit3A_572 : i32 to vector<16xi32>
            %div3A_574 = arith.divsi %add3A_571, %div3A_573 : vector<16xi32>
            %sign3A_575 = arith.constant 0 : i32
            %sign3A_576 = vector.broadcast %sign3A_575 : i32 to vector<16xi32>
            %sign3A_577 = arith.cmpi sgt, %add3A_571, %sign3A_576 : vector<16xi32>
            %sign3A_578 = arith.extui %sign3A_577 : vector<16xi1> to vector<16xi32>
            %sign3A_579 = arith.constant 0 : i32
            %sign3A_580 = vector.broadcast %sign3A_579 : i32 to vector<16xi32>
            %sign3A_581 = arith.cmpi slt, %add3A_571, %sign3A_580 : vector<16xi32>
            %sign3A_582 = arith.extui %sign3A_581 : vector<16xi1> to vector<16xi32>
            %sign3A_583 = arith.subi %sign3A_578, %sign3A_582 : vector<16xi32>
            %sign3A_584 = arith.constant 0 : i32
            %sign3A_585 = arith.cmpi sgt, %jit3A_572, %sign3A_584 : i32
            %sign3A_586 = arith.extui %sign3A_585 : i1 to i32
            %sign3A_587 = arith.constant 0 : i32
            %sign3A_588 = arith.cmpi slt, %jit3A_572, %sign3A_587 : i32
            %sign3A_589 = arith.extui %sign3A_588 : i1 to i32
            %sign3A_590 = arith.subi %sign3A_586, %sign3A_589 : i32
            %ne3A_591 = vector.broadcast %sign3A_590 : i32 to vector<16xi32>
            %ne3A_592 = arith.cmpi ne, %sign3A_583, %ne3A_591 : vector<16xi32>
            %rem3A_593 = vector.broadcast %jit3A_572 : i32 to vector<16xi32>
            %rem3A_594 = arith.remsi %add3A_571, %rem3A_593 : vector<16xi32>
            %ne3A_595 = arith.constant 0 : i32
            %ne3A_596 = vector.broadcast %ne3A_595 : i32 to vector<16xi32>
            %ne3A_597 = arith.cmpi ne, %rem3A_594, %ne3A_596 : vector<16xi32>
            %and3A_598 = arith.andi %ne3A_592, %ne3A_597 : vector<16xi1>
            %sub3A_599 = arith.constant 1 : i32
            %sub3A_600 = vector.broadcast %sub3A_599 : i32 to vector<16xi32>
            %sub3A_601 = arith.subi %div3A_574, %sub3A_600 : vector<16xi32>
            %select_n3A_602 = arith.select %and3A_598, %sub3A_601, %div3A_574 : vector<16xi1>, vector<16xi32>
            %add3A_603 = arith.addi %mul3A_383, %sub3A_92 : i32
            %add3A_604 = vector.broadcast %add3A_603 : i32 to vector<16xi32>
            %add3A_605 = arith.addi %add3A_604, %select_n3A_602 : vector<16xi32>
            %gather3A_606 = tpu.vector_load_idx %arg15[%add3A_605] : memref<8208xi32, #tpu.memory_space<vmem>>[vector<16xi32>], vector<16xi32>,
            %lt3A_607 = arith.cmpi slt, %gather3A_606, %gather3A_430 : vector<16xi32>
            %add3A_608 = arith.constant 1 : i32
            %add3A_609 = vector.broadcast %add3A_608 : i32 to vector<16xi32>
            %add3A_610 = arith.addi %select_n3A_602, %add3A_609 : vector<16xi32>
            %select_n3A_611 = arith.select %lt3A_607, %add3A_610, %select_n3A_569 : vector<16xi1>, vector<16xi32>
            %select_n3A_612 = arith.select %lt3A_607, %select_n3A_570, %select_n3A_602 : vector<16xi1>, vector<16xi32>
            %add3A_613 = arith.addi %select_n3A_611, %select_n3A_612 : vector<16xi32>
            %jit3A_614 = arith.constant 2 : i32
            %div3A_615 = vector.broadcast %jit3A_614 : i32 to vector<16xi32>
            %div3A_616 = arith.divsi %add3A_613, %div3A_615 : vector<16xi32>
            %sign3A_617 = arith.constant 0 : i32
            %sign3A_618 = vector.broadcast %sign3A_617 : i32 to vector<16xi32>
            %sign3A_619 = arith.cmpi sgt, %add3A_613, %sign3A_618 : vector<16xi32>
            %sign3A_620 = arith.extui %sign3A_619 : vector<16xi1> to vector<16xi32>
            %sign3A_621 = arith.constant 0 : i32
            %sign3A_622 = vector.broadcast %sign3A_621 : i32 to vector<16xi32>
            %sign3A_623 = arith.cmpi slt, %add3A_613, %sign3A_622 : vector<16xi32>
            %sign3A_624 = arith.extui %sign3A_623 : vector<16xi1> to vector<16xi32>
            %sign3A_625 = arith.subi %sign3A_620, %sign3A_624 : vector<16xi32>
            %sign3A_626 = arith.constant 0 : i32
            %sign3A_627 = arith.cmpi sgt, %jit3A_614, %sign3A_626 : i32
            %sign3A_628 = arith.extui %sign3A_627 : i1 to i32
            %sign3A_629 = arith.constant 0 : i32
            %sign3A_630 = arith.cmpi slt, %jit3A_614, %sign3A_629 : i32
            %sign3A_631 = arith.extui %sign3A_630 : i1 to i32
            %sign3A_632 = arith.subi %sign3A_628, %sign3A_631 : i32
            %ne3A_633 = vector.broadcast %sign3A_632 : i32 to vector<16xi32>
            %ne3A_634 = arith.cmpi ne, %sign3A_625, %ne3A_633 : vector<16xi32>
            %rem3A_635 = vector.broadcast %jit3A_614 : i32 to vector<16xi32>
            %rem3A_636 = arith.remsi %add3A_613, %rem3A_635 : vector<16xi32>
            %ne3A_637 = arith.constant 0 : i32
            %ne3A_638 = vector.broadcast %ne3A_637 : i32 to vector<16xi32>
            %ne3A_639 = arith.cmpi ne, %rem3A_636, %ne3A_638 : vector<16xi32>
            %and3A_640 = arith.andi %ne3A_634, %ne3A_639 : vector<16xi1>
            %sub3A_641 = arith.constant 1 : i32
            %sub3A_642 = vector.broadcast %sub3A_641 : i32 to vector<16xi32>
            %sub3A_643 = arith.subi %div3A_616, %sub3A_642 : vector<16xi32>
            %select_n3A_644 = arith.select %and3A_640, %sub3A_643, %div3A_616 : vector<16xi1>, vector<16xi32>
            %add3A_645 = arith.addi %mul3A_383, %sub3A_92 : i32
            %add3A_646 = vector.broadcast %add3A_645 : i32 to vector<16xi32>
            %add3A_647 = arith.addi %add3A_646, %select_n3A_644 : vector<16xi32>
            %gather3A_648 = tpu.vector_load_idx %arg15[%add3A_647] : memref<8208xi32, #tpu.memory_space<vmem>>[vector<16xi32>], vector<16xi32>,
            %lt3A_649 = arith.cmpi slt, %gather3A_648, %gather3A_430 : vector<16xi32>
            %add3A_650 = arith.constant 1 : i32
            %add3A_651 = vector.broadcast %add3A_650 : i32 to vector<16xi32>
            %add3A_652 = arith.addi %select_n3A_644, %add3A_651 : vector<16xi32>
            %select_n3A_653 = arith.select %lt3A_649, %add3A_652, %select_n3A_611 : vector<16xi1>, vector<16xi32>
            %select_n3A_654 = arith.select %lt3A_649, %select_n3A_612, %select_n3A_644 : vector<16xi1>, vector<16xi32>
            %add3A_655 = arith.addi %select_n3A_653, %select_n3A_654 : vector<16xi32>
            %jit3A_656 = arith.constant 2 : i32
            %div3A_657 = vector.broadcast %jit3A_656 : i32 to vector<16xi32>
            %div3A_658 = arith.divsi %add3A_655, %div3A_657 : vector<16xi32>
            %sign3A_659 = arith.constant 0 : i32
            %sign3A_660 = vector.broadcast %sign3A_659 : i32 to vector<16xi32>
            %sign3A_661 = arith.cmpi sgt, %add3A_655, %sign3A_660 : vector<16xi32>
            %sign3A_662 = arith.extui %sign3A_661 : vector<16xi1> to vector<16xi32>
            %sign3A_663 = arith.constant 0 : i32
            %sign3A_664 = vector.broadcast %sign3A_663 : i32 to vector<16xi32>
            %sign3A_665 = arith.cmpi slt, %add3A_655, %sign3A_664 : vector<16xi32>
            %sign3A_666 = arith.extui %sign3A_665 : vector<16xi1> to vector<16xi32>
            %sign3A_667 = arith.subi %sign3A_662, %sign3A_666 : vector<16xi32>
            %sign3A_668 = arith.constant 0 : i32
            %sign3A_669 = arith.cmpi sgt, %jit3A_656, %sign3A_668 : i32
            %sign3A_670 = arith.extui %sign3A_669 : i1 to i32
            %sign3A_671 = arith.constant 0 : i32
            %sign3A_672 = arith.cmpi slt, %jit3A_656, %sign3A_671 : i32
            %sign3A_673 = arith.extui %sign3A_672 : i1 to i32
            %sign3A_674 = arith.subi %sign3A_670, %sign3A_673 : i32
            %ne3A_675 = vector.broadcast %sign3A_674 : i32 to vector<16xi32>
            %ne3A_676 = arith.cmpi ne, %sign3A_667, %ne3A_675 : vector<16xi32>
            %rem3A_677 = vector.broadcast %jit3A_656 : i32 to vector<16xi32>
            %rem3A_678 = arith.remsi %add3A_655, %rem3A_677 : vector<16xi32>
            %ne3A_679 = arith.constant 0 : i32
            %ne3A_680 = vector.broadcast %ne3A_679 : i32 to vector<16xi32>
            %ne3A_681 = arith.cmpi ne, %rem3A_678, %ne3A_680 : vector<16xi32>
            %and3A_682 = arith.andi %ne3A_676, %ne3A_681 : vector<16xi1>
            %sub3A_683 = arith.constant 1 : i32
            %sub3A_684 = vector.broadcast %sub3A_683 : i32 to vector<16xi32>
            %sub3A_685 = arith.subi %div3A_658, %sub3A_684 : vector<16xi32>
            %select_n3A_686 = arith.select %and3A_682, %sub3A_685, %div3A_658 : vector<16xi1>, vector<16xi32>
            %add3A_687 = arith.addi %mul3A_383, %sub3A_92 : i32
            %add3A_688 = vector.broadcast %add3A_687 : i32 to vector<16xi32>
            %add3A_689 = arith.addi %add3A_688, %select_n3A_686 : vector<16xi32>
            %gather3A_690 = tpu.vector_load_idx %arg15[%add3A_689] : memref<8208xi32, #tpu.memory_space<vmem>>[vector<16xi32>], vector<16xi32>,
            %lt3A_691 = arith.cmpi slt, %gather3A_690, %gather3A_430 : vector<16xi32>
            %add3A_692 = arith.constant 1 : i32
            %add3A_693 = vector.broadcast %add3A_692 : i32 to vector<16xi32>
            %add3A_694 = arith.addi %select_n3A_686, %add3A_693 : vector<16xi32>
            %select_n3A_695 = arith.select %lt3A_691, %add3A_694, %select_n3A_653 : vector<16xi1>, vector<16xi32>
            %select_n3A_696 = arith.select %lt3A_691, %select_n3A_654, %select_n3A_686 : vector<16xi1>, vector<16xi32>
            %add3A_697 = arith.addi %select_n3A_695, %select_n3A_696 : vector<16xi32>
            %jit3A_698 = arith.constant 2 : i32
            %div3A_699 = vector.broadcast %jit3A_698 : i32 to vector<16xi32>
            %div3A_700 = arith.divsi %add3A_697, %div3A_699 : vector<16xi32>
            %sign3A_701 = arith.constant 0 : i32
            %sign3A_702 = vector.broadcast %sign3A_701 : i32 to vector<16xi32>
            %sign3A_703 = arith.cmpi sgt, %add3A_697, %sign3A_702 : vector<16xi32>
            %sign3A_704 = arith.extui %sign3A_703 : vector<16xi1> to vector<16xi32>
            %sign3A_705 = arith.constant 0 : i32
            %sign3A_706 = vector.broadcast %sign3A_705 : i32 to vector<16xi32>
            %sign3A_707 = arith.cmpi slt, %add3A_697, %sign3A_706 : vector<16xi32>
            %sign3A_708 = arith.extui %sign3A_707 : vector<16xi1> to vector<16xi32>
            %sign3A_709 = arith.subi %sign3A_704, %sign3A_708 : vector<16xi32>
            %sign3A_710 = arith.constant 0 : i32
            %sign3A_711 = arith.cmpi sgt, %jit3A_698, %sign3A_710 : i32
            %sign3A_712 = arith.extui %sign3A_711 : i1 to i32
            %sign3A_713 = arith.constant 0 : i32
            %sign3A_714 = arith.cmpi slt, %jit3A_698, %sign3A_713 : i32
            %sign3A_715 = arith.extui %sign3A_714 : i1 to i32
            %sign3A_716 = arith.subi %sign3A_712, %sign3A_715 : i32
            %ne3A_717 = vector.broadcast %sign3A_716 : i32 to vector<16xi32>
            %ne3A_718 = arith.cmpi ne, %sign3A_709, %ne3A_717 : vector<16xi32>
            %rem3A_719 = vector.broadcast %jit3A_698 : i32 to vector<16xi32>
            %rem3A_720 = arith.remsi %add3A_697, %rem3A_719 : vector<16xi32>
            %ne3A_721 = arith.constant 0 : i32
            %ne3A_722 = vector.broadcast %ne3A_721 : i32 to vector<16xi32>
            %ne3A_723 = arith.cmpi ne, %rem3A_720, %ne3A_722 : vector<16xi32>
            %and3A_724 = arith.andi %ne3A_718, %ne3A_723 : vector<16xi1>
            %sub3A_725 = arith.constant 1 : i32
            %sub3A_726 = vector.broadcast %sub3A_725 : i32 to vector<16xi32>
            %sub3A_727 = arith.subi %div3A_700, %sub3A_726 : vector<16xi32>
            %select_n3A_728 = arith.select %and3A_724, %sub3A_727, %div3A_700 : vector<16xi1>, vector<16xi32>
            %add3A_729 = arith.addi %mul3A_383, %sub3A_92 : i32
            %add3A_730 = vector.broadcast %add3A_729 : i32 to vector<16xi32>
            %add3A_731 = arith.addi %add3A_730, %select_n3A_728 : vector<16xi32>
            %gather3A_732 = tpu.vector_load_idx %arg15[%add3A_731] : memref<8208xi32, #tpu.memory_space<vmem>>[vector<16xi32>], vector<16xi32>,
            %lt3A_733 = arith.cmpi slt, %gather3A_732, %gather3A_430 : vector<16xi32>
            %add3A_734 = arith.constant 1 : i32
            %add3A_735 = vector.broadcast %add3A_734 : i32 to vector<16xi32>
            %add3A_736 = arith.addi %select_n3A_728, %add3A_735 : vector<16xi32>
            %select_n3A_737 = arith.select %lt3A_733, %add3A_736, %select_n3A_695 : vector<16xi1>, vector<16xi32>
            %select_n3A_738 = arith.select %lt3A_733, %select_n3A_696, %select_n3A_728 : vector<16xi1>, vector<16xi32>
            %add3A_739 = arith.addi %select_n3A_737, %select_n3A_738 : vector<16xi32>
            %jit3A_740 = arith.constant 2 : i32
            %div3A_741 = vector.broadcast %jit3A_740 : i32 to vector<16xi32>
            %div3A_742 = arith.divsi %add3A_739, %div3A_741 : vector<16xi32>
            %sign3A_743 = arith.constant 0 : i32
            %sign3A_744 = vector.broadcast %sign3A_743 : i32 to vector<16xi32>
            %sign3A_745 = arith.cmpi sgt, %add3A_739, %sign3A_744 : vector<16xi32>
            %sign3A_746 = arith.extui %sign3A_745 : vector<16xi1> to vector<16xi32>
            %sign3A_747 = arith.constant 0 : i32
            %sign3A_748 = vector.broadcast %sign3A_747 : i32 to vector<16xi32>
            %sign3A_749 = arith.cmpi slt, %add3A_739, %sign3A_748 : vector<16xi32>
            %sign3A_750 = arith.extui %sign3A_749 : vector<16xi1> to vector<16xi32>
            %sign3A_751 = arith.subi %sign3A_746, %sign3A_750 : vector<16xi32>
            %sign3A_752 = arith.constant 0 : i32
            %sign3A_753 = arith.cmpi sgt, %jit3A_740, %sign3A_752 : i32
            %sign3A_754 = arith.extui %sign3A_753 : i1 to i32
            %sign3A_755 = arith.constant 0 : i32
            %sign3A_756 = arith.cmpi slt, %jit3A_740, %sign3A_755 : i32
            %sign3A_757 = arith.extui %sign3A_756 : i1 to i32
            %sign3A_758 = arith.subi %sign3A_754, %sign3A_757 : i32
            %ne3A_759 = vector.broadcast %sign3A_758 : i32 to vector<16xi32>
            %ne3A_760 = arith.cmpi ne, %sign3A_751, %ne3A_759 : vector<16xi32>
            %rem3A_761 = vector.broadcast %jit3A_740 : i32 to vector<16xi32>
            %rem3A_762 = arith.remsi %add3A_739, %rem3A_761 : vector<16xi32>
            %ne3A_763 = arith.constant 0 : i32
            %ne3A_764 = vector.broadcast %ne3A_763 : i32 to vector<16xi32>
            %ne3A_765 = arith.cmpi ne, %rem3A_762, %ne3A_764 : vector<16xi32>
            %and3A_766 = arith.andi %ne3A_760, %ne3A_765 : vector<16xi1>
            %sub3A_767 = arith.constant 1 : i32
            %sub3A_768 = vector.broadcast %sub3A_767 : i32 to vector<16xi32>
            %sub3A_769 = arith.subi %div3A_742, %sub3A_768 : vector<16xi32>
            %select_n3A_770 = arith.select %and3A_766, %sub3A_769, %div3A_742 : vector<16xi1>, vector<16xi32>
            %add3A_771 = arith.addi %mul3A_383, %sub3A_92 : i32
            %add3A_772 = vector.broadcast %add3A_771 : i32 to vector<16xi32>
            %add3A_773 = arith.addi %add3A_772, %select_n3A_770 : vector<16xi32>
            %gather3A_774 = tpu.vector_load_idx %arg15[%add3A_773] : memref<8208xi32, #tpu.memory_space<vmem>>[vector<16xi32>], vector<16xi32>,
            %lt3A_775 = arith.cmpi slt, %gather3A_774, %gather3A_430 : vector<16xi32>
            %add3A_776 = arith.constant 1 : i32
            %add3A_777 = vector.broadcast %add3A_776 : i32 to vector<16xi32>
            %add3A_778 = arith.addi %select_n3A_770, %add3A_777 : vector<16xi32>
            %select_n3A_779 = arith.select %lt3A_775, %add3A_778, %select_n3A_737 : vector<16xi1>, vector<16xi32>
            %select_n3A_780 = arith.select %lt3A_775, %select_n3A_738, %select_n3A_770 : vector<16xi1>, vector<16xi32>
            %add3A_781 = arith.addi %mul3A_383, %sub3A_92 : i32
            %add3A_782 = vector.broadcast %add3A_781 : i32 to vector<16xi32>
            %add3A_783 = arith.addi %add3A_782, %select_n3A_779 : vector<16xi32>
            %gather3A_784 = tpu.vector_load_idx %arg15[%add3A_783] : memref<8208xi32, #tpu.memory_space<vmem>>[vector<16xi32>], vector<16xi32>,
            %lt3A_785 = vector.broadcast %sub3A_72 : i32 to vector<16xi32>
            %lt3A_786 = arith.cmpi slt, %add3A_426, %lt3A_785 : vector<16xi32>
            %lt3A_787 = vector.broadcast %sub3A : i32 to vector<16xi32>
            %lt3A_788 = arith.cmpi slt, %select_n3A_779, %lt3A_787 : vector<16xi32>
            %and3A_789 = arith.andi %lt3A_786, %lt3A_788 : vector<16xi1>
            %eq3A_790 = arith.cmpi eq, %gather3A_784, %gather3A_430 : vector<16xi32>
            %and3A_791 = arith.andi %and3A_789, %eq3A_790 : vector<16xi1>
            %and3A_792 = arith.andi %and3A_791, %or3A_441 : vector<16xi1>
            %while3A_793:2 = scf.while (%while3A_794 = %and3A_792, %while3A_795 = %while3A_422) : (vector<16xi1>, vector<16xf32>) -> (vector<16xi1>, vector<16xf32>) {
              %all_reduce_population_count3A = tpu.all_reduce %while3A_794 {dim = 0 : i64, kind = #tpu.reduction_kind<sum>} : vector<16xi1> -> vector<16xi32>
              %slice3A_796 = vector.extract_strided_slice %all_reduce_population_count3A {offsets = [0], sizes = [1], strides = [1]} : vector<16xi32> to vector<1xi32>
              %squeeze3A_797 = vector.extract %slice3A_796[0] : i32 from vector<1xi32>
              %gt3A_798 = arith.constant 0 : i32
              %gt3A_799 = arith.cmpi sgt, %squeeze3A_797, %gt3A_798 : i32
              scf.condition(%gt3A_799) %while3A_794, %while3A_795 : vector<16xi1>, vector<16xf32>
            } do {
            ^bb0(%while3A_794: vector<16xi1>, %while3A_795: vector<16xf32>):
              %all_reduce_ffs3A = tpu.all_reduce %while3A_794 {dim = 0 : i64, kind = #tpu.reduction_kind<find_first_set>} : vector<16xi1> -> vector<16xi32>
              %slice3A_796 = vector.extract_strided_slice %all_reduce_ffs3A {offsets = [0], sizes = [1], strides = [1]} : vector<16xi32> to vector<1xi32>
              %squeeze3A_797 = vector.extract %slice3A_796[0] : i32 from vector<1xi32>
              %add3A_798 = arith.addi %mul3A_381, %sub3A_119 : i32
              %mul3A_799 = arith.constant 16 : i32
              %mul3A_800 = arith.muli %while3A_421, %mul3A_799 : i32
              %add3A_801 = arith.addi %add3A_798, %mul3A_800 : i32
              %add3A_802 = arith.addi %add3A_801, %squeeze3A_797 : i32
              %get3A_803 = arith.index_cast %add3A_802 : i32 to index
              %get3A_804 = tpu.vector_load %arg16[%get3A_803] {strides = array<i32>} : memref<8208xi32, #tpu.memory_space<vmem>>, vector<16xi32>,
              %slice3A_805 = vector.extract_strided_slice %get3A_804 {offsets = [0], sizes = [1], strides = [1]} : vector<16xi32> to vector<1xi32>
              %squeeze3A_806 = vector.extract %slice3A_805[0] : i32 from vector<1xi32>
              "tpu.region"() ({
                %run_scoped3A = tpu.sem_alloc : memref<!tpu.dma_semaphore, #tpu.memory_space<semaphore_mem>>
                %dma_start3A = arith.constant 0 : i32
                %dma_start3A_906 = tpu.memref_slice %arg2[%squeeze3A_806, %dma_start3A] : memref<10000x256xf32, #tpu.memory_space<hbm>> -> memref<1x256xf32, #tpu.memory_space<hbm>>
                %dma_start3A_907 = tpu.memref_squeeze %dma_start3A_906 : memref<1x256xf32, #tpu.memory_space<hbm>> -> memref<256xf32, #tpu.memory_space<hbm>>
                %dma_start3A_908 = arith.constant 0 : i32
                %dma_start3A_909 = tpu.memref_slice %arg2[%squeeze3A_806, %dma_start3A_908] : memref<10000x256xf32, #tpu.memory_space<hbm>> -> memref<1x256xf32, #tpu.memory_space<hbm>>
                %dma_start3A_910 = tpu.memref_squeeze %dma_start3A_909 : memref<1x256xf32, #tpu.memory_space<hbm>> -> memref<256xf32, #tpu.memory_space<hbm>>
                tpu.enqueue_dma source(%dma_start3A_910 : memref<256xf32, #tpu.memory_space<hbm>>) target(%arg17 : memref<256xf32, #tpu.memory_space<vmem>>) target_semaphore(%run_scoped3A : memref<!tpu.dma_semaphore, #tpu.memory_space<semaphore_mem>>)
                %dma_wait3A = arith.constant 0 : i32
                %dma_wait3A_911 = tpu.memref_slice %arg2[%squeeze3A_806, %dma_wait3A] : memref<10000x256xf32, #tpu.memory_space<hbm>> -> memref<1x256xf32, #tpu.memory_space<hbm>>
                %dma_wait3A_912 = tpu.memref_squeeze %dma_wait3A_911 : memref<1x256xf32, #tpu.memory_space<hbm>> -> memref<256xf32, #tpu.memory_space<hbm>>
                %dma_wait3A_913 = arith.constant 0 : i32
                %dma_wait3A_914 = tpu.memref_slice %arg2[%squeeze3A_806, %dma_wait3A_913] : memref<10000x256xf32, #tpu.memory_space<hbm>> -> memref<1x256xf32, #tpu.memory_space<hbm>>
                %dma_wait3A_915 = tpu.memref_squeeze %dma_wait3A_914 : memref<1x256xf32, #tpu.memory_space<hbm>> -> memref<256xf32, #tpu.memory_space<hbm>>
                tpu.wait_dma2 semaphore(%run_scoped3A : memref<!tpu.dma_semaphore, #tpu.memory_space<semaphore_mem>>) src(%dma_wait3A_915 : memref<256xf32, #tpu.memory_space<hbm>>) dst(%arg17 : memref<256xf32, #tpu.memory_space<vmem>>)
                tpu.yield
              }) : () -> ()
              %get3A_807 = arith.constant 0 : index
              %get3A_808 = tpu.vector_load %arg17[%get3A_807] {strides = array<i32>} : memref<256xf32, #tpu.memory_space<vmem>>, vector<16xf32>,
              %get3A_809 = arith.constant 0 : index
              %get3A_810 = tpu.vector_load %arg19[%get3A_809] {strides = array<i32>} : memref<256xf32, #tpu.memory_space<vmem>>, vector<16xf32>,
              %mul3A_811 = arith.mulf %get3A_808, %get3A_810 : vector<16xf32>
              %add3A_812 = arith.addf %while3A_795, %mul3A_811 : vector<16xf32>
              %get3A_813 = arith.constant 16 : index
              %get3A_814 = tpu.vector_load %arg17[%get3A_813] {strides = array<i32>} : memref<256xf32, #tpu.memory_space<vmem>>, vector<16xf32>,
              %get3A_815 = arith.constant 16 : index
              %get3A_816 = tpu.vector_load %arg19[%get3A_815] {strides = array<i32>} : memref<256xf32, #tpu.memory_space<vmem>>, vector<16xf32>,
              %mul3A_817 = arith.mulf %get3A_814, %get3A_816 : vector<16xf32>
              %add3A_818 = arith.addf %add3A_812, %mul3A_817 : vector<16xf32>
              %get3A_819 = arith.constant 32 : index
              %get3A_820 = tpu.vector_load %arg17[%get3A_819] {strides = array<i32>} : memref<256xf32, #tpu.memory_space<vmem>>, vector<16xf32>,
              %get3A_821 = arith.constant 32 : index
              %get3A_822 = tpu.vector_load %arg19[%get3A_821] {strides = array<i32>} : memref<256xf32, #tpu.memory_space<vmem>>, vector<16xf32>,
              %mul3A_823 = arith.mulf %get3A_820, %get3A_822 : vector<16xf32>
              %add3A_824 = arith.addf %add3A_818, %mul3A_823 : vector<16xf32>
              %get3A_825 = arith.constant 48 : index
              %get3A_826 = tpu.vector_load %arg17[%get3A_825] {strides = array<i32>} : memref<256xf32, #tpu.memory_space<vmem>>, vector<16xf32>,
              %get3A_827 = arith.constant 48 : index
              %get3A_828 = tpu.vector_load %arg19[%get3A_827] {strides = array<i32>} : memref<256xf32, #tpu.memory_space<vmem>>, vector<16xf32>,
              %mul3A_829 = arith.mulf %get3A_826, %get3A_828 : vector<16xf32>
              %add3A_830 = arith.addf %add3A_824, %mul3A_829 : vector<16xf32>
              %get3A_831 = arith.constant 64 : index
              %get3A_832 = tpu.vector_load %arg17[%get3A_831] {strides = array<i32>} : memref<256xf32, #tpu.memory_space<vmem>>, vector<16xf32>,
              %get3A_833 = arith.constant 64 : index
              %get3A_834 = tpu.vector_load %arg19[%get3A_833] {strides = array<i32>} : memref<256xf32, #tpu.memory_space<vmem>>, vector<16xf32>,
              %mul3A_835 = arith.mulf %get3A_832, %get3A_834 : vector<16xf32>
              %add3A_836 = arith.addf %add3A_830, %mul3A_835 : vector<16xf32>
              %get3A_837 = arith.constant 80 : index
              %get3A_838 = tpu.vector_load %arg17[%get3A_837] {strides = array<i32>} : memref<256xf32, #tpu.memory_space<vmem>>, vector<16xf32>,
              %get3A_839 = arith.constant 80 : index
              %get3A_840 = tpu.vector_load %arg19[%get3A_839] {strides = array<i32>} : memref<256xf32, #tpu.memory_space<vmem>>, vector<16xf32>,
              %mul3A_841 = arith.mulf %get3A_838, %get3A_840 : vector<16xf32>
              %add3A_842 = arith.addf %add3A_836, %mul3A_841 : vector<16xf32>
              %get3A_843 = arith.constant 96 : index
              %get3A_844 = tpu.vector_load %arg17[%get3A_843] {strides = array<i32>} : memref<256xf32, #tpu.memory_space<vmem>>, vector<16xf32>,
              %get3A_845 = arith.constant 96 : index
              %get3A_846 = tpu.vector_load %arg19[%get3A_845] {strides = array<i32>} : memref<256xf32, #tpu.memory_space<vmem>>, vector<16xf32>,
              %mul3A_847 = arith.mulf %get3A_844, %get3A_846 : vector<16xf32>
              %add3A_848 = arith.addf %add3A_842, %mul3A_847 : vector<16xf32>
              %get3A_849 = arith.constant 112 : index
              %get3A_850 = tpu.vector_load %arg17[%get3A_849] {strides = array<i32>} : memref<256xf32, #tpu.memory_space<vmem>>, vector<16xf32>,
              %get3A_851 = arith.constant 112 : index
              %get3A_852 = tpu.vector_load %arg19[%get3A_851] {strides = array<i32>} : memref<256xf32, #tpu.memory_space<vmem>>, vector<16xf32>,
              %mul3A_853 = arith.mulf %get3A_850, %get3A_852 : vector<16xf32>
              %add3A_854 = arith.addf %add3A_848, %mul3A_853 : vector<16xf32>
              %get3A_855 = arith.constant 128 : index
              %get3A_856 = tpu.vector_load %arg17[%get3A_855] {strides = array<i32>} : memref<256xf32, #tpu.memory_space<vmem>>, vector<16xf32>,
              %get3A_857 = arith.constant 128 : index
              %get3A_858 = tpu.vector_load %arg19[%get3A_857] {strides = array<i32>} : memref<256xf32, #tpu.memory_space<vmem>>, vector<16xf32>,
              %mul3A_859 = arith.mulf %get3A_856, %get3A_858 : vector<16xf32>
              %add3A_860 = arith.addf %add3A_854, %mul3A_859 : vector<16xf32>
              %get3A_861 = arith.constant 144 : index
              %get3A_862 = tpu.vector_load %arg17[%get3A_861] {strides = array<i32>} : memref<256xf32, #tpu.memory_space<vmem>>, vector<16xf32>,
              %get3A_863 = arith.constant 144 : index
              %get3A_864 = tpu.vector_load %arg19[%get3A_863] {strides = array<i32>} : memref<256xf32, #tpu.memory_space<vmem>>, vector<16xf32>,
              %mul3A_865 = arith.mulf %get3A_862, %get3A_864 : vector<16xf32>
              %add3A_866 = arith.addf %add3A_860, %mul3A_865 : vector<16xf32>
              %get3A_867 = arith.constant 160 : index
              %get3A_868 = tpu.vector_load %arg17[%get3A_867] {strides = array<i32>} : memref<256xf32, #tpu.memory_space<vmem>>, vector<16xf32>,
              %get3A_869 = arith.constant 160 : index
              %get3A_870 = tpu.vector_load %arg19[%get3A_869] {strides = array<i32>} : memref<256xf32, #tpu.memory_space<vmem>>, vector<16xf32>,
              %mul3A_871 = arith.mulf %get3A_868, %get3A_870 : vector<16xf32>
              %add3A_872 = arith.addf %add3A_866, %mul3A_871 : vector<16xf32>
              %get3A_873 = arith.constant 176 : index
              %get3A_874 = tpu.vector_load %arg17[%get3A_873] {strides = array<i32>} : memref<256xf32, #tpu.memory_space<vmem>>, vector<16xf32>,
              %get3A_875 = arith.constant 176 : index
              %get3A_876 = tpu.vector_load %arg19[%get3A_875] {strides = array<i32>} : memref<256xf32, #tpu.memory_space<vmem>>, vector<16xf32>,
              %mul3A_877 = arith.mulf %get3A_874, %get3A_876 : vector<16xf32>
              %add3A_878 = arith.addf %add3A_872, %mul3A_877 : vector<16xf32>
              %get3A_879 = arith.constant 192 : index
              %get3A_880 = tpu.vector_load %arg17[%get3A_879] {strides = array<i32>} : memref<256xf32, #tpu.memory_space<vmem>>, vector<16xf32>,
              %get3A_881 = arith.constant 192 : index
              %get3A_882 = tpu.vector_load %arg19[%get3A_881] {strides = array<i32>} : memref<256xf32, #tpu.memory_space<vmem>>, vector<16xf32>,
              %mul3A_883 = arith.mulf %get3A_880, %get3A_882 : vector<16xf32>
              %add3A_884 = arith.addf %add3A_878, %mul3A_883 : vector<16xf32>
              %get3A_885 = arith.constant 208 : index
              %get3A_886 = tpu.vector_load %arg17[%get3A_885] {strides = array<i32>} : memref<256xf32, #tpu.memory_space<vmem>>, vector<16xf32>,
              %get3A_887 = arith.constant 208 : index
              %get3A_888 = tpu.vector_load %arg19[%get3A_887] {strides = array<i32>} : memref<256xf32, #tpu.memory_space<vmem>>, vector<16xf32>,
              %mul3A_889 = arith.mulf %get3A_886, %get3A_888 : vector<16xf32>
              %add3A_890 = arith.addf %add3A_884, %mul3A_889 : vector<16xf32>
              %get3A_891 = arith.constant 224 : index
              %get3A_892 = tpu.vector_load %arg17[%get3A_891] {strides = array<i32>} : memref<256xf32, #tpu.memory_space<vmem>>, vector<16xf32>,
              %get3A_893 = arith.constant 224 : index
              %get3A_894 = tpu.vector_load %arg19[%get3A_893] {strides = array<i32>} : memref<256xf32, #tpu.memory_space<vmem>>, vector<16xf32>,
              %mul3A_895 = arith.mulf %get3A_892, %get3A_894 : vector<16xf32>
              %add3A_896 = arith.addf %add3A_890, %mul3A_895 : vector<16xf32>
              %get3A_897 = arith.constant 240 : index
              %get3A_898 = tpu.vector_load %arg17[%get3A_897] {strides = array<i32>} : memref<256xf32, #tpu.memory_space<vmem>>, vector<16xf32>,
              %get3A_899 = arith.constant 240 : index
              %get3A_900 = tpu.vector_load %arg19[%get3A_899] {strides = array<i32>} : memref<256xf32, #tpu.memory_space<vmem>>, vector<16xf32>,
              %mul3A_901 = arith.mulf %get3A_898, %get3A_900 : vector<16xf32>
              %add3A_902 = arith.addf %add3A_896, %mul3A_901 : vector<16xf32>
              %ne3A_903 = vector.broadcast %squeeze3A_797 : i32 to vector<16xi32>
              %ne3A_904 = arith.cmpi ne, %iota3A, %ne3A_903 : vector<16xi32>
              %and3A_905 = arith.andi %while3A_794, %ne3A_904 : vector<16xi1>
              scf.yield %and3A_905, %add3A_902 : vector<16xi1>, vector<16xf32>
            }
            scf.yield %while3A_793#1 : vector<16xf32>
          }
          scf.yield %while3A_420 : vector<16xf32>
        }
        %swap3A_337 = arith.constant 0 : index
        %swap3A_338 = tpu.vector_load %arg23[%swap3A_337] {strides = array<i32>} : memref<16xf32, #tpu.memory_space<vmem>>, vector<16xf32>,
        tpu.vector_store %arg23[%swap3A_337], %cond3A_336 {strides = array<i32>} : memref<16xf32, #tpu.memory_space<vmem>>, vector<16xf32>,
        %xor3A = arith.constant 8 : i32
        %xor3A_339 = vector.broadcast %xor3A : i32 to vector<16xi32>
        %xor3A_340 = arith.xori %iota3A, %xor3A_339 : vector<16xi32>
        %gather3A = tpu.vector_load_idx %arg23[%xor3A_340] : memref<16xf32, #tpu.memory_space<vmem>>[vector<16xi32>], vector<16xf32>,
        %add3A_341 = arith.addf %cond3A_336, %gather3A : vector<16xf32>
        %swap3A_342 = arith.constant 0 : index
        %swap3A_343 = tpu.vector_load %arg23[%swap3A_342] {strides = array<i32>} : memref<16xf32, #tpu.memory_space<vmem>>, vector<16xf32>,
        tpu.vector_store %arg23[%swap3A_342], %add3A_341 {strides = array<i32>} : memref<16xf32, #tpu.memory_space<vmem>>, vector<16xf32>,
        %xor3A_344 = arith.constant 4 : i32
        %xor3A_345 = vector.broadcast %xor3A_344 : i32 to vector<16xi32>
        %xor3A_346 = arith.xori %iota3A, %xor3A_345 : vector<16xi32>
        %gather3A_347 = tpu.vector_load_idx %arg23[%xor3A_346] : memref<16xf32, #tpu.memory_space<vmem>>[vector<16xi32>], vector<16xf32>,
        %add3A_348 = arith.addf %add3A_341, %gather3A_347 : vector<16xf32>
        %swap3A_349 = arith.constant 0 : index
        %swap3A_350 = tpu.vector_load %arg23[%swap3A_349] {strides = array<i32>} : memref<16xf32, #tpu.memory_space<vmem>>, vector<16xf32>,
        tpu.vector_store %arg23[%swap3A_349], %add3A_348 {strides = array<i32>} : memref<16xf32, #tpu.memory_space<vmem>>, vector<16xf32>,
        %xor3A_351 = arith.constant 2 : i32
        %xor3A_352 = vector.broadcast %xor3A_351 : i32 to vector<16xi32>
        %xor3A_353 = arith.xori %iota3A, %xor3A_352 : vector<16xi32>
        %gather3A_354 = tpu.vector_load_idx %arg23[%xor3A_353] : memref<16xf32, #tpu.memory_space<vmem>>[vector<16xi32>], vector<16xf32>,
        %add3A_355 = arith.addf %add3A_348, %gather3A_354 : vector<16xf32>
        %swap3A_356 = arith.constant 0 : index
        %swap3A_357 = tpu.vector_load %arg23[%swap3A_356] {strides = array<i32>} : memref<16xf32, #tpu.memory_space<vmem>>, vector<16xf32>,
        tpu.vector_store %arg23[%swap3A_356], %add3A_355 {strides = array<i32>} : memref<16xf32, #tpu.memory_space<vmem>>, vector<16xf32>,
        %xor3A_358 = arith.constant 1 : i32
        %xor3A_359 = vector.broadcast %xor3A_358 : i32 to vector<16xi32>
        %xor3A_360 = arith.xori %iota3A, %xor3A_359 : vector<16xi32>
        %gather3A_361 = tpu.vector_load_idx %arg23[%xor3A_360] : memref<16xf32, #tpu.memory_space<vmem>>[vector<16xi32>], vector<16xf32>,
        %add3A_362 = arith.addf %add3A_355, %gather3A_361 : vector<16xf32>
        %jit3A_363 = arith.constant 16 : i32
        %eq3A = arith.constant 0 : i32
        %eq3A_364 = arith.cmpi eq, %jit3A_363, %eq3A : i32
        %jit3A_365 = arith.constant 1 : i32
        %select_n3A_366 = arith.select %eq3A_364, %jit3A_365, %jit3A_363 : i32
        %rem3A_367 = arith.remsi %while3A_45, %select_n3A_366 : i32
        %ne3A_368 = arith.constant 0 : i32
        %ne3A_369 = arith.cmpi ne, %rem3A_367, %ne3A_368 : i32
        %lt3A = arith.constant 0 : i32
        %lt3A_370 = arith.cmpi slt, %rem3A_367, %lt3A : i32
        %lt3A_371 = arith.constant 0 : i32
        %lt3A_372 = arith.cmpi slt, %select_n3A_366, %lt3A_371 : i32
        %ne3A_373 = arith.xori %lt3A_370, %lt3A_372 : i1
        %and3A_374 = arith.andi %ne3A_373, %ne3A_369 : i1
        %add3A_375 = arith.addi %rem3A_367, %select_n3A_366 : i32
        %select_n3A_376 = arith.select %and3A_374, %add3A_375, %rem3A_367 : i32
        %eq3A_377 = vector.broadcast %select_n3A_376 : i32 to vector<16xi32>
        %eq3A_378 = arith.cmpi eq, %iota3A, %eq3A_377 : vector<16xi32>
        %select_n3A_379 = arith.select %eq3A_378, %add3A_362, %while3A_46 : vector<16xi1>, vector<16xf32>
        scf.yield %select_n3A_379 : vector<16xf32>
      }
      %while3A_39 = arith.constant 1 : i32
      %while3A_40 = scf.for %while3A_45 = %while3A_36 to %while3A_32 step %while3A_39 iter_args(%while3A_46 = %while3A_38) -> (vector<16xf32>)  : i32 {
        %get3A = arith.index_cast %while3A_45 : i32 to index
        %get3A_47 = tpu.vector_load %arg20[%get3A] {strides = array<i32>} : memref<80xi32, #tpu.memory_space<vmem>>, vector<16xi32>,
        %slice3A = vector.extract_strided_slice %get3A_47 {offsets = [0], sizes = [1], strides = [1]} : vector<16xi32> to vector<1xi32>
        %squeeze3A = vector.extract %slice3A[0] : i32 from vector<1xi32>
        %get3A_48 = arith.index_cast %while3A_45 : i32 to index
        %get3A_49 = tpu.vector_load %arg21[%get3A_48] {strides = array<i32>} : memref<80xi32, #tpu.memory_space<vmem>>, vector<16xi32>,
        %slice3A_50 = vector.extract_strided_slice %get3A_49 {offsets = [0], sizes = [1], strides = [1]} : vector<16xi32> to vector<1xi32>
        %squeeze3A_51 = vector.extract %slice3A_50[0] : i32 from vector<1xi32>
        %get3A_52 = arith.index_cast %squeeze3A : i32 to index
        %get3A_53 = tpu.vector_load %arg10[%get3A_52] {strides = array<i32>} : memref<10240xi32, #tpu.memory_space<vmem>>, vector<16xi32>,
        %slice3A_54 = vector.extract_strided_slice %get3A_53 {offsets = [0], sizes = [1], strides = [1]} : vector<16xi32> to vector<1xi32>
        %squeeze3A_55 = vector.extract %slice3A_54[0] : i32 from vector<1xi32>
        %get3A_56 = arith.index_cast %squeeze3A_51 : i32 to index
        %get3A_57 = tpu.vector_load %arg10[%get3A_56] {strides = array<i32>} : memref<10240xi32, #tpu.memory_space<vmem>>, vector<16xi32>,
        %slice3A_58 = vector.extract_strided_slice %get3A_57 {offsets = [0], sizes = [1], strides = [1]} : vector<16xi32> to vector<1xi32>
        %squeeze3A_59 = vector.extract %slice3A_58[0] : i32 from vector<1xi32>
        %add3A_60 = arith.constant 1 : i32
        %add3A_61 = arith.addi %squeeze3A, %add3A_60 : i32
        %get3A_62 = arith.index_cast %add3A_61 : i32 to index
        %get3A_63 = tpu.vector_load %arg10[%get3A_62] {strides = array<i32>} : memref<10240xi32, #tpu.memory_space<vmem>>, vector<16xi32>,
        %slice3A_64 = vector.extract_strided_slice %get3A_63 {offsets = [0], sizes = [1], strides = [1]} : vector<16xi32> to vector<1xi32>
        %squeeze3A_65 = vector.extract %slice3A_64[0] : i32 from vector<1xi32>
        %sub3A = arith.subi %squeeze3A_65, %squeeze3A_55 : i32
        %add3A_66 = arith.constant 1 : i32
        %add3A_67 = arith.addi %squeeze3A_51, %add3A_66 : i32
        %get3A_68 = arith.index_cast %add3A_67 : i32 to index
        %get3A_69 = tpu.vector_load %arg10[%get3A_68] {strides = array<i32>} : memref<10240xi32, #tpu.memory_space<vmem>>, vector<16xi32>,
        %slice3A_70 = vector.extract_strided_slice %get3A_69 {offsets = [0], sizes = [1], strides = [1]} : vector<16xi32> to vector<1xi32>
        %squeeze3A_71 = vector.extract %slice3A_70[0] : i32 from vector<1xi32>
        %sub3A_72 = arith.subi %squeeze3A_71, %squeeze3A_59 : i32
        %jit3A = arith.constant 8 : i32
        %div3A = arith.divsi %squeeze3A_55, %jit3A : i32
        %sign3A = arith.constant 0 : i32
        %sign3A_73 = arith.cmpi sgt, %squeeze3A_55, %sign3A : i32
        %sign3A_74 = arith.extui %sign3A_73 : i1 to i32
        %sign3A_75 = arith.constant 0 : i32
        %sign3A_76 = arith.cmpi slt, %squeeze3A_55, %sign3A_75 : i32
        %sign3A_77 = arith.extui %sign3A_76 : i1 to i32
        %sign3A_78 = arith.subi %sign3A_74, %sign3A_77 : i32
        %sign3A_79 = arith.constant 0 : i32
        %sign3A_80 = arith.cmpi sgt, %jit3A, %sign3A_79 : i32
        %sign3A_81 = arith.extui %sign3A_80 : i1 to i32
        %sign3A_82 = arith.constant 0 : i32
        %sign3A_83 = arith.cmpi slt, %jit3A, %sign3A_82 : i32
        %sign3A_84 = arith.extui %sign3A_83 : i1 to i32
        %sign3A_85 = arith.subi %sign3A_81, %sign3A_84 : i32
        %ne3A = arith.cmpi ne, %sign3A_78, %sign3A_85 : i32
        %rem3A = arith.remsi %squeeze3A_55, %jit3A : i32
        %ne3A_86 = arith.constant 0 : i32
        %ne3A_87 = arith.cmpi ne, %rem3A, %ne3A_86 : i32
        %and3A = arith.andi %ne3A, %ne3A_87 : i1
        %sub3A_88 = arith.constant 1 : i32
        %sub3A_89 = arith.subi %div3A, %sub3A_88 : i32
        %select_n3A = arith.select %and3A, %sub3A_89, %div3A : i32
        %mul3A_90 = arith.constant 8 : i32
        %mul3A_91 = arith.muli %select_n3A, %mul3A_90 : i32
        %sub3A_92 = arith.subi %squeeze3A_55, %mul3A_91 : i32
        %jit3A_93 = arith.constant 8 : i32
        %div3A_94 = arith.divsi %squeeze3A_59, %jit3A_93 : i32
        %sign3A_95 = arith.constant 0 : i32
        %sign3A_96 = arith.cmpi sgt, %squeeze3A_59, %sign3A_95 : i32
        %sign3A_97 = arith.extui %sign3A_96 : i1 to i32
        %sign3A_98 = arith.constant 0 : i32
        %sign3A_99 = arith.cmpi slt, %squeeze3A_59, %sign3A_98 : i32
        %sign3A_100 = arith.extui %sign3A_99 : i1 to i32
        %sign3A_101 = arith.subi %sign3A_97, %sign3A_100 : i32
        %sign3A_102 = arith.constant 0 : i32
        %sign3A_103 = arith.cmpi sgt, %jit3A_93, %sign3A_102 : i32
        %sign3A_104 = arith.extui %sign3A_103 : i1 to i32
        %sign3A_105 = arith.constant 0 : i32
        %sign3A_106 = arith.cmpi slt, %jit3A_93, %sign3A_105 : i32
        %sign3A_107 = arith.extui %sign3A_106 : i1 to i32
        %sign3A_108 = arith.subi %sign3A_104, %sign3A_107 : i32
        %ne3A_109 = arith.cmpi ne, %sign3A_101, %sign3A_108 : i32
        %rem3A_110 = arith.remsi %squeeze3A_59, %jit3A_93 : i32
        %ne3A_111 = arith.constant 0 : i32
        %ne3A_112 = arith.cmpi ne, %rem3A_110, %ne3A_111 : i32
        %and3A_113 = arith.andi %ne3A_109, %ne3A_112 : i1
        %sub3A_114 = arith.constant 1 : i32
        %sub3A_115 = arith.subi %div3A_94, %sub3A_114 : i32
        %select_n3A_116 = arith.select %and3A_113, %sub3A_115, %div3A_94 : i32
        %mul3A_117 = arith.constant 8 : i32
        %mul3A_118 = arith.muli %select_n3A_116, %mul3A_117 : i32
        %sub3A_119 = arith.subi %squeeze3A_59, %mul3A_118 : i32
        %broadcast_in_dim3A_120 = arith.constant 0.000000e+00 : f32
        %broadcast_in_dim3A_121 = vector.broadcast %broadcast_in_dim3A_120 : f32 to vector<16xf32>
        %mul3A_122 = arith.constant 256 : i32
        %mul3A_123 = arith.muli %while3A_45, %mul3A_122 : i32
        %add3A_124 = arith.constant 0 : i32
        %add3A_125 = arith.addi %mul3A_123, %add3A_124 : i32
        %get3A_126 = arith.index_cast %add3A_125 : i32 to index
        %get3A_127 = tpu.vector_load %arg13[%get3A_126] {strides = array<i32>} : memref<16400xf32, #tpu.memory_space<vmem>>, vector<16xf32>,
        %get3A_128 = arith.index_cast %add3A_125 : i32 to index
        %get3A_129 = tpu.vector_load %arg14[%get3A_128] {strides = array<i32>} : memref<16400xf32, #tpu.memory_space<vmem>>, vector<16xf32>,
        %mul3A_130 = arith.mulf %get3A_127, %get3A_129 : vector<16xf32>
        %get3A_131 = arith.constant 0 : index
        %get3A_132 = tpu.vector_load %arg18[%get3A_131] {strides = array<i32>} : memref<256xf32, #tpu.memory_space<vmem>>, vector<16xf32>,
        %mul3A_133 = arith.mulf %mul3A_130, %get3A_132 : vector<16xf32>
        %add3A_134 = arith.addf %broadcast_in_dim3A_121, %mul3A_133 : vector<16xf32>
        %mul3A_135 = arith.constant 256 : i32
        %mul3A_136 = arith.muli %while3A_45, %mul3A_135 : i32
        %add3A_137 = arith.constant 16 : i32
        %add3A_138 = arith.addi %mul3A_136, %add3A_137 : i32
        %get3A_139 = arith.index_cast %add3A_138 : i32 to index
        %get3A_140 = tpu.vector_load %arg13[%get3A_139] {strides = array<i32>} : memref<16400xf32, #tpu.memory_space<vmem>>, vector<16xf32>,
        %get3A_141 = arith.index_cast %add3A_138 : i32 to index
        %get3A_142 = tpu.vector_load %arg14[%get3A_141] {strides = array<i32>} : memref<16400xf32, #tpu.memory_space<vmem>>, vector<16xf32>,
        %mul3A_143 = arith.mulf %get3A_140, %get3A_142 : vector<16xf32>
        %get3A_144 = arith.constant 16 : index
        %get3A_145 = tpu.vector_load %arg18[%get3A_144] {strides = array<i32>} : memref<256xf32, #tpu.memory_space<vmem>>, vector<16xf32>,
        %mul3A_146 = arith.mulf %mul3A_143, %get3A_145 : vector<16xf32>
        %add3A_147 = arith.addf %add3A_134, %mul3A_146 : vector<16xf32>
        %mul3A_148 = arith.constant 256 : i32
        %mul3A_149 = arith.muli %while3A_45, %mul3A_148 : i32
        %add3A_150 = arith.constant 32 : i32
        %add3A_151 = arith.addi %mul3A_149, %add3A_150 : i32
        %get3A_152 = arith.index_cast %add3A_151 : i32 to index
        %get3A_153 = tpu.vector_load %arg13[%get3A_152] {strides = array<i32>} : memref<16400xf32, #tpu.memory_space<vmem>>, vector<16xf32>,
        %get3A_154 = arith.index_cast %add3A_151 : i32 to index
        %get3A_155 = tpu.vector_load %arg14[%get3A_154] {strides = array<i32>} : memref<16400xf32, #tpu.memory_space<vmem>>, vector<16xf32>,
        %mul3A_156 = arith.mulf %get3A_153, %get3A_155 : vector<16xf32>
        %get3A_157 = arith.constant 32 : index
        %get3A_158 = tpu.vector_load %arg18[%get3A_157] {strides = array<i32>} : memref<256xf32, #tpu.memory_space<vmem>>, vector<16xf32>,
        %mul3A_159 = arith.mulf %mul3A_156, %get3A_158 : vector<16xf32>
        %add3A_160 = arith.addf %add3A_147, %mul3A_159 : vector<16xf32>
        %mul3A_161 = arith.constant 256 : i32
        %mul3A_162 = arith.muli %while3A_45, %mul3A_161 : i32
        %add3A_163 = arith.constant 48 : i32
        %add3A_164 = arith.addi %mul3A_162, %add3A_163 : i32
        %get3A_165 = arith.index_cast %add3A_164 : i32 to index
        %get3A_166 = tpu.vector_load %arg13[%get3A_165] {strides = array<i32>} : memref<16400xf32, #tpu.memory_space<vmem>>, vector<16xf32>,
        %get3A_167 = arith.index_cast %add3A_164 : i32 to index
        %get3A_168 = tpu.vector_load %arg14[%get3A_167] {strides = array<i32>} : memref<16400xf32, #tpu.memory_space<vmem>>, vector<16xf32>,
        %mul3A_169 = arith.mulf %get3A_166, %get3A_168 : vector<16xf32>
        %get3A_170 = arith.constant 48 : index
        %get3A_171 = tpu.vector_load %arg18[%get3A_170] {strides = array<i32>} : memref<256xf32, #tpu.memory_space<vmem>>, vector<16xf32>,
        %mul3A_172 = arith.mulf %mul3A_169, %get3A_171 : vector<16xf32>
        %add3A_173 = arith.addf %add3A_160, %mul3A_172 : vector<16xf32>
        %mul3A_174 = arith.constant 256 : i32
        %mul3A_175 = arith.muli %while3A_45, %mul3A_174 : i32
        %add3A_176 = arith.constant 64 : i32
        %add3A_177 = arith.addi %mul3A_175, %add3A_176 : i32
        %get3A_178 = arith.index_cast %add3A_177 : i32 to index
        %get3A_179 = tpu.vector_load %arg13[%get3A_178] {strides = array<i32>} : memref<16400xf32, #tpu.memory_space<vmem>>, vector<16xf32>,
        %get3A_180 = arith.index_cast %add3A_177 : i32 to index
        %get3A_181 = tpu.vector_load %arg14[%get3A_180] {strides = array<i32>} : memref<16400xf32, #tpu.memory_space<vmem>>, vector<16xf32>,
        %mul3A_182 = arith.mulf %get3A_179, %get3A_181 : vector<16xf32>
        %get3A_183 = arith.constant 64 : index
        %get3A_184 = tpu.vector_load %arg18[%get3A_183] {strides = array<i32>} : memref<256xf32, #tpu.memory_space<vmem>>, vector<16xf32>,
        %mul3A_185 = arith.mulf %mul3A_182, %get3A_184 : vector<16xf32>
        %add3A_186 = arith.addf %add3A_173, %mul3A_185 : vector<16xf32>
        %mul3A_187 = arith.constant 256 : i32
        %mul3A_188 = arith.muli %while3A_45, %mul3A_187 : i32
        %add3A_189 = arith.constant 80 : i32
        %add3A_190 = arith.addi %mul3A_188, %add3A_189 : i32
        %get3A_191 = arith.index_cast %add3A_190 : i32 to index
        %get3A_192 = tpu.vector_load %arg13[%get3A_191] {strides = array<i32>} : memref<16400xf32, #tpu.memory_space<vmem>>, vector<16xf32>,
        %get3A_193 = arith.index_cast %add3A_190 : i32 to index
        %get3A_194 = tpu.vector_load %arg14[%get3A_193] {strides = array<i32>} : memref<16400xf32, #tpu.memory_space<vmem>>, vector<16xf32>,
        %mul3A_195 = arith.mulf %get3A_192, %get3A_194 : vector<16xf32>
        %get3A_196 = arith.constant 80 : index
        %get3A_197 = tpu.vector_load %arg18[%get3A_196] {strides = array<i32>} : memref<256xf32, #tpu.memory_space<vmem>>, vector<16xf32>,
        %mul3A_198 = arith.mulf %mul3A_195, %get3A_197 : vector<16xf32>
        %add3A_199 = arith.addf %add3A_186, %mul3A_198 : vector<16xf32>
        %mul3A_200 = arith.constant 256 : i32
        %mul3A_201 = arith.muli %while3A_45, %mul3A_200 : i32
        %add3A_202 = arith.constant 96 : i32
        %add3A_203 = arith.addi %mul3A_201, %add3A_202 : i32
        %get3A_204 = arith.index_cast %add3A_203 : i32 to index
        %get3A_205 = tpu.vector_load %arg13[%get3A_204] {strides = array<i32>} : memref<16400xf32, #tpu.memory_space<vmem>>, vector<16xf32>,
        %get3A_206 = arith.index_cast %add3A_203 : i32 to index
        %get3A_207 = tpu.vector_load %arg14[%get3A_206] {strides = array<i32>} : memref<16400xf32, #tpu.memory_space<vmem>>, vector<16xf32>,
        %mul3A_208 = arith.mulf %get3A_205, %get3A_207 : vector<16xf32>
        %get3A_209 = arith.constant 96 : index
        %get3A_210 = tpu.vector_load %arg18[%get3A_209] {strides = array<i32>} : memref<256xf32, #tpu.memory_space<vmem>>, vector<16xf32>,
        %mul3A_211 = arith.mulf %mul3A_208, %get3A_210 : vector<16xf32>
        %add3A_212 = arith.addf %add3A_199, %mul3A_211 : vector<16xf32>
        %mul3A_213 = arith.constant 256 : i32
        %mul3A_214 = arith.muli %while3A_45, %mul3A_213 : i32
        %add3A_215 = arith.constant 112 : i32
        %add3A_216 = arith.addi %mul3A_214, %add3A_215 : i32
        %get3A_217 = arith.index_cast %add3A_216 : i32 to index
        %get3A_218 = tpu.vector_load %arg13[%get3A_217] {strides = array<i32>} : memref<16400xf32, #tpu.memory_space<vmem>>, vector<16xf32>,
        %get3A_219 = arith.index_cast %add3A_216 : i32 to index
        %get3A_220 = tpu.vector_load %arg14[%get3A_219] {strides = array<i32>} : memref<16400xf32, #tpu.memory_space<vmem>>, vector<16xf32>,
        %mul3A_221 = arith.mulf %get3A_218, %get3A_220 : vector<16xf32>
        %get3A_222 = arith.constant 112 : index
        %get3A_223 = tpu.vector_load %arg18[%get3A_222] {strides = array<i32>} : memref<256xf32, #tpu.memory_space<vmem>>, vector<16xf32>,
        %mul3A_224 = arith.mulf %mul3A_221, %get3A_223 : vector<16xf32>
        %add3A_225 = arith.addf %add3A_212, %mul3A_224 : vector<16xf32>
        %mul3A_226 = arith.constant 256 : i32
        %mul3A_227 = arith.muli %while3A_45, %mul3A_226 : i32
        %add3A_228 = arith.constant 128 : i32
        %add3A_229 = arith.addi %mul3A_227, %add3A_228 : i32
        %get3A_230 = arith.index_cast %add3A_229 : i32 to index
        %get3A_231 = tpu.vector_load %arg13[%get3A_230] {strides = array<i32>} : memref<16400xf32, #tpu.memory_space<vmem>>, vector<16xf32>,
        %get3A_232 = arith.index_cast %add3A_229 : i32 to index
        %get3A_233 = tpu.vector_load %arg14[%get3A_232] {strides = array<i32>} : memref<16400xf32, #tpu.memory_space<vmem>>, vector<16xf32>,
        %mul3A_234 = arith.mulf %get3A_231, %get3A_233 : vector<16xf32>
        %get3A_235 = arith.constant 128 : index
        %get3A_236 = tpu.vector_load %arg18[%get3A_235] {strides = array<i32>} : memref<256xf32, #tpu.memory_space<vmem>>, vector<16xf32>,
        %mul3A_237 = arith.mulf %mul3A_234, %get3A_236 : vector<16xf32>
        %add3A_238 = arith.addf %add3A_225, %mul3A_237 : vector<16xf32>
        %mul3A_239 = arith.constant 256 : i32
        %mul3A_240 = arith.muli %while3A_45, %mul3A_239 : i32
        %add3A_241 = arith.constant 144 : i32
        %add3A_242 = arith.addi %mul3A_240, %add3A_241 : i32
        %get3A_243 = arith.index_cast %add3A_242 : i32 to index
        %get3A_244 = tpu.vector_load %arg13[%get3A_243] {strides = array<i32>} : memref<16400xf32, #tpu.memory_space<vmem>>, vector<16xf32>,
        %get3A_245 = arith.index_cast %add3A_242 : i32 to index
        %get3A_246 = tpu.vector_load %arg14[%get3A_245] {strides = array<i32>} : memref<16400xf32, #tpu.memory_space<vmem>>, vector<16xf32>,
        %mul3A_247 = arith.mulf %get3A_244, %get3A_246 : vector<16xf32>
        %get3A_248 = arith.constant 144 : index
        %get3A_249 = tpu.vector_load %arg18[%get3A_248] {strides = array<i32>} : memref<256xf32, #tpu.memory_space<vmem>>, vector<16xf32>,
        %mul3A_250 = arith.mulf %mul3A_247, %get3A_249 : vector<16xf32>
        %add3A_251 = arith.addf %add3A_238, %mul3A_250 : vector<16xf32>
        %mul3A_252 = arith.constant 256 : i32
        %mul3A_253 = arith.muli %while3A_45, %mul3A_252 : i32
        %add3A_254 = arith.constant 160 : i32
        %add3A_255 = arith.addi %mul3A_253, %add3A_254 : i32
        %get3A_256 = arith.index_cast %add3A_255 : i32 to index
        %get3A_257 = tpu.vector_load %arg13[%get3A_256] {strides = array<i32>} : memref<16400xf32, #tpu.memory_space<vmem>>, vector<16xf32>,
        %get3A_258 = arith.index_cast %add3A_255 : i32 to index
        %get3A_259 = tpu.vector_load %arg14[%get3A_258] {strides = array<i32>} : memref<16400xf32, #tpu.memory_space<vmem>>, vector<16xf32>,
        %mul3A_260 = arith.mulf %get3A_257, %get3A_259 : vector<16xf32>
        %get3A_261 = arith.constant 160 : index
        %get3A_262 = tpu.vector_load %arg18[%get3A_261] {strides = array<i32>} : memref<256xf32, #tpu.memory_space<vmem>>, vector<16xf32>,
        %mul3A_263 = arith.mulf %mul3A_260, %get3A_262 : vector<16xf32>
        %add3A_264 = arith.addf %add3A_251, %mul3A_263 : vector<16xf32>
        %mul3A_265 = arith.constant 256 : i32
        %mul3A_266 = arith.muli %while3A_45, %mul3A_265 : i32
        %add3A_267 = arith.constant 176 : i32
        %add3A_268 = arith.addi %mul3A_266, %add3A_267 : i32
        %get3A_269 = arith.index_cast %add3A_268 : i32 to index
        %get3A_270 = tpu.vector_load %arg13[%get3A_269] {strides = array<i32>} : memref<16400xf32, #tpu.memory_space<vmem>>, vector<16xf32>,
        %get3A_271 = arith.index_cast %add3A_268 : i32 to index
        %get3A_272 = tpu.vector_load %arg14[%get3A_271] {strides = array<i32>} : memref<16400xf32, #tpu.memory_space<vmem>>, vector<16xf32>,
        %mul3A_273 = arith.mulf %get3A_270, %get3A_272 : vector<16xf32>
        %get3A_274 = arith.constant 176 : index
        %get3A_275 = tpu.vector_load %arg18[%get3A_274] {strides = array<i32>} : memref<256xf32, #tpu.memory_space<vmem>>, vector<16xf32>,
        %mul3A_276 = arith.mulf %mul3A_273, %get3A_275 : vector<16xf32>
        %add3A_277 = arith.addf %add3A_264, %mul3A_276 : vector<16xf32>
        %mul3A_278 = arith.constant 256 : i32
        %mul3A_279 = arith.muli %while3A_45, %mul3A_278 : i32
        %add3A_280 = arith.constant 192 : i32
        %add3A_281 = arith.addi %mul3A_279, %add3A_280 : i32
        %get3A_282 = arith.index_cast %add3A_281 : i32 to index
        %get3A_283 = tpu.vector_load %arg13[%get3A_282] {strides = array<i32>} : memref<16400xf32, #tpu.memory_space<vmem>>, vector<16xf32>,
        %get3A_284 = arith.index_cast %add3A_281 : i32 to index
        %get3A_285 = tpu.vector_load %arg14[%get3A_284] {strides = array<i32>} : memref<16400xf32, #tpu.memory_space<vmem>>, vector<16xf32>,
        %mul3A_286 = arith.mulf %get3A_283, %get3A_285 : vector<16xf32>
        %get3A_287 = arith.constant 192 : index
        %get3A_288 = tpu.vector_load %arg18[%get3A_287] {strides = array<i32>} : memref<256xf32, #tpu.memory_space<vmem>>, vector<16xf32>,
        %mul3A_289 = arith.mulf %mul3A_286, %get3A_288 : vector<16xf32>
        %add3A_290 = arith.addf %add3A_277, %mul3A_289 : vector<16xf32>
        %mul3A_291 = arith.constant 256 : i32
        %mul3A_292 = arith.muli %while3A_45, %mul3A_291 : i32
        %add3A_293 = arith.constant 208 : i32
        %add3A_294 = arith.addi %mul3A_292, %add3A_293 : i32
        %get3A_295 = arith.index_cast %add3A_294 : i32 to index
        %get3A_296 = tpu.vector_load %arg13[%get3A_295] {strides = array<i32>} : memref<16400xf32, #tpu.memory_space<vmem>>, vector<16xf32>,
        %get3A_297 = arith.index_cast %add3A_294 : i32 to index
        %get3A_298 = tpu.vector_load %arg14[%get3A_297] {strides = array<i32>} : memref<16400xf32, #tpu.memory_space<vmem>>, vector<16xf32>,
        %mul3A_299 = arith.mulf %get3A_296, %get3A_298 : vector<16xf32>
        %get3A_300 = arith.constant 208 : index
        %get3A_301 = tpu.vector_load %arg18[%get3A_300] {strides = array<i32>} : memref<256xf32, #tpu.memory_space<vmem>>, vector<16xf32>,
        %mul3A_302 = arith.mulf %mul3A_299, %get3A_301 : vector<16xf32>
        %add3A_303 = arith.addf %add3A_290, %mul3A_302 : vector<16xf32>
        %mul3A_304 = arith.constant 256 : i32
        %mul3A_305 = arith.muli %while3A_45, %mul3A_304 : i32
        %add3A_306 = arith.constant 224 : i32
        %add3A_307 = arith.addi %mul3A_305, %add3A_306 : i32
        %get3A_308 = arith.index_cast %add3A_307 : i32 to index
        %get3A_309 = tpu.vector_load %arg13[%get3A_308] {strides = array<i32>} : memref<16400xf32, #tpu.memory_space<vmem>>, vector<16xf32>,
        %get3A_310 = arith.index_cast %add3A_307 : i32 to index
        %get3A_311 = tpu.vector_load %arg14[%get3A_310] {strides = array<i32>} : memref<16400xf32, #tpu.memory_space<vmem>>, vector<16xf32>,
        %mul3A_312 = arith.mulf %get3A_309, %get3A_311 : vector<16xf32>
        %get3A_313 = arith.constant 224 : index
        %get3A_314 = tpu.vector_load %arg18[%get3A_313] {strides = array<i32>} : memref<256xf32, #tpu.memory_space<vmem>>, vector<16xf32>,
        %mul3A_315 = arith.mulf %mul3A_312, %get3A_314 : vector<16xf32>
        %add3A_316 = arith.addf %add3A_303, %mul3A_315 : vector<16xf32>
        %mul3A_317 = arith.constant 256 : i32
        %mul3A_318 = arith.muli %while3A_45, %mul3A_317 : i32
        %add3A_319 = arith.constant 240 : i32
        %add3A_320 = arith.addi %mul3A_318, %add3A_319 : i32
        %get3A_321 = arith.index_cast %add3A_320 : i32 to index
        %get3A_322 = tpu.vector_load %arg13[%get3A_321] {strides = array<i32>} : memref<16400xf32, #tpu.memory_space<vmem>>, vector<16xf32>,
        %get3A_323 = arith.index_cast %add3A_320 : i32 to index
        %get3A_324 = tpu.vector_load %arg14[%get3A_323] {strides = array<i32>} : memref<16400xf32, #tpu.memory_space<vmem>>, vector<16xf32>,
        %mul3A_325 = arith.mulf %get3A_322, %get3A_324 : vector<16xf32>
        %get3A_326 = arith.constant 240 : index
        %get3A_327 = tpu.vector_load %arg18[%get3A_326] {strides = array<i32>} : memref<256xf32, #tpu.memory_space<vmem>>, vector<16xf32>,
        %mul3A_328 = arith.mulf %mul3A_325, %get3A_327 : vector<16xf32>
        %add3A_329 = arith.addf %add3A_316, %mul3A_328 : vector<16xf32>
        %add3A_330 = arith.addi %sub3A_92, %sub3A : i32
        %gt3A = arith.constant 128 : i32
        %gt3A_331 = arith.cmpi sgt, %add3A_330, %gt3A : i32
        %add3A_332 = arith.addi %sub3A_119, %sub3A_72 : i32
        %gt3A_333 = arith.constant 128 : i32
        %gt3A_334 = arith.cmpi sgt, %add3A_332, %gt3A_333 : i32
        %or3A = arith.ori %gt3A_331, %gt3A_334 : i1
        %convert_element_type3A = arith.extui %or3A : i1 to i32
        %cond3A = arith.constant 0 : i32
        %cond3A_335 = arith.cmpi ne, %convert_element_type3A, %cond3A : i32
        %cond3A_336 = scf.if %cond3A_335 -> (vector<16xf32>) {
          %min3A = arith.constant 2048 : i32
          %min3A_380 = arith.minsi %sub3A, %min3A : i32
          %min3A_381 = arith.constant 2048 : i32
          %min3A_382 = arith.minsi %sub3A_72, %min3A_381 : i32
          %add3A_383 = arith.addi %min3A_380, %sub3A_92 : i32
          %add3A_384 = arith.constant 128 : i32
          %add3A_385 = arith.addi %add3A_383, %add3A_384 : i32
          %sub3A_386 = arith.constant 1 : i32
          %sub3A_387 = arith.subi %add3A_385, %sub3A_386 : i32
          %jit3A_388 = arith.constant 128 : i32
          %div3A_389 = arith.divsi %sub3A_387, %jit3A_388 : i32
          %sign3A_390 = arith.constant 0 : i32
          %sign3A_391 = arith.cmpi sgt, %sub3A_387, %sign3A_390 : i32
          %sign3A_392 = arith.extui %sign3A_391 : i1 to i32
          %sign3A_393 = arith.constant 0 : i32
          %sign3A_394 = arith.cmpi slt, %sub3A_387, %sign3A_393 : i32
          %sign3A_395 = arith.extui %sign3A_394 : i1 to i32
          %sign3A_396 = arith.subi %sign3A_392, %sign3A_395 : i32
          %sign3A_397 = arith.constant 0 : i32
          %sign3A_398 = arith.cmpi sgt, %jit3A_388, %sign3A_397 : i32
          %sign3A_399 = arith.extui %sign3A_398 : i1 to i32
          %sign3A_400 = arith.constant 0 : i32
          %sign3A_401 = arith.cmpi slt, %jit3A_388, %sign3A_400 : i32
          %sign3A_402 = arith.extui %sign3A_401 : i1 to i32
          %sign3A_403 = arith.subi %sign3A_399, %sign3A_402 : i32
          %ne3A_404 = arith.cmpi ne, %sign3A_396, %sign3A_403 : i32
          %rem3A_405 = arith.remsi %sub3A_387, %jit3A_388 : i32
          %ne3A_406 = arith.constant 0 : i32
          %ne3A_407 = arith.cmpi ne, %rem3A_405, %ne3A_406 : i32
          %and3A_408 = arith.andi %ne3A_404, %ne3A_407 : i1
          %sub3A_409 = arith.constant 1 : i32
          %sub3A_410 = arith.subi %div3A_389, %sub3A_409 : i32
          %select_n3A_411 = arith.select %and3A_408, %sub3A_410, %div3A_389 : i32
          %while3A_412 = arith.constant 0 : i32
          %while3A_413 = arith.constant 0 : i32
          %while3A_414 = arith.subi %select_n3A_411, %while3A_412 : i32
          %while3A_415 = arith.addi %while3A_412, %while3A_414 : i32
          %while3A_416 = arith.constant 1 : i32
          %while3A_417 = arith.divsi %while3A_414, %while3A_416 : i32
          %while3A_418 = arith.muli %while3A_417, %while3A_416 : i32
          %while3A_419 = arith.addi %while3A_412, %while3A_418 : i32
          %while3A_420 = arith.constant 1 : i32
          %while3A_421 = scf.for %while3A_502 = %while3A_412 to %while3A_419 step %while3A_420 iter_args(%while3A_503 = %while3A_413) -> (i32)  : i32 {
            %sub3A_504 = arith.subi %squeeze3A_55, %sub3A_92 : i32
            %mul3A_505 = arith.constant 128 : i32
            %mul3A_506 = arith.muli %while3A_502, %mul3A_505 : i32
            %add3A_507 = arith.addi %sub3A_504, %mul3A_506 : i32
            %mul3A_508 = arith.constant 128 : i32
            %mul3A_509 = arith.muli %while3A_502, %mul3A_508 : i32
            "tpu.region"() ({
              %run_scoped3A = tpu.sem_alloc : memref<!tpu.dma_semaphore, #tpu.memory_space<semaphore_mem>>
              %dma_start3A = tpu.memref_slice %arg11[%mul3A_509] : memref<2176xi32, #tpu.memory_space<vmem>> -> memref<128xi32, #tpu.memory_space<vmem>>
              %dma_start3A_511 = tpu.memref_slice %arg3[%add3A_507] : memref<160192xi32, #tpu.memory_space<hbm>> -> memref<128xi32, #tpu.memory_space<hbm>>
              %dma_start3A_512 = tpu.memref_slice %arg11[%mul3A_509] : memref<2176xi32, #tpu.memory_space<vmem>> -> memref<128xi32, #tpu.memory_space<vmem>>
              %dma_start3A_513 = tpu.memref_slice %arg3[%add3A_507] : memref<160192xi32, #tpu.memory_space<hbm>> -> memref<128xi32, #tpu.memory_space<hbm>>
              tpu.enqueue_dma source(%dma_start3A_513 : memref<128xi32, #tpu.memory_space<hbm>>) target(%dma_start3A_512 : memref<128xi32, #tpu.memory_space<vmem>>) target_semaphore(%run_scoped3A : memref<!tpu.dma_semaphore, #tpu.memory_space<semaphore_mem>>)
              %dma_wait3A = tpu.memref_slice %arg11[%mul3A_509] : memref<2176xi32, #tpu.memory_space<vmem>> -> memref<128xi32, #tpu.memory_space<vmem>>
              %dma_wait3A_514 = tpu.memref_slice %arg3[%add3A_507] : memref<160192xi32, #tpu.memory_space<hbm>> -> memref<128xi32, #tpu.memory_space<hbm>>
              %dma_wait3A_515 = tpu.memref_slice %arg11[%mul3A_509] : memref<2176xi32, #tpu.memory_space<vmem>> -> memref<128xi32, #tpu.memory_space<vmem>>
              %dma_wait3A_516 = tpu.memref_slice %arg3[%add3A_507] : memref<160192xi32, #tpu.memory_space<hbm>> -> memref<128xi32, #tpu.memory_space<hbm>>
              tpu.wait_dma2 semaphore(%run_scoped3A : memref<!tpu.dma_semaphore, #tpu.memory_space<semaphore_mem>>) src(%dma_wait3A_516 : memref<128xi32, #tpu.memory_space<hbm>>) dst(%dma_wait3A_515 : memref<128xi32, #tpu.memory_space<vmem>>)
              tpu.yield
            }) : () -> ()
            %while3A_510 = arith.constant 0 : i32
            scf.yield %while3A_510 : i32
          }
          %while3A_422 = arith.constant 1 : i32
          %while3A_423 = scf.for %while3A_502 = %while3A_419 to %while3A_415 step %while3A_422 iter_args(%while3A_503 = %while3A_421) -> (i32)  : i32 {
            %sub3A_504 = arith.subi %squeeze3A_55, %sub3A_92 : i32
            %mul3A_505 = arith.constant 128 : i32
            %mul3A_506 = arith.muli %while3A_502, %mul3A_505 : i32
            %add3A_507 = arith.addi %sub3A_504, %mul3A_506 : i32
            %mul3A_508 = arith.constant 128 : i32
            %mul3A_509 = arith.muli %while3A_502, %mul3A_508 : i32
            "tpu.region"() ({
              %run_scoped3A = tpu.sem_alloc : memref<!tpu.dma_semaphore, #tpu.memory_space<semaphore_mem>>
              %dma_start3A = tpu.memref_slice %arg11[%mul3A_509] : memref<2176xi32, #tpu.memory_space<vmem>> -> memref<128xi32, #tpu.memory_space<vmem>>
              %dma_start3A_511 = tpu.memref_slice %arg3[%add3A_507] : memref<160192xi32, #tpu.memory_space<hbm>> -> memref<128xi32, #tpu.memory_space<hbm>>
              %dma_start3A_512 = tpu.memref_slice %arg11[%mul3A_509] : memref<2176xi32, #tpu.memory_space<vmem>> -> memref<128xi32, #tpu.memory_space<vmem>>
              %dma_start3A_513 = tpu.memref_slice %arg3[%add3A_507] : memref<160192xi32, #tpu.memory_space<hbm>> -> memref<128xi32, #tpu.memory_space<hbm>>
              tpu.enqueue_dma source(%dma_start3A_513 : memref<128xi32, #tpu.memory_space<hbm>>) target(%dma_start3A_512 : memref<128xi32, #tpu.memory_space<vmem>>) target_semaphore(%run_scoped3A : memref<!tpu.dma_semaphore, #tpu.memory_space<semaphore_mem>>)
              %dma_wait3A = tpu.memref_slice %arg11[%mul3A_509] : memref<2176xi32, #tpu.memory_space<vmem>> -> memref<128xi32, #tpu.memory_space<vmem>>
              %dma_wait3A_514 = tpu.memref_slice %arg3[%add3A_507] : memref<160192xi32, #tpu.memory_space<hbm>> -> memref<128xi32, #tpu.memory_space<hbm>>
              %dma_wait3A_515 = tpu.memref_slice %arg11[%mul3A_509] : memref<2176xi32, #tpu.memory_space<vmem>> -> memref<128xi32, #tpu.memory_space<vmem>>
              %dma_wait3A_516 = tpu.memref_slice %arg3[%add3A_507] : memref<160192xi32, #tpu.memory_space<hbm>> -> memref<128xi32, #tpu.memory_space<hbm>>
              tpu.wait_dma2 semaphore(%run_scoped3A : memref<!tpu.dma_semaphore, #tpu.memory_space<semaphore_mem>>) src(%dma_wait3A_516 : memref<128xi32, #tpu.memory_space<hbm>>) dst(%dma_wait3A_515 : memref<128xi32, #tpu.memory_space<vmem>>)
              tpu.yield
            }) : () -> ()
            %while3A_510 = arith.constant 0 : i32
            scf.yield %while3A_510 : i32
          }
          %add3A_424 = arith.addi %min3A_382, %sub3A_119 : i32
          %add3A_425 = arith.constant 128 : i32
          %add3A_426 = arith.addi %add3A_424, %add3A_425 : i32
          %sub3A_427 = arith.constant 1 : i32
          %sub3A_428 = arith.subi %add3A_426, %sub3A_427 : i32
          %jit3A_429 = arith.constant 128 : i32
          %div3A_430 = arith.divsi %sub3A_428, %jit3A_429 : i32
          %sign3A_431 = arith.constant 0 : i32
          %sign3A_432 = arith.cmpi sgt, %sub3A_428, %sign3A_431 : i32
          %sign3A_433 = arith.extui %sign3A_432 : i1 to i32
          %sign3A_434 = arith.constant 0 : i32
          %sign3A_435 = arith.cmpi slt, %sub3A_428, %sign3A_434 : i32
          %sign3A_436 = arith.extui %sign3A_435 : i1 to i32
          %sign3A_437 = arith.subi %sign3A_433, %sign3A_436 : i32
          %sign3A_438 = arith.constant 0 : i32
          %sign3A_439 = arith.cmpi sgt, %jit3A_429, %sign3A_438 : i32
          %sign3A_440 = arith.extui %sign3A_439 : i1 to i32
          %sign3A_441 = arith.constant 0 : i32
          %sign3A_442 = arith.cmpi slt, %jit3A_429, %sign3A_441 : i32
          %sign3A_443 = arith.extui %sign3A_442 : i1 to i32
          %sign3A_444 = arith.subi %sign3A_440, %sign3A_443 : i32
          %ne3A_445 = arith.cmpi ne, %sign3A_437, %sign3A_444 : i32
          %rem3A_446 = arith.remsi %sub3A_428, %jit3A_429 : i32
          %ne3A_447 = arith.constant 0 : i32
          %ne3A_448 = arith.cmpi ne, %rem3A_446, %ne3A_447 : i32
          %and3A_449 = arith.andi %ne3A_445, %ne3A_448 : i1
          %sub3A_450 = arith.constant 1 : i32
          %sub3A_451 = arith.subi %div3A_430, %sub3A_450 : i32
          %select_n3A_452 = arith.select %and3A_449, %sub3A_451, %div3A_430 : i32
          %while3A_453 = arith.constant 0 : i32
          %while3A_454 = arith.constant 0 : i32
          %while3A_455 = arith.subi %select_n3A_452, %while3A_453 : i32
          %while3A_456 = arith.addi %while3A_453, %while3A_455 : i32
          %while3A_457 = arith.constant 1 : i32
          %while3A_458 = arith.divsi %while3A_455, %while3A_457 : i32
          %while3A_459 = arith.muli %while3A_458, %while3A_457 : i32
          %while3A_460 = arith.addi %while3A_453, %while3A_459 : i32
          %while3A_461 = arith.constant 1 : i32
          %while3A_462 = scf.for %while3A_502 = %while3A_453 to %while3A_460 step %while3A_461 iter_args(%while3A_503 = %while3A_454) -> (i32)  : i32 {
            %sub3A_504 = arith.subi %squeeze3A_59, %sub3A_119 : i32
            %mul3A_505 = arith.constant 128 : i32
            %mul3A_506 = arith.muli %while3A_502, %mul3A_505 : i32
            %add3A_507 = arith.addi %sub3A_504, %mul3A_506 : i32
            %mul3A_508 = arith.constant 128 : i32
            %mul3A_509 = arith.muli %while3A_502, %mul3A_508 : i32
            "tpu.region"() ({
              %run_scoped3A = tpu.sem_alloc : memref<!tpu.dma_semaphore, #tpu.memory_space<semaphore_mem>>
              %dma_start3A = tpu.memref_slice %arg12[%mul3A_509] : memref<2176xi32, #tpu.memory_space<vmem>> -> memref<128xi32, #tpu.memory_space<vmem>>
              %dma_start3A_511 = tpu.memref_slice %arg3[%add3A_507] : memref<160192xi32, #tpu.memory_space<hbm>> -> memref<128xi32, #tpu.memory_space<hbm>>
              %dma_start3A_512 = tpu.memref_slice %arg12[%mul3A_509] : memref<2176xi32, #tpu.memory_space<vmem>> -> memref<128xi32, #tpu.memory_space<vmem>>
              %dma_start3A_513 = tpu.memref_slice %arg3[%add3A_507] : memref<160192xi32, #tpu.memory_space<hbm>> -> memref<128xi32, #tpu.memory_space<hbm>>
              tpu.enqueue_dma source(%dma_start3A_513 : memref<128xi32, #tpu.memory_space<hbm>>) target(%dma_start3A_512 : memref<128xi32, #tpu.memory_space<vmem>>) target_semaphore(%run_scoped3A : memref<!tpu.dma_semaphore, #tpu.memory_space<semaphore_mem>>)
              %dma_wait3A = tpu.memref_slice %arg12[%mul3A_509] : memref<2176xi32, #tpu.memory_space<vmem>> -> memref<128xi32, #tpu.memory_space<vmem>>
              %dma_wait3A_514 = tpu.memref_slice %arg3[%add3A_507] : memref<160192xi32, #tpu.memory_space<hbm>> -> memref<128xi32, #tpu.memory_space<hbm>>
              %dma_wait3A_515 = tpu.memref_slice %arg12[%mul3A_509] : memref<2176xi32, #tpu.memory_space<vmem>> -> memref<128xi32, #tpu.memory_space<vmem>>
              %dma_wait3A_516 = tpu.memref_slice %arg3[%add3A_507] : memref<160192xi32, #tpu.memory_space<hbm>> -> memref<128xi32, #tpu.memory_space<hbm>>
              tpu.wait_dma2 semaphore(%run_scoped3A : memref<!tpu.dma_semaphore, #tpu.memory_space<semaphore_mem>>) src(%dma_wait3A_516 : memref<128xi32, #tpu.memory_space<hbm>>) dst(%dma_wait3A_515 : memref<128xi32, #tpu.memory_space<vmem>>)
              tpu.yield
            }) : () -> ()
            %while3A_510 = arith.constant 0 : i32
            scf.yield %while3A_510 : i32
          }
          %while3A_463 = arith.constant 1 : i32
          %while3A_464 = scf.for %while3A_502 = %while3A_460 to %while3A_456 step %while3A_463 iter_args(%while3A_503 = %while3A_462) -> (i32)  : i32 {
            %sub3A_504 = arith.subi %squeeze3A_59, %sub3A_119 : i32
            %mul3A_505 = arith.constant 128 : i32
            %mul3A_506 = arith.muli %while3A_502, %mul3A_505 : i32
            %add3A_507 = arith.addi %sub3A_504, %mul3A_506 : i32
            %mul3A_508 = arith.constant 128 : i32
            %mul3A_509 = arith.muli %while3A_502, %mul3A_508 : i32
            "tpu.region"() ({
              %run_scoped3A = tpu.sem_alloc : memref<!tpu.dma_semaphore, #tpu.memory_space<semaphore_mem>>
              %dma_start3A = tpu.memref_slice %arg12[%mul3A_509] : memref<2176xi32, #tpu.memory_space<vmem>> -> memref<128xi32, #tpu.memory_space<vmem>>
              %dma_start3A_511 = tpu.memref_slice %arg3[%add3A_507] : memref<160192xi32, #tpu.memory_space<hbm>> -> memref<128xi32, #tpu.memory_space<hbm>>
              %dma_start3A_512 = tpu.memref_slice %arg12[%mul3A_509] : memref<2176xi32, #tpu.memory_space<vmem>> -> memref<128xi32, #tpu.memory_space<vmem>>
              %dma_start3A_513 = tpu.memref_slice %arg3[%add3A_507] : memref<160192xi32, #tpu.memory_space<hbm>> -> memref<128xi32, #tpu.memory_space<hbm>>
              tpu.enqueue_dma source(%dma_start3A_513 : memref<128xi32, #tpu.memory_space<hbm>>) target(%dma_start3A_512 : memref<128xi32, #tpu.memory_space<vmem>>) target_semaphore(%run_scoped3A : memref<!tpu.dma_semaphore, #tpu.memory_space<semaphore_mem>>)
              %dma_wait3A = tpu.memref_slice %arg12[%mul3A_509] : memref<2176xi32, #tpu.memory_space<vmem>> -> memref<128xi32, #tpu.memory_space<vmem>>
              %dma_wait3A_514 = tpu.memref_slice %arg3[%add3A_507] : memref<160192xi32, #tpu.memory_space<hbm>> -> memref<128xi32, #tpu.memory_space<hbm>>
              %dma_wait3A_515 = tpu.memref_slice %arg12[%mul3A_509] : memref<2176xi32, #tpu.memory_space<vmem>> -> memref<128xi32, #tpu.memory_space<vmem>>
              %dma_wait3A_516 = tpu.memref_slice %arg3[%add3A_507] : memref<160192xi32, #tpu.memory_space<hbm>> -> memref<128xi32, #tpu.memory_space<hbm>>
              tpu.wait_dma2 semaphore(%run_scoped3A : memref<!tpu.dma_semaphore, #tpu.memory_space<semaphore_mem>>) src(%dma_wait3A_516 : memref<128xi32, #tpu.memory_space<hbm>>) dst(%dma_wait3A_515 : memref<128xi32, #tpu.memory_space<vmem>>)
              tpu.yield
            }) : () -> ()
            %while3A_510 = arith.constant 0 : i32
            scf.yield %while3A_510 : i32
          }
          %add3A_465 = arith.constant 15 : i32
          %add3A_466 = arith.addi %min3A_382, %add3A_465 : i32
          %jit3A_467 = arith.constant 16 : i32
          %div3A_468 = arith.divsi %add3A_466, %jit3A_467 : i32
          %sign3A_469 = arith.constant 0 : i32
          %sign3A_470 = arith.cmpi sgt, %add3A_466, %sign3A_469 : i32
          %sign3A_471 = arith.extui %sign3A_470 : i1 to i32
          %sign3A_472 = arith.constant 0 : i32
          %sign3A_473 = arith.cmpi slt, %add3A_466, %sign3A_472 : i32
          %sign3A_474 = arith.extui %sign3A_473 : i1 to i32
          %sign3A_475 = arith.subi %sign3A_471, %sign3A_474 : i32
          %sign3A_476 = arith.constant 0 : i32
          %sign3A_477 = arith.cmpi sgt, %jit3A_467, %sign3A_476 : i32
          %sign3A_478 = arith.extui %sign3A_477 : i1 to i32
          %sign3A_479 = arith.constant 0 : i32
          %sign3A_480 = arith.cmpi slt, %jit3A_467, %sign3A_479 : i32
          %sign3A_481 = arith.extui %sign3A_480 : i1 to i32
          %sign3A_482 = arith.subi %sign3A_478, %sign3A_481 : i32
          %ne3A_483 = arith.cmpi ne, %sign3A_475, %sign3A_482 : i32
          %rem3A_484 = arith.remsi %add3A_466, %jit3A_467 : i32
          %ne3A_485 = arith.constant 0 : i32
          %ne3A_486 = arith.cmpi ne, %rem3A_484, %ne3A_485 : i32
          %and3A_487 = arith.andi %ne3A_483, %ne3A_486 : i1
          %sub3A_488 = arith.constant 1 : i32
          %sub3A_489 = arith.subi %div3A_468, %sub3A_488 : i32
          %select_n3A_490 = arith.select %and3A_487, %sub3A_489, %div3A_468 : i32
          %while3A_491 = arith.constant 0 : i32
          %while3A_492 = arith.subi %select_n3A_490, %while3A_491 : i32
          %while3A_493 = arith.addi %while3A_491, %while3A_492 : i32
          %while3A_494 = arith.constant 1 : i32
          %while3A_495 = arith.divsi %while3A_492, %while3A_494 : i32
          %while3A_496 = arith.muli %while3A_495, %while3A_494 : i32
          %while3A_497 = arith.addi %while3A_491, %while3A_496 : i32
          %while3A_498 = arith.constant 1 : i32
          %while3A_499 = scf.for %while3A_502 = %while3A_491 to %while3A_497 step %while3A_498 iter_args(%while3A_503 = %add3A_329) -> (vector<16xf32>)  : i32 {
            %mul3A_504 = arith.constant 16 : i32
            %mul3A_505 = arith.muli %while3A_502, %mul3A_504 : i32
            %add3A_506 = vector.broadcast %mul3A_505 : i32 to vector<16xi32>
            %add3A_507 = arith.addi %add3A_506, %iota3A : vector<16xi32>
            %add3A_508 = arith.constant 0 : i32
            %add3A_509 = arith.addi %add3A_508, %sub3A_119 : i32
            %add3A_510 = vector.broadcast %add3A_509 : i32 to vector<16xi32>
            %add3A_511 = arith.addi %add3A_510, %add3A_507 : vector<16xi32>
            %gather3A_512 = tpu.vector_load_idx %arg12[%add3A_511] : memref<2176xi32, #tpu.memory_space<vmem>>[vector<16xi32>], vector<16xi32>,
            %sub3A_513 = arith.constant 1 : i32
            %sub3A_514 = vector.broadcast %sub3A_513 : i32 to vector<16xi32>
            %sub3A_515 = arith.subi %add3A_511, %sub3A_514 : vector<16xi32>
            %max3A = arith.constant 0 : i32
            %max3A_516 = vector.broadcast %max3A : i32 to vector<16xi32>
            %max3A_517 = arith.maxsi %sub3A_515, %max3A_516 : vector<16xi32>
            %gather3A_518 = tpu.vector_load_idx %arg12[%max3A_517] : memref<2176xi32, #tpu.memory_space<vmem>>[vector<16xi32>], vector<16xi32>,
            %ne3A_519 = arith.cmpi ne, %gather3A_512, %gather3A_518 : vector<16xi32>
            %eq3A_520 = arith.constant 0 : i32
            %eq3A_521 = vector.broadcast %eq3A_520 : i32 to vector<16xi32>
            %eq3A_522 = arith.cmpi eq, %add3A_507, %eq3A_521 : vector<16xi32>
            %or3A_523 = arith.ori %ne3A_519, %eq3A_522 : vector<16xi1>
            %broadcast_in_dim3A_524 = arith.constant 0 : i32
            %broadcast_in_dim3A_525 = vector.broadcast %broadcast_in_dim3A_524 : i32 to vector<16xi32>
            %broadcast_in_dim3A_526 = vector.broadcast %min3A_380 : i32 to vector<16xi32>
            %add3A_527 = arith.addi %broadcast_in_dim3A_525, %broadcast_in_dim3A_526 : vector<16xi32>
            %jit3A_528 = arith.constant 2 : i32
            %div3A_529 = vector.broadcast %jit3A_528 : i32 to vector<16xi32>
            %div3A_530 = arith.divsi %add3A_527, %div3A_529 : vector<16xi32>
            %sign3A_531 = arith.constant 0 : i32
            %sign3A_532 = vector.broadcast %sign3A_531 : i32 to vector<16xi32>
            %sign3A_533 = arith.cmpi sgt, %add3A_527, %sign3A_532 : vector<16xi32>
            %sign3A_534 = arith.extui %sign3A_533 : vector<16xi1> to vector<16xi32>
            %sign3A_535 = arith.constant 0 : i32
            %sign3A_536 = vector.broadcast %sign3A_535 : i32 to vector<16xi32>
            %sign3A_537 = arith.cmpi slt, %add3A_527, %sign3A_536 : vector<16xi32>
            %sign3A_538 = arith.extui %sign3A_537 : vector<16xi1> to vector<16xi32>
            %sign3A_539 = arith.subi %sign3A_534, %sign3A_538 : vector<16xi32>
            %sign3A_540 = arith.constant 0 : i32
            %sign3A_541 = arith.cmpi sgt, %jit3A_528, %sign3A_540 : i32
            %sign3A_542 = arith.extui %sign3A_541 : i1 to i32
            %sign3A_543 = arith.constant 0 : i32
            %sign3A_544 = arith.cmpi slt, %jit3A_528, %sign3A_543 : i32
            %sign3A_545 = arith.extui %sign3A_544 : i1 to i32
            %sign3A_546 = arith.subi %sign3A_542, %sign3A_545 : i32
            %ne3A_547 = vector.broadcast %sign3A_546 : i32 to vector<16xi32>
            %ne3A_548 = arith.cmpi ne, %sign3A_539, %ne3A_547 : vector<16xi32>
            %rem3A_549 = vector.broadcast %jit3A_528 : i32 to vector<16xi32>
            %rem3A_550 = arith.remsi %add3A_527, %rem3A_549 : vector<16xi32>
            %ne3A_551 = arith.constant 0 : i32
            %ne3A_552 = vector.broadcast %ne3A_551 : i32 to vector<16xi32>
            %ne3A_553 = arith.cmpi ne, %rem3A_550, %ne3A_552 : vector<16xi32>
            %and3A_554 = arith.andi %ne3A_548, %ne3A_553 : vector<16xi1>
            %sub3A_555 = arith.constant 1 : i32
            %sub3A_556 = vector.broadcast %sub3A_555 : i32 to vector<16xi32>
            %sub3A_557 = arith.subi %div3A_530, %sub3A_556 : vector<16xi32>
            %select_n3A_558 = arith.select %and3A_554, %sub3A_557, %div3A_530 : vector<16xi1>, vector<16xi32>
            %add3A_559 = arith.constant 0 : i32
            %add3A_560 = arith.addi %add3A_559, %sub3A_92 : i32
            %add3A_561 = vector.broadcast %add3A_560 : i32 to vector<16xi32>
            %add3A_562 = arith.addi %add3A_561, %select_n3A_558 : vector<16xi32>
            %gather3A_563 = tpu.vector_load_idx %arg11[%add3A_562] : memref<2176xi32, #tpu.memory_space<vmem>>[vector<16xi32>], vector<16xi32>,
            %lt3A_564 = arith.cmpi slt, %gather3A_563, %gather3A_512 : vector<16xi32>
            %add3A_565 = arith.constant 1 : i32
            %add3A_566 = vector.broadcast %add3A_565 : i32 to vector<16xi32>
            %add3A_567 = arith.addi %select_n3A_558, %add3A_566 : vector<16xi32>
            %select_n3A_568 = arith.select %lt3A_564, %add3A_567, %broadcast_in_dim3A_525 : vector<16xi1>, vector<16xi32>
            %select_n3A_569 = arith.select %lt3A_564, %broadcast_in_dim3A_526, %select_n3A_558 : vector<16xi1>, vector<16xi32>
            %add3A_570 = arith.addi %select_n3A_568, %select_n3A_569 : vector<16xi32>
            %jit3A_571 = arith.constant 2 : i32
            %div3A_572 = vector.broadcast %jit3A_571 : i32 to vector<16xi32>
            %div3A_573 = arith.divsi %add3A_570, %div3A_572 : vector<16xi32>
            %sign3A_574 = arith.constant 0 : i32
            %sign3A_575 = vector.broadcast %sign3A_574 : i32 to vector<16xi32>
            %sign3A_576 = arith.cmpi sgt, %add3A_570, %sign3A_575 : vector<16xi32>
            %sign3A_577 = arith.extui %sign3A_576 : vector<16xi1> to vector<16xi32>
            %sign3A_578 = arith.constant 0 : i32
            %sign3A_579 = vector.broadcast %sign3A_578 : i32 to vector<16xi32>
            %sign3A_580 = arith.cmpi slt, %add3A_570, %sign3A_579 : vector<16xi32>
            %sign3A_581 = arith.extui %sign3A_580 : vector<16xi1> to vector<16xi32>
            %sign3A_582 = arith.subi %sign3A_577, %sign3A_581 : vector<16xi32>
            %sign3A_583 = arith.constant 0 : i32
            %sign3A_584 = arith.cmpi sgt, %jit3A_571, %sign3A_583 : i32
            %sign3A_585 = arith.extui %sign3A_584 : i1 to i32
            %sign3A_586 = arith.constant 0 : i32
            %sign3A_587 = arith.cmpi slt, %jit3A_571, %sign3A_586 : i32
            %sign3A_588 = arith.extui %sign3A_587 : i1 to i32
            %sign3A_589 = arith.subi %sign3A_585, %sign3A_588 : i32
            %ne3A_590 = vector.broadcast %sign3A_589 : i32 to vector<16xi32>
            %ne3A_591 = arith.cmpi ne, %sign3A_582, %ne3A_590 : vector<16xi32>
            %rem3A_592 = vector.broadcast %jit3A_571 : i32 to vector<16xi32>
            %rem3A_593 = arith.remsi %add3A_570, %rem3A_592 : vector<16xi32>
            %ne3A_594 = arith.constant 0 : i32
            %ne3A_595 = vector.broadcast %ne3A_594 : i32 to vector<16xi32>
            %ne3A_596 = arith.cmpi ne, %rem3A_593, %ne3A_595 : vector<16xi32>
            %and3A_597 = arith.andi %ne3A_591, %ne3A_596 : vector<16xi1>
            %sub3A_598 = arith.constant 1 : i32
            %sub3A_599 = vector.broadcast %sub3A_598 : i32 to vector<16xi32>
            %sub3A_600 = arith.subi %div3A_573, %sub3A_599 : vector<16xi32>
            %select_n3A_601 = arith.select %and3A_597, %sub3A_600, %div3A_573 : vector<16xi1>, vector<16xi32>
            %add3A_602 = arith.constant 0 : i32
            %add3A_603 = arith.addi %add3A_602, %sub3A_92 : i32
            %add3A_604 = vector.broadcast %add3A_603 : i32 to vector<16xi32>
            %add3A_605 = arith.addi %add3A_604, %select_n3A_601 : vector<16xi32>
            %gather3A_606 = tpu.vector_load_idx %arg11[%add3A_605] : memref<2176xi32, #tpu.memory_space<vmem>>[vector<16xi32>], vector<16xi32>,
            %lt3A_607 = arith.cmpi slt, %gather3A_606, %gather3A_512 : vector<16xi32>
            %add3A_608 = arith.constant 1 : i32
            %add3A_609 = vector.broadcast %add3A_608 : i32 to vector<16xi32>
            %add3A_610 = arith.addi %select_n3A_601, %add3A_609 : vector<16xi32>
            %select_n3A_611 = arith.select %lt3A_607, %add3A_610, %select_n3A_568 : vector<16xi1>, vector<16xi32>
            %select_n3A_612 = arith.select %lt3A_607, %select_n3A_569, %select_n3A_601 : vector<16xi1>, vector<16xi32>
            %add3A_613 = arith.addi %select_n3A_611, %select_n3A_612 : vector<16xi32>
            %jit3A_614 = arith.constant 2 : i32
            %div3A_615 = vector.broadcast %jit3A_614 : i32 to vector<16xi32>
            %div3A_616 = arith.divsi %add3A_613, %div3A_615 : vector<16xi32>
            %sign3A_617 = arith.constant 0 : i32
            %sign3A_618 = vector.broadcast %sign3A_617 : i32 to vector<16xi32>
            %sign3A_619 = arith.cmpi sgt, %add3A_613, %sign3A_618 : vector<16xi32>
            %sign3A_620 = arith.extui %sign3A_619 : vector<16xi1> to vector<16xi32>
            %sign3A_621 = arith.constant 0 : i32
            %sign3A_622 = vector.broadcast %sign3A_621 : i32 to vector<16xi32>
            %sign3A_623 = arith.cmpi slt, %add3A_613, %sign3A_622 : vector<16xi32>
            %sign3A_624 = arith.extui %sign3A_623 : vector<16xi1> to vector<16xi32>
            %sign3A_625 = arith.subi %sign3A_620, %sign3A_624 : vector<16xi32>
            %sign3A_626 = arith.constant 0 : i32
            %sign3A_627 = arith.cmpi sgt, %jit3A_614, %sign3A_626 : i32
            %sign3A_628 = arith.extui %sign3A_627 : i1 to i32
            %sign3A_629 = arith.constant 0 : i32
            %sign3A_630 = arith.cmpi slt, %jit3A_614, %sign3A_629 : i32
            %sign3A_631 = arith.extui %sign3A_630 : i1 to i32
            %sign3A_632 = arith.subi %sign3A_628, %sign3A_631 : i32
            %ne3A_633 = vector.broadcast %sign3A_632 : i32 to vector<16xi32>
            %ne3A_634 = arith.cmpi ne, %sign3A_625, %ne3A_633 : vector<16xi32>
            %rem3A_635 = vector.broadcast %jit3A_614 : i32 to vector<16xi32>
            %rem3A_636 = arith.remsi %add3A_613, %rem3A_635 : vector<16xi32>
            %ne3A_637 = arith.constant 0 : i32
            %ne3A_638 = vector.broadcast %ne3A_637 : i32 to vector<16xi32>
            %ne3A_639 = arith.cmpi ne, %rem3A_636, %ne3A_638 : vector<16xi32>
            %and3A_640 = arith.andi %ne3A_634, %ne3A_639 : vector<16xi1>
            %sub3A_641 = arith.constant 1 : i32
            %sub3A_642 = vector.broadcast %sub3A_641 : i32 to vector<16xi32>
            %sub3A_643 = arith.subi %div3A_616, %sub3A_642 : vector<16xi32>
            %select_n3A_644 = arith.select %and3A_640, %sub3A_643, %div3A_616 : vector<16xi1>, vector<16xi32>
            %add3A_645 = arith.constant 0 : i32
            %add3A_646 = arith.addi %add3A_645, %sub3A_92 : i32
            %add3A_647 = vector.broadcast %add3A_646 : i32 to vector<16xi32>
            %add3A_648 = arith.addi %add3A_647, %select_n3A_644 : vector<16xi32>
            %gather3A_649 = tpu.vector_load_idx %arg11[%add3A_648] : memref<2176xi32, #tpu.memory_space<vmem>>[vector<16xi32>], vector<16xi32>,
            %lt3A_650 = arith.cmpi slt, %gather3A_649, %gather3A_512 : vector<16xi32>
            %add3A_651 = arith.constant 1 : i32
            %add3A_652 = vector.broadcast %add3A_651 : i32 to vector<16xi32>
            %add3A_653 = arith.addi %select_n3A_644, %add3A_652 : vector<16xi32>
            %select_n3A_654 = arith.select %lt3A_650, %add3A_653, %select_n3A_611 : vector<16xi1>, vector<16xi32>
            %select_n3A_655 = arith.select %lt3A_650, %select_n3A_612, %select_n3A_644 : vector<16xi1>, vector<16xi32>
            %add3A_656 = arith.addi %select_n3A_654, %select_n3A_655 : vector<16xi32>
            %jit3A_657 = arith.constant 2 : i32
            %div3A_658 = vector.broadcast %jit3A_657 : i32 to vector<16xi32>
            %div3A_659 = arith.divsi %add3A_656, %div3A_658 : vector<16xi32>
            %sign3A_660 = arith.constant 0 : i32
            %sign3A_661 = vector.broadcast %sign3A_660 : i32 to vector<16xi32>
            %sign3A_662 = arith.cmpi sgt, %add3A_656, %sign3A_661 : vector<16xi32>
            %sign3A_663 = arith.extui %sign3A_662 : vector<16xi1> to vector<16xi32>
            %sign3A_664 = arith.constant 0 : i32
            %sign3A_665 = vector.broadcast %sign3A_664 : i32 to vector<16xi32>
            %sign3A_666 = arith.cmpi slt, %add3A_656, %sign3A_665 : vector<16xi32>
            %sign3A_667 = arith.extui %sign3A_666 : vector<16xi1> to vector<16xi32>
            %sign3A_668 = arith.subi %sign3A_663, %sign3A_667 : vector<16xi32>
            %sign3A_669 = arith.constant 0 : i32
            %sign3A_670 = arith.cmpi sgt, %jit3A_657, %sign3A_669 : i32
            %sign3A_671 = arith.extui %sign3A_670 : i1 to i32
            %sign3A_672 = arith.constant 0 : i32
            %sign3A_673 = arith.cmpi slt, %jit3A_657, %sign3A_672 : i32
            %sign3A_674 = arith.extui %sign3A_673 : i1 to i32
            %sign3A_675 = arith.subi %sign3A_671, %sign3A_674 : i32
            %ne3A_676 = vector.broadcast %sign3A_675 : i32 to vector<16xi32>
            %ne3A_677 = arith.cmpi ne, %sign3A_668, %ne3A_676 : vector<16xi32>
            %rem3A_678 = vector.broadcast %jit3A_657 : i32 to vector<16xi32>
            %rem3A_679 = arith.remsi %add3A_656, %rem3A_678 : vector<16xi32>
            %ne3A_680 = arith.constant 0 : i32
            %ne3A_681 = vector.broadcast %ne3A_680 : i32 to vector<16xi32>
            %ne3A_682 = arith.cmpi ne, %rem3A_679, %ne3A_681 : vector<16xi32>
            %and3A_683 = arith.andi %ne3A_677, %ne3A_682 : vector<16xi1>
            %sub3A_684 = arith.constant 1 : i32
            %sub3A_685 = vector.broadcast %sub3A_684 : i32 to vector<16xi32>
            %sub3A_686 = arith.subi %div3A_659, %sub3A_685 : vector<16xi32>
            %select_n3A_687 = arith.select %and3A_683, %sub3A_686, %div3A_659 : vector<16xi1>, vector<16xi32>
            %add3A_688 = arith.constant 0 : i32
            %add3A_689 = arith.addi %add3A_688, %sub3A_92 : i32
            %add3A_690 = vector.broadcast %add3A_689 : i32 to vector<16xi32>
            %add3A_691 = arith.addi %add3A_690, %select_n3A_687 : vector<16xi32>
            %gather3A_692 = tpu.vector_load_idx %arg11[%add3A_691] : memref<2176xi32, #tpu.memory_space<vmem>>[vector<16xi32>], vector<16xi32>,
            %lt3A_693 = arith.cmpi slt, %gather3A_692, %gather3A_512 : vector<16xi32>
            %add3A_694 = arith.constant 1 : i32
            %add3A_695 = vector.broadcast %add3A_694 : i32 to vector<16xi32>
            %add3A_696 = arith.addi %select_n3A_687, %add3A_695 : vector<16xi32>
            %select_n3A_697 = arith.select %lt3A_693, %add3A_696, %select_n3A_654 : vector<16xi1>, vector<16xi32>
            %select_n3A_698 = arith.select %lt3A_693, %select_n3A_655, %select_n3A_687 : vector<16xi1>, vector<16xi32>
            %add3A_699 = arith.addi %select_n3A_697, %select_n3A_698 : vector<16xi32>
            %jit3A_700 = arith.constant 2 : i32
            %div3A_701 = vector.broadcast %jit3A_700 : i32 to vector<16xi32>
            %div3A_702 = arith.divsi %add3A_699, %div3A_701 : vector<16xi32>
            %sign3A_703 = arith.constant 0 : i32
            %sign3A_704 = vector.broadcast %sign3A_703 : i32 to vector<16xi32>
            %sign3A_705 = arith.cmpi sgt, %add3A_699, %sign3A_704 : vector<16xi32>
            %sign3A_706 = arith.extui %sign3A_705 : vector<16xi1> to vector<16xi32>
            %sign3A_707 = arith.constant 0 : i32
            %sign3A_708 = vector.broadcast %sign3A_707 : i32 to vector<16xi32>
            %sign3A_709 = arith.cmpi slt, %add3A_699, %sign3A_708 : vector<16xi32>
            %sign3A_710 = arith.extui %sign3A_709 : vector<16xi1> to vector<16xi32>
            %sign3A_711 = arith.subi %sign3A_706, %sign3A_710 : vector<16xi32>
            %sign3A_712 = arith.constant 0 : i32
            %sign3A_713 = arith.cmpi sgt, %jit3A_700, %sign3A_712 : i32
            %sign3A_714 = arith.extui %sign3A_713 : i1 to i32
            %sign3A_715 = arith.constant 0 : i32
            %sign3A_716 = arith.cmpi slt, %jit3A_700, %sign3A_715 : i32
            %sign3A_717 = arith.extui %sign3A_716 : i1 to i32
            %sign3A_718 = arith.subi %sign3A_714, %sign3A_717 : i32
            %ne3A_719 = vector.broadcast %sign3A_718 : i32 to vector<16xi32>
            %ne3A_720 = arith.cmpi ne, %sign3A_711, %ne3A_719 : vector<16xi32>
            %rem3A_721 = vector.broadcast %jit3A_700 : i32 to vector<16xi32>
            %rem3A_722 = arith.remsi %add3A_699, %rem3A_721 : vector<16xi32>
            %ne3A_723 = arith.constant 0 : i32
            %ne3A_724 = vector.broadcast %ne3A_723 : i32 to vector<16xi32>
            %ne3A_725 = arith.cmpi ne, %rem3A_722, %ne3A_724 : vector<16xi32>
            %and3A_726 = arith.andi %ne3A_720, %ne3A_725 : vector<16xi1>
            %sub3A_727 = arith.constant 1 : i32
            %sub3A_728 = vector.broadcast %sub3A_727 : i32 to vector<16xi32>
            %sub3A_729 = arith.subi %div3A_702, %sub3A_728 : vector<16xi32>
            %select_n3A_730 = arith.select %and3A_726, %sub3A_729, %div3A_702 : vector<16xi1>, vector<16xi32>
            %add3A_731 = arith.constant 0 : i32
            %add3A_732 = arith.addi %add3A_731, %sub3A_92 : i32
            %add3A_733 = vector.broadcast %add3A_732 : i32 to vector<16xi32>
            %add3A_734 = arith.addi %add3A_733, %select_n3A_730 : vector<16xi32>
            %gather3A_735 = tpu.vector_load_idx %arg11[%add3A_734] : memref<2176xi32, #tpu.memory_space<vmem>>[vector<16xi32>], vector<16xi32>,
            %lt3A_736 = arith.cmpi slt, %gather3A_735, %gather3A_512 : vector<16xi32>
            %add3A_737 = arith.constant 1 : i32
            %add3A_738 = vector.broadcast %add3A_737 : i32 to vector<16xi32>
            %add3A_739 = arith.addi %select_n3A_730, %add3A_738 : vector<16xi32>
            %select_n3A_740 = arith.select %lt3A_736, %add3A_739, %select_n3A_697 : vector<16xi1>, vector<16xi32>
            %select_n3A_741 = arith.select %lt3A_736, %select_n3A_698, %select_n3A_730 : vector<16xi1>, vector<16xi32>
            %add3A_742 = arith.addi %select_n3A_740, %select_n3A_741 : vector<16xi32>
            %jit3A_743 = arith.constant 2 : i32
            %div3A_744 = vector.broadcast %jit3A_743 : i32 to vector<16xi32>
            %div3A_745 = arith.divsi %add3A_742, %div3A_744 : vector<16xi32>
            %sign3A_746 = arith.constant 0 : i32
            %sign3A_747 = vector.broadcast %sign3A_746 : i32 to vector<16xi32>
            %sign3A_748 = arith.cmpi sgt, %add3A_742, %sign3A_747 : vector<16xi32>
            %sign3A_749 = arith.extui %sign3A_748 : vector<16xi1> to vector<16xi32>
            %sign3A_750 = arith.constant 0 : i32
            %sign3A_751 = vector.broadcast %sign3A_750 : i32 to vector<16xi32>
            %sign3A_752 = arith.cmpi slt, %add3A_742, %sign3A_751 : vector<16xi32>
            %sign3A_753 = arith.extui %sign3A_752 : vector<16xi1> to vector<16xi32>
            %sign3A_754 = arith.subi %sign3A_749, %sign3A_753 : vector<16xi32>
            %sign3A_755 = arith.constant 0 : i32
            %sign3A_756 = arith.cmpi sgt, %jit3A_743, %sign3A_755 : i32
            %sign3A_757 = arith.extui %sign3A_756 : i1 to i32
            %sign3A_758 = arith.constant 0 : i32
            %sign3A_759 = arith.cmpi slt, %jit3A_743, %sign3A_758 : i32
            %sign3A_760 = arith.extui %sign3A_759 : i1 to i32
            %sign3A_761 = arith.subi %sign3A_757, %sign3A_760 : i32
            %ne3A_762 = vector.broadcast %sign3A_761 : i32 to vector<16xi32>
            %ne3A_763 = arith.cmpi ne, %sign3A_754, %ne3A_762 : vector<16xi32>
            %rem3A_764 = vector.broadcast %jit3A_743 : i32 to vector<16xi32>
            %rem3A_765 = arith.remsi %add3A_742, %rem3A_764 : vector<16xi32>
            %ne3A_766 = arith.constant 0 : i32
            %ne3A_767 = vector.broadcast %ne3A_766 : i32 to vector<16xi32>
            %ne3A_768 = arith.cmpi ne, %rem3A_765, %ne3A_767 : vector<16xi32>
            %and3A_769 = arith.andi %ne3A_763, %ne3A_768 : vector<16xi1>
            %sub3A_770 = arith.constant 1 : i32
            %sub3A_771 = vector.broadcast %sub3A_770 : i32 to vector<16xi32>
            %sub3A_772 = arith.subi %div3A_745, %sub3A_771 : vector<16xi32>
            %select_n3A_773 = arith.select %and3A_769, %sub3A_772, %div3A_745 : vector<16xi1>, vector<16xi32>
            %add3A_774 = arith.constant 0 : i32
            %add3A_775 = arith.addi %add3A_774, %sub3A_92 : i32
            %add3A_776 = vector.broadcast %add3A_775 : i32 to vector<16xi32>
            %add3A_777 = arith.addi %add3A_776, %select_n3A_773 : vector<16xi32>
            %gather3A_778 = tpu.vector_load_idx %arg11[%add3A_777] : memref<2176xi32, #tpu.memory_space<vmem>>[vector<16xi32>], vector<16xi32>,
            %lt3A_779 = arith.cmpi slt, %gather3A_778, %gather3A_512 : vector<16xi32>
            %add3A_780 = arith.constant 1 : i32
            %add3A_781 = vector.broadcast %add3A_780 : i32 to vector<16xi32>
            %add3A_782 = arith.addi %select_n3A_773, %add3A_781 : vector<16xi32>
            %select_n3A_783 = arith.select %lt3A_779, %add3A_782, %select_n3A_740 : vector<16xi1>, vector<16xi32>
            %select_n3A_784 = arith.select %lt3A_779, %select_n3A_741, %select_n3A_773 : vector<16xi1>, vector<16xi32>
            %add3A_785 = arith.addi %select_n3A_783, %select_n3A_784 : vector<16xi32>
            %jit3A_786 = arith.constant 2 : i32
            %div3A_787 = vector.broadcast %jit3A_786 : i32 to vector<16xi32>
            %div3A_788 = arith.divsi %add3A_785, %div3A_787 : vector<16xi32>
            %sign3A_789 = arith.constant 0 : i32
            %sign3A_790 = vector.broadcast %sign3A_789 : i32 to vector<16xi32>
            %sign3A_791 = arith.cmpi sgt, %add3A_785, %sign3A_790 : vector<16xi32>
            %sign3A_792 = arith.extui %sign3A_791 : vector<16xi1> to vector<16xi32>
            %sign3A_793 = arith.constant 0 : i32
            %sign3A_794 = vector.broadcast %sign3A_793 : i32 to vector<16xi32>
            %sign3A_795 = arith.cmpi slt, %add3A_785, %sign3A_794 : vector<16xi32>
            %sign3A_796 = arith.extui %sign3A_795 : vector<16xi1> to vector<16xi32>
            %sign3A_797 = arith.subi %sign3A_792, %sign3A_796 : vector<16xi32>
            %sign3A_798 = arith.constant 0 : i32
            %sign3A_799 = arith.cmpi sgt, %jit3A_786, %sign3A_798 : i32
            %sign3A_800 = arith.extui %sign3A_799 : i1 to i32
            %sign3A_801 = arith.constant 0 : i32
            %sign3A_802 = arith.cmpi slt, %jit3A_786, %sign3A_801 : i32
            %sign3A_803 = arith.extui %sign3A_802 : i1 to i32
            %sign3A_804 = arith.subi %sign3A_800, %sign3A_803 : i32
            %ne3A_805 = vector.broadcast %sign3A_804 : i32 to vector<16xi32>
            %ne3A_806 = arith.cmpi ne, %sign3A_797, %ne3A_805 : vector<16xi32>
            %rem3A_807 = vector.broadcast %jit3A_786 : i32 to vector<16xi32>
            %rem3A_808 = arith.remsi %add3A_785, %rem3A_807 : vector<16xi32>
            %ne3A_809 = arith.constant 0 : i32
            %ne3A_810 = vector.broadcast %ne3A_809 : i32 to vector<16xi32>
            %ne3A_811 = arith.cmpi ne, %rem3A_808, %ne3A_810 : vector<16xi32>
            %and3A_812 = arith.andi %ne3A_806, %ne3A_811 : vector<16xi1>
            %sub3A_813 = arith.constant 1 : i32
            %sub3A_814 = vector.broadcast %sub3A_813 : i32 to vector<16xi32>
            %sub3A_815 = arith.subi %div3A_788, %sub3A_814 : vector<16xi32>
            %select_n3A_816 = arith.select %and3A_812, %sub3A_815, %div3A_788 : vector<16xi1>, vector<16xi32>
            %add3A_817 = arith.constant 0 : i32
            %add3A_818 = arith.addi %add3A_817, %sub3A_92 : i32
            %add3A_819 = vector.broadcast %add3A_818 : i32 to vector<16xi32>
            %add3A_820 = arith.addi %add3A_819, %select_n3A_816 : vector<16xi32>
            %gather3A_821 = tpu.vector_load_idx %arg11[%add3A_820] : memref<2176xi32, #tpu.memory_space<vmem>>[vector<16xi32>], vector<16xi32>,
            %lt3A_822 = arith.cmpi slt, %gather3A_821, %gather3A_512 : vector<16xi32>
            %add3A_823 = arith.constant 1 : i32
            %add3A_824 = vector.broadcast %add3A_823 : i32 to vector<16xi32>
            %add3A_825 = arith.addi %select_n3A_816, %add3A_824 : vector<16xi32>
            %select_n3A_826 = arith.select %lt3A_822, %add3A_825, %select_n3A_783 : vector<16xi1>, vector<16xi32>
            %select_n3A_827 = arith.select %lt3A_822, %select_n3A_784, %select_n3A_816 : vector<16xi1>, vector<16xi32>
            %add3A_828 = arith.addi %select_n3A_826, %select_n3A_827 : vector<16xi32>
            %jit3A_829 = arith.constant 2 : i32
            %div3A_830 = vector.broadcast %jit3A_829 : i32 to vector<16xi32>
            %div3A_831 = arith.divsi %add3A_828, %div3A_830 : vector<16xi32>
            %sign3A_832 = arith.constant 0 : i32
            %sign3A_833 = vector.broadcast %sign3A_832 : i32 to vector<16xi32>
            %sign3A_834 = arith.cmpi sgt, %add3A_828, %sign3A_833 : vector<16xi32>
            %sign3A_835 = arith.extui %sign3A_834 : vector<16xi1> to vector<16xi32>
            %sign3A_836 = arith.constant 0 : i32
            %sign3A_837 = vector.broadcast %sign3A_836 : i32 to vector<16xi32>
            %sign3A_838 = arith.cmpi slt, %add3A_828, %sign3A_837 : vector<16xi32>
            %sign3A_839 = arith.extui %sign3A_838 : vector<16xi1> to vector<16xi32>
            %sign3A_840 = arith.subi %sign3A_835, %sign3A_839 : vector<16xi32>
            %sign3A_841 = arith.constant 0 : i32
            %sign3A_842 = arith.cmpi sgt, %jit3A_829, %sign3A_841 : i32
            %sign3A_843 = arith.extui %sign3A_842 : i1 to i32
            %sign3A_844 = arith.constant 0 : i32
            %sign3A_845 = arith.cmpi slt, %jit3A_829, %sign3A_844 : i32
            %sign3A_846 = arith.extui %sign3A_845 : i1 to i32
            %sign3A_847 = arith.subi %sign3A_843, %sign3A_846 : i32
            %ne3A_848 = vector.broadcast %sign3A_847 : i32 to vector<16xi32>
            %ne3A_849 = arith.cmpi ne, %sign3A_840, %ne3A_848 : vector<16xi32>
            %rem3A_850 = vector.broadcast %jit3A_829 : i32 to vector<16xi32>
            %rem3A_851 = arith.remsi %add3A_828, %rem3A_850 : vector<16xi32>
            %ne3A_852 = arith.constant 0 : i32
            %ne3A_853 = vector.broadcast %ne3A_852 : i32 to vector<16xi32>
            %ne3A_854 = arith.cmpi ne, %rem3A_851, %ne3A_853 : vector<16xi32>
            %and3A_855 = arith.andi %ne3A_849, %ne3A_854 : vector<16xi1>
            %sub3A_856 = arith.constant 1 : i32
            %sub3A_857 = vector.broadcast %sub3A_856 : i32 to vector<16xi32>
            %sub3A_858 = arith.subi %div3A_831, %sub3A_857 : vector<16xi32>
            %select_n3A_859 = arith.select %and3A_855, %sub3A_858, %div3A_831 : vector<16xi1>, vector<16xi32>
            %add3A_860 = arith.constant 0 : i32
            %add3A_861 = arith.addi %add3A_860, %sub3A_92 : i32
            %add3A_862 = vector.broadcast %add3A_861 : i32 to vector<16xi32>
            %add3A_863 = arith.addi %add3A_862, %select_n3A_859 : vector<16xi32>
            %gather3A_864 = tpu.vector_load_idx %arg11[%add3A_863] : memref<2176xi32, #tpu.memory_space<vmem>>[vector<16xi32>], vector<16xi32>,
            %lt3A_865 = arith.cmpi slt, %gather3A_864, %gather3A_512 : vector<16xi32>
            %add3A_866 = arith.constant 1 : i32
            %add3A_867 = vector.broadcast %add3A_866 : i32 to vector<16xi32>
            %add3A_868 = arith.addi %select_n3A_859, %add3A_867 : vector<16xi32>
            %select_n3A_869 = arith.select %lt3A_865, %add3A_868, %select_n3A_826 : vector<16xi1>, vector<16xi32>
            %select_n3A_870 = arith.select %lt3A_865, %select_n3A_827, %select_n3A_859 : vector<16xi1>, vector<16xi32>
            %add3A_871 = arith.addi %select_n3A_869, %select_n3A_870 : vector<16xi32>
            %jit3A_872 = arith.constant 2 : i32
            %div3A_873 = vector.broadcast %jit3A_872 : i32 to vector<16xi32>
            %div3A_874 = arith.divsi %add3A_871, %div3A_873 : vector<16xi32>
            %sign3A_875 = arith.constant 0 : i32
            %sign3A_876 = vector.broadcast %sign3A_875 : i32 to vector<16xi32>
            %sign3A_877 = arith.cmpi sgt, %add3A_871, %sign3A_876 : vector<16xi32>
            %sign3A_878 = arith.extui %sign3A_877 : vector<16xi1> to vector<16xi32>
            %sign3A_879 = arith.constant 0 : i32
            %sign3A_880 = vector.broadcast %sign3A_879 : i32 to vector<16xi32>
            %sign3A_881 = arith.cmpi slt, %add3A_871, %sign3A_880 : vector<16xi32>
            %sign3A_882 = arith.extui %sign3A_881 : vector<16xi1> to vector<16xi32>
            %sign3A_883 = arith.subi %sign3A_878, %sign3A_882 : vector<16xi32>
            %sign3A_884 = arith.constant 0 : i32
            %sign3A_885 = arith.cmpi sgt, %jit3A_872, %sign3A_884 : i32
            %sign3A_886 = arith.extui %sign3A_885 : i1 to i32
            %sign3A_887 = arith.constant 0 : i32
            %sign3A_888 = arith.cmpi slt, %jit3A_872, %sign3A_887 : i32
            %sign3A_889 = arith.extui %sign3A_888 : i1 to i32
            %sign3A_890 = arith.subi %sign3A_886, %sign3A_889 : i32
            %ne3A_891 = vector.broadcast %sign3A_890 : i32 to vector<16xi32>
            %ne3A_892 = arith.cmpi ne, %sign3A_883, %ne3A_891 : vector<16xi32>
            %rem3A_893 = vector.broadcast %jit3A_872 : i32 to vector<16xi32>
            %rem3A_894 = arith.remsi %add3A_871, %rem3A_893 : vector<16xi32>
            %ne3A_895 = arith.constant 0 : i32
            %ne3A_896 = vector.broadcast %ne3A_895 : i32 to vector<16xi32>
            %ne3A_897 = arith.cmpi ne, %rem3A_894, %ne3A_896 : vector<16xi32>
            %and3A_898 = arith.andi %ne3A_892, %ne3A_897 : vector<16xi1>
            %sub3A_899 = arith.constant 1 : i32
            %sub3A_900 = vector.broadcast %sub3A_899 : i32 to vector<16xi32>
            %sub3A_901 = arith.subi %div3A_874, %sub3A_900 : vector<16xi32>
            %select_n3A_902 = arith.select %and3A_898, %sub3A_901, %div3A_874 : vector<16xi1>, vector<16xi32>
            %add3A_903 = arith.constant 0 : i32
            %add3A_904 = arith.addi %add3A_903, %sub3A_92 : i32
            %add3A_905 = vector.broadcast %add3A_904 : i32 to vector<16xi32>
            %add3A_906 = arith.addi %add3A_905, %select_n3A_902 : vector<16xi32>
            %gather3A_907 = tpu.vector_load_idx %arg11[%add3A_906] : memref<2176xi32, #tpu.memory_space<vmem>>[vector<16xi32>], vector<16xi32>,
            %lt3A_908 = arith.cmpi slt, %gather3A_907, %gather3A_512 : vector<16xi32>
            %add3A_909 = arith.constant 1 : i32
            %add3A_910 = vector.broadcast %add3A_909 : i32 to vector<16xi32>
            %add3A_911 = arith.addi %select_n3A_902, %add3A_910 : vector<16xi32>
            %select_n3A_912 = arith.select %lt3A_908, %add3A_911, %select_n3A_869 : vector<16xi1>, vector<16xi32>
            %select_n3A_913 = arith.select %lt3A_908, %select_n3A_870, %select_n3A_902 : vector<16xi1>, vector<16xi32>
            %add3A_914 = arith.addi %select_n3A_912, %select_n3A_913 : vector<16xi32>
            %jit3A_915 = arith.constant 2 : i32
            %div3A_916 = vector.broadcast %jit3A_915 : i32 to vector<16xi32>
            %div3A_917 = arith.divsi %add3A_914, %div3A_916 : vector<16xi32>
            %sign3A_918 = arith.constant 0 : i32
            %sign3A_919 = vector.broadcast %sign3A_918 : i32 to vector<16xi32>
            %sign3A_920 = arith.cmpi sgt, %add3A_914, %sign3A_919 : vector<16xi32>
            %sign3A_921 = arith.extui %sign3A_920 : vector<16xi1> to vector<16xi32>
            %sign3A_922 = arith.constant 0 : i32
            %sign3A_923 = vector.broadcast %sign3A_922 : i32 to vector<16xi32>
            %sign3A_924 = arith.cmpi slt, %add3A_914, %sign3A_923 : vector<16xi32>
            %sign3A_925 = arith.extui %sign3A_924 : vector<16xi1> to vector<16xi32>
            %sign3A_926 = arith.subi %sign3A_921, %sign3A_925 : vector<16xi32>
            %sign3A_927 = arith.constant 0 : i32
            %sign3A_928 = arith.cmpi sgt, %jit3A_915, %sign3A_927 : i32
            %sign3A_929 = arith.extui %sign3A_928 : i1 to i32
            %sign3A_930 = arith.constant 0 : i32
            %sign3A_931 = arith.cmpi slt, %jit3A_915, %sign3A_930 : i32
            %sign3A_932 = arith.extui %sign3A_931 : i1 to i32
            %sign3A_933 = arith.subi %sign3A_929, %sign3A_932 : i32
            %ne3A_934 = vector.broadcast %sign3A_933 : i32 to vector<16xi32>
            %ne3A_935 = arith.cmpi ne, %sign3A_926, %ne3A_934 : vector<16xi32>
            %rem3A_936 = vector.broadcast %jit3A_915 : i32 to vector<16xi32>
            %rem3A_937 = arith.remsi %add3A_914, %rem3A_936 : vector<16xi32>
            %ne3A_938 = arith.constant 0 : i32
            %ne3A_939 = vector.broadcast %ne3A_938 : i32 to vector<16xi32>
            %ne3A_940 = arith.cmpi ne, %rem3A_937, %ne3A_939 : vector<16xi32>
            %and3A_941 = arith.andi %ne3A_935, %ne3A_940 : vector<16xi1>
            %sub3A_942 = arith.constant 1 : i32
            %sub3A_943 = vector.broadcast %sub3A_942 : i32 to vector<16xi32>
            %sub3A_944 = arith.subi %div3A_917, %sub3A_943 : vector<16xi32>
            %select_n3A_945 = arith.select %and3A_941, %sub3A_944, %div3A_917 : vector<16xi1>, vector<16xi32>
            %add3A_946 = arith.constant 0 : i32
            %add3A_947 = arith.addi %add3A_946, %sub3A_92 : i32
            %add3A_948 = vector.broadcast %add3A_947 : i32 to vector<16xi32>
            %add3A_949 = arith.addi %add3A_948, %select_n3A_945 : vector<16xi32>
            %gather3A_950 = tpu.vector_load_idx %arg11[%add3A_949] : memref<2176xi32, #tpu.memory_space<vmem>>[vector<16xi32>], vector<16xi32>,
            %lt3A_951 = arith.cmpi slt, %gather3A_950, %gather3A_512 : vector<16xi32>
            %add3A_952 = arith.constant 1 : i32
            %add3A_953 = vector.broadcast %add3A_952 : i32 to vector<16xi32>
            %add3A_954 = arith.addi %select_n3A_945, %add3A_953 : vector<16xi32>
            %select_n3A_955 = arith.select %lt3A_951, %add3A_954, %select_n3A_912 : vector<16xi1>, vector<16xi32>
            %select_n3A_956 = arith.select %lt3A_951, %select_n3A_913, %select_n3A_945 : vector<16xi1>, vector<16xi32>
            %add3A_957 = arith.addi %select_n3A_955, %select_n3A_956 : vector<16xi32>
            %jit3A_958 = arith.constant 2 : i32
            %div3A_959 = vector.broadcast %jit3A_958 : i32 to vector<16xi32>
            %div3A_960 = arith.divsi %add3A_957, %div3A_959 : vector<16xi32>
            %sign3A_961 = arith.constant 0 : i32
            %sign3A_962 = vector.broadcast %sign3A_961 : i32 to vector<16xi32>
            %sign3A_963 = arith.cmpi sgt, %add3A_957, %sign3A_962 : vector<16xi32>
            %sign3A_964 = arith.extui %sign3A_963 : vector<16xi1> to vector<16xi32>
            %sign3A_965 = arith.constant 0 : i32
            %sign3A_966 = vector.broadcast %sign3A_965 : i32 to vector<16xi32>
            %sign3A_967 = arith.cmpi slt, %add3A_957, %sign3A_966 : vector<16xi32>
            %sign3A_968 = arith.extui %sign3A_967 : vector<16xi1> to vector<16xi32>
            %sign3A_969 = arith.subi %sign3A_964, %sign3A_968 : vector<16xi32>
            %sign3A_970 = arith.constant 0 : i32
            %sign3A_971 = arith.cmpi sgt, %jit3A_958, %sign3A_970 : i32
            %sign3A_972 = arith.extui %sign3A_971 : i1 to i32
            %sign3A_973 = arith.constant 0 : i32
            %sign3A_974 = arith.cmpi slt, %jit3A_958, %sign3A_973 : i32
            %sign3A_975 = arith.extui %sign3A_974 : i1 to i32
            %sign3A_976 = arith.subi %sign3A_972, %sign3A_975 : i32
            %ne3A_977 = vector.broadcast %sign3A_976 : i32 to vector<16xi32>
            %ne3A_978 = arith.cmpi ne, %sign3A_969, %ne3A_977 : vector<16xi32>
            %rem3A_979 = vector.broadcast %jit3A_958 : i32 to vector<16xi32>
            %rem3A_980 = arith.remsi %add3A_957, %rem3A_979 : vector<16xi32>
            %ne3A_981 = arith.constant 0 : i32
            %ne3A_982 = vector.broadcast %ne3A_981 : i32 to vector<16xi32>
            %ne3A_983 = arith.cmpi ne, %rem3A_980, %ne3A_982 : vector<16xi32>
            %and3A_984 = arith.andi %ne3A_978, %ne3A_983 : vector<16xi1>
            %sub3A_985 = arith.constant 1 : i32
            %sub3A_986 = vector.broadcast %sub3A_985 : i32 to vector<16xi32>
            %sub3A_987 = arith.subi %div3A_960, %sub3A_986 : vector<16xi32>
            %select_n3A_988 = arith.select %and3A_984, %sub3A_987, %div3A_960 : vector<16xi1>, vector<16xi32>
            %add3A_989 = arith.constant 0 : i32
            %add3A_990 = arith.addi %add3A_989, %sub3A_92 : i32
            %add3A_991 = vector.broadcast %add3A_990 : i32 to vector<16xi32>
            %add3A_992 = arith.addi %add3A_991, %select_n3A_988 : vector<16xi32>
            %gather3A_993 = tpu.vector_load_idx %arg11[%add3A_992] : memref<2176xi32, #tpu.memory_space<vmem>>[vector<16xi32>], vector<16xi32>,
            %lt3A_994 = arith.cmpi slt, %gather3A_993, %gather3A_512 : vector<16xi32>
            %add3A_995 = arith.constant 1 : i32
            %add3A_996 = vector.broadcast %add3A_995 : i32 to vector<16xi32>
            %add3A_997 = arith.addi %select_n3A_988, %add3A_996 : vector<16xi32>
            %select_n3A_998 = arith.select %lt3A_994, %add3A_997, %select_n3A_955 : vector<16xi1>, vector<16xi32>
            %select_n3A_999 = arith.select %lt3A_994, %select_n3A_956, %select_n3A_988 : vector<16xi1>, vector<16xi32>
            %add3A_1000 = arith.addi %select_n3A_998, %select_n3A_999 : vector<16xi32>
            %jit3A_1001 = arith.constant 2 : i32
            %div3A_1002 = vector.broadcast %jit3A_1001 : i32 to vector<16xi32>
            %div3A_1003 = arith.divsi %add3A_1000, %div3A_1002 : vector<16xi32>
            %sign3A_1004 = arith.constant 0 : i32
            %sign3A_1005 = vector.broadcast %sign3A_1004 : i32 to vector<16xi32>
            %sign3A_1006 = arith.cmpi sgt, %add3A_1000, %sign3A_1005 : vector<16xi32>
            %sign3A_1007 = arith.extui %sign3A_1006 : vector<16xi1> to vector<16xi32>
            %sign3A_1008 = arith.constant 0 : i32
            %sign3A_1009 = vector.broadcast %sign3A_1008 : i32 to vector<16xi32>
            %sign3A_1010 = arith.cmpi slt, %add3A_1000, %sign3A_1009 : vector<16xi32>
            %sign3A_1011 = arith.extui %sign3A_1010 : vector<16xi1> to vector<16xi32>
            %sign3A_1012 = arith.subi %sign3A_1007, %sign3A_1011 : vector<16xi32>
            %sign3A_1013 = arith.constant 0 : i32
            %sign3A_1014 = arith.cmpi sgt, %jit3A_1001, %sign3A_1013 : i32
            %sign3A_1015 = arith.extui %sign3A_1014 : i1 to i32
            %sign3A_1016 = arith.constant 0 : i32
            %sign3A_1017 = arith.cmpi slt, %jit3A_1001, %sign3A_1016 : i32
            %sign3A_1018 = arith.extui %sign3A_1017 : i1 to i32
            %sign3A_1019 = arith.subi %sign3A_1015, %sign3A_1018 : i32
            %ne3A_1020 = vector.broadcast %sign3A_1019 : i32 to vector<16xi32>
            %ne3A_1021 = arith.cmpi ne, %sign3A_1012, %ne3A_1020 : vector<16xi32>
            %rem3A_1022 = vector.broadcast %jit3A_1001 : i32 to vector<16xi32>
            %rem3A_1023 = arith.remsi %add3A_1000, %rem3A_1022 : vector<16xi32>
            %ne3A_1024 = arith.constant 0 : i32
            %ne3A_1025 = vector.broadcast %ne3A_1024 : i32 to vector<16xi32>
            %ne3A_1026 = arith.cmpi ne, %rem3A_1023, %ne3A_1025 : vector<16xi32>
            %and3A_1027 = arith.andi %ne3A_1021, %ne3A_1026 : vector<16xi1>
            %sub3A_1028 = arith.constant 1 : i32
            %sub3A_1029 = vector.broadcast %sub3A_1028 : i32 to vector<16xi32>
            %sub3A_1030 = arith.subi %div3A_1003, %sub3A_1029 : vector<16xi32>
            %select_n3A_1031 = arith.select %and3A_1027, %sub3A_1030, %div3A_1003 : vector<16xi1>, vector<16xi32>
            %add3A_1032 = arith.constant 0 : i32
            %add3A_1033 = arith.addi %add3A_1032, %sub3A_92 : i32
            %add3A_1034 = vector.broadcast %add3A_1033 : i32 to vector<16xi32>
            %add3A_1035 = arith.addi %add3A_1034, %select_n3A_1031 : vector<16xi32>
            %gather3A_1036 = tpu.vector_load_idx %arg11[%add3A_1035] : memref<2176xi32, #tpu.memory_space<vmem>>[vector<16xi32>], vector<16xi32>,
            %lt3A_1037 = arith.cmpi slt, %gather3A_1036, %gather3A_512 : vector<16xi32>
            %add3A_1038 = arith.constant 1 : i32
            %add3A_1039 = vector.broadcast %add3A_1038 : i32 to vector<16xi32>
            %add3A_1040 = arith.addi %select_n3A_1031, %add3A_1039 : vector<16xi32>
            %select_n3A_1041 = arith.select %lt3A_1037, %add3A_1040, %select_n3A_998 : vector<16xi1>, vector<16xi32>
            %select_n3A_1042 = arith.select %lt3A_1037, %select_n3A_999, %select_n3A_1031 : vector<16xi1>, vector<16xi32>
            %add3A_1043 = arith.constant 0 : i32
            %add3A_1044 = arith.addi %add3A_1043, %sub3A_92 : i32
            %add3A_1045 = vector.broadcast %add3A_1044 : i32 to vector<16xi32>
            %add3A_1046 = arith.addi %add3A_1045, %select_n3A_1041 : vector<16xi32>
            %gather3A_1047 = tpu.vector_load_idx %arg11[%add3A_1046] : memref<2176xi32, #tpu.memory_space<vmem>>[vector<16xi32>], vector<16xi32>,
            %lt3A_1048 = vector.broadcast %min3A_382 : i32 to vector<16xi32>
            %lt3A_1049 = arith.cmpi slt, %add3A_507, %lt3A_1048 : vector<16xi32>
            %lt3A_1050 = vector.broadcast %min3A_380 : i32 to vector<16xi32>
            %lt3A_1051 = arith.cmpi slt, %select_n3A_1041, %lt3A_1050 : vector<16xi32>
            %and3A_1052 = arith.andi %lt3A_1049, %lt3A_1051 : vector<16xi1>
            %eq3A_1053 = arith.cmpi eq, %gather3A_1047, %gather3A_512 : vector<16xi32>
            %and3A_1054 = arith.andi %and3A_1052, %eq3A_1053 : vector<16xi1>
            %and3A_1055 = arith.andi %and3A_1054, %or3A_523 : vector<16xi1>
            %while3A_1056:2 = scf.while (%while3A_1057 = %and3A_1055, %while3A_1058 = %while3A_503) : (vector<16xi1>, vector<16xf32>) -> (vector<16xi1>, vector<16xf32>) {
              %all_reduce_population_count3A = tpu.all_reduce %while3A_1057 {dim = 0 : i64, kind = #tpu.reduction_kind<sum>} : vector<16xi1> -> vector<16xi32>
              %slice3A_1059 = vector.extract_strided_slice %all_reduce_population_count3A {offsets = [0], sizes = [1], strides = [1]} : vector<16xi32> to vector<1xi32>
              %squeeze3A_1060 = vector.extract %slice3A_1059[0] : i32 from vector<1xi32>
              %gt3A_1061 = arith.constant 0 : i32
              %gt3A_1062 = arith.cmpi sgt, %squeeze3A_1060, %gt3A_1061 : i32
              scf.condition(%gt3A_1062) %while3A_1057, %while3A_1058 : vector<16xi1>, vector<16xf32>
            } do {
            ^bb0(%while3A_1057: vector<16xi1>, %while3A_1058: vector<16xf32>):
              %all_reduce_ffs3A = tpu.all_reduce %while3A_1057 {dim = 0 : i64, kind = #tpu.reduction_kind<find_first_set>} : vector<16xi1> -> vector<16xi32>
              %slice3A_1059 = vector.extract_strided_slice %all_reduce_ffs3A {offsets = [0], sizes = [1], strides = [1]} : vector<16xi32> to vector<1xi32>
              %squeeze3A_1060 = vector.extract %slice3A_1059[0] : i32 from vector<1xi32>
              %add3A_1061 = arith.constant 0 : i32
              %add3A_1062 = arith.addi %add3A_1061, %sub3A_119 : i32
              %mul3A_1063 = arith.constant 16 : i32
              %mul3A_1064 = arith.muli %while3A_502, %mul3A_1063 : i32
              %add3A_1065 = arith.addi %add3A_1062, %mul3A_1064 : i32
              %add3A_1066 = arith.addi %add3A_1065, %squeeze3A_1060 : i32
              %get3A_1067 = arith.index_cast %add3A_1066 : i32 to index
              %get3A_1068 = tpu.vector_load %arg12[%get3A_1067] {strides = array<i32>} : memref<2176xi32, #tpu.memory_space<vmem>>, vector<16xi32>,
              %slice3A_1069 = vector.extract_strided_slice %get3A_1068 {offsets = [0], sizes = [1], strides = [1]} : vector<16xi32> to vector<1xi32>
              %squeeze3A_1070 = vector.extract %slice3A_1069[0] : i32 from vector<1xi32>
              "tpu.region"() ({
                %run_scoped3A = tpu.sem_alloc : memref<!tpu.dma_semaphore, #tpu.memory_space<semaphore_mem>>
                %dma_start3A = arith.constant 0 : i32
                %dma_start3A_1170 = tpu.memref_slice %arg2[%squeeze3A_1070, %dma_start3A] : memref<10000x256xf32, #tpu.memory_space<hbm>> -> memref<1x256xf32, #tpu.memory_space<hbm>>
                %dma_start3A_1171 = tpu.memref_squeeze %dma_start3A_1170 : memref<1x256xf32, #tpu.memory_space<hbm>> -> memref<256xf32, #tpu.memory_space<hbm>>
                %dma_start3A_1172 = arith.constant 0 : i32
                %dma_start3A_1173 = tpu.memref_slice %arg2[%squeeze3A_1070, %dma_start3A_1172] : memref<10000x256xf32, #tpu.memory_space<hbm>> -> memref<1x256xf32, #tpu.memory_space<hbm>>
                %dma_start3A_1174 = tpu.memref_squeeze %dma_start3A_1173 : memref<1x256xf32, #tpu.memory_space<hbm>> -> memref<256xf32, #tpu.memory_space<hbm>>
                tpu.enqueue_dma source(%dma_start3A_1174 : memref<256xf32, #tpu.memory_space<hbm>>) target(%arg17 : memref<256xf32, #tpu.memory_space<vmem>>) target_semaphore(%run_scoped3A : memref<!tpu.dma_semaphore, #tpu.memory_space<semaphore_mem>>)
                %dma_wait3A = arith.constant 0 : i32
                %dma_wait3A_1175 = tpu.memref_slice %arg2[%squeeze3A_1070, %dma_wait3A] : memref<10000x256xf32, #tpu.memory_space<hbm>> -> memref<1x256xf32, #tpu.memory_space<hbm>>
                %dma_wait3A_1176 = tpu.memref_squeeze %dma_wait3A_1175 : memref<1x256xf32, #tpu.memory_space<hbm>> -> memref<256xf32, #tpu.memory_space<hbm>>
                %dma_wait3A_1177 = arith.constant 0 : i32
                %dma_wait3A_1178 = tpu.memref_slice %arg2[%squeeze3A_1070, %dma_wait3A_1177] : memref<10000x256xf32, #tpu.memory_space<hbm>> -> memref<1x256xf32, #tpu.memory_space<hbm>>
                %dma_wait3A_1179 = tpu.memref_squeeze %dma_wait3A_1178 : memref<1x256xf32, #tpu.memory_space<hbm>> -> memref<256xf32, #tpu.memory_space<hbm>>
                tpu.wait_dma2 semaphore(%run_scoped3A : memref<!tpu.dma_semaphore, #tpu.memory_space<semaphore_mem>>) src(%dma_wait3A_1179 : memref<256xf32, #tpu.memory_space<hbm>>) dst(%arg17 : memref<256xf32, #tpu.memory_space<vmem>>)
                tpu.yield
              }) : () -> ()
              %get3A_1071 = arith.constant 0 : index
              %get3A_1072 = tpu.vector_load %arg17[%get3A_1071] {strides = array<i32>} : memref<256xf32, #tpu.memory_space<vmem>>, vector<16xf32>,
              %get3A_1073 = arith.constant 0 : index
              %get3A_1074 = tpu.vector_load %arg19[%get3A_1073] {strides = array<i32>} : memref<256xf32, #tpu.memory_space<vmem>>, vector<16xf32>,
              %mul3A_1075 = arith.mulf %get3A_1072, %get3A_1074 : vector<16xf32>
              %add3A_1076 = arith.addf %while3A_1058, %mul3A_1075 : vector<16xf32>
              %get3A_1077 = arith.constant 16 : index
              %get3A_1078 = tpu.vector_load %arg17[%get3A_1077] {strides = array<i32>} : memref<256xf32, #tpu.memory_space<vmem>>, vector<16xf32>,
              %get3A_1079 = arith.constant 16 : index
              %get3A_1080 = tpu.vector_load %arg19[%get3A_1079] {strides = array<i32>} : memref<256xf32, #tpu.memory_space<vmem>>, vector<16xf32>,
              %mul3A_1081 = arith.mulf %get3A_1078, %get3A_1080 : vector<16xf32>
              %add3A_1082 = arith.addf %add3A_1076, %mul3A_1081 : vector<16xf32>
              %get3A_1083 = arith.constant 32 : index
              %get3A_1084 = tpu.vector_load %arg17[%get3A_1083] {strides = array<i32>} : memref<256xf32, #tpu.memory_space<vmem>>, vector<16xf32>,
              %get3A_1085 = arith.constant 32 : index
              %get3A_1086 = tpu.vector_load %arg19[%get3A_1085] {strides = array<i32>} : memref<256xf32, #tpu.memory_space<vmem>>, vector<16xf32>,
              %mul3A_1087 = arith.mulf %get3A_1084, %get3A_1086 : vector<16xf32>
              %add3A_1088 = arith.addf %add3A_1082, %mul3A_1087 : vector<16xf32>
              %get3A_1089 = arith.constant 48 : index
              %get3A_1090 = tpu.vector_load %arg17[%get3A_1089] {strides = array<i32>} : memref<256xf32, #tpu.memory_space<vmem>>, vector<16xf32>,
              %get3A_1091 = arith.constant 48 : index
              %get3A_1092 = tpu.vector_load %arg19[%get3A_1091] {strides = array<i32>} : memref<256xf32, #tpu.memory_space<vmem>>, vector<16xf32>,
              %mul3A_1093 = arith.mulf %get3A_1090, %get3A_1092 : vector<16xf32>
              %add3A_1094 = arith.addf %add3A_1088, %mul3A_1093 : vector<16xf32>
              %get3A_1095 = arith.constant 64 : index
              %get3A_1096 = tpu.vector_load %arg17[%get3A_1095] {strides = array<i32>} : memref<256xf32, #tpu.memory_space<vmem>>, vector<16xf32>,
              %get3A_1097 = arith.constant 64 : index
              %get3A_1098 = tpu.vector_load %arg19[%get3A_1097] {strides = array<i32>} : memref<256xf32, #tpu.memory_space<vmem>>, vector<16xf32>,
              %mul3A_1099 = arith.mulf %get3A_1096, %get3A_1098 : vector<16xf32>
              %add3A_1100 = arith.addf %add3A_1094, %mul3A_1099 : vector<16xf32>
              %get3A_1101 = arith.constant 80 : index
              %get3A_1102 = tpu.vector_load %arg17[%get3A_1101] {strides = array<i32>} : memref<256xf32, #tpu.memory_space<vmem>>, vector<16xf32>,
              %get3A_1103 = arith.constant 80 : index
              %get3A_1104 = tpu.vector_load %arg19[%get3A_1103] {strides = array<i32>} : memref<256xf32, #tpu.memory_space<vmem>>, vector<16xf32>,
              %mul3A_1105 = arith.mulf %get3A_1102, %get3A_1104 : vector<16xf32>
              %add3A_1106 = arith.addf %add3A_1100, %mul3A_1105 : vector<16xf32>
              %get3A_1107 = arith.constant 96 : index
              %get3A_1108 = tpu.vector_load %arg17[%get3A_1107] {strides = array<i32>} : memref<256xf32, #tpu.memory_space<vmem>>, vector<16xf32>,
              %get3A_1109 = arith.constant 96 : index
              %get3A_1110 = tpu.vector_load %arg19[%get3A_1109] {strides = array<i32>} : memref<256xf32, #tpu.memory_space<vmem>>, vector<16xf32>,
              %mul3A_1111 = arith.mulf %get3A_1108, %get3A_1110 : vector<16xf32>
              %add3A_1112 = arith.addf %add3A_1106, %mul3A_1111 : vector<16xf32>
              %get3A_1113 = arith.constant 112 : index
              %get3A_1114 = tpu.vector_load %arg17[%get3A_1113] {strides = array<i32>} : memref<256xf32, #tpu.memory_space<vmem>>, vector<16xf32>,
              %get3A_1115 = arith.constant 112 : index
              %get3A_1116 = tpu.vector_load %arg19[%get3A_1115] {strides = array<i32>} : memref<256xf32, #tpu.memory_space<vmem>>, vector<16xf32>,
              %mul3A_1117 = arith.mulf %get3A_1114, %get3A_1116 : vector<16xf32>
              %add3A_1118 = arith.addf %add3A_1112, %mul3A_1117 : vector<16xf32>
              %get3A_1119 = arith.constant 128 : index
              %get3A_1120 = tpu.vector_load %arg17[%get3A_1119] {strides = array<i32>} : memref<256xf32, #tpu.memory_space<vmem>>, vector<16xf32>,
              %get3A_1121 = arith.constant 128 : index
              %get3A_1122 = tpu.vector_load %arg19[%get3A_1121] {strides = array<i32>} : memref<256xf32, #tpu.memory_space<vmem>>, vector<16xf32>,
              %mul3A_1123 = arith.mulf %get3A_1120, %get3A_1122 : vector<16xf32>
              %add3A_1124 = arith.addf %add3A_1118, %mul3A_1123 : vector<16xf32>
              %get3A_1125 = arith.constant 144 : index
              %get3A_1126 = tpu.vector_load %arg17[%get3A_1125] {strides = array<i32>} : memref<256xf32, #tpu.memory_space<vmem>>, vector<16xf32>,
              %get3A_1127 = arith.constant 144 : index
              %get3A_1128 = tpu.vector_load %arg19[%get3A_1127] {strides = array<i32>} : memref<256xf32, #tpu.memory_space<vmem>>, vector<16xf32>,
              %mul3A_1129 = arith.mulf %get3A_1126, %get3A_1128 : vector<16xf32>
              %add3A_1130 = arith.addf %add3A_1124, %mul3A_1129 : vector<16xf32>
              %get3A_1131 = arith.constant 160 : index
              %get3A_1132 = tpu.vector_load %arg17[%get3A_1131] {strides = array<i32>} : memref<256xf32, #tpu.memory_space<vmem>>, vector<16xf32>,
              %get3A_1133 = arith.constant 160 : index
              %get3A_1134 = tpu.vector_load %arg19[%get3A_1133] {strides = array<i32>} : memref<256xf32, #tpu.memory_space<vmem>>, vector<16xf32>,
              %mul3A_1135 = arith.mulf %get3A_1132, %get3A_1134 : vector<16xf32>
              %add3A_1136 = arith.addf %add3A_1130, %mul3A_1135 : vector<16xf32>
              %get3A_1137 = arith.constant 176 : index
              %get3A_1138 = tpu.vector_load %arg17[%get3A_1137] {strides = array<i32>} : memref<256xf32, #tpu.memory_space<vmem>>, vector<16xf32>,
              %get3A_1139 = arith.constant 176 : index
              %get3A_1140 = tpu.vector_load %arg19[%get3A_1139] {strides = array<i32>} : memref<256xf32, #tpu.memory_space<vmem>>, vector<16xf32>,
              %mul3A_1141 = arith.mulf %get3A_1138, %get3A_1140 : vector<16xf32>
              %add3A_1142 = arith.addf %add3A_1136, %mul3A_1141 : vector<16xf32>
              %get3A_1143 = arith.constant 192 : index
              %get3A_1144 = tpu.vector_load %arg17[%get3A_1143] {strides = array<i32>} : memref<256xf32, #tpu.memory_space<vmem>>, vector<16xf32>,
              %get3A_1145 = arith.constant 192 : index
              %get3A_1146 = tpu.vector_load %arg19[%get3A_1145] {strides = array<i32>} : memref<256xf32, #tpu.memory_space<vmem>>, vector<16xf32>,
              %mul3A_1147 = arith.mulf %get3A_1144, %get3A_1146 : vector<16xf32>
              %add3A_1148 = arith.addf %add3A_1142, %mul3A_1147 : vector<16xf32>
              %get3A_1149 = arith.constant 208 : index
              %get3A_1150 = tpu.vector_load %arg17[%get3A_1149] {strides = array<i32>} : memref<256xf32, #tpu.memory_space<vmem>>, vector<16xf32>,
              %get3A_1151 = arith.constant 208 : index
              %get3A_1152 = tpu.vector_load %arg19[%get3A_1151] {strides = array<i32>} : memref<256xf32, #tpu.memory_space<vmem>>, vector<16xf32>,
              %mul3A_1153 = arith.mulf %get3A_1150, %get3A_1152 : vector<16xf32>
              %add3A_1154 = arith.addf %add3A_1148, %mul3A_1153 : vector<16xf32>
              %get3A_1155 = arith.constant 224 : index
              %get3A_1156 = tpu.vector_load %arg17[%get3A_1155] {strides = array<i32>} : memref<256xf32, #tpu.memory_space<vmem>>, vector<16xf32>,
              %get3A_1157 = arith.constant 224 : index
              %get3A_1158 = tpu.vector_load %arg19[%get3A_1157] {strides = array<i32>} : memref<256xf32, #tpu.memory_space<vmem>>, vector<16xf32>,
              %mul3A_1159 = arith.mulf %get3A_1156, %get3A_1158 : vector<16xf32>
              %add3A_1160 = arith.addf %add3A_1154, %mul3A_1159 : vector<16xf32>
              %get3A_1161 = arith.constant 240 : index
              %get3A_1162 = tpu.vector_load %arg17[%get3A_1161] {strides = array<i32>} : memref<256xf32, #tpu.memory_space<vmem>>, vector<16xf32>,
              %get3A_1163 = arith.constant 240 : index
              %get3A_1164 = tpu.vector_load %arg19[%get3A_1163] {strides = array<i32>} : memref<256xf32, #tpu.memory_space<vmem>>, vector<16xf32>,
              %mul3A_1165 = arith.mulf %get3A_1162, %get3A_1164 : vector<16xf32>
              %add3A_1166 = arith.addf %add3A_1160, %mul3A_1165 : vector<16xf32>
              %ne3A_1167 = vector.broadcast %squeeze3A_1060 : i32 to vector<16xi32>
              %ne3A_1168 = arith.cmpi ne, %iota3A, %ne3A_1167 : vector<16xi32>
              %and3A_1169 = arith.andi %while3A_1057, %ne3A_1168 : vector<16xi1>
              scf.yield %and3A_1169, %add3A_1166 : vector<16xi1>, vector<16xf32>
            }
            scf.yield %while3A_1056#1 : vector<16xf32>
          }
          %while3A_500 = arith.constant 1 : i32
          %while3A_501 = scf.for %while3A_502 = %while3A_497 to %while3A_493 step %while3A_500 iter_args(%while3A_503 = %while3A_499) -> (vector<16xf32>)  : i32 {
            %mul3A_504 = arith.constant 16 : i32
            %mul3A_505 = arith.muli %while3A_502, %mul3A_504 : i32
            %add3A_506 = vector.broadcast %mul3A_505 : i32 to vector<16xi32>
            %add3A_507 = arith.addi %add3A_506, %iota3A : vector<16xi32>
            %add3A_508 = arith.constant 0 : i32
            %add3A_509 = arith.addi %add3A_508, %sub3A_119 : i32
            %add3A_510 = vector.broadcast %add3A_509 : i32 to vector<16xi32>
            %add3A_511 = arith.addi %add3A_510, %add3A_507 : vector<16xi32>
            %gather3A_512 = tpu.vector_load_idx %arg12[%add3A_511] : memref<2176xi32, #tpu.memory_space<vmem>>[vector<16xi32>], vector<16xi32>,
            %sub3A_513 = arith.constant 1 : i32
            %sub3A_514 = vector.broadcast %sub3A_513 : i32 to vector<16xi32>
            %sub3A_515 = arith.subi %add3A_511, %sub3A_514 : vector<16xi32>
            %max3A = arith.constant 0 : i32
            %max3A_516 = vector.broadcast %max3A : i32 to vector<16xi32>
            %max3A_517 = arith.maxsi %sub3A_515, %max3A_516 : vector<16xi32>
            %gather3A_518 = tpu.vector_load_idx %arg12[%max3A_517] : memref<2176xi32, #tpu.memory_space<vmem>>[vector<16xi32>], vector<16xi32>,
            %ne3A_519 = arith.cmpi ne, %gather3A_512, %gather3A_518 : vector<16xi32>
            %eq3A_520 = arith.constant 0 : i32
            %eq3A_521 = vector.broadcast %eq3A_520 : i32 to vector<16xi32>
            %eq3A_522 = arith.cmpi eq, %add3A_507, %eq3A_521 : vector<16xi32>
            %or3A_523 = arith.ori %ne3A_519, %eq3A_522 : vector<16xi1>
            %broadcast_in_dim3A_524 = arith.constant 0 : i32
            %broadcast_in_dim3A_525 = vector.broadcast %broadcast_in_dim3A_524 : i32 to vector<16xi32>
            %broadcast_in_dim3A_526 = vector.broadcast %min3A_380 : i32 to vector<16xi32>
            %add3A_527 = arith.addi %broadcast_in_dim3A_525, %broadcast_in_dim3A_526 : vector<16xi32>
            %jit3A_528 = arith.constant 2 : i32
            %div3A_529 = vector.broadcast %jit3A_528 : i32 to vector<16xi32>
            %div3A_530 = arith.divsi %add3A_527, %div3A_529 : vector<16xi32>
            %sign3A_531 = arith.constant 0 : i32
            %sign3A_532 = vector.broadcast %sign3A_531 : i32 to vector<16xi32>
            %sign3A_533 = arith.cmpi sgt, %add3A_527, %sign3A_532 : vector<16xi32>
            %sign3A_534 = arith.extui %sign3A_533 : vector<16xi1> to vector<16xi32>
            %sign3A_535 = arith.constant 0 : i32
            %sign3A_536 = vector.broadcast %sign3A_535 : i32 to vector<16xi32>
            %sign3A_537 = arith.cmpi slt, %add3A_527, %sign3A_536 : vector<16xi32>
            %sign3A_538 = arith.extui %sign3A_537 : vector<16xi1> to vector<16xi32>
            %sign3A_539 = arith.subi %sign3A_534, %sign3A_538 : vector<16xi32>
            %sign3A_540 = arith.constant 0 : i32
            %sign3A_541 = arith.cmpi sgt, %jit3A_528, %sign3A_540 : i32
            %sign3A_542 = arith.extui %sign3A_541 : i1 to i32
            %sign3A_543 = arith.constant 0 : i32
            %sign3A_544 = arith.cmpi slt, %jit3A_528, %sign3A_543 : i32
            %sign3A_545 = arith.extui %sign3A_544 : i1 to i32
            %sign3A_546 = arith.subi %sign3A_542, %sign3A_545 : i32
            %ne3A_547 = vector.broadcast %sign3A_546 : i32 to vector<16xi32>
            %ne3A_548 = arith.cmpi ne, %sign3A_539, %ne3A_547 : vector<16xi32>
            %rem3A_549 = vector.broadcast %jit3A_528 : i32 to vector<16xi32>
            %rem3A_550 = arith.remsi %add3A_527, %rem3A_549 : vector<16xi32>
            %ne3A_551 = arith.constant 0 : i32
            %ne3A_552 = vector.broadcast %ne3A_551 : i32 to vector<16xi32>
            %ne3A_553 = arith.cmpi ne, %rem3A_550, %ne3A_552 : vector<16xi32>
            %and3A_554 = arith.andi %ne3A_548, %ne3A_553 : vector<16xi1>
            %sub3A_555 = arith.constant 1 : i32
            %sub3A_556 = vector.broadcast %sub3A_555 : i32 to vector<16xi32>
            %sub3A_557 = arith.subi %div3A_530, %sub3A_556 : vector<16xi32>
            %select_n3A_558 = arith.select %and3A_554, %sub3A_557, %div3A_530 : vector<16xi1>, vector<16xi32>
            %add3A_559 = arith.constant 0 : i32
            %add3A_560 = arith.addi %add3A_559, %sub3A_92 : i32
            %add3A_561 = vector.broadcast %add3A_560 : i32 to vector<16xi32>
            %add3A_562 = arith.addi %add3A_561, %select_n3A_558 : vector<16xi32>
            %gather3A_563 = tpu.vector_load_idx %arg11[%add3A_562] : memref<2176xi32, #tpu.memory_space<vmem>>[vector<16xi32>], vector<16xi32>,
            %lt3A_564 = arith.cmpi slt, %gather3A_563, %gather3A_512 : vector<16xi32>
            %add3A_565 = arith.constant 1 : i32
            %add3A_566 = vector.broadcast %add3A_565 : i32 to vector<16xi32>
            %add3A_567 = arith.addi %select_n3A_558, %add3A_566 : vector<16xi32>
            %select_n3A_568 = arith.select %lt3A_564, %add3A_567, %broadcast_in_dim3A_525 : vector<16xi1>, vector<16xi32>
            %select_n3A_569 = arith.select %lt3A_564, %broadcast_in_dim3A_526, %select_n3A_558 : vector<16xi1>, vector<16xi32>
            %add3A_570 = arith.addi %select_n3A_568, %select_n3A_569 : vector<16xi32>
            %jit3A_571 = arith.constant 2 : i32
            %div3A_572 = vector.broadcast %jit3A_571 : i32 to vector<16xi32>
            %div3A_573 = arith.divsi %add3A_570, %div3A_572 : vector<16xi32>
            %sign3A_574 = arith.constant 0 : i32
            %sign3A_575 = vector.broadcast %sign3A_574 : i32 to vector<16xi32>
            %sign3A_576 = arith.cmpi sgt, %add3A_570, %sign3A_575 : vector<16xi32>
            %sign3A_577 = arith.extui %sign3A_576 : vector<16xi1> to vector<16xi32>
            %sign3A_578 = arith.constant 0 : i32
            %sign3A_579 = vector.broadcast %sign3A_578 : i32 to vector<16xi32>
            %sign3A_580 = arith.cmpi slt, %add3A_570, %sign3A_579 : vector<16xi32>
            %sign3A_581 = arith.extui %sign3A_580 : vector<16xi1> to vector<16xi32>
            %sign3A_582 = arith.subi %sign3A_577, %sign3A_581 : vector<16xi32>
            %sign3A_583 = arith.constant 0 : i32
            %sign3A_584 = arith.cmpi sgt, %jit3A_571, %sign3A_583 : i32
            %sign3A_585 = arith.extui %sign3A_584 : i1 to i32
            %sign3A_586 = arith.constant 0 : i32
            %sign3A_587 = arith.cmpi slt, %jit3A_571, %sign3A_586 : i32
            %sign3A_588 = arith.extui %sign3A_587 : i1 to i32
            %sign3A_589 = arith.subi %sign3A_585, %sign3A_588 : i32
            %ne3A_590 = vector.broadcast %sign3A_589 : i32 to vector<16xi32>
            %ne3A_591 = arith.cmpi ne, %sign3A_582, %ne3A_590 : vector<16xi32>
            %rem3A_592 = vector.broadcast %jit3A_571 : i32 to vector<16xi32>
            %rem3A_593 = arith.remsi %add3A_570, %rem3A_592 : vector<16xi32>
            %ne3A_594 = arith.constant 0 : i32
            %ne3A_595 = vector.broadcast %ne3A_594 : i32 to vector<16xi32>
            %ne3A_596 = arith.cmpi ne, %rem3A_593, %ne3A_595 : vector<16xi32>
            %and3A_597 = arith.andi %ne3A_591, %ne3A_596 : vector<16xi1>
            %sub3A_598 = arith.constant 1 : i32
            %sub3A_599 = vector.broadcast %sub3A_598 : i32 to vector<16xi32>
            %sub3A_600 = arith.subi %div3A_573, %sub3A_599 : vector<16xi32>
            %select_n3A_601 = arith.select %and3A_597, %sub3A_600, %div3A_573 : vector<16xi1>, vector<16xi32>
            %add3A_602 = arith.constant 0 : i32
            %add3A_603 = arith.addi %add3A_602, %sub3A_92 : i32
            %add3A_604 = vector.broadcast %add3A_603 : i32 to vector<16xi32>
            %add3A_605 = arith.addi %add3A_604, %select_n3A_601 : vector<16xi32>
            %gather3A_606 = tpu.vector_load_idx %arg11[%add3A_605] : memref<2176xi32, #tpu.memory_space<vmem>>[vector<16xi32>], vector<16xi32>,
            %lt3A_607 = arith.cmpi slt, %gather3A_606, %gather3A_512 : vector<16xi32>
            %add3A_608 = arith.constant 1 : i32
            %add3A_609 = vector.broadcast %add3A_608 : i32 to vector<16xi32>
            %add3A_610 = arith.addi %select_n3A_601, %add3A_609 : vector<16xi32>
            %select_n3A_611 = arith.select %lt3A_607, %add3A_610, %select_n3A_568 : vector<16xi1>, vector<16xi32>
            %select_n3A_612 = arith.select %lt3A_607, %select_n3A_569, %select_n3A_601 : vector<16xi1>, vector<16xi32>
            %add3A_613 = arith.addi %select_n3A_611, %select_n3A_612 : vector<16xi32>
            %jit3A_614 = arith.constant 2 : i32
            %div3A_615 = vector.broadcast %jit3A_614 : i32 to vector<16xi32>
            %div3A_616 = arith.divsi %add3A_613, %div3A_615 : vector<16xi32>
            %sign3A_617 = arith.constant 0 : i32
            %sign3A_618 = vector.broadcast %sign3A_617 : i32 to vector<16xi32>
            %sign3A_619 = arith.cmpi sgt, %add3A_613, %sign3A_618 : vector<16xi32>
            %sign3A_620 = arith.extui %sign3A_619 : vector<16xi1> to vector<16xi32>
            %sign3A_621 = arith.constant 0 : i32
            %sign3A_622 = vector.broadcast %sign3A_621 : i32 to vector<16xi32>
            %sign3A_623 = arith.cmpi slt, %add3A_613, %sign3A_622 : vector<16xi32>
            %sign3A_624 = arith.extui %sign3A_623 : vector<16xi1> to vector<16xi32>
            %sign3A_625 = arith.subi %sign3A_620, %sign3A_624 : vector<16xi32>
            %sign3A_626 = arith.constant 0 : i32
            %sign3A_627 = arith.cmpi sgt, %jit3A_614, %sign3A_626 : i32
            %sign3A_628 = arith.extui %sign3A_627 : i1 to i32
            %sign3A_629 = arith.constant 0 : i32
            %sign3A_630 = arith.cmpi slt, %jit3A_614, %sign3A_629 : i32
            %sign3A_631 = arith.extui %sign3A_630 : i1 to i32
            %sign3A_632 = arith.subi %sign3A_628, %sign3A_631 : i32
            %ne3A_633 = vector.broadcast %sign3A_632 : i32 to vector<16xi32>
            %ne3A_634 = arith.cmpi ne, %sign3A_625, %ne3A_633 : vector<16xi32>
            %rem3A_635 = vector.broadcast %jit3A_614 : i32 to vector<16xi32>
            %rem3A_636 = arith.remsi %add3A_613, %rem3A_635 : vector<16xi32>
            %ne3A_637 = arith.constant 0 : i32
            %ne3A_638 = vector.broadcast %ne3A_637 : i32 to vector<16xi32>
            %ne3A_639 = arith.cmpi ne, %rem3A_636, %ne3A_638 : vector<16xi32>
            %and3A_640 = arith.andi %ne3A_634, %ne3A_639 : vector<16xi1>
            %sub3A_641 = arith.constant 1 : i32
            %sub3A_642 = vector.broadcast %sub3A_641 : i32 to vector<16xi32>
            %sub3A_643 = arith.subi %div3A_616, %sub3A_642 : vector<16xi32>
            %select_n3A_644 = arith.select %and3A_640, %sub3A_643, %div3A_616 : vector<16xi1>, vector<16xi32>
            %add3A_645 = arith.constant 0 : i32
            %add3A_646 = arith.addi %add3A_645, %sub3A_92 : i32
            %add3A_647 = vector.broadcast %add3A_646 : i32 to vector<16xi32>
            %add3A_648 = arith.addi %add3A_647, %select_n3A_644 : vector<16xi32>
            %gather3A_649 = tpu.vector_load_idx %arg11[%add3A_648] : memref<2176xi32, #tpu.memory_space<vmem>>[vector<16xi32>], vector<16xi32>,
            %lt3A_650 = arith.cmpi slt, %gather3A_649, %gather3A_512 : vector<16xi32>
            %add3A_651 = arith.constant 1 : i32
            %add3A_652 = vector.broadcast %add3A_651 : i32 to vector<16xi32>
            %add3A_653 = arith.addi %select_n3A_644, %add3A_652 : vector<16xi32>
            %select_n3A_654 = arith.select %lt3A_650, %add3A_653, %select_n3A_611 : vector<16xi1>, vector<16xi32>
            %select_n3A_655 = arith.select %lt3A_650, %select_n3A_612, %select_n3A_644 : vector<16xi1>, vector<16xi32>
            %add3A_656 = arith.addi %select_n3A_654, %select_n3A_655 : vector<16xi32>
            %jit3A_657 = arith.constant 2 : i32
            %div3A_658 = vector.broadcast %jit3A_657 : i32 to vector<16xi32>
            %div3A_659 = arith.divsi %add3A_656, %div3A_658 : vector<16xi32>
            %sign3A_660 = arith.constant 0 : i32
            %sign3A_661 = vector.broadcast %sign3A_660 : i32 to vector<16xi32>
            %sign3A_662 = arith.cmpi sgt, %add3A_656, %sign3A_661 : vector<16xi32>
            %sign3A_663 = arith.extui %sign3A_662 : vector<16xi1> to vector<16xi32>
            %sign3A_664 = arith.constant 0 : i32
            %sign3A_665 = vector.broadcast %sign3A_664 : i32 to vector<16xi32>
            %sign3A_666 = arith.cmpi slt, %add3A_656, %sign3A_665 : vector<16xi32>
            %sign3A_667 = arith.extui %sign3A_666 : vector<16xi1> to vector<16xi32>
            %sign3A_668 = arith.subi %sign3A_663, %sign3A_667 : vector<16xi32>
            %sign3A_669 = arith.constant 0 : i32
            %sign3A_670 = arith.cmpi sgt, %jit3A_657, %sign3A_669 : i32
            %sign3A_671 = arith.extui %sign3A_670 : i1 to i32
            %sign3A_672 = arith.constant 0 : i32
            %sign3A_673 = arith.cmpi slt, %jit3A_657, %sign3A_672 : i32
            %sign3A_674 = arith.extui %sign3A_673 : i1 to i32
            %sign3A_675 = arith.subi %sign3A_671, %sign3A_674 : i32
            %ne3A_676 = vector.broadcast %sign3A_675 : i32 to vector<16xi32>
            %ne3A_677 = arith.cmpi ne, %sign3A_668, %ne3A_676 : vector<16xi32>
            %rem3A_678 = vector.broadcast %jit3A_657 : i32 to vector<16xi32>
            %rem3A_679 = arith.remsi %add3A_656, %rem3A_678 : vector<16xi32>
            %ne3A_680 = arith.constant 0 : i32
            %ne3A_681 = vector.broadcast %ne3A_680 : i32 to vector<16xi32>
            %ne3A_682 = arith.cmpi ne, %rem3A_679, %ne3A_681 : vector<16xi32>
            %and3A_683 = arith.andi %ne3A_677, %ne3A_682 : vector<16xi1>
            %sub3A_684 = arith.constant 1 : i32
            %sub3A_685 = vector.broadcast %sub3A_684 : i32 to vector<16xi32>
            %sub3A_686 = arith.subi %div3A_659, %sub3A_685 : vector<16xi32>
            %select_n3A_687 = arith.select %and3A_683, %sub3A_686, %div3A_659 : vector<16xi1>, vector<16xi32>
            %add3A_688 = arith.constant 0 : i32
            %add3A_689 = arith.addi %add3A_688, %sub3A_92 : i32
            %add3A_690 = vector.broadcast %add3A_689 : i32 to vector<16xi32>
            %add3A_691 = arith.addi %add3A_690, %select_n3A_687 : vector<16xi32>
            %gather3A_692 = tpu.vector_load_idx %arg11[%add3A_691] : memref<2176xi32, #tpu.memory_space<vmem>>[vector<16xi32>], vector<16xi32>,
            %lt3A_693 = arith.cmpi slt, %gather3A_692, %gather3A_512 : vector<16xi32>
            %add3A_694 = arith.constant 1 : i32
            %add3A_695 = vector.broadcast %add3A_694 : i32 to vector<16xi32>
            %add3A_696 = arith.addi %select_n3A_687, %add3A_695 : vector<16xi32>
            %select_n3A_697 = arith.select %lt3A_693, %add3A_696, %select_n3A_654 : vector<16xi1>, vector<16xi32>
            %select_n3A_698 = arith.select %lt3A_693, %select_n3A_655, %select_n3A_687 : vector<16xi1>, vector<16xi32>
            %add3A_699 = arith.addi %select_n3A_697, %select_n3A_698 : vector<16xi32>
            %jit3A_700 = arith.constant 2 : i32
            %div3A_701 = vector.broadcast %jit3A_700 : i32 to vector<16xi32>
            %div3A_702 = arith.divsi %add3A_699, %div3A_701 : vector<16xi32>
            %sign3A_703 = arith.constant 0 : i32
            %sign3A_704 = vector.broadcast %sign3A_703 : i32 to vector<16xi32>
            %sign3A_705 = arith.cmpi sgt, %add3A_699, %sign3A_704 : vector<16xi32>
            %sign3A_706 = arith.extui %sign3A_705 : vector<16xi1> to vector<16xi32>
            %sign3A_707 = arith.constant 0 : i32
            %sign3A_708 = vector.broadcast %sign3A_707 : i32 to vector<16xi32>
            %sign3A_709 = arith.cmpi slt, %add3A_699, %sign3A_708 : vector<16xi32>
            %sign3A_710 = arith.extui %sign3A_709 : vector<16xi1> to vector<16xi32>
            %sign3A_711 = arith.subi %sign3A_706, %sign3A_710 : vector<16xi32>
            %sign3A_712 = arith.constant 0 : i32
            %sign3A_713 = arith.cmpi sgt, %jit3A_700, %sign3A_712 : i32
            %sign3A_714 = arith.extui %sign3A_713 : i1 to i32
            %sign3A_715 = arith.constant 0 : i32
            %sign3A_716 = arith.cmpi slt, %jit3A_700, %sign3A_715 : i32
            %sign3A_717 = arith.extui %sign3A_716 : i1 to i32
            %sign3A_718 = arith.subi %sign3A_714, %sign3A_717 : i32
            %ne3A_719 = vector.broadcast %sign3A_718 : i32 to vector<16xi32>
            %ne3A_720 = arith.cmpi ne, %sign3A_711, %ne3A_719 : vector<16xi32>
            %rem3A_721 = vector.broadcast %jit3A_700 : i32 to vector<16xi32>
            %rem3A_722 = arith.remsi %add3A_699, %rem3A_721 : vector<16xi32>
            %ne3A_723 = arith.constant 0 : i32
            %ne3A_724 = vector.broadcast %ne3A_723 : i32 to vector<16xi32>
            %ne3A_725 = arith.cmpi ne, %rem3A_722, %ne3A_724 : vector<16xi32>
            %and3A_726 = arith.andi %ne3A_720, %ne3A_725 : vector<16xi1>
            %sub3A_727 = arith.constant 1 : i32
            %sub3A_728 = vector.broadcast %sub3A_727 : i32 to vector<16xi32>
            %sub3A_729 = arith.subi %div3A_702, %sub3A_728 : vector<16xi32>
            %select_n3A_730 = arith.select %and3A_726, %sub3A_729, %div3A_702 : vector<16xi1>, vector<16xi32>
            %add3A_731 = arith.constant 0 : i32
            %add3A_732 = arith.addi %add3A_731, %sub3A_92 : i32
            %add3A_733 = vector.broadcast %add3A_732 : i32 to vector<16xi32>
            %add3A_734 = arith.addi %add3A_733, %select_n3A_730 : vector<16xi32>
            %gather3A_735 = tpu.vector_load_idx %arg11[%add3A_734] : memref<2176xi32, #tpu.memory_space<vmem>>[vector<16xi32>], vector<16xi32>,
            %lt3A_736 = arith.cmpi slt, %gather3A_735, %gather3A_512 : vector<16xi32>
            %add3A_737 = arith.constant 1 : i32
            %add3A_738 = vector.broadcast %add3A_737 : i32 to vector<16xi32>
            %add3A_739 = arith.addi %select_n3A_730, %add3A_738 : vector<16xi32>
            %select_n3A_740 = arith.select %lt3A_736, %add3A_739, %select_n3A_697 : vector<16xi1>, vector<16xi32>
            %select_n3A_741 = arith.select %lt3A_736, %select_n3A_698, %select_n3A_730 : vector<16xi1>, vector<16xi32>
            %add3A_742 = arith.addi %select_n3A_740, %select_n3A_741 : vector<16xi32>
            %jit3A_743 = arith.constant 2 : i32
            %div3A_744 = vector.broadcast %jit3A_743 : i32 to vector<16xi32>
            %div3A_745 = arith.divsi %add3A_742, %div3A_744 : vector<16xi32>
            %sign3A_746 = arith.constant 0 : i32
            %sign3A_747 = vector.broadcast %sign3A_746 : i32 to vector<16xi32>
            %sign3A_748 = arith.cmpi sgt, %add3A_742, %sign3A_747 : vector<16xi32>
            %sign3A_749 = arith.extui %sign3A_748 : vector<16xi1> to vector<16xi32>
            %sign3A_750 = arith.constant 0 : i32
            %sign3A_751 = vector.broadcast %sign3A_750 : i32 to vector<16xi32>
            %sign3A_752 = arith.cmpi slt, %add3A_742, %sign3A_751 : vector<16xi32>
            %sign3A_753 = arith.extui %sign3A_752 : vector<16xi1> to vector<16xi32>
            %sign3A_754 = arith.subi %sign3A_749, %sign3A_753 : vector<16xi32>
            %sign3A_755 = arith.constant 0 : i32
            %sign3A_756 = arith.cmpi sgt, %jit3A_743, %sign3A_755 : i32
            %sign3A_757 = arith.extui %sign3A_756 : i1 to i32
            %sign3A_758 = arith.constant 0 : i32
            %sign3A_759 = arith.cmpi slt, %jit3A_743, %sign3A_758 : i32
            %sign3A_760 = arith.extui %sign3A_759 : i1 to i32
            %sign3A_761 = arith.subi %sign3A_757, %sign3A_760 : i32
            %ne3A_762 = vector.broadcast %sign3A_761 : i32 to vector<16xi32>
            %ne3A_763 = arith.cmpi ne, %sign3A_754, %ne3A_762 : vector<16xi32>
            %rem3A_764 = vector.broadcast %jit3A_743 : i32 to vector<16xi32>
            %rem3A_765 = arith.remsi %add3A_742, %rem3A_764 : vector<16xi32>
            %ne3A_766 = arith.constant 0 : i32
            %ne3A_767 = vector.broadcast %ne3A_766 : i32 to vector<16xi32>
            %ne3A_768 = arith.cmpi ne, %rem3A_765, %ne3A_767 : vector<16xi32>
            %and3A_769 = arith.andi %ne3A_763, %ne3A_768 : vector<16xi1>
            %sub3A_770 = arith.constant 1 : i32
            %sub3A_771 = vector.broadcast %sub3A_770 : i32 to vector<16xi32>
            %sub3A_772 = arith.subi %div3A_745, %sub3A_771 : vector<16xi32>
            %select_n3A_773 = arith.select %and3A_769, %sub3A_772, %div3A_745 : vector<16xi1>, vector<16xi32>
            %add3A_774 = arith.constant 0 : i32
            %add3A_775 = arith.addi %add3A_774, %sub3A_92 : i32
            %add3A_776 = vector.broadcast %add3A_775 : i32 to vector<16xi32>
            %add3A_777 = arith.addi %add3A_776, %select_n3A_773 : vector<16xi32>
            %gather3A_778 = tpu.vector_load_idx %arg11[%add3A_777] : memref<2176xi32, #tpu.memory_space<vmem>>[vector<16xi32>], vector<16xi32>,
            %lt3A_779 = arith.cmpi slt, %gather3A_778, %gather3A_512 : vector<16xi32>
            %add3A_780 = arith.constant 1 : i32
            %add3A_781 = vector.broadcast %add3A_780 : i32 to vector<16xi32>
            %add3A_782 = arith.addi %select_n3A_773, %add3A_781 : vector<16xi32>
            %select_n3A_783 = arith.select %lt3A_779, %add3A_782, %select_n3A_740 : vector<16xi1>, vector<16xi32>
            %select_n3A_784 = arith.select %lt3A_779, %select_n3A_741, %select_n3A_773 : vector<16xi1>, vector<16xi32>
            %add3A_785 = arith.addi %select_n3A_783, %select_n3A_784 : vector<16xi32>
            %jit3A_786 = arith.constant 2 : i32
            %div3A_787 = vector.broadcast %jit3A_786 : i32 to vector<16xi32>
            %div3A_788 = arith.divsi %add3A_785, %div3A_787 : vector<16xi32>
            %sign3A_789 = arith.constant 0 : i32
            %sign3A_790 = vector.broadcast %sign3A_789 : i32 to vector<16xi32>
            %sign3A_791 = arith.cmpi sgt, %add3A_785, %sign3A_790 : vector<16xi32>
            %sign3A_792 = arith.extui %sign3A_791 : vector<16xi1> to vector<16xi32>
            %sign3A_793 = arith.constant 0 : i32
            %sign3A_794 = vector.broadcast %sign3A_793 : i32 to vector<16xi32>
            %sign3A_795 = arith.cmpi slt, %add3A_785, %sign3A_794 : vector<16xi32>
            %sign3A_796 = arith.extui %sign3A_795 : vector<16xi1> to vector<16xi32>
            %sign3A_797 = arith.subi %sign3A_792, %sign3A_796 : vector<16xi32>
            %sign3A_798 = arith.constant 0 : i32
            %sign3A_799 = arith.cmpi sgt, %jit3A_786, %sign3A_798 : i32
            %sign3A_800 = arith.extui %sign3A_799 : i1 to i32
            %sign3A_801 = arith.constant 0 : i32
            %sign3A_802 = arith.cmpi slt, %jit3A_786, %sign3A_801 : i32
            %sign3A_803 = arith.extui %sign3A_802 : i1 to i32
            %sign3A_804 = arith.subi %sign3A_800, %sign3A_803 : i32
            %ne3A_805 = vector.broadcast %sign3A_804 : i32 to vector<16xi32>
            %ne3A_806 = arith.cmpi ne, %sign3A_797, %ne3A_805 : vector<16xi32>
            %rem3A_807 = vector.broadcast %jit3A_786 : i32 to vector<16xi32>
            %rem3A_808 = arith.remsi %add3A_785, %rem3A_807 : vector<16xi32>
            %ne3A_809 = arith.constant 0 : i32
            %ne3A_810 = vector.broadcast %ne3A_809 : i32 to vector<16xi32>
            %ne3A_811 = arith.cmpi ne, %rem3A_808, %ne3A_810 : vector<16xi32>
            %and3A_812 = arith.andi %ne3A_806, %ne3A_811 : vector<16xi1>
            %sub3A_813 = arith.constant 1 : i32
            %sub3A_814 = vector.broadcast %sub3A_813 : i32 to vector<16xi32>
            %sub3A_815 = arith.subi %div3A_788, %sub3A_814 : vector<16xi32>
            %select_n3A_816 = arith.select %and3A_812, %sub3A_815, %div3A_788 : vector<16xi1>, vector<16xi32>
            %add3A_817 = arith.constant 0 : i32
            %add3A_818 = arith.addi %add3A_817, %sub3A_92 : i32
            %add3A_819 = vector.broadcast %add3A_818 : i32 to vector<16xi32>
            %add3A_820 = arith.addi %add3A_819, %select_n3A_816 : vector<16xi32>
            %gather3A_821 = tpu.vector_load_idx %arg11[%add3A_820] : memref<2176xi32, #tpu.memory_space<vmem>>[vector<16xi32>], vector<16xi32>,
            %lt3A_822 = arith.cmpi slt, %gather3A_821, %gather3A_512 : vector<16xi32>
            %add3A_823 = arith.constant 1 : i32
            %add3A_824 = vector.broadcast %add3A_823 : i32 to vector<16xi32>
            %add3A_825 = arith.addi %select_n3A_816, %add3A_824 : vector<16xi32>
            %select_n3A_826 = arith.select %lt3A_822, %add3A_825, %select_n3A_783 : vector<16xi1>, vector<16xi32>
            %select_n3A_827 = arith.select %lt3A_822, %select_n3A_784, %select_n3A_816 : vector<16xi1>, vector<16xi32>
            %add3A_828 = arith.addi %select_n3A_826, %select_n3A_827 : vector<16xi32>
            %jit3A_829 = arith.constant 2 : i32
            %div3A_830 = vector.broadcast %jit3A_829 : i32 to vector<16xi32>
            %div3A_831 = arith.divsi %add3A_828, %div3A_830 : vector<16xi32>
            %sign3A_832 = arith.constant 0 : i32
            %sign3A_833 = vector.broadcast %sign3A_832 : i32 to vector<16xi32>
            %sign3A_834 = arith.cmpi sgt, %add3A_828, %sign3A_833 : vector<16xi32>
            %sign3A_835 = arith.extui %sign3A_834 : vector<16xi1> to vector<16xi32>
            %sign3A_836 = arith.constant 0 : i32
            %sign3A_837 = vector.broadcast %sign3A_836 : i32 to vector<16xi32>
            %sign3A_838 = arith.cmpi slt, %add3A_828, %sign3A_837 : vector<16xi32>
            %sign3A_839 = arith.extui %sign3A_838 : vector<16xi1> to vector<16xi32>
            %sign3A_840 = arith.subi %sign3A_835, %sign3A_839 : vector<16xi32>
            %sign3A_841 = arith.constant 0 : i32
            %sign3A_842 = arith.cmpi sgt, %jit3A_829, %sign3A_841 : i32
            %sign3A_843 = arith.extui %sign3A_842 : i1 to i32
            %sign3A_844 = arith.constant 0 : i32
            %sign3A_845 = arith.cmpi slt, %jit3A_829, %sign3A_844 : i32
            %sign3A_846 = arith.extui %sign3A_845 : i1 to i32
            %sign3A_847 = arith.subi %sign3A_843, %sign3A_846 : i32
            %ne3A_848 = vector.broadcast %sign3A_847 : i32 to vector<16xi32>
            %ne3A_849 = arith.cmpi ne, %sign3A_840, %ne3A_848 : vector<16xi32>
            %rem3A_850 = vector.broadcast %jit3A_829 : i32 to vector<16xi32>
            %rem3A_851 = arith.remsi %add3A_828, %rem3A_850 : vector<16xi32>
            %ne3A_852 = arith.constant 0 : i32
            %ne3A_853 = vector.broadcast %ne3A_852 : i32 to vector<16xi32>
            %ne3A_854 = arith.cmpi ne, %rem3A_851, %ne3A_853 : vector<16xi32>
            %and3A_855 = arith.andi %ne3A_849, %ne3A_854 : vector<16xi1>
            %sub3A_856 = arith.constant 1 : i32
            %sub3A_857 = vector.broadcast %sub3A_856 : i32 to vector<16xi32>
            %sub3A_858 = arith.subi %div3A_831, %sub3A_857 : vector<16xi32>
            %select_n3A_859 = arith.select %and3A_855, %sub3A_858, %div3A_831 : vector<16xi1>, vector<16xi32>
            %add3A_860 = arith.constant 0 : i32
            %add3A_861 = arith.addi %add3A_860, %sub3A_92 : i32
            %add3A_862 = vector.broadcast %add3A_861 : i32 to vector<16xi32>
            %add3A_863 = arith.addi %add3A_862, %select_n3A_859 : vector<16xi32>
            %gather3A_864 = tpu.vector_load_idx %arg11[%add3A_863] : memref<2176xi32, #tpu.memory_space<vmem>>[vector<16xi32>], vector<16xi32>,
            %lt3A_865 = arith.cmpi slt, %gather3A_864, %gather3A_512 : vector<16xi32>
            %add3A_866 = arith.constant 1 : i32
            %add3A_867 = vector.broadcast %add3A_866 : i32 to vector<16xi32>
            %add3A_868 = arith.addi %select_n3A_859, %add3A_867 : vector<16xi32>
            %select_n3A_869 = arith.select %lt3A_865, %add3A_868, %select_n3A_826 : vector<16xi1>, vector<16xi32>
            %select_n3A_870 = arith.select %lt3A_865, %select_n3A_827, %select_n3A_859 : vector<16xi1>, vector<16xi32>
            %add3A_871 = arith.addi %select_n3A_869, %select_n3A_870 : vector<16xi32>
            %jit3A_872 = arith.constant 2 : i32
            %div3A_873 = vector.broadcast %jit3A_872 : i32 to vector<16xi32>
            %div3A_874 = arith.divsi %add3A_871, %div3A_873 : vector<16xi32>
            %sign3A_875 = arith.constant 0 : i32
            %sign3A_876 = vector.broadcast %sign3A_875 : i32 to vector<16xi32>
            %sign3A_877 = arith.cmpi sgt, %add3A_871, %sign3A_876 : vector<16xi32>
            %sign3A_878 = arith.extui %sign3A_877 : vector<16xi1> to vector<16xi32>
            %sign3A_879 = arith.constant 0 : i32
            %sign3A_880 = vector.broadcast %sign3A_879 : i32 to vector<16xi32>
            %sign3A_881 = arith.cmpi slt, %add3A_871, %sign3A_880 : vector<16xi32>
            %sign3A_882 = arith.extui %sign3A_881 : vector<16xi1> to vector<16xi32>
            %sign3A_883 = arith.subi %sign3A_878, %sign3A_882 : vector<16xi32>
            %sign3A_884 = arith.constant 0 : i32
            %sign3A_885 = arith.cmpi sgt, %jit3A_872, %sign3A_884 : i32
            %sign3A_886 = arith.extui %sign3A_885 : i1 to i32
            %sign3A_887 = arith.constant 0 : i32
            %sign3A_888 = arith.cmpi slt, %jit3A_872, %sign3A_887 : i32
            %sign3A_889 = arith.extui %sign3A_888 : i1 to i32
            %sign3A_890 = arith.subi %sign3A_886, %sign3A_889 : i32
            %ne3A_891 = vector.broadcast %sign3A_890 : i32 to vector<16xi32>
            %ne3A_892 = arith.cmpi ne, %sign3A_883, %ne3A_891 : vector<16xi32>
            %rem3A_893 = vector.broadcast %jit3A_872 : i32 to vector<16xi32>
            %rem3A_894 = arith.remsi %add3A_871, %rem3A_893 : vector<16xi32>
            %ne3A_895 = arith.constant 0 : i32
            %ne3A_896 = vector.broadcast %ne3A_895 : i32 to vector<16xi32>
            %ne3A_897 = arith.cmpi ne, %rem3A_894, %ne3A_896 : vector<16xi32>
            %and3A_898 = arith.andi %ne3A_892, %ne3A_897 : vector<16xi1>
            %sub3A_899 = arith.constant 1 : i32
            %sub3A_900 = vector.broadcast %sub3A_899 : i32 to vector<16xi32>
            %sub3A_901 = arith.subi %div3A_874, %sub3A_900 : vector<16xi32>
            %select_n3A_902 = arith.select %and3A_898, %sub3A_901, %div3A_874 : vector<16xi1>, vector<16xi32>
            %add3A_903 = arith.constant 0 : i32
            %add3A_904 = arith.addi %add3A_903, %sub3A_92 : i32
            %add3A_905 = vector.broadcast %add3A_904 : i32 to vector<16xi32>
            %add3A_906 = arith.addi %add3A_905, %select_n3A_902 : vector<16xi32>
            %gather3A_907 = tpu.vector_load_idx %arg11[%add3A_906] : memref<2176xi32, #tpu.memory_space<vmem>>[vector<16xi32>], vector<16xi32>,
            %lt3A_908 = arith.cmpi slt, %gather3A_907, %gather3A_512 : vector<16xi32>
            %add3A_909 = arith.constant 1 : i32
            %add3A_910 = vector.broadcast %add3A_909 : i32 to vector<16xi32>
            %add3A_911 = arith.addi %select_n3A_902, %add3A_910 : vector<16xi32>
            %select_n3A_912 = arith.select %lt3A_908, %add3A_911, %select_n3A_869 : vector<16xi1>, vector<16xi32>
            %select_n3A_913 = arith.select %lt3A_908, %select_n3A_870, %select_n3A_902 : vector<16xi1>, vector<16xi32>
            %add3A_914 = arith.addi %select_n3A_912, %select_n3A_913 : vector<16xi32>
            %jit3A_915 = arith.constant 2 : i32
            %div3A_916 = vector.broadcast %jit3A_915 : i32 to vector<16xi32>
            %div3A_917 = arith.divsi %add3A_914, %div3A_916 : vector<16xi32>
            %sign3A_918 = arith.constant 0 : i32
            %sign3A_919 = vector.broadcast %sign3A_918 : i32 to vector<16xi32>
            %sign3A_920 = arith.cmpi sgt, %add3A_914, %sign3A_919 : vector<16xi32>
            %sign3A_921 = arith.extui %sign3A_920 : vector<16xi1> to vector<16xi32>
            %sign3A_922 = arith.constant 0 : i32
            %sign3A_923 = vector.broadcast %sign3A_922 : i32 to vector<16xi32>
            %sign3A_924 = arith.cmpi slt, %add3A_914, %sign3A_923 : vector<16xi32>
            %sign3A_925 = arith.extui %sign3A_924 : vector<16xi1> to vector<16xi32>
            %sign3A_926 = arith.subi %sign3A_921, %sign3A_925 : vector<16xi32>
            %sign3A_927 = arith.constant 0 : i32
            %sign3A_928 = arith.cmpi sgt, %jit3A_915, %sign3A_927 : i32
            %sign3A_929 = arith.extui %sign3A_928 : i1 to i32
            %sign3A_930 = arith.constant 0 : i32
            %sign3A_931 = arith.cmpi slt, %jit3A_915, %sign3A_930 : i32
            %sign3A_932 = arith.extui %sign3A_931 : i1 to i32
            %sign3A_933 = arith.subi %sign3A_929, %sign3A_932 : i32
            %ne3A_934 = vector.broadcast %sign3A_933 : i32 to vector<16xi32>
            %ne3A_935 = arith.cmpi ne, %sign3A_926, %ne3A_934 : vector<16xi32>
            %rem3A_936 = vector.broadcast %jit3A_915 : i32 to vector<16xi32>
            %rem3A_937 = arith.remsi %add3A_914, %rem3A_936 : vector<16xi32>
            %ne3A_938 = arith.constant 0 : i32
            %ne3A_939 = vector.broadcast %ne3A_938 : i32 to vector<16xi32>
            %ne3A_940 = arith.cmpi ne, %rem3A_937, %ne3A_939 : vector<16xi32>
            %and3A_941 = arith.andi %ne3A_935, %ne3A_940 : vector<16xi1>
            %sub3A_942 = arith.constant 1 : i32
            %sub3A_943 = vector.broadcast %sub3A_942 : i32 to vector<16xi32>
            %sub3A_944 = arith.subi %div3A_917, %sub3A_943 : vector<16xi32>
            %select_n3A_945 = arith.select %and3A_941, %sub3A_944, %div3A_917 : vector<16xi1>, vector<16xi32>
            %add3A_946 = arith.constant 0 : i32
            %add3A_947 = arith.addi %add3A_946, %sub3A_92 : i32
            %add3A_948 = vector.broadcast %add3A_947 : i32 to vector<16xi32>
            %add3A_949 = arith.addi %add3A_948, %select_n3A_945 : vector<16xi32>
            %gather3A_950 = tpu.vector_load_idx %arg11[%add3A_949] : memref<2176xi32, #tpu.memory_space<vmem>>[vector<16xi32>], vector<16xi32>,
            %lt3A_951 = arith.cmpi slt, %gather3A_950, %gather3A_512 : vector<16xi32>
            %add3A_952 = arith.constant 1 : i32
            %add3A_953 = vector.broadcast %add3A_952 : i32 to vector<16xi32>
            %add3A_954 = arith.addi %select_n3A_945, %add3A_953 : vector<16xi32>
            %select_n3A_955 = arith.select %lt3A_951, %add3A_954, %select_n3A_912 : vector<16xi1>, vector<16xi32>
            %select_n3A_956 = arith.select %lt3A_951, %select_n3A_913, %select_n3A_945 : vector<16xi1>, vector<16xi32>
            %add3A_957 = arith.addi %select_n3A_955, %select_n3A_956 : vector<16xi32>
            %jit3A_958 = arith.constant 2 : i32
            %div3A_959 = vector.broadcast %jit3A_958 : i32 to vector<16xi32>
            %div3A_960 = arith.divsi %add3A_957, %div3A_959 : vector<16xi32>
            %sign3A_961 = arith.constant 0 : i32
            %sign3A_962 = vector.broadcast %sign3A_961 : i32 to vector<16xi32>
            %sign3A_963 = arith.cmpi sgt, %add3A_957, %sign3A_962 : vector<16xi32>
            %sign3A_964 = arith.extui %sign3A_963 : vector<16xi1> to vector<16xi32>
            %sign3A_965 = arith.constant 0 : i32
            %sign3A_966 = vector.broadcast %sign3A_965 : i32 to vector<16xi32>
            %sign3A_967 = arith.cmpi slt, %add3A_957, %sign3A_966 : vector<16xi32>
            %sign3A_968 = arith.extui %sign3A_967 : vector<16xi1> to vector<16xi32>
            %sign3A_969 = arith.subi %sign3A_964, %sign3A_968 : vector<16xi32>
            %sign3A_970 = arith.constant 0 : i32
            %sign3A_971 = arith.cmpi sgt, %jit3A_958, %sign3A_970 : i32
            %sign3A_972 = arith.extui %sign3A_971 : i1 to i32
            %sign3A_973 = arith.constant 0 : i32
            %sign3A_974 = arith.cmpi slt, %jit3A_958, %sign3A_973 : i32
            %sign3A_975 = arith.extui %sign3A_974 : i1 to i32
            %sign3A_976 = arith.subi %sign3A_972, %sign3A_975 : i32
            %ne3A_977 = vector.broadcast %sign3A_976 : i32 to vector<16xi32>
            %ne3A_978 = arith.cmpi ne, %sign3A_969, %ne3A_977 : vector<16xi32>
            %rem3A_979 = vector.broadcast %jit3A_958 : i32 to vector<16xi32>
            %rem3A_980 = arith.remsi %add3A_957, %rem3A_979 : vector<16xi32>
            %ne3A_981 = arith.constant 0 : i32
            %ne3A_982 = vector.broadcast %ne3A_981 : i32 to vector<16xi32>
            %ne3A_983 = arith.cmpi ne, %rem3A_980, %ne3A_982 : vector<16xi32>
            %and3A_984 = arith.andi %ne3A_978, %ne3A_983 : vector<16xi1>
            %sub3A_985 = arith.constant 1 : i32
            %sub3A_986 = vector.broadcast %sub3A_985 : i32 to vector<16xi32>
            %sub3A_987 = arith.subi %div3A_960, %sub3A_986 : vector<16xi32>
            %select_n3A_988 = arith.select %and3A_984, %sub3A_987, %div3A_960 : vector<16xi1>, vector<16xi32>
            %add3A_989 = arith.constant 0 : i32
            %add3A_990 = arith.addi %add3A_989, %sub3A_92 : i32
            %add3A_991 = vector.broadcast %add3A_990 : i32 to vector<16xi32>
            %add3A_992 = arith.addi %add3A_991, %select_n3A_988 : vector<16xi32>
            %gather3A_993 = tpu.vector_load_idx %arg11[%add3A_992] : memref<2176xi32, #tpu.memory_space<vmem>>[vector<16xi32>], vector<16xi32>,
            %lt3A_994 = arith.cmpi slt, %gather3A_993, %gather3A_512 : vector<16xi32>
            %add3A_995 = arith.constant 1 : i32
            %add3A_996 = vector.broadcast %add3A_995 : i32 to vector<16xi32>
            %add3A_997 = arith.addi %select_n3A_988, %add3A_996 : vector<16xi32>
            %select_n3A_998 = arith.select %lt3A_994, %add3A_997, %select_n3A_955 : vector<16xi1>, vector<16xi32>
            %select_n3A_999 = arith.select %lt3A_994, %select_n3A_956, %select_n3A_988 : vector<16xi1>, vector<16xi32>
            %add3A_1000 = arith.addi %select_n3A_998, %select_n3A_999 : vector<16xi32>
            %jit3A_1001 = arith.constant 2 : i32
            %div3A_1002 = vector.broadcast %jit3A_1001 : i32 to vector<16xi32>
            %div3A_1003 = arith.divsi %add3A_1000, %div3A_1002 : vector<16xi32>
            %sign3A_1004 = arith.constant 0 : i32
            %sign3A_1005 = vector.broadcast %sign3A_1004 : i32 to vector<16xi32>
            %sign3A_1006 = arith.cmpi sgt, %add3A_1000, %sign3A_1005 : vector<16xi32>
            %sign3A_1007 = arith.extui %sign3A_1006 : vector<16xi1> to vector<16xi32>
            %sign3A_1008 = arith.constant 0 : i32
            %sign3A_1009 = vector.broadcast %sign3A_1008 : i32 to vector<16xi32>
            %sign3A_1010 = arith.cmpi slt, %add3A_1000, %sign3A_1009 : vector<16xi32>
            %sign3A_1011 = arith.extui %sign3A_1010 : vector<16xi1> to vector<16xi32>
            %sign3A_1012 = arith.subi %sign3A_1007, %sign3A_1011 : vector<16xi32>
            %sign3A_1013 = arith.constant 0 : i32
            %sign3A_1014 = arith.cmpi sgt, %jit3A_1001, %sign3A_1013 : i32
            %sign3A_1015 = arith.extui %sign3A_1014 : i1 to i32
            %sign3A_1016 = arith.constant 0 : i32
            %sign3A_1017 = arith.cmpi slt, %jit3A_1001, %sign3A_1016 : i32
            %sign3A_1018 = arith.extui %sign3A_1017 : i1 to i32
            %sign3A_1019 = arith.subi %sign3A_1015, %sign3A_1018 : i32
            %ne3A_1020 = vector.broadcast %sign3A_1019 : i32 to vector<16xi32>
            %ne3A_1021 = arith.cmpi ne, %sign3A_1012, %ne3A_1020 : vector<16xi32>
            %rem3A_1022 = vector.broadcast %jit3A_1001 : i32 to vector<16xi32>
            %rem3A_1023 = arith.remsi %add3A_1000, %rem3A_1022 : vector<16xi32>
            %ne3A_1024 = arith.constant 0 : i32
            %ne3A_1025 = vector.broadcast %ne3A_1024 : i32 to vector<16xi32>
            %ne3A_1026 = arith.cmpi ne, %rem3A_1023, %ne3A_1025 : vector<16xi32>
            %and3A_1027 = arith.andi %ne3A_1021, %ne3A_1026 : vector<16xi1>
            %sub3A_1028 = arith.constant 1 : i32
            %sub3A_1029 = vector.broadcast %sub3A_1028 : i32 to vector<16xi32>
            %sub3A_1030 = arith.subi %div3A_1003, %sub3A_1029 : vector<16xi32>
            %select_n3A_1031 = arith.select %and3A_1027, %sub3A_1030, %div3A_1003 : vector<16xi1>, vector<16xi32>
            %add3A_1032 = arith.constant 0 : i32
            %add3A_1033 = arith.addi %add3A_1032, %sub3A_92 : i32
            %add3A_1034 = vector.broadcast %add3A_1033 : i32 to vector<16xi32>
            %add3A_1035 = arith.addi %add3A_1034, %select_n3A_1031 : vector<16xi32>
            %gather3A_1036 = tpu.vector_load_idx %arg11[%add3A_1035] : memref<2176xi32, #tpu.memory_space<vmem>>[vector<16xi32>], vector<16xi32>,
            %lt3A_1037 = arith.cmpi slt, %gather3A_1036, %gather3A_512 : vector<16xi32>
            %add3A_1038 = arith.constant 1 : i32
            %add3A_1039 = vector.broadcast %add3A_1038 : i32 to vector<16xi32>
            %add3A_1040 = arith.addi %select_n3A_1031, %add3A_1039 : vector<16xi32>
            %select_n3A_1041 = arith.select %lt3A_1037, %add3A_1040, %select_n3A_998 : vector<16xi1>, vector<16xi32>
            %select_n3A_1042 = arith.select %lt3A_1037, %select_n3A_999, %select_n3A_1031 : vector<16xi1>, vector<16xi32>
            %add3A_1043 = arith.constant 0 : i32
            %add3A_1044 = arith.addi %add3A_1043, %sub3A_92 : i32
            %add3A_1045 = vector.broadcast %add3A_1044 : i32 to vector<16xi32>
            %add3A_1046 = arith.addi %add3A_1045, %select_n3A_1041 : vector<16xi32>
            %gather3A_1047 = tpu.vector_load_idx %arg11[%add3A_1046] : memref<2176xi32, #tpu.memory_space<vmem>>[vector<16xi32>], vector<16xi32>,
            %lt3A_1048 = vector.broadcast %min3A_382 : i32 to vector<16xi32>
            %lt3A_1049 = arith.cmpi slt, %add3A_507, %lt3A_1048 : vector<16xi32>
            %lt3A_1050 = vector.broadcast %min3A_380 : i32 to vector<16xi32>
            %lt3A_1051 = arith.cmpi slt, %select_n3A_1041, %lt3A_1050 : vector<16xi32>
            %and3A_1052 = arith.andi %lt3A_1049, %lt3A_1051 : vector<16xi1>
            %eq3A_1053 = arith.cmpi eq, %gather3A_1047, %gather3A_512 : vector<16xi32>
            %and3A_1054 = arith.andi %and3A_1052, %eq3A_1053 : vector<16xi1>
            %and3A_1055 = arith.andi %and3A_1054, %or3A_523 : vector<16xi1>
            %while3A_1056:2 = scf.while (%while3A_1057 = %and3A_1055, %while3A_1058 = %while3A_503) : (vector<16xi1>, vector<16xf32>) -> (vector<16xi1>, vector<16xf32>) {
              %all_reduce_population_count3A = tpu.all_reduce %while3A_1057 {dim = 0 : i64, kind = #tpu.reduction_kind<sum>} : vector<16xi1> -> vector<16xi32>
              %slice3A_1059 = vector.extract_strided_slice %all_reduce_population_count3A {offsets = [0], sizes = [1], strides = [1]} : vector<16xi32> to vector<1xi32>
              %squeeze3A_1060 = vector.extract %slice3A_1059[0] : i32 from vector<1xi32>
              %gt3A_1061 = arith.constant 0 : i32
              %gt3A_1062 = arith.cmpi sgt, %squeeze3A_1060, %gt3A_1061 : i32
              scf.condition(%gt3A_1062) %while3A_1057, %while3A_1058 : vector<16xi1>, vector<16xf32>
            } do {
            ^bb0(%while3A_1057: vector<16xi1>, %while3A_1058: vector<16xf32>):
              %all_reduce_ffs3A = tpu.all_reduce %while3A_1057 {dim = 0 : i64, kind = #tpu.reduction_kind<find_first_set>} : vector<16xi1> -> vector<16xi32>
              %slice3A_1059 = vector.extract_strided_slice %all_reduce_ffs3A {offsets = [0], sizes = [1], strides = [1]} : vector<16xi32> to vector<1xi32>
              %squeeze3A_1060 = vector.extract %slice3A_1059[0] : i32 from vector<1xi32>
              %add3A_1061 = arith.constant 0 : i32
              %add3A_1062 = arith.addi %add3A_1061, %sub3A_119 : i32
              %mul3A_1063 = arith.constant 16 : i32
              %mul3A_1064 = arith.muli %while3A_502, %mul3A_1063 : i32
              %add3A_1065 = arith.addi %add3A_1062, %mul3A_1064 : i32
              %add3A_1066 = arith.addi %add3A_1065, %squeeze3A_1060 : i32
              %get3A_1067 = arith.index_cast %add3A_1066 : i32 to index
              %get3A_1068 = tpu.vector_load %arg12[%get3A_1067] {strides = array<i32>} : memref<2176xi32, #tpu.memory_space<vmem>>, vector<16xi32>,
              %slice3A_1069 = vector.extract_strided_slice %get3A_1068 {offsets = [0], sizes = [1], strides = [1]} : vector<16xi32> to vector<1xi32>
              %squeeze3A_1070 = vector.extract %slice3A_1069[0] : i32 from vector<1xi32>
              "tpu.region"() ({
                %run_scoped3A = tpu.sem_alloc : memref<!tpu.dma_semaphore, #tpu.memory_space<semaphore_mem>>
                %dma_start3A = arith.constant 0 : i32
                %dma_start3A_1170 = tpu.memref_slice %arg2[%squeeze3A_1070, %dma_start3A] : memref<10000x256xf32, #tpu.memory_space<hbm>> -> memref<1x256xf32, #tpu.memory_space<hbm>>
                %dma_start3A_1171 = tpu.memref_squeeze %dma_start3A_1170 : memref<1x256xf32, #tpu.memory_space<hbm>> -> memref<256xf32, #tpu.memory_space<hbm>>
                %dma_start3A_1172 = arith.constant 0 : i32
                %dma_start3A_1173 = tpu.memref_slice %arg2[%squeeze3A_1070, %dma_start3A_1172] : memref<10000x256xf32, #tpu.memory_space<hbm>> -> memref<1x256xf32, #tpu.memory_space<hbm>>
                %dma_start3A_1174 = tpu.memref_squeeze %dma_start3A_1173 : memref<1x256xf32, #tpu.memory_space<hbm>> -> memref<256xf32, #tpu.memory_space<hbm>>
                tpu.enqueue_dma source(%dma_start3A_1174 : memref<256xf32, #tpu.memory_space<hbm>>) target(%arg17 : memref<256xf32, #tpu.memory_space<vmem>>) target_semaphore(%run_scoped3A : memref<!tpu.dma_semaphore, #tpu.memory_space<semaphore_mem>>)
                %dma_wait3A = arith.constant 0 : i32
                %dma_wait3A_1175 = tpu.memref_slice %arg2[%squeeze3A_1070, %dma_wait3A] : memref<10000x256xf32, #tpu.memory_space<hbm>> -> memref<1x256xf32, #tpu.memory_space<hbm>>
                %dma_wait3A_1176 = tpu.memref_squeeze %dma_wait3A_1175 : memref<1x256xf32, #tpu.memory_space<hbm>> -> memref<256xf32, #tpu.memory_space<hbm>>
                %dma_wait3A_1177 = arith.constant 0 : i32
                %dma_wait3A_1178 = tpu.memref_slice %arg2[%squeeze3A_1070, %dma_wait3A_1177] : memref<10000x256xf32, #tpu.memory_space<hbm>> -> memref<1x256xf32, #tpu.memory_space<hbm>>
                %dma_wait3A_1179 = tpu.memref_squeeze %dma_wait3A_1178 : memref<1x256xf32, #tpu.memory_space<hbm>> -> memref<256xf32, #tpu.memory_space<hbm>>
                tpu.wait_dma2 semaphore(%run_scoped3A : memref<!tpu.dma_semaphore, #tpu.memory_space<semaphore_mem>>) src(%dma_wait3A_1179 : memref<256xf32, #tpu.memory_space<hbm>>) dst(%arg17 : memref<256xf32, #tpu.memory_space<vmem>>)
                tpu.yield
              }) : () -> ()
              %get3A_1071 = arith.constant 0 : index
              %get3A_1072 = tpu.vector_load %arg17[%get3A_1071] {strides = array<i32>} : memref<256xf32, #tpu.memory_space<vmem>>, vector<16xf32>,
              %get3A_1073 = arith.constant 0 : index
              %get3A_1074 = tpu.vector_load %arg19[%get3A_1073] {strides = array<i32>} : memref<256xf32, #tpu.memory_space<vmem>>, vector<16xf32>,
              %mul3A_1075 = arith.mulf %get3A_1072, %get3A_1074 : vector<16xf32>
              %add3A_1076 = arith.addf %while3A_1058, %mul3A_1075 : vector<16xf32>
              %get3A_1077 = arith.constant 16 : index
              %get3A_1078 = tpu.vector_load %arg17[%get3A_1077] {strides = array<i32>} : memref<256xf32, #tpu.memory_space<vmem>>, vector<16xf32>,
              %get3A_1079 = arith.constant 16 : index
              %get3A_1080 = tpu.vector_load %arg19[%get3A_1079] {strides = array<i32>} : memref<256xf32, #tpu.memory_space<vmem>>, vector<16xf32>,
              %mul3A_1081 = arith.mulf %get3A_1078, %get3A_1080 : vector<16xf32>
              %add3A_1082 = arith.addf %add3A_1076, %mul3A_1081 : vector<16xf32>
              %get3A_1083 = arith.constant 32 : index
              %get3A_1084 = tpu.vector_load %arg17[%get3A_1083] {strides = array<i32>} : memref<256xf32, #tpu.memory_space<vmem>>, vector<16xf32>,
              %get3A_1085 = arith.constant 32 : index
              %get3A_1086 = tpu.vector_load %arg19[%get3A_1085] {strides = array<i32>} : memref<256xf32, #tpu.memory_space<vmem>>, vector<16xf32>,
              %mul3A_1087 = arith.mulf %get3A_1084, %get3A_1086 : vector<16xf32>
              %add3A_1088 = arith.addf %add3A_1082, %mul3A_1087 : vector<16xf32>
              %get3A_1089 = arith.constant 48 : index
              %get3A_1090 = tpu.vector_load %arg17[%get3A_1089] {strides = array<i32>} : memref<256xf32, #tpu.memory_space<vmem>>, vector<16xf32>,
              %get3A_1091 = arith.constant 48 : index
              %get3A_1092 = tpu.vector_load %arg19[%get3A_1091] {strides = array<i32>} : memref<256xf32, #tpu.memory_space<vmem>>, vector<16xf32>,
              %mul3A_1093 = arith.mulf %get3A_1090, %get3A_1092 : vector<16xf32>
              %add3A_1094 = arith.addf %add3A_1088, %mul3A_1093 : vector<16xf32>
              %get3A_1095 = arith.constant 64 : index
              %get3A_1096 = tpu.vector_load %arg17[%get3A_1095] {strides = array<i32>} : memref<256xf32, #tpu.memory_space<vmem>>, vector<16xf32>,
              %get3A_1097 = arith.constant 64 : index
              %get3A_1098 = tpu.vector_load %arg19[%get3A_1097] {strides = array<i32>} : memref<256xf32, #tpu.memory_space<vmem>>, vector<16xf32>,
              %mul3A_1099 = arith.mulf %get3A_1096, %get3A_1098 : vector<16xf32>
              %add3A_1100 = arith.addf %add3A_1094, %mul3A_1099 : vector<16xf32>
              %get3A_1101 = arith.constant 80 : index
              %get3A_1102 = tpu.vector_load %arg17[%get3A_1101] {strides = array<i32>} : memref<256xf32, #tpu.memory_space<vmem>>, vector<16xf32>,
              %get3A_1103 = arith.constant 80 : index
              %get3A_1104 = tpu.vector_load %arg19[%get3A_1103] {strides = array<i32>} : memref<256xf32, #tpu.memory_space<vmem>>, vector<16xf32>,
              %mul3A_1105 = arith.mulf %get3A_1102, %get3A_1104 : vector<16xf32>
              %add3A_1106 = arith.addf %add3A_1100, %mul3A_1105 : vector<16xf32>
              %get3A_1107 = arith.constant 96 : index
              %get3A_1108 = tpu.vector_load %arg17[%get3A_1107] {strides = array<i32>} : memref<256xf32, #tpu.memory_space<vmem>>, vector<16xf32>,
              %get3A_1109 = arith.constant 96 : index
              %get3A_1110 = tpu.vector_load %arg19[%get3A_1109] {strides = array<i32>} : memref<256xf32, #tpu.memory_space<vmem>>, vector<16xf32>,
              %mul3A_1111 = arith.mulf %get3A_1108, %get3A_1110 : vector<16xf32>
              %add3A_1112 = arith.addf %add3A_1106, %mul3A_1111 : vector<16xf32>
              %get3A_1113 = arith.constant 112 : index
              %get3A_1114 = tpu.vector_load %arg17[%get3A_1113] {strides = array<i32>} : memref<256xf32, #tpu.memory_space<vmem>>, vector<16xf32>,
              %get3A_1115 = arith.constant 112 : index
              %get3A_1116 = tpu.vector_load %arg19[%get3A_1115] {strides = array<i32>} : memref<256xf32, #tpu.memory_space<vmem>>, vector<16xf32>,
              %mul3A_1117 = arith.mulf %get3A_1114, %get3A_1116 : vector<16xf32>
              %add3A_1118 = arith.addf %add3A_1112, %mul3A_1117 : vector<16xf32>
              %get3A_1119 = arith.constant 128 : index
              %get3A_1120 = tpu.vector_load %arg17[%get3A_1119] {strides = array<i32>} : memref<256xf32, #tpu.memory_space<vmem>>, vector<16xf32>,
              %get3A_1121 = arith.constant 128 : index
              %get3A_1122 = tpu.vector_load %arg19[%get3A_1121] {strides = array<i32>} : memref<256xf32, #tpu.memory_space<vmem>>, vector<16xf32>,
              %mul3A_1123 = arith.mulf %get3A_1120, %get3A_1122 : vector<16xf32>
              %add3A_1124 = arith.addf %add3A_1118, %mul3A_1123 : vector<16xf32>
              %get3A_1125 = arith.constant 144 : index
              %get3A_1126 = tpu.vector_load %arg17[%get3A_1125] {strides = array<i32>} : memref<256xf32, #tpu.memory_space<vmem>>, vector<16xf32>,
              %get3A_1127 = arith.constant 144 : index
              %get3A_1128 = tpu.vector_load %arg19[%get3A_1127] {strides = array<i32>} : memref<256xf32, #tpu.memory_space<vmem>>, vector<16xf32>,
              %mul3A_1129 = arith.mulf %get3A_1126, %get3A_1128 : vector<16xf32>
              %add3A_1130 = arith.addf %add3A_1124, %mul3A_1129 : vector<16xf32>
              %get3A_1131 = arith.constant 160 : index
              %get3A_1132 = tpu.vector_load %arg17[%get3A_1131] {strides = array<i32>} : memref<256xf32, #tpu.memory_space<vmem>>, vector<16xf32>,
              %get3A_1133 = arith.constant 160 : index
              %get3A_1134 = tpu.vector_load %arg19[%get3A_1133] {strides = array<i32>} : memref<256xf32, #tpu.memory_space<vmem>>, vector<16xf32>,
              %mul3A_1135 = arith.mulf %get3A_1132, %get3A_1134 : vector<16xf32>
              %add3A_1136 = arith.addf %add3A_1130, %mul3A_1135 : vector<16xf32>
              %get3A_1137 = arith.constant 176 : index
              %get3A_1138 = tpu.vector_load %arg17[%get3A_1137] {strides = array<i32>} : memref<256xf32, #tpu.memory_space<vmem>>, vector<16xf32>,
              %get3A_1139 = arith.constant 176 : index
              %get3A_1140 = tpu.vector_load %arg19[%get3A_1139] {strides = array<i32>} : memref<256xf32, #tpu.memory_space<vmem>>, vector<16xf32>,
              %mul3A_1141 = arith.mulf %get3A_1138, %get3A_1140 : vector<16xf32>
              %add3A_1142 = arith.addf %add3A_1136, %mul3A_1141 : vector<16xf32>
              %get3A_1143 = arith.constant 192 : index
              %get3A_1144 = tpu.vector_load %arg17[%get3A_1143] {strides = array<i32>} : memref<256xf32, #tpu.memory_space<vmem>>, vector<16xf32>,
              %get3A_1145 = arith.constant 192 : index
              %get3A_1146 = tpu.vector_load %arg19[%get3A_1145] {strides = array<i32>} : memref<256xf32, #tpu.memory_space<vmem>>, vector<16xf32>,
              %mul3A_1147 = arith.mulf %get3A_1144, %get3A_1146 : vector<16xf32>
              %add3A_1148 = arith.addf %add3A_1142, %mul3A_1147 : vector<16xf32>
              %get3A_1149 = arith.constant 208 : index
              %get3A_1150 = tpu.vector_load %arg17[%get3A_1149] {strides = array<i32>} : memref<256xf32, #tpu.memory_space<vmem>>, vector<16xf32>,
              %get3A_1151 = arith.constant 208 : index
              %get3A_1152 = tpu.vector_load %arg19[%get3A_1151] {strides = array<i32>} : memref<256xf32, #tpu.memory_space<vmem>>, vector<16xf32>,
              %mul3A_1153 = arith.mulf %get3A_1150, %get3A_1152 : vector<16xf32>
              %add3A_1154 = arith.addf %add3A_1148, %mul3A_1153 : vector<16xf32>
              %get3A_1155 = arith.constant 224 : index
              %get3A_1156 = tpu.vector_load %arg17[%get3A_1155] {strides = array<i32>} : memref<256xf32, #tpu.memory_space<vmem>>, vector<16xf32>,
              %get3A_1157 = arith.constant 224 : index
              %get3A_1158 = tpu.vector_load %arg19[%get3A_1157] {strides = array<i32>} : memref<256xf32, #tpu.memory_space<vmem>>, vector<16xf32>,
              %mul3A_1159 = arith.mulf %get3A_1156, %get3A_1158 : vector<16xf32>
              %add3A_1160 = arith.addf %add3A_1154, %mul3A_1159 : vector<16xf32>
              %get3A_1161 = arith.constant 240 : index
              %get3A_1162 = tpu.vector_load %arg17[%get3A_1161] {strides = array<i32>} : memref<256xf32, #tpu.memory_space<vmem>>, vector<16xf32>,
              %get3A_1163 = arith.constant 240 : index
              %get3A_1164 = tpu.vector_load %arg19[%get3A_1163] {strides = array<i32>} : memref<256xf32, #tpu.memory_space<vmem>>, vector<16xf32>,
              %mul3A_1165 = arith.mulf %get3A_1162, %get3A_1164 : vector<16xf32>
              %add3A_1166 = arith.addf %add3A_1160, %mul3A_1165 : vector<16xf32>
              %ne3A_1167 = vector.broadcast %squeeze3A_1060 : i32 to vector<16xi32>
              %ne3A_1168 = arith.cmpi ne, %iota3A, %ne3A_1167 : vector<16xi32>
              %and3A_1169 = arith.andi %while3A_1057, %ne3A_1168 : vector<16xi1>
              scf.yield %and3A_1169, %add3A_1166 : vector<16xi1>, vector<16xf32>
            }
            scf.yield %while3A_1056#1 : vector<16xf32>
          }
          scf.yield %while3A_501 : vector<16xf32>
        } else {
          %mul3A_380 = arith.constant 128 : i32
          %mul3A_381 = arith.muli %while3A_45, %mul3A_380 : i32
          %mul3A_382 = arith.constant 128 : i32
          %mul3A_383 = arith.muli %while3A_45, %mul3A_382 : i32
          %add3A_384 = arith.constant 15 : i32
          %add3A_385 = arith.addi %sub3A_72, %add3A_384 : i32
          %jit3A_386 = arith.constant 16 : i32
          %div3A_387 = arith.divsi %add3A_385, %jit3A_386 : i32
          %sign3A_388 = arith.constant 0 : i32
          %sign3A_389 = arith.cmpi sgt, %add3A_385, %sign3A_388 : i32
          %sign3A_390 = arith.extui %sign3A_389 : i1 to i32
          %sign3A_391 = arith.constant 0 : i32
          %sign3A_392 = arith.cmpi slt, %add3A_385, %sign3A_391 : i32
          %sign3A_393 = arith.extui %sign3A_392 : i1 to i32
          %sign3A_394 = arith.subi %sign3A_390, %sign3A_393 : i32
          %sign3A_395 = arith.constant 0 : i32
          %sign3A_396 = arith.cmpi sgt, %jit3A_386, %sign3A_395 : i32
          %sign3A_397 = arith.extui %sign3A_396 : i1 to i32
          %sign3A_398 = arith.constant 0 : i32
          %sign3A_399 = arith.cmpi slt, %jit3A_386, %sign3A_398 : i32
          %sign3A_400 = arith.extui %sign3A_399 : i1 to i32
          %sign3A_401 = arith.subi %sign3A_397, %sign3A_400 : i32
          %ne3A_402 = arith.cmpi ne, %sign3A_394, %sign3A_401 : i32
          %rem3A_403 = arith.remsi %add3A_385, %jit3A_386 : i32
          %ne3A_404 = arith.constant 0 : i32
          %ne3A_405 = arith.cmpi ne, %rem3A_403, %ne3A_404 : i32
          %and3A_406 = arith.andi %ne3A_402, %ne3A_405 : i1
          %sub3A_407 = arith.constant 1 : i32
          %sub3A_408 = arith.subi %div3A_387, %sub3A_407 : i32
          %select_n3A_409 = arith.select %and3A_406, %sub3A_408, %div3A_387 : i32
          %while3A_410 = arith.constant 0 : i32
          %while3A_411 = arith.subi %select_n3A_409, %while3A_410 : i32
          %while3A_412 = arith.addi %while3A_410, %while3A_411 : i32
          %while3A_413 = arith.constant 1 : i32
          %while3A_414 = arith.divsi %while3A_411, %while3A_413 : i32
          %while3A_415 = arith.muli %while3A_414, %while3A_413 : i32
          %while3A_416 = arith.addi %while3A_410, %while3A_415 : i32
          %while3A_417 = arith.constant 1 : i32
          %while3A_418 = scf.for %while3A_421 = %while3A_410 to %while3A_416 step %while3A_417 iter_args(%while3A_422 = %add3A_329) -> (vector<16xf32>)  : i32 {
            %mul3A_423 = arith.constant 16 : i32
            %mul3A_424 = arith.muli %while3A_421, %mul3A_423 : i32
            %add3A_425 = vector.broadcast %mul3A_424 : i32 to vector<16xi32>
            %add3A_426 = arith.addi %add3A_425, %iota3A : vector<16xi32>
            %add3A_427 = arith.addi %mul3A_381, %sub3A_119 : i32
            %add3A_428 = vector.broadcast %add3A_427 : i32 to vector<16xi32>
            %add3A_429 = arith.addi %add3A_428, %add3A_426 : vector<16xi32>
            %gather3A_430 = tpu.vector_load_idx %arg16[%add3A_429] : memref<8208xi32, #tpu.memory_space<vmem>>[vector<16xi32>], vector<16xi32>,
            %sub3A_431 = arith.constant 1 : i32
            %sub3A_432 = vector.broadcast %sub3A_431 : i32 to vector<16xi32>
            %sub3A_433 = arith.subi %add3A_429, %sub3A_432 : vector<16xi32>
            %max3A = arith.constant 0 : i32
            %max3A_434 = vector.broadcast %max3A : i32 to vector<16xi32>
            %max3A_435 = arith.maxsi %sub3A_433, %max3A_434 : vector<16xi32>
            %gather3A_436 = tpu.vector_load_idx %arg16[%max3A_435] : memref<8208xi32, #tpu.memory_space<vmem>>[vector<16xi32>], vector<16xi32>,
            %ne3A_437 = arith.cmpi ne, %gather3A_430, %gather3A_436 : vector<16xi32>
            %eq3A_438 = arith.constant 0 : i32
            %eq3A_439 = vector.broadcast %eq3A_438 : i32 to vector<16xi32>
            %eq3A_440 = arith.cmpi eq, %add3A_426, %eq3A_439 : vector<16xi32>
            %or3A_441 = arith.ori %ne3A_437, %eq3A_440 : vector<16xi1>
            %broadcast_in_dim3A_442 = arith.constant 0 : i32
            %broadcast_in_dim3A_443 = vector.broadcast %broadcast_in_dim3A_442 : i32 to vector<16xi32>
            %broadcast_in_dim3A_444 = vector.broadcast %sub3A : i32 to vector<16xi32>
            %add3A_445 = arith.addi %broadcast_in_dim3A_443, %broadcast_in_dim3A_444 : vector<16xi32>
            %jit3A_446 = arith.constant 2 : i32
            %div3A_447 = vector.broadcast %jit3A_446 : i32 to vector<16xi32>
            %div3A_448 = arith.divsi %add3A_445, %div3A_447 : vector<16xi32>
            %sign3A_449 = arith.constant 0 : i32
            %sign3A_450 = vector.broadcast %sign3A_449 : i32 to vector<16xi32>
            %sign3A_451 = arith.cmpi sgt, %add3A_445, %sign3A_450 : vector<16xi32>
            %sign3A_452 = arith.extui %sign3A_451 : vector<16xi1> to vector<16xi32>
            %sign3A_453 = arith.constant 0 : i32
            %sign3A_454 = vector.broadcast %sign3A_453 : i32 to vector<16xi32>
            %sign3A_455 = arith.cmpi slt, %add3A_445, %sign3A_454 : vector<16xi32>
            %sign3A_456 = arith.extui %sign3A_455 : vector<16xi1> to vector<16xi32>
            %sign3A_457 = arith.subi %sign3A_452, %sign3A_456 : vector<16xi32>
            %sign3A_458 = arith.constant 0 : i32
            %sign3A_459 = arith.cmpi sgt, %jit3A_446, %sign3A_458 : i32
            %sign3A_460 = arith.extui %sign3A_459 : i1 to i32
            %sign3A_461 = arith.constant 0 : i32
            %sign3A_462 = arith.cmpi slt, %jit3A_446, %sign3A_461 : i32
            %sign3A_463 = arith.extui %sign3A_462 : i1 to i32
            %sign3A_464 = arith.subi %sign3A_460, %sign3A_463 : i32
            %ne3A_465 = vector.broadcast %sign3A_464 : i32 to vector<16xi32>
            %ne3A_466 = arith.cmpi ne, %sign3A_457, %ne3A_465 : vector<16xi32>
            %rem3A_467 = vector.broadcast %jit3A_446 : i32 to vector<16xi32>
            %rem3A_468 = arith.remsi %add3A_445, %rem3A_467 : vector<16xi32>
            %ne3A_469 = arith.constant 0 : i32
            %ne3A_470 = vector.broadcast %ne3A_469 : i32 to vector<16xi32>
            %ne3A_471 = arith.cmpi ne, %rem3A_468, %ne3A_470 : vector<16xi32>
            %and3A_472 = arith.andi %ne3A_466, %ne3A_471 : vector<16xi1>
            %sub3A_473 = arith.constant 1 : i32
            %sub3A_474 = vector.broadcast %sub3A_473 : i32 to vector<16xi32>
            %sub3A_475 = arith.subi %div3A_448, %sub3A_474 : vector<16xi32>
            %select_n3A_476 = arith.select %and3A_472, %sub3A_475, %div3A_448 : vector<16xi1>, vector<16xi32>
            %add3A_477 = arith.addi %mul3A_383, %sub3A_92 : i32
            %add3A_478 = vector.broadcast %add3A_477 : i32 to vector<16xi32>
            %add3A_479 = arith.addi %add3A_478, %select_n3A_476 : vector<16xi32>
            %gather3A_480 = tpu.vector_load_idx %arg15[%add3A_479] : memref<8208xi32, #tpu.memory_space<vmem>>[vector<16xi32>], vector<16xi32>,
            %lt3A_481 = arith.cmpi slt, %gather3A_480, %gather3A_430 : vector<16xi32>
            %add3A_482 = arith.constant 1 : i32
            %add3A_483 = vector.broadcast %add3A_482 : i32 to vector<16xi32>
            %add3A_484 = arith.addi %select_n3A_476, %add3A_483 : vector<16xi32>
            %select_n3A_485 = arith.select %lt3A_481, %add3A_484, %broadcast_in_dim3A_443 : vector<16xi1>, vector<16xi32>
            %select_n3A_486 = arith.select %lt3A_481, %broadcast_in_dim3A_444, %select_n3A_476 : vector<16xi1>, vector<16xi32>
            %add3A_487 = arith.addi %select_n3A_485, %select_n3A_486 : vector<16xi32>
            %jit3A_488 = arith.constant 2 : i32
            %div3A_489 = vector.broadcast %jit3A_488 : i32 to vector<16xi32>
            %div3A_490 = arith.divsi %add3A_487, %div3A_489 : vector<16xi32>
            %sign3A_491 = arith.constant 0 : i32
            %sign3A_492 = vector.broadcast %sign3A_491 : i32 to vector<16xi32>
            %sign3A_493 = arith.cmpi sgt, %add3A_487, %sign3A_492 : vector<16xi32>
            %sign3A_494 = arith.extui %sign3A_493 : vector<16xi1> to vector<16xi32>
            %sign3A_495 = arith.constant 0 : i32
            %sign3A_496 = vector.broadcast %sign3A_495 : i32 to vector<16xi32>
            %sign3A_497 = arith.cmpi slt, %add3A_487, %sign3A_496 : vector<16xi32>
            %sign3A_498 = arith.extui %sign3A_497 : vector<16xi1> to vector<16xi32>
            %sign3A_499 = arith.subi %sign3A_494, %sign3A_498 : vector<16xi32>
            %sign3A_500 = arith.constant 0 : i32
            %sign3A_501 = arith.cmpi sgt, %jit3A_488, %sign3A_500 : i32
            %sign3A_502 = arith.extui %sign3A_501 : i1 to i32
            %sign3A_503 = arith.constant 0 : i32
            %sign3A_504 = arith.cmpi slt, %jit3A_488, %sign3A_503 : i32
            %sign3A_505 = arith.extui %sign3A_504 : i1 to i32
            %sign3A_506 = arith.subi %sign3A_502, %sign3A_505 : i32
            %ne3A_507 = vector.broadcast %sign3A_506 : i32 to vector<16xi32>
            %ne3A_508 = arith.cmpi ne, %sign3A_499, %ne3A_507 : vector<16xi32>
            %rem3A_509 = vector.broadcast %jit3A_488 : i32 to vector<16xi32>
            %rem3A_510 = arith.remsi %add3A_487, %rem3A_509 : vector<16xi32>
            %ne3A_511 = arith.constant 0 : i32
            %ne3A_512 = vector.broadcast %ne3A_511 : i32 to vector<16xi32>
            %ne3A_513 = arith.cmpi ne, %rem3A_510, %ne3A_512 : vector<16xi32>
            %and3A_514 = arith.andi %ne3A_508, %ne3A_513 : vector<16xi1>
            %sub3A_515 = arith.constant 1 : i32
            %sub3A_516 = vector.broadcast %sub3A_515 : i32 to vector<16xi32>
            %sub3A_517 = arith.subi %div3A_490, %sub3A_516 : vector<16xi32>
            %select_n3A_518 = arith.select %and3A_514, %sub3A_517, %div3A_490 : vector<16xi1>, vector<16xi32>
            %add3A_519 = arith.addi %mul3A_383, %sub3A_92 : i32
            %add3A_520 = vector.broadcast %add3A_519 : i32 to vector<16xi32>
            %add3A_521 = arith.addi %add3A_520, %select_n3A_518 : vector<16xi32>
            %gather3A_522 = tpu.vector_load_idx %arg15[%add3A_521] : memref<8208xi32, #tpu.memory_space<vmem>>[vector<16xi32>], vector<16xi32>,
            %lt3A_523 = arith.cmpi slt, %gather3A_522, %gather3A_430 : vector<16xi32>
            %add3A_524 = arith.constant 1 : i32
            %add3A_525 = vector.broadcast %add3A_524 : i32 to vector<16xi32>
            %add3A_526 = arith.addi %select_n3A_518, %add3A_525 : vector<16xi32>
            %select_n3A_527 = arith.select %lt3A_523, %add3A_526, %select_n3A_485 : vector<16xi1>, vector<16xi32>
            %select_n3A_528 = arith.select %lt3A_523, %select_n3A_486, %select_n3A_518 : vector<16xi1>, vector<16xi32>
            %add3A_529 = arith.addi %select_n3A_527, %select_n3A_528 : vector<16xi32>
            %jit3A_530 = arith.constant 2 : i32
            %div3A_531 = vector.broadcast %jit3A_530 : i32 to vector<16xi32>
            %div3A_532 = arith.divsi %add3A_529, %div3A_531 : vector<16xi32>
            %sign3A_533 = arith.constant 0 : i32
            %sign3A_534 = vector.broadcast %sign3A_533 : i32 to vector<16xi32>
            %sign3A_535 = arith.cmpi sgt, %add3A_529, %sign3A_534 : vector<16xi32>
            %sign3A_536 = arith.extui %sign3A_535 : vector<16xi1> to vector<16xi32>
            %sign3A_537 = arith.constant 0 : i32
            %sign3A_538 = vector.broadcast %sign3A_537 : i32 to vector<16xi32>
            %sign3A_539 = arith.cmpi slt, %add3A_529, %sign3A_538 : vector<16xi32>
            %sign3A_540 = arith.extui %sign3A_539 : vector<16xi1> to vector<16xi32>
            %sign3A_541 = arith.subi %sign3A_536, %sign3A_540 : vector<16xi32>
            %sign3A_542 = arith.constant 0 : i32
            %sign3A_543 = arith.cmpi sgt, %jit3A_530, %sign3A_542 : i32
            %sign3A_544 = arith.extui %sign3A_543 : i1 to i32
            %sign3A_545 = arith.constant 0 : i32
            %sign3A_546 = arith.cmpi slt, %jit3A_530, %sign3A_545 : i32
            %sign3A_547 = arith.extui %sign3A_546 : i1 to i32
            %sign3A_548 = arith.subi %sign3A_544, %sign3A_547 : i32
            %ne3A_549 = vector.broadcast %sign3A_548 : i32 to vector<16xi32>
            %ne3A_550 = arith.cmpi ne, %sign3A_541, %ne3A_549 : vector<16xi32>
            %rem3A_551 = vector.broadcast %jit3A_530 : i32 to vector<16xi32>
            %rem3A_552 = arith.remsi %add3A_529, %rem3A_551 : vector<16xi32>
            %ne3A_553 = arith.constant 0 : i32
            %ne3A_554 = vector.broadcast %ne3A_553 : i32 to vector<16xi32>
            %ne3A_555 = arith.cmpi ne, %rem3A_552, %ne3A_554 : vector<16xi32>
            %and3A_556 = arith.andi %ne3A_550, %ne3A_555 : vector<16xi1>
            %sub3A_557 = arith.constant 1 : i32
            %sub3A_558 = vector.broadcast %sub3A_557 : i32 to vector<16xi32>
            %sub3A_559 = arith.subi %div3A_532, %sub3A_558 : vector<16xi32>
            %select_n3A_560 = arith.select %and3A_556, %sub3A_559, %div3A_532 : vector<16xi1>, vector<16xi32>
            %add3A_561 = arith.addi %mul3A_383, %sub3A_92 : i32
            %add3A_562 = vector.broadcast %add3A_561 : i32 to vector<16xi32>
            %add3A_563 = arith.addi %add3A_562, %select_n3A_560 : vector<16xi32>
            %gather3A_564 = tpu.vector_load_idx %arg15[%add3A_563] : memref<8208xi32, #tpu.memory_space<vmem>>[vector<16xi32>], vector<16xi32>,
            %lt3A_565 = arith.cmpi slt, %gather3A_564, %gather3A_430 : vector<16xi32>
            %add3A_566 = arith.constant 1 : i32
            %add3A_567 = vector.broadcast %add3A_566 : i32 to vector<16xi32>
            %add3A_568 = arith.addi %select_n3A_560, %add3A_567 : vector<16xi32>
            %select_n3A_569 = arith.select %lt3A_565, %add3A_568, %select_n3A_527 : vector<16xi1>, vector<16xi32>
            %select_n3A_570 = arith.select %lt3A_565, %select_n3A_528, %select_n3A_560 : vector<16xi1>, vector<16xi32>
            %add3A_571 = arith.addi %select_n3A_569, %select_n3A_570 : vector<16xi32>
            %jit3A_572 = arith.constant 2 : i32
            %div3A_573 = vector.broadcast %jit3A_572 : i32 to vector<16xi32>
            %div3A_574 = arith.divsi %add3A_571, %div3A_573 : vector<16xi32>
            %sign3A_575 = arith.constant 0 : i32
            %sign3A_576 = vector.broadcast %sign3A_575 : i32 to vector<16xi32>
            %sign3A_577 = arith.cmpi sgt, %add3A_571, %sign3A_576 : vector<16xi32>
            %sign3A_578 = arith.extui %sign3A_577 : vector<16xi1> to vector<16xi32>
            %sign3A_579 = arith.constant 0 : i32
            %sign3A_580 = vector.broadcast %sign3A_579 : i32 to vector<16xi32>
            %sign3A_581 = arith.cmpi slt, %add3A_571, %sign3A_580 : vector<16xi32>
            %sign3A_582 = arith.extui %sign3A_581 : vector<16xi1> to vector<16xi32>
            %sign3A_583 = arith.subi %sign3A_578, %sign3A_582 : vector<16xi32>
            %sign3A_584 = arith.constant 0 : i32
            %sign3A_585 = arith.cmpi sgt, %jit3A_572, %sign3A_584 : i32
            %sign3A_586 = arith.extui %sign3A_585 : i1 to i32
            %sign3A_587 = arith.constant 0 : i32
            %sign3A_588 = arith.cmpi slt, %jit3A_572, %sign3A_587 : i32
            %sign3A_589 = arith.extui %sign3A_588 : i1 to i32
            %sign3A_590 = arith.subi %sign3A_586, %sign3A_589 : i32
            %ne3A_591 = vector.broadcast %sign3A_590 : i32 to vector<16xi32>
            %ne3A_592 = arith.cmpi ne, %sign3A_583, %ne3A_591 : vector<16xi32>
            %rem3A_593 = vector.broadcast %jit3A_572 : i32 to vector<16xi32>
            %rem3A_594 = arith.remsi %add3A_571, %rem3A_593 : vector<16xi32>
            %ne3A_595 = arith.constant 0 : i32
            %ne3A_596 = vector.broadcast %ne3A_595 : i32 to vector<16xi32>
            %ne3A_597 = arith.cmpi ne, %rem3A_594, %ne3A_596 : vector<16xi32>
            %and3A_598 = arith.andi %ne3A_592, %ne3A_597 : vector<16xi1>
            %sub3A_599 = arith.constant 1 : i32
            %sub3A_600 = vector.broadcast %sub3A_599 : i32 to vector<16xi32>
            %sub3A_601 = arith.subi %div3A_574, %sub3A_600 : vector<16xi32>
            %select_n3A_602 = arith.select %and3A_598, %sub3A_601, %div3A_574 : vector<16xi1>, vector<16xi32>
            %add3A_603 = arith.addi %mul3A_383, %sub3A_92 : i32
            %add3A_604 = vector.broadcast %add3A_603 : i32 to vector<16xi32>
            %add3A_605 = arith.addi %add3A_604, %select_n3A_602 : vector<16xi32>
            %gather3A_606 = tpu.vector_load_idx %arg15[%add3A_605] : memref<8208xi32, #tpu.memory_space<vmem>>[vector<16xi32>], vector<16xi32>,
            %lt3A_607 = arith.cmpi slt, %gather3A_606, %gather3A_430 : vector<16xi32>
            %add3A_608 = arith.constant 1 : i32
            %add3A_609 = vector.broadcast %add3A_608 : i32 to vector<16xi32>
            %add3A_610 = arith.addi %select_n3A_602, %add3A_609 : vector<16xi32>
            %select_n3A_611 = arith.select %lt3A_607, %add3A_610, %select_n3A_569 : vector<16xi1>, vector<16xi32>
            %select_n3A_612 = arith.select %lt3A_607, %select_n3A_570, %select_n3A_602 : vector<16xi1>, vector<16xi32>
            %add3A_613 = arith.addi %select_n3A_611, %select_n3A_612 : vector<16xi32>
            %jit3A_614 = arith.constant 2 : i32
            %div3A_615 = vector.broadcast %jit3A_614 : i32 to vector<16xi32>
            %div3A_616 = arith.divsi %add3A_613, %div3A_615 : vector<16xi32>
            %sign3A_617 = arith.constant 0 : i32
            %sign3A_618 = vector.broadcast %sign3A_617 : i32 to vector<16xi32>
            %sign3A_619 = arith.cmpi sgt, %add3A_613, %sign3A_618 : vector<16xi32>
            %sign3A_620 = arith.extui %sign3A_619 : vector<16xi1> to vector<16xi32>
            %sign3A_621 = arith.constant 0 : i32
            %sign3A_622 = vector.broadcast %sign3A_621 : i32 to vector<16xi32>
            %sign3A_623 = arith.cmpi slt, %add3A_613, %sign3A_622 : vector<16xi32>
            %sign3A_624 = arith.extui %sign3A_623 : vector<16xi1> to vector<16xi32>
            %sign3A_625 = arith.subi %sign3A_620, %sign3A_624 : vector<16xi32>
            %sign3A_626 = arith.constant 0 : i32
            %sign3A_627 = arith.cmpi sgt, %jit3A_614, %sign3A_626 : i32
            %sign3A_628 = arith.extui %sign3A_627 : i1 to i32
            %sign3A_629 = arith.constant 0 : i32
            %sign3A_630 = arith.cmpi slt, %jit3A_614, %sign3A_629 : i32
            %sign3A_631 = arith.extui %sign3A_630 : i1 to i32
            %sign3A_632 = arith.subi %sign3A_628, %sign3A_631 : i32
            %ne3A_633 = vector.broadcast %sign3A_632 : i32 to vector<16xi32>
            %ne3A_634 = arith.cmpi ne, %sign3A_625, %ne3A_633 : vector<16xi32>
            %rem3A_635 = vector.broadcast %jit3A_614 : i32 to vector<16xi32>
            %rem3A_636 = arith.remsi %add3A_613, %rem3A_635 : vector<16xi32>
            %ne3A_637 = arith.constant 0 : i32
            %ne3A_638 = vector.broadcast %ne3A_637 : i32 to vector<16xi32>
            %ne3A_639 = arith.cmpi ne, %rem3A_636, %ne3A_638 : vector<16xi32>
            %and3A_640 = arith.andi %ne3A_634, %ne3A_639 : vector<16xi1>
            %sub3A_641 = arith.constant 1 : i32
            %sub3A_642 = vector.broadcast %sub3A_641 : i32 to vector<16xi32>
            %sub3A_643 = arith.subi %div3A_616, %sub3A_642 : vector<16xi32>
            %select_n3A_644 = arith.select %and3A_640, %sub3A_643, %div3A_616 : vector<16xi1>, vector<16xi32>
            %add3A_645 = arith.addi %mul3A_383, %sub3A_92 : i32
            %add3A_646 = vector.broadcast %add3A_645 : i32 to vector<16xi32>
            %add3A_647 = arith.addi %add3A_646, %select_n3A_644 : vector<16xi32>
            %gather3A_648 = tpu.vector_load_idx %arg15[%add3A_647] : memref<8208xi32, #tpu.memory_space<vmem>>[vector<16xi32>], vector<16xi32>,
            %lt3A_649 = arith.cmpi slt, %gather3A_648, %gather3A_430 : vector<16xi32>
            %add3A_650 = arith.constant 1 : i32
            %add3A_651 = vector.broadcast %add3A_650 : i32 to vector<16xi32>
            %add3A_652 = arith.addi %select_n3A_644, %add3A_651 : vector<16xi32>
            %select_n3A_653 = arith.select %lt3A_649, %add3A_652, %select_n3A_611 : vector<16xi1>, vector<16xi32>
            %select_n3A_654 = arith.select %lt3A_649, %select_n3A_612, %select_n3A_644 : vector<16xi1>, vector<16xi32>
            %add3A_655 = arith.addi %select_n3A_653, %select_n3A_654 : vector<16xi32>
            %jit3A_656 = arith.constant 2 : i32
            %div3A_657 = vector.broadcast %jit3A_656 : i32 to vector<16xi32>
            %div3A_658 = arith.divsi %add3A_655, %div3A_657 : vector<16xi32>
            %sign3A_659 = arith.constant 0 : i32
            %sign3A_660 = vector.broadcast %sign3A_659 : i32 to vector<16xi32>
            %sign3A_661 = arith.cmpi sgt, %add3A_655, %sign3A_660 : vector<16xi32>
            %sign3A_662 = arith.extui %sign3A_661 : vector<16xi1> to vector<16xi32>
            %sign3A_663 = arith.constant 0 : i32
            %sign3A_664 = vector.broadcast %sign3A_663 : i32 to vector<16xi32>
            %sign3A_665 = arith.cmpi slt, %add3A_655, %sign3A_664 : vector<16xi32>
            %sign3A_666 = arith.extui %sign3A_665 : vector<16xi1> to vector<16xi32>
            %sign3A_667 = arith.subi %sign3A_662, %sign3A_666 : vector<16xi32>
            %sign3A_668 = arith.constant 0 : i32
            %sign3A_669 = arith.cmpi sgt, %jit3A_656, %sign3A_668 : i32
            %sign3A_670 = arith.extui %sign3A_669 : i1 to i32
            %sign3A_671 = arith.constant 0 : i32
            %sign3A_672 = arith.cmpi slt, %jit3A_656, %sign3A_671 : i32
            %sign3A_673 = arith.extui %sign3A_672 : i1 to i32
            %sign3A_674 = arith.subi %sign3A_670, %sign3A_673 : i32
            %ne3A_675 = vector.broadcast %sign3A_674 : i32 to vector<16xi32>
            %ne3A_676 = arith.cmpi ne, %sign3A_667, %ne3A_675 : vector<16xi32>
            %rem3A_677 = vector.broadcast %jit3A_656 : i32 to vector<16xi32>
            %rem3A_678 = arith.remsi %add3A_655, %rem3A_677 : vector<16xi32>
            %ne3A_679 = arith.constant 0 : i32
            %ne3A_680 = vector.broadcast %ne3A_679 : i32 to vector<16xi32>
            %ne3A_681 = arith.cmpi ne, %rem3A_678, %ne3A_680 : vector<16xi32>
            %and3A_682 = arith.andi %ne3A_676, %ne3A_681 : vector<16xi1>
            %sub3A_683 = arith.constant 1 : i32
            %sub3A_684 = vector.broadcast %sub3A_683 : i32 to vector<16xi32>
            %sub3A_685 = arith.subi %div3A_658, %sub3A_684 : vector<16xi32>
            %select_n3A_686 = arith.select %and3A_682, %sub3A_685, %div3A_658 : vector<16xi1>, vector<16xi32>
            %add3A_687 = arith.addi %mul3A_383, %sub3A_92 : i32
            %add3A_688 = vector.broadcast %add3A_687 : i32 to vector<16xi32>
            %add3A_689 = arith.addi %add3A_688, %select_n3A_686 : vector<16xi32>
            %gather3A_690 = tpu.vector_load_idx %arg15[%add3A_689] : memref<8208xi32, #tpu.memory_space<vmem>>[vector<16xi32>], vector<16xi32>,
            %lt3A_691 = arith.cmpi slt, %gather3A_690, %gather3A_430 : vector<16xi32>
            %add3A_692 = arith.constant 1 : i32
            %add3A_693 = vector.broadcast %add3A_692 : i32 to vector<16xi32>
            %add3A_694 = arith.addi %select_n3A_686, %add3A_693 : vector<16xi32>
            %select_n3A_695 = arith.select %lt3A_691, %add3A_694, %select_n3A_653 : vector<16xi1>, vector<16xi32>
            %select_n3A_696 = arith.select %lt3A_691, %select_n3A_654, %select_n3A_686 : vector<16xi1>, vector<16xi32>
            %add3A_697 = arith.addi %select_n3A_695, %select_n3A_696 : vector<16xi32>
            %jit3A_698 = arith.constant 2 : i32
            %div3A_699 = vector.broadcast %jit3A_698 : i32 to vector<16xi32>
            %div3A_700 = arith.divsi %add3A_697, %div3A_699 : vector<16xi32>
            %sign3A_701 = arith.constant 0 : i32
            %sign3A_702 = vector.broadcast %sign3A_701 : i32 to vector<16xi32>
            %sign3A_703 = arith.cmpi sgt, %add3A_697, %sign3A_702 : vector<16xi32>
            %sign3A_704 = arith.extui %sign3A_703 : vector<16xi1> to vector<16xi32>
            %sign3A_705 = arith.constant 0 : i32
            %sign3A_706 = vector.broadcast %sign3A_705 : i32 to vector<16xi32>
            %sign3A_707 = arith.cmpi slt, %add3A_697, %sign3A_706 : vector<16xi32>
            %sign3A_708 = arith.extui %sign3A_707 : vector<16xi1> to vector<16xi32>
            %sign3A_709 = arith.subi %sign3A_704, %sign3A_708 : vector<16xi32>
            %sign3A_710 = arith.constant 0 : i32
            %sign3A_711 = arith.cmpi sgt, %jit3A_698, %sign3A_710 : i32
            %sign3A_712 = arith.extui %sign3A_711 : i1 to i32
            %sign3A_713 = arith.constant 0 : i32
            %sign3A_714 = arith.cmpi slt, %jit3A_698, %sign3A_713 : i32
            %sign3A_715 = arith.extui %sign3A_714 : i1 to i32
            %sign3A_716 = arith.subi %sign3A_712, %sign3A_715 : i32
            %ne3A_717 = vector.broadcast %sign3A_716 : i32 to vector<16xi32>
            %ne3A_718 = arith.cmpi ne, %sign3A_709, %ne3A_717 : vector<16xi32>
            %rem3A_719 = vector.broadcast %jit3A_698 : i32 to vector<16xi32>
            %rem3A_720 = arith.remsi %add3A_697, %rem3A_719 : vector<16xi32>
            %ne3A_721 = arith.constant 0 : i32
            %ne3A_722 = vector.broadcast %ne3A_721 : i32 to vector<16xi32>
            %ne3A_723 = arith.cmpi ne, %rem3A_720, %ne3A_722 : vector<16xi32>
            %and3A_724 = arith.andi %ne3A_718, %ne3A_723 : vector<16xi1>
            %sub3A_725 = arith.constant 1 : i32
            %sub3A_726 = vector.broadcast %sub3A_725 : i32 to vector<16xi32>
            %sub3A_727 = arith.subi %div3A_700, %sub3A_726 : vector<16xi32>
            %select_n3A_728 = arith.select %and3A_724, %sub3A_727, %div3A_700 : vector<16xi1>, vector<16xi32>
            %add3A_729 = arith.addi %mul3A_383, %sub3A_92 : i32
            %add3A_730 = vector.broadcast %add3A_729 : i32 to vector<16xi32>
            %add3A_731 = arith.addi %add3A_730, %select_n3A_728 : vector<16xi32>
            %gather3A_732 = tpu.vector_load_idx %arg15[%add3A_731] : memref<8208xi32, #tpu.memory_space<vmem>>[vector<16xi32>], vector<16xi32>,
            %lt3A_733 = arith.cmpi slt, %gather3A_732, %gather3A_430 : vector<16xi32>
            %add3A_734 = arith.constant 1 : i32
            %add3A_735 = vector.broadcast %add3A_734 : i32 to vector<16xi32>
            %add3A_736 = arith.addi %select_n3A_728, %add3A_735 : vector<16xi32>
            %select_n3A_737 = arith.select %lt3A_733, %add3A_736, %select_n3A_695 : vector<16xi1>, vector<16xi32>
            %select_n3A_738 = arith.select %lt3A_733, %select_n3A_696, %select_n3A_728 : vector<16xi1>, vector<16xi32>
            %add3A_739 = arith.addi %select_n3A_737, %select_n3A_738 : vector<16xi32>
            %jit3A_740 = arith.constant 2 : i32
            %div3A_741 = vector.broadcast %jit3A_740 : i32 to vector<16xi32>
            %div3A_742 = arith.divsi %add3A_739, %div3A_741 : vector<16xi32>
            %sign3A_743 = arith.constant 0 : i32
            %sign3A_744 = vector.broadcast %sign3A_743 : i32 to vector<16xi32>
            %sign3A_745 = arith.cmpi sgt, %add3A_739, %sign3A_744 : vector<16xi32>
            %sign3A_746 = arith.extui %sign3A_745 : vector<16xi1> to vector<16xi32>
            %sign3A_747 = arith.constant 0 : i32
            %sign3A_748 = vector.broadcast %sign3A_747 : i32 to vector<16xi32>
            %sign3A_749 = arith.cmpi slt, %add3A_739, %sign3A_748 : vector<16xi32>
            %sign3A_750 = arith.extui %sign3A_749 : vector<16xi1> to vector<16xi32>
            %sign3A_751 = arith.subi %sign3A_746, %sign3A_750 : vector<16xi32>
            %sign3A_752 = arith.constant 0 : i32
            %sign3A_753 = arith.cmpi sgt, %jit3A_740, %sign3A_752 : i32
            %sign3A_754 = arith.extui %sign3A_753 : i1 to i32
            %sign3A_755 = arith.constant 0 : i32
            %sign3A_756 = arith.cmpi slt, %jit3A_740, %sign3A_755 : i32
            %sign3A_757 = arith.extui %sign3A_756 : i1 to i32
            %sign3A_758 = arith.subi %sign3A_754, %sign3A_757 : i32
            %ne3A_759 = vector.broadcast %sign3A_758 : i32 to vector<16xi32>
            %ne3A_760 = arith.cmpi ne, %sign3A_751, %ne3A_759 : vector<16xi32>
            %rem3A_761 = vector.broadcast %jit3A_740 : i32 to vector<16xi32>
            %rem3A_762 = arith.remsi %add3A_739, %rem3A_761 : vector<16xi32>
            %ne3A_763 = arith.constant 0 : i32
            %ne3A_764 = vector.broadcast %ne3A_763 : i32 to vector<16xi32>
            %ne3A_765 = arith.cmpi ne, %rem3A_762, %ne3A_764 : vector<16xi32>
            %and3A_766 = arith.andi %ne3A_760, %ne3A_765 : vector<16xi1>
            %sub3A_767 = arith.constant 1 : i32
            %sub3A_768 = vector.broadcast %sub3A_767 : i32 to vector<16xi32>
            %sub3A_769 = arith.subi %div3A_742, %sub3A_768 : vector<16xi32>
            %select_n3A_770 = arith.select %and3A_766, %sub3A_769, %div3A_742 : vector<16xi1>, vector<16xi32>
            %add3A_771 = arith.addi %mul3A_383, %sub3A_92 : i32
            %add3A_772 = vector.broadcast %add3A_771 : i32 to vector<16xi32>
            %add3A_773 = arith.addi %add3A_772, %select_n3A_770 : vector<16xi32>
            %gather3A_774 = tpu.vector_load_idx %arg15[%add3A_773] : memref<8208xi32, #tpu.memory_space<vmem>>[vector<16xi32>], vector<16xi32>,
            %lt3A_775 = arith.cmpi slt, %gather3A_774, %gather3A_430 : vector<16xi32>
            %add3A_776 = arith.constant 1 : i32
            %add3A_777 = vector.broadcast %add3A_776 : i32 to vector<16xi32>
            %add3A_778 = arith.addi %select_n3A_770, %add3A_777 : vector<16xi32>
            %select_n3A_779 = arith.select %lt3A_775, %add3A_778, %select_n3A_737 : vector<16xi1>, vector<16xi32>
            %select_n3A_780 = arith.select %lt3A_775, %select_n3A_738, %select_n3A_770 : vector<16xi1>, vector<16xi32>
            %add3A_781 = arith.addi %mul3A_383, %sub3A_92 : i32
            %add3A_782 = vector.broadcast %add3A_781 : i32 to vector<16xi32>
            %add3A_783 = arith.addi %add3A_782, %select_n3A_779 : vector<16xi32>
            %gather3A_784 = tpu.vector_load_idx %arg15[%add3A_783] : memref<8208xi32, #tpu.memory_space<vmem>>[vector<16xi32>], vector<16xi32>,
            %lt3A_785 = vector.broadcast %sub3A_72 : i32 to vector<16xi32>
            %lt3A_786 = arith.cmpi slt, %add3A_426, %lt3A_785 : vector<16xi32>
            %lt3A_787 = vector.broadcast %sub3A : i32 to vector<16xi32>
            %lt3A_788 = arith.cmpi slt, %select_n3A_779, %lt3A_787 : vector<16xi32>
            %and3A_789 = arith.andi %lt3A_786, %lt3A_788 : vector<16xi1>
            %eq3A_790 = arith.cmpi eq, %gather3A_784, %gather3A_430 : vector<16xi32>
            %and3A_791 = arith.andi %and3A_789, %eq3A_790 : vector<16xi1>
            %and3A_792 = arith.andi %and3A_791, %or3A_441 : vector<16xi1>
            %while3A_793:2 = scf.while (%while3A_794 = %and3A_792, %while3A_795 = %while3A_422) : (vector<16xi1>, vector<16xf32>) -> (vector<16xi1>, vector<16xf32>) {
              %all_reduce_population_count3A = tpu.all_reduce %while3A_794 {dim = 0 : i64, kind = #tpu.reduction_kind<sum>} : vector<16xi1> -> vector<16xi32>
              %slice3A_796 = vector.extract_strided_slice %all_reduce_population_count3A {offsets = [0], sizes = [1], strides = [1]} : vector<16xi32> to vector<1xi32>
              %squeeze3A_797 = vector.extract %slice3A_796[0] : i32 from vector<1xi32>
              %gt3A_798 = arith.constant 0 : i32
              %gt3A_799 = arith.cmpi sgt, %squeeze3A_797, %gt3A_798 : i32
              scf.condition(%gt3A_799) %while3A_794, %while3A_795 : vector<16xi1>, vector<16xf32>
            } do {
            ^bb0(%while3A_794: vector<16xi1>, %while3A_795: vector<16xf32>):
              %all_reduce_ffs3A = tpu.all_reduce %while3A_794 {dim = 0 : i64, kind = #tpu.reduction_kind<find_first_set>} : vector<16xi1> -> vector<16xi32>
              %slice3A_796 = vector.extract_strided_slice %all_reduce_ffs3A {offsets = [0], sizes = [1], strides = [1]} : vector<16xi32> to vector<1xi32>
              %squeeze3A_797 = vector.extract %slice3A_796[0] : i32 from vector<1xi32>
              %add3A_798 = arith.addi %mul3A_381, %sub3A_119 : i32
              %mul3A_799 = arith.constant 16 : i32
              %mul3A_800 = arith.muli %while3A_421, %mul3A_799 : i32
              %add3A_801 = arith.addi %add3A_798, %mul3A_800 : i32
              %add3A_802 = arith.addi %add3A_801, %squeeze3A_797 : i32
              %get3A_803 = arith.index_cast %add3A_802 : i32 to index
              %get3A_804 = tpu.vector_load %arg16[%get3A_803] {strides = array<i32>} : memref<8208xi32, #tpu.memory_space<vmem>>, vector<16xi32>,
              %slice3A_805 = vector.extract_strided_slice %get3A_804 {offsets = [0], sizes = [1], strides = [1]} : vector<16xi32> to vector<1xi32>
              %squeeze3A_806 = vector.extract %slice3A_805[0] : i32 from vector<1xi32>
              "tpu.region"() ({
                %run_scoped3A = tpu.sem_alloc : memref<!tpu.dma_semaphore, #tpu.memory_space<semaphore_mem>>
                %dma_start3A = arith.constant 0 : i32
                %dma_start3A_906 = tpu.memref_slice %arg2[%squeeze3A_806, %dma_start3A] : memref<10000x256xf32, #tpu.memory_space<hbm>> -> memref<1x256xf32, #tpu.memory_space<hbm>>
                %dma_start3A_907 = tpu.memref_squeeze %dma_start3A_906 : memref<1x256xf32, #tpu.memory_space<hbm>> -> memref<256xf32, #tpu.memory_space<hbm>>
                %dma_start3A_908 = arith.constant 0 : i32
                %dma_start3A_909 = tpu.memref_slice %arg2[%squeeze3A_806, %dma_start3A_908] : memref<10000x256xf32, #tpu.memory_space<hbm>> -> memref<1x256xf32, #tpu.memory_space<hbm>>
                %dma_start3A_910 = tpu.memref_squeeze %dma_start3A_909 : memref<1x256xf32, #tpu.memory_space<hbm>> -> memref<256xf32, #tpu.memory_space<hbm>>
                tpu.enqueue_dma source(%dma_start3A_910 : memref<256xf32, #tpu.memory_space<hbm>>) target(%arg17 : memref<256xf32, #tpu.memory_space<vmem>>) target_semaphore(%run_scoped3A : memref<!tpu.dma_semaphore, #tpu.memory_space<semaphore_mem>>)
                %dma_wait3A = arith.constant 0 : i32
                %dma_wait3A_911 = tpu.memref_slice %arg2[%squeeze3A_806, %dma_wait3A] : memref<10000x256xf32, #tpu.memory_space<hbm>> -> memref<1x256xf32, #tpu.memory_space<hbm>>
                %dma_wait3A_912 = tpu.memref_squeeze %dma_wait3A_911 : memref<1x256xf32, #tpu.memory_space<hbm>> -> memref<256xf32, #tpu.memory_space<hbm>>
                %dma_wait3A_913 = arith.constant 0 : i32
                %dma_wait3A_914 = tpu.memref_slice %arg2[%squeeze3A_806, %dma_wait3A_913] : memref<10000x256xf32, #tpu.memory_space<hbm>> -> memref<1x256xf32, #tpu.memory_space<hbm>>
                %dma_wait3A_915 = tpu.memref_squeeze %dma_wait3A_914 : memref<1x256xf32, #tpu.memory_space<hbm>> -> memref<256xf32, #tpu.memory_space<hbm>>
                tpu.wait_dma2 semaphore(%run_scoped3A : memref<!tpu.dma_semaphore, #tpu.memory_space<semaphore_mem>>) src(%dma_wait3A_915 : memref<256xf32, #tpu.memory_space<hbm>>) dst(%arg17 : memref<256xf32, #tpu.memory_space<vmem>>)
                tpu.yield
              }) : () -> ()
              %get3A_807 = arith.constant 0 : index
              %get3A_808 = tpu.vector_load %arg17[%get3A_807] {strides = array<i32>} : memref<256xf32, #tpu.memory_space<vmem>>, vector<16xf32>,
              %get3A_809 = arith.constant 0 : index
              %get3A_810 = tpu.vector_load %arg19[%get3A_809] {strides = array<i32>} : memref<256xf32, #tpu.memory_space<vmem>>, vector<16xf32>,
              %mul3A_811 = arith.mulf %get3A_808, %get3A_810 : vector<16xf32>
              %add3A_812 = arith.addf %while3A_795, %mul3A_811 : vector<16xf32>
              %get3A_813 = arith.constant 16 : index
              %get3A_814 = tpu.vector_load %arg17[%get3A_813] {strides = array<i32>} : memref<256xf32, #tpu.memory_space<vmem>>, vector<16xf32>,
              %get3A_815 = arith.constant 16 : index
              %get3A_816 = tpu.vector_load %arg19[%get3A_815] {strides = array<i32>} : memref<256xf32, #tpu.memory_space<vmem>>, vector<16xf32>,
              %mul3A_817 = arith.mulf %get3A_814, %get3A_816 : vector<16xf32>
              %add3A_818 = arith.addf %add3A_812, %mul3A_817 : vector<16xf32>
              %get3A_819 = arith.constant 32 : index
              %get3A_820 = tpu.vector_load %arg17[%get3A_819] {strides = array<i32>} : memref<256xf32, #tpu.memory_space<vmem>>, vector<16xf32>,
              %get3A_821 = arith.constant 32 : index
              %get3A_822 = tpu.vector_load %arg19[%get3A_821] {strides = array<i32>} : memref<256xf32, #tpu.memory_space<vmem>>, vector<16xf32>,
              %mul3A_823 = arith.mulf %get3A_820, %get3A_822 : vector<16xf32>
              %add3A_824 = arith.addf %add3A_818, %mul3A_823 : vector<16xf32>
              %get3A_825 = arith.constant 48 : index
              %get3A_826 = tpu.vector_load %arg17[%get3A_825] {strides = array<i32>} : memref<256xf32, #tpu.memory_space<vmem>>, vector<16xf32>,
              %get3A_827 = arith.constant 48 : index
              %get3A_828 = tpu.vector_load %arg19[%get3A_827] {strides = array<i32>} : memref<256xf32, #tpu.memory_space<vmem>>, vector<16xf32>,
              %mul3A_829 = arith.mulf %get3A_826, %get3A_828 : vector<16xf32>
              %add3A_830 = arith.addf %add3A_824, %mul3A_829 : vector<16xf32>
              %get3A_831 = arith.constant 64 : index
              %get3A_832 = tpu.vector_load %arg17[%get3A_831] {strides = array<i32>} : memref<256xf32, #tpu.memory_space<vmem>>, vector<16xf32>,
              %get3A_833 = arith.constant 64 : index
              %get3A_834 = tpu.vector_load %arg19[%get3A_833] {strides = array<i32>} : memref<256xf32, #tpu.memory_space<vmem>>, vector<16xf32>,
              %mul3A_835 = arith.mulf %get3A_832, %get3A_834 : vector<16xf32>
              %add3A_836 = arith.addf %add3A_830, %mul3A_835 : vector<16xf32>
              %get3A_837 = arith.constant 80 : index
              %get3A_838 = tpu.vector_load %arg17[%get3A_837] {strides = array<i32>} : memref<256xf32, #tpu.memory_space<vmem>>, vector<16xf32>,
              %get3A_839 = arith.constant 80 : index
              %get3A_840 = tpu.vector_load %arg19[%get3A_839] {strides = array<i32>} : memref<256xf32, #tpu.memory_space<vmem>>, vector<16xf32>,
              %mul3A_841 = arith.mulf %get3A_838, %get3A_840 : vector<16xf32>
              %add3A_842 = arith.addf %add3A_836, %mul3A_841 : vector<16xf32>
              %get3A_843 = arith.constant 96 : index
              %get3A_844 = tpu.vector_load %arg17[%get3A_843] {strides = array<i32>} : memref<256xf32, #tpu.memory_space<vmem>>, vector<16xf32>,
              %get3A_845 = arith.constant 96 : index
              %get3A_846 = tpu.vector_load %arg19[%get3A_845] {strides = array<i32>} : memref<256xf32, #tpu.memory_space<vmem>>, vector<16xf32>,
              %mul3A_847 = arith.mulf %get3A_844, %get3A_846 : vector<16xf32>
              %add3A_848 = arith.addf %add3A_842, %mul3A_847 : vector<16xf32>
              %get3A_849 = arith.constant 112 : index
              %get3A_850 = tpu.vector_load %arg17[%get3A_849] {strides = array<i32>} : memref<256xf32, #tpu.memory_space<vmem>>, vector<16xf32>,
              %get3A_851 = arith.constant 112 : index
              %get3A_852 = tpu.vector_load %arg19[%get3A_851] {strides = array<i32>} : memref<256xf32, #tpu.memory_space<vmem>>, vector<16xf32>,
              %mul3A_853 = arith.mulf %get3A_850, %get3A_852 : vector<16xf32>
              %add3A_854 = arith.addf %add3A_848, %mul3A_853 : vector<16xf32>
              %get3A_855 = arith.constant 128 : index
              %get3A_856 = tpu.vector_load %arg17[%get3A_855] {strides = array<i32>} : memref<256xf32, #tpu.memory_space<vmem>>, vector<16xf32>,
              %get3A_857 = arith.constant 128 : index
              %get3A_858 = tpu.vector_load %arg19[%get3A_857] {strides = array<i32>} : memref<256xf32, #tpu.memory_space<vmem>>, vector<16xf32>,
              %mul3A_859 = arith.mulf %get3A_856, %get3A_858 : vector<16xf32>
              %add3A_860 = arith.addf %add3A_854, %mul3A_859 : vector<16xf32>
              %get3A_861 = arith.constant 144 : index
              %get3A_862 = tpu.vector_load %arg17[%get3A_861] {strides = array<i32>} : memref<256xf32, #tpu.memory_space<vmem>>, vector<16xf32>,
              %get3A_863 = arith.constant 144 : index
              %get3A_864 = tpu.vector_load %arg19[%get3A_863] {strides = array<i32>} : memref<256xf32, #tpu.memory_space<vmem>>, vector<16xf32>,
              %mul3A_865 = arith.mulf %get3A_862, %get3A_864 : vector<16xf32>
              %add3A_866 = arith.addf %add3A_860, %mul3A_865 : vector<16xf32>
              %get3A_867 = arith.constant 160 : index
              %get3A_868 = tpu.vector_load %arg17[%get3A_867] {strides = array<i32>} : memref<256xf32, #tpu.memory_space<vmem>>, vector<16xf32>,
              %get3A_869 = arith.constant 160 : index
              %get3A_870 = tpu.vector_load %arg19[%get3A_869] {strides = array<i32>} : memref<256xf32, #tpu.memory_space<vmem>>, vector<16xf32>,
              %mul3A_871 = arith.mulf %get3A_868, %get3A_870 : vector<16xf32>
              %add3A_872 = arith.addf %add3A_866, %mul3A_871 : vector<16xf32>
              %get3A_873 = arith.constant 176 : index
              %get3A_874 = tpu.vector_load %arg17[%get3A_873] {strides = array<i32>} : memref<256xf32, #tpu.memory_space<vmem>>, vector<16xf32>,
              %get3A_875 = arith.constant 176 : index
              %get3A_876 = tpu.vector_load %arg19[%get3A_875] {strides = array<i32>} : memref<256xf32, #tpu.memory_space<vmem>>, vector<16xf32>,
              %mul3A_877 = arith.mulf %get3A_874, %get3A_876 : vector<16xf32>
              %add3A_878 = arith.addf %add3A_872, %mul3A_877 : vector<16xf32>
              %get3A_879 = arith.constant 192 : index
              %get3A_880 = tpu.vector_load %arg17[%get3A_879] {strides = array<i32>} : memref<256xf32, #tpu.memory_space<vmem>>, vector<16xf32>,
              %get3A_881 = arith.constant 192 : index
              %get3A_882 = tpu.vector_load %arg19[%get3A_881] {strides = array<i32>} : memref<256xf32, #tpu.memory_space<vmem>>, vector<16xf32>,
              %mul3A_883 = arith.mulf %get3A_880, %get3A_882 : vector<16xf32>
              %add3A_884 = arith.addf %add3A_878, %mul3A_883 : vector<16xf32>
              %get3A_885 = arith.constant 208 : index
              %get3A_886 = tpu.vector_load %arg17[%get3A_885] {strides = array<i32>} : memref<256xf32, #tpu.memory_space<vmem>>, vector<16xf32>,
              %get3A_887 = arith.constant 208 : index
              %get3A_888 = tpu.vector_load %arg19[%get3A_887] {strides = array<i32>} : memref<256xf32, #tpu.memory_space<vmem>>, vector<16xf32>,
              %mul3A_889 = arith.mulf %get3A_886, %get3A_888 : vector<16xf32>
              %add3A_890 = arith.addf %add3A_884, %mul3A_889 : vector<16xf32>
              %get3A_891 = arith.constant 224 : index
              %get3A_892 = tpu.vector_load %arg17[%get3A_891] {strides = array<i32>} : memref<256xf32, #tpu.memory_space<vmem>>, vector<16xf32>,
              %get3A_893 = arith.constant 224 : index
              %get3A_894 = tpu.vector_load %arg19[%get3A_893] {strides = array<i32>} : memref<256xf32, #tpu.memory_space<vmem>>, vector<16xf32>,
              %mul3A_895 = arith.mulf %get3A_892, %get3A_894 : vector<16xf32>
              %add3A_896 = arith.addf %add3A_890, %mul3A_895 : vector<16xf32>
              %get3A_897 = arith.constant 240 : index
              %get3A_898 = tpu.vector_load %arg17[%get3A_897] {strides = array<i32>} : memref<256xf32, #tpu.memory_space<vmem>>, vector<16xf32>,
              %get3A_899 = arith.constant 240 : index
              %get3A_900 = tpu.vector_load %arg19[%get3A_899] {strides = array<i32>} : memref<256xf32, #tpu.memory_space<vmem>>, vector<16xf32>,
              %mul3A_901 = arith.mulf %get3A_898, %get3A_900 : vector<16xf32>
              %add3A_902 = arith.addf %add3A_896, %mul3A_901 : vector<16xf32>
              %ne3A_903 = vector.broadcast %squeeze3A_797 : i32 to vector<16xi32>
              %ne3A_904 = arith.cmpi ne, %iota3A, %ne3A_903 : vector<16xi32>
              %and3A_905 = arith.andi %while3A_794, %ne3A_904 : vector<16xi1>
              scf.yield %and3A_905, %add3A_902 : vector<16xi1>, vector<16xf32>
            }
            scf.yield %while3A_793#1 : vector<16xf32>
          }
          %while3A_419 = arith.constant 1 : i32
          %while3A_420 = scf.for %while3A_421 = %while3A_416 to %while3A_412 step %while3A_419 iter_args(%while3A_422 = %while3A_418) -> (vector<16xf32>)  : i32 {
            %mul3A_423 = arith.constant 16 : i32
            %mul3A_424 = arith.muli %while3A_421, %mul3A_423 : i32
            %add3A_425 = vector.broadcast %mul3A_424 : i32 to vector<16xi32>
            %add3A_426 = arith.addi %add3A_425, %iota3A : vector<16xi32>
            %add3A_427 = arith.addi %mul3A_381, %sub3A_119 : i32
            %add3A_428 = vector.broadcast %add3A_427 : i32 to vector<16xi32>
            %add3A_429 = arith.addi %add3A_428, %add3A_426 : vector<16xi32>
            %gather3A_430 = tpu.vector_load_idx %arg16[%add3A_429] : memref<8208xi32, #tpu.memory_space<vmem>>[vector<16xi32>], vector<16xi32>,
            %sub3A_431 = arith.constant 1 : i32
            %sub3A_432 = vector.broadcast %sub3A_431 : i32 to vector<16xi32>
            %sub3A_433 = arith.subi %add3A_429, %sub3A_432 : vector<16xi32>
            %max3A = arith.constant 0 : i32
            %max3A_434 = vector.broadcast %max3A : i32 to vector<16xi32>
            %max3A_435 = arith.maxsi %sub3A_433, %max3A_434 : vector<16xi32>
            %gather3A_436 = tpu.vector_load_idx %arg16[%max3A_435] : memref<8208xi32, #tpu.memory_space<vmem>>[vector<16xi32>], vector<16xi32>,
            %ne3A_437 = arith.cmpi ne, %gather3A_430, %gather3A_436 : vector<16xi32>
            %eq3A_438 = arith.constant 0 : i32
            %eq3A_439 = vector.broadcast %eq3A_438 : i32 to vector<16xi32>
            %eq3A_440 = arith.cmpi eq, %add3A_426, %eq3A_439 : vector<16xi32>
            %or3A_441 = arith.ori %ne3A_437, %eq3A_440 : vector<16xi1>
            %broadcast_in_dim3A_442 = arith.constant 0 : i32
            %broadcast_in_dim3A_443 = vector.broadcast %broadcast_in_dim3A_442 : i32 to vector<16xi32>
            %broadcast_in_dim3A_444 = vector.broadcast %sub3A : i32 to vector<16xi32>
            %add3A_445 = arith.addi %broadcast_in_dim3A_443, %broadcast_in_dim3A_444 : vector<16xi32>
            %jit3A_446 = arith.constant 2 : i32
            %div3A_447 = vector.broadcast %jit3A_446 : i32 to vector<16xi32>
            %div3A_448 = arith.divsi %add3A_445, %div3A_447 : vector<16xi32>
            %sign3A_449 = arith.constant 0 : i32
            %sign3A_450 = vector.broadcast %sign3A_449 : i32 to vector<16xi32>
            %sign3A_451 = arith.cmpi sgt, %add3A_445, %sign3A_450 : vector<16xi32>
            %sign3A_452 = arith.extui %sign3A_451 : vector<16xi1> to vector<16xi32>
            %sign3A_453 = arith.constant 0 : i32
            %sign3A_454 = vector.broadcast %sign3A_453 : i32 to vector<16xi32>
            %sign3A_455 = arith.cmpi slt, %add3A_445, %sign3A_454 : vector<16xi32>
            %sign3A_456 = arith.extui %sign3A_455 : vector<16xi1> to vector<16xi32>
            %sign3A_457 = arith.subi %sign3A_452, %sign3A_456 : vector<16xi32>
            %sign3A_458 = arith.constant 0 : i32
            %sign3A_459 = arith.cmpi sgt, %jit3A_446, %sign3A_458 : i32
            %sign3A_460 = arith.extui %sign3A_459 : i1 to i32
            %sign3A_461 = arith.constant 0 : i32
            %sign3A_462 = arith.cmpi slt, %jit3A_446, %sign3A_461 : i32
            %sign3A_463 = arith.extui %sign3A_462 : i1 to i32
            %sign3A_464 = arith.subi %sign3A_460, %sign3A_463 : i32
            %ne3A_465 = vector.broadcast %sign3A_464 : i32 to vector<16xi32>
            %ne3A_466 = arith.cmpi ne, %sign3A_457, %ne3A_465 : vector<16xi32>
            %rem3A_467 = vector.broadcast %jit3A_446 : i32 to vector<16xi32>
            %rem3A_468 = arith.remsi %add3A_445, %rem3A_467 : vector<16xi32>
            %ne3A_469 = arith.constant 0 : i32
            %ne3A_470 = vector.broadcast %ne3A_469 : i32 to vector<16xi32>
            %ne3A_471 = arith.cmpi ne, %rem3A_468, %ne3A_470 : vector<16xi32>
            %and3A_472 = arith.andi %ne3A_466, %ne3A_471 : vector<16xi1>
            %sub3A_473 = arith.constant 1 : i32
            %sub3A_474 = vector.broadcast %sub3A_473 : i32 to vector<16xi32>
            %sub3A_475 = arith.subi %div3A_448, %sub3A_474 : vector<16xi32>
            %select_n3A_476 = arith.select %and3A_472, %sub3A_475, %div3A_448 : vector<16xi1>, vector<16xi32>
            %add3A_477 = arith.addi %mul3A_383, %sub3A_92 : i32
            %add3A_478 = vector.broadcast %add3A_477 : i32 to vector<16xi32>
            %add3A_479 = arith.addi %add3A_478, %select_n3A_476 : vector<16xi32>
            %gather3A_480 = tpu.vector_load_idx %arg15[%add3A_479] : memref<8208xi32, #tpu.memory_space<vmem>>[vector<16xi32>], vector<16xi32>,
            %lt3A_481 = arith.cmpi slt, %gather3A_480, %gather3A_430 : vector<16xi32>
            %add3A_482 = arith.constant 1 : i32
            %add3A_483 = vector.broadcast %add3A_482 : i32 to vector<16xi32>
            %add3A_484 = arith.addi %select_n3A_476, %add3A_483 : vector<16xi32>
            %select_n3A_485 = arith.select %lt3A_481, %add3A_484, %broadcast_in_dim3A_443 : vector<16xi1>, vector<16xi32>
            %select_n3A_486 = arith.select %lt3A_481, %broadcast_in_dim3A_444, %select_n3A_476 : vector<16xi1>, vector<16xi32>
            %add3A_487 = arith.addi %select_n3A_485, %select_n3A_486 : vector<16xi32>
            %jit3A_488 = arith.constant 2 : i32
            %div3A_489 = vector.broadcast %jit3A_488 : i32 to vector<16xi32>
            %div3A_490 = arith.divsi %add3A_487, %div3A_489 : vector<16xi32>
            %sign3A_491 = arith.constant 0 : i32
            %sign3A_492 = vector.broadcast %sign3A_491 : i32 to vector<16xi32>
            %sign3A_493 = arith.cmpi sgt, %add3A_487, %sign3A_492 : vector<16xi32>
            %sign3A_494 = arith.extui %sign3A_493 : vector<16xi1> to vector<16xi32>
            %sign3A_495 = arith.constant 0 : i32
            %sign3A_496 = vector.broadcast %sign3A_495 : i32 to vector<16xi32>
            %sign3A_497 = arith.cmpi slt, %add3A_487, %sign3A_496 : vector<16xi32>
            %sign3A_498 = arith.extui %sign3A_497 : vector<16xi1> to vector<16xi32>
            %sign3A_499 = arith.subi %sign3A_494, %sign3A_498 : vector<16xi32>
            %sign3A_500 = arith.constant 0 : i32
            %sign3A_501 = arith.cmpi sgt, %jit3A_488, %sign3A_500 : i32
            %sign3A_502 = arith.extui %sign3A_501 : i1 to i32
            %sign3A_503 = arith.constant 0 : i32
            %sign3A_504 = arith.cmpi slt, %jit3A_488, %sign3A_503 : i32
            %sign3A_505 = arith.extui %sign3A_504 : i1 to i32
            %sign3A_506 = arith.subi %sign3A_502, %sign3A_505 : i32
            %ne3A_507 = vector.broadcast %sign3A_506 : i32 to vector<16xi32>
            %ne3A_508 = arith.cmpi ne, %sign3A_499, %ne3A_507 : vector<16xi32>
            %rem3A_509 = vector.broadcast %jit3A_488 : i32 to vector<16xi32>
            %rem3A_510 = arith.remsi %add3A_487, %rem3A_509 : vector<16xi32>
            %ne3A_511 = arith.constant 0 : i32
            %ne3A_512 = vector.broadcast %ne3A_511 : i32 to vector<16xi32>
            %ne3A_513 = arith.cmpi ne, %rem3A_510, %ne3A_512 : vector<16xi32>
            %and3A_514 = arith.andi %ne3A_508, %ne3A_513 : vector<16xi1>
            %sub3A_515 = arith.constant 1 : i32
            %sub3A_516 = vector.broadcast %sub3A_515 : i32 to vector<16xi32>
            %sub3A_517 = arith.subi %div3A_490, %sub3A_516 : vector<16xi32>
            %select_n3A_518 = arith.select %and3A_514, %sub3A_517, %div3A_490 : vector<16xi1>, vector<16xi32>
            %add3A_519 = arith.addi %mul3A_383, %sub3A_92 : i32
            %add3A_520 = vector.broadcast %add3A_519 : i32 to vector<16xi32>
            %add3A_521 = arith.addi %add3A_520, %select_n3A_518 : vector<16xi32>
            %gather3A_522 = tpu.vector_load_idx %arg15[%add3A_521] : memref<8208xi32, #tpu.memory_space<vmem>>[vector<16xi32>], vector<16xi32>,
            %lt3A_523 = arith.cmpi slt, %gather3A_522, %gather3A_430 : vector<16xi32>
            %add3A_524 = arith.constant 1 : i32
            %add3A_525 = vector.broadcast %add3A_524 : i32 to vector<16xi32>
            %add3A_526 = arith.addi %select_n3A_518, %add3A_525 : vector<16xi32>
            %select_n3A_527 = arith.select %lt3A_523, %add3A_526, %select_n3A_485 : vector<16xi1>, vector<16xi32>
            %select_n3A_528 = arith.select %lt3A_523, %select_n3A_486, %select_n3A_518 : vector<16xi1>, vector<16xi32>
            %add3A_529 = arith.addi %select_n3A_527, %select_n3A_528 : vector<16xi32>
            %jit3A_530 = arith.constant 2 : i32
            %div3A_531 = vector.broadcast %jit3A_530 : i32 to vector<16xi32>
            %div3A_532 = arith.divsi %add3A_529, %div3A_531 : vector<16xi32>
            %sign3A_533 = arith.constant 0 : i32
            %sign3A_534 = vector.broadcast %sign3A_533 : i32 to vector<16xi32>
            %sign3A_535 = arith.cmpi sgt, %add3A_529, %sign3A_534 : vector<16xi32>
            %sign3A_536 = arith.extui %sign3A_535 : vector<16xi1> to vector<16xi32>
            %sign3A_537 = arith.constant 0 : i32
            %sign3A_538 = vector.broadcast %sign3A_537 : i32 to vector<16xi32>
            %sign3A_539 = arith.cmpi slt, %add3A_529, %sign3A_538 : vector<16xi32>
            %sign3A_540 = arith.extui %sign3A_539 : vector<16xi1> to vector<16xi32>
            %sign3A_541 = arith.subi %sign3A_536, %sign3A_540 : vector<16xi32>
            %sign3A_542 = arith.constant 0 : i32
            %sign3A_543 = arith.cmpi sgt, %jit3A_530, %sign3A_542 : i32
            %sign3A_544 = arith.extui %sign3A_543 : i1 to i32
            %sign3A_545 = arith.constant 0 : i32
            %sign3A_546 = arith.cmpi slt, %jit3A_530, %sign3A_545 : i32
            %sign3A_547 = arith.extui %sign3A_546 : i1 to i32
            %sign3A_548 = arith.subi %sign3A_544, %sign3A_547 : i32
            %ne3A_549 = vector.broadcast %sign3A_548 : i32 to vector<16xi32>
            %ne3A_550 = arith.cmpi ne, %sign3A_541, %ne3A_549 : vector<16xi32>
            %rem3A_551 = vector.broadcast %jit3A_530 : i32 to vector<16xi32>
            %rem3A_552 = arith.remsi %add3A_529, %rem3A_551 : vector<16xi32>
            %ne3A_553 = arith.constant 0 : i32
            %ne3A_554 = vector.broadcast %ne3A_553 : i32 to vector<16xi32>
            %ne3A_555 = arith.cmpi ne, %rem3A_552, %ne3A_554 : vector<16xi32>
            %and3A_556 = arith.andi %ne3A_550, %ne3A_555 : vector<16xi1>
            %sub3A_557 = arith.constant 1 : i32
            %sub3A_558 = vector.broadcast %sub3A_557 : i32 to vector<16xi32>
            %sub3A_559 = arith.subi %div3A_532, %sub3A_558 : vector<16xi32>
            %select_n3A_560 = arith.select %and3A_556, %sub3A_559, %div3A_532 : vector<16xi1>, vector<16xi32>
            %add3A_561 = arith.addi %mul3A_383, %sub3A_92 : i32
            %add3A_562 = vector.broadcast %add3A_561 : i32 to vector<16xi32>
            %add3A_563 = arith.addi %add3A_562, %select_n3A_560 : vector<16xi32>
            %gather3A_564 = tpu.vector_load_idx %arg15[%add3A_563] : memref<8208xi32, #tpu.memory_space<vmem>>[vector<16xi32>], vector<16xi32>,
            %lt3A_565 = arith.cmpi slt, %gather3A_564, %gather3A_430 : vector<16xi32>
            %add3A_566 = arith.constant 1 : i32
            %add3A_567 = vector.broadcast %add3A_566 : i32 to vector<16xi32>
            %add3A_568 = arith.addi %select_n3A_560, %add3A_567 : vector<16xi32>
            %select_n3A_569 = arith.select %lt3A_565, %add3A_568, %select_n3A_527 : vector<16xi1>, vector<16xi32>
            %select_n3A_570 = arith.select %lt3A_565, %select_n3A_528, %select_n3A_560 : vector<16xi1>, vector<16xi32>
            %add3A_571 = arith.addi %select_n3A_569, %select_n3A_570 : vector<16xi32>
            %jit3A_572 = arith.constant 2 : i32
            %div3A_573 = vector.broadcast %jit3A_572 : i32 to vector<16xi32>
            %div3A_574 = arith.divsi %add3A_571, %div3A_573 : vector<16xi32>
            %sign3A_575 = arith.constant 0 : i32
            %sign3A_576 = vector.broadcast %sign3A_575 : i32 to vector<16xi32>
            %sign3A_577 = arith.cmpi sgt, %add3A_571, %sign3A_576 : vector<16xi32>
            %sign3A_578 = arith.extui %sign3A_577 : vector<16xi1> to vector<16xi32>
            %sign3A_579 = arith.constant 0 : i32
            %sign3A_580 = vector.broadcast %sign3A_579 : i32 to vector<16xi32>
            %sign3A_581 = arith.cmpi slt, %add3A_571, %sign3A_580 : vector<16xi32>
            %sign3A_582 = arith.extui %sign3A_581 : vector<16xi1> to vector<16xi32>
            %sign3A_583 = arith.subi %sign3A_578, %sign3A_582 : vector<16xi32>
            %sign3A_584 = arith.constant 0 : i32
            %sign3A_585 = arith.cmpi sgt, %jit3A_572, %sign3A_584 : i32
            %sign3A_586 = arith.extui %sign3A_585 : i1 to i32
            %sign3A_587 = arith.constant 0 : i32
            %sign3A_588 = arith.cmpi slt, %jit3A_572, %sign3A_587 : i32
            %sign3A_589 = arith.extui %sign3A_588 : i1 to i32
            %sign3A_590 = arith.subi %sign3A_586, %sign3A_589 : i32
            %ne3A_591 = vector.broadcast %sign3A_590 : i32 to vector<16xi32>
            %ne3A_592 = arith.cmpi ne, %sign3A_583, %ne3A_591 : vector<16xi32>
            %rem3A_593 = vector.broadcast %jit3A_572 : i32 to vector<16xi32>
            %rem3A_594 = arith.remsi %add3A_571, %rem3A_593 : vector<16xi32>
            %ne3A_595 = arith.constant 0 : i32
            %ne3A_596 = vector.broadcast %ne3A_595 : i32 to vector<16xi32>
            %ne3A_597 = arith.cmpi ne, %rem3A_594, %ne3A_596 : vector<16xi32>
            %and3A_598 = arith.andi %ne3A_592, %ne3A_597 : vector<16xi1>
            %sub3A_599 = arith.constant 1 : i32
            %sub3A_600 = vector.broadcast %sub3A_599 : i32 to vector<16xi32>
            %sub3A_601 = arith.subi %div3A_574, %sub3A_600 : vector<16xi32>
            %select_n3A_602 = arith.select %and3A_598, %sub3A_601, %div3A_574 : vector<16xi1>, vector<16xi32>
            %add3A_603 = arith.addi %mul3A_383, %sub3A_92 : i32
            %add3A_604 = vector.broadcast %add3A_603 : i32 to vector<16xi32>
            %add3A_605 = arith.addi %add3A_604, %select_n3A_602 : vector<16xi32>
            %gather3A_606 = tpu.vector_load_idx %arg15[%add3A_605] : memref<8208xi32, #tpu.memory_space<vmem>>[vector<16xi32>], vector<16xi32>,
            %lt3A_607 = arith.cmpi slt, %gather3A_606, %gather3A_430 : vector<16xi32>
            %add3A_608 = arith.constant 1 : i32
            %add3A_609 = vector.broadcast %add3A_608 : i32 to vector<16xi32>
            %add3A_610 = arith.addi %select_n3A_602, %add3A_609 : vector<16xi32>
            %select_n3A_611 = arith.select %lt3A_607, %add3A_610, %select_n3A_569 : vector<16xi1>, vector<16xi32>
            %select_n3A_612 = arith.select %lt3A_607, %select_n3A_570, %select_n3A_602 : vector<16xi1>, vector<16xi32>
            %add3A_613 = arith.addi %select_n3A_611, %select_n3A_612 : vector<16xi32>
            %jit3A_614 = arith.constant 2 : i32
            %div3A_615 = vector.broadcast %jit3A_614 : i32 to vector<16xi32>
            %div3A_616 = arith.divsi %add3A_613, %div3A_615 : vector<16xi32>
            %sign3A_617 = arith.constant 0 : i32
            %sign3A_618 = vector.broadcast %sign3A_617 : i32 to vector<16xi32>
            %sign3A_619 = arith.cmpi sgt, %add3A_613, %sign3A_618 : vector<16xi32>
            %sign3A_620 = arith.extui %sign3A_619 : vector<16xi1> to vector<16xi32>
            %sign3A_621 = arith.constant 0 : i32
            %sign3A_622 = vector.broadcast %sign3A_621 : i32 to vector<16xi32>
            %sign3A_623 = arith.cmpi slt, %add3A_613, %sign3A_622 : vector<16xi32>
            %sign3A_624 = arith.extui %sign3A_623 : vector<16xi1> to vector<16xi32>
            %sign3A_625 = arith.subi %sign3A_620, %sign3A_624 : vector<16xi32>
            %sign3A_626 = arith.constant 0 : i32
            %sign3A_627 = arith.cmpi sgt, %jit3A_614, %sign3A_626 : i32
            %sign3A_628 = arith.extui %sign3A_627 : i1 to i32
            %sign3A_629 = arith.constant 0 : i32
            %sign3A_630 = arith.cmpi slt, %jit3A_614, %sign3A_629 : i32
            %sign3A_631 = arith.extui %sign3A_630 : i1 to i32
            %sign3A_632 = arith.subi %sign3A_628, %sign3A_631 : i32
            %ne3A_633 = vector.broadcast %sign3A_632 : i32 to vector<16xi32>
            %ne3A_634 = arith.cmpi ne, %sign3A_625, %ne3A_633 : vector<16xi32>
            %rem3A_635 = vector.broadcast %jit3A_614 : i32 to vector<16xi32>
            %rem3A_636 = arith.remsi %add3A_613, %rem3A_635 : vector<16xi32>
            %ne3A_637 = arith.constant 0 : i32
            %ne3A_638 = vector.broadcast %ne3A_637 : i32 to vector<16xi32>
            %ne3A_639 = arith.cmpi ne, %rem3A_636, %ne3A_638 : vector<16xi32>
            %and3A_640 = arith.andi %ne3A_634, %ne3A_639 : vector<16xi1>
            %sub3A_641 = arith.constant 1 : i32
            %sub3A_642 = vector.broadcast %sub3A_641 : i32 to vector<16xi32>
            %sub3A_643 = arith.subi %div3A_616, %sub3A_642 : vector<16xi32>
            %select_n3A_644 = arith.select %and3A_640, %sub3A_643, %div3A_616 : vector<16xi1>, vector<16xi32>
            %add3A_645 = arith.addi %mul3A_383, %sub3A_92 : i32
            %add3A_646 = vector.broadcast %add3A_645 : i32 to vector<16xi32>
            %add3A_647 = arith.addi %add3A_646, %select_n3A_644 : vector<16xi32>
            %gather3A_648 = tpu.vector_load_idx %arg15[%add3A_647] : memref<8208xi32, #tpu.memory_space<vmem>>[vector<16xi32>], vector<16xi32>,
            %lt3A_649 = arith.cmpi slt, %gather3A_648, %gather3A_430 : vector<16xi32>
            %add3A_650 = arith.constant 1 : i32
            %add3A_651 = vector.broadcast %add3A_650 : i32 to vector<16xi32>
            %add3A_652 = arith.addi %select_n3A_644, %add3A_651 : vector<16xi32>
            %select_n3A_653 = arith.select %lt3A_649, %add3A_652, %select_n3A_611 : vector<16xi1>, vector<16xi32>
            %select_n3A_654 = arith.select %lt3A_649, %select_n3A_612, %select_n3A_644 : vector<16xi1>, vector<16xi32>
            %add3A_655 = arith.addi %select_n3A_653, %select_n3A_654 : vector<16xi32>
            %jit3A_656 = arith.constant 2 : i32
            %div3A_657 = vector.broadcast %jit3A_656 : i32 to vector<16xi32>
            %div3A_658 = arith.divsi %add3A_655, %div3A_657 : vector<16xi32>
            %sign3A_659 = arith.constant 0 : i32
            %sign3A_660 = vector.broadcast %sign3A_659 : i32 to vector<16xi32>
            %sign3A_661 = arith.cmpi sgt, %add3A_655, %sign3A_660 : vector<16xi32>
            %sign3A_662 = arith.extui %sign3A_661 : vector<16xi1> to vector<16xi32>
            %sign3A_663 = arith.constant 0 : i32
            %sign3A_664 = vector.broadcast %sign3A_663 : i32 to vector<16xi32>
            %sign3A_665 = arith.cmpi slt, %add3A_655, %sign3A_664 : vector<16xi32>
            %sign3A_666 = arith.extui %sign3A_665 : vector<16xi1> to vector<16xi32>
            %sign3A_667 = arith.subi %sign3A_662, %sign3A_666 : vector<16xi32>
            %sign3A_668 = arith.constant 0 : i32
            %sign3A_669 = arith.cmpi sgt, %jit3A_656, %sign3A_668 : i32
            %sign3A_670 = arith.extui %sign3A_669 : i1 to i32
            %sign3A_671 = arith.constant 0 : i32
            %sign3A_672 = arith.cmpi slt, %jit3A_656, %sign3A_671 : i32
            %sign3A_673 = arith.extui %sign3A_672 : i1 to i32
            %sign3A_674 = arith.subi %sign3A_670, %sign3A_673 : i32
            %ne3A_675 = vector.broadcast %sign3A_674 : i32 to vector<16xi32>
            %ne3A_676 = arith.cmpi ne, %sign3A_667, %ne3A_675 : vector<16xi32>
            %rem3A_677 = vector.broadcast %jit3A_656 : i32 to vector<16xi32>
            %rem3A_678 = arith.remsi %add3A_655, %rem3A_677 : vector<16xi32>
            %ne3A_679 = arith.constant 0 : i32
            %ne3A_680 = vector.broadcast %ne3A_679 : i32 to vector<16xi32>
            %ne3A_681 = arith.cmpi ne, %rem3A_678, %ne3A_680 : vector<16xi32>
            %and3A_682 = arith.andi %ne3A_676, %ne3A_681 : vector<16xi1>
            %sub3A_683 = arith.constant 1 : i32
            %sub3A_684 = vector.broadcast %sub3A_683 : i32 to vector<16xi32>
            %sub3A_685 = arith.subi %div3A_658, %sub3A_684 : vector<16xi32>
            %select_n3A_686 = arith.select %and3A_682, %sub3A_685, %div3A_658 : vector<16xi1>, vector<16xi32>
            %add3A_687 = arith.addi %mul3A_383, %sub3A_92 : i32
            %add3A_688 = vector.broadcast %add3A_687 : i32 to vector<16xi32>
            %add3A_689 = arith.addi %add3A_688, %select_n3A_686 : vector<16xi32>
            %gather3A_690 = tpu.vector_load_idx %arg15[%add3A_689] : memref<8208xi32, #tpu.memory_space<vmem>>[vector<16xi32>], vector<16xi32>,
            %lt3A_691 = arith.cmpi slt, %gather3A_690, %gather3A_430 : vector<16xi32>
            %add3A_692 = arith.constant 1 : i32
            %add3A_693 = vector.broadcast %add3A_692 : i32 to vector<16xi32>
            %add3A_694 = arith.addi %select_n3A_686, %add3A_693 : vector<16xi32>
            %select_n3A_695 = arith.select %lt3A_691, %add3A_694, %select_n3A_653 : vector<16xi1>, vector<16xi32>
            %select_n3A_696 = arith.select %lt3A_691, %select_n3A_654, %select_n3A_686 : vector<16xi1>, vector<16xi32>
            %add3A_697 = arith.addi %select_n3A_695, %select_n3A_696 : vector<16xi32>
            %jit3A_698 = arith.constant 2 : i32
            %div3A_699 = vector.broadcast %jit3A_698 : i32 to vector<16xi32>
            %div3A_700 = arith.divsi %add3A_697, %div3A_699 : vector<16xi32>
            %sign3A_701 = arith.constant 0 : i32
            %sign3A_702 = vector.broadcast %sign3A_701 : i32 to vector<16xi32>
            %sign3A_703 = arith.cmpi sgt, %add3A_697, %sign3A_702 : vector<16xi32>
            %sign3A_704 = arith.extui %sign3A_703 : vector<16xi1> to vector<16xi32>
            %sign3A_705 = arith.constant 0 : i32
            %sign3A_706 = vector.broadcast %sign3A_705 : i32 to vector<16xi32>
            %sign3A_707 = arith.cmpi slt, %add3A_697, %sign3A_706 : vector<16xi32>
            %sign3A_708 = arith.extui %sign3A_707 : vector<16xi1> to vector<16xi32>
            %sign3A_709 = arith.subi %sign3A_704, %sign3A_708 : vector<16xi32>
            %sign3A_710 = arith.constant 0 : i32
            %sign3A_711 = arith.cmpi sgt, %jit3A_698, %sign3A_710 : i32
            %sign3A_712 = arith.extui %sign3A_711 : i1 to i32
            %sign3A_713 = arith.constant 0 : i32
            %sign3A_714 = arith.cmpi slt, %jit3A_698, %sign3A_713 : i32
            %sign3A_715 = arith.extui %sign3A_714 : i1 to i32
            %sign3A_716 = arith.subi %sign3A_712, %sign3A_715 : i32
            %ne3A_717 = vector.broadcast %sign3A_716 : i32 to vector<16xi32>
            %ne3A_718 = arith.cmpi ne, %sign3A_709, %ne3A_717 : vector<16xi32>
            %rem3A_719 = vector.broadcast %jit3A_698 : i32 to vector<16xi32>
            %rem3A_720 = arith.remsi %add3A_697, %rem3A_719 : vector<16xi32>
            %ne3A_721 = arith.constant 0 : i32
            %ne3A_722 = vector.broadcast %ne3A_721 : i32 to vector<16xi32>
            %ne3A_723 = arith.cmpi ne, %rem3A_720, %ne3A_722 : vector<16xi32>
            %and3A_724 = arith.andi %ne3A_718, %ne3A_723 : vector<16xi1>
            %sub3A_725 = arith.constant 1 : i32
            %sub3A_726 = vector.broadcast %sub3A_725 : i32 to vector<16xi32>
            %sub3A_727 = arith.subi %div3A_700, %sub3A_726 : vector<16xi32>
            %select_n3A_728 = arith.select %and3A_724, %sub3A_727, %div3A_700 : vector<16xi1>, vector<16xi32>
            %add3A_729 = arith.addi %mul3A_383, %sub3A_92 : i32
            %add3A_730 = vector.broadcast %add3A_729 : i32 to vector<16xi32>
            %add3A_731 = arith.addi %add3A_730, %select_n3A_728 : vector<16xi32>
            %gather3A_732 = tpu.vector_load_idx %arg15[%add3A_731] : memref<8208xi32, #tpu.memory_space<vmem>>[vector<16xi32>], vector<16xi32>,
            %lt3A_733 = arith.cmpi slt, %gather3A_732, %gather3A_430 : vector<16xi32>
            %add3A_734 = arith.constant 1 : i32
            %add3A_735 = vector.broadcast %add3A_734 : i32 to vector<16xi32>
            %add3A_736 = arith.addi %select_n3A_728, %add3A_735 : vector<16xi32>
            %select_n3A_737 = arith.select %lt3A_733, %add3A_736, %select_n3A_695 : vector<16xi1>, vector<16xi32>
            %select_n3A_738 = arith.select %lt3A_733, %select_n3A_696, %select_n3A_728 : vector<16xi1>, vector<16xi32>
            %add3A_739 = arith.addi %select_n3A_737, %select_n3A_738 : vector<16xi32>
            %jit3A_740 = arith.constant 2 : i32
            %div3A_741 = vector.broadcast %jit3A_740 : i32 to vector<16xi32>
            %div3A_742 = arith.divsi %add3A_739, %div3A_741 : vector<16xi32>
            %sign3A_743 = arith.constant 0 : i32
            %sign3A_744 = vector.broadcast %sign3A_743 : i32 to vector<16xi32>
            %sign3A_745 = arith.cmpi sgt, %add3A_739, %sign3A_744 : vector<16xi32>
            %sign3A_746 = arith.extui %sign3A_745 : vector<16xi1> to vector<16xi32>
            %sign3A_747 = arith.constant 0 : i32
            %sign3A_748 = vector.broadcast %sign3A_747 : i32 to vector<16xi32>
            %sign3A_749 = arith.cmpi slt, %add3A_739, %sign3A_748 : vector<16xi32>
            %sign3A_750 = arith.extui %sign3A_749 : vector<16xi1> to vector<16xi32>
            %sign3A_751 = arith.subi %sign3A_746, %sign3A_750 : vector<16xi32>
            %sign3A_752 = arith.constant 0 : i32
            %sign3A_753 = arith.cmpi sgt, %jit3A_740, %sign3A_752 : i32
            %sign3A_754 = arith.extui %sign3A_753 : i1 to i32
            %sign3A_755 = arith.constant 0 : i32
            %sign3A_756 = arith.cmpi slt, %jit3A_740, %sign3A_755 : i32
            %sign3A_757 = arith.extui %sign3A_756 : i1 to i32
            %sign3A_758 = arith.subi %sign3A_754, %sign3A_757 : i32
            %ne3A_759 = vector.broadcast %sign3A_758 : i32 to vector<16xi32>
            %ne3A_760 = arith.cmpi ne, %sign3A_751, %ne3A_759 : vector<16xi32>
            %rem3A_761 = vector.broadcast %jit3A_740 : i32 to vector<16xi32>
            %rem3A_762 = arith.remsi %add3A_739, %rem3A_761 : vector<16xi32>
            %ne3A_763 = arith.constant 0 : i32
            %ne3A_764 = vector.broadcast %ne3A_763 : i32 to vector<16xi32>
            %ne3A_765 = arith.cmpi ne, %rem3A_762, %ne3A_764 : vector<16xi32>
            %and3A_766 = arith.andi %ne3A_760, %ne3A_765 : vector<16xi1>
            %sub3A_767 = arith.constant 1 : i32
            %sub3A_768 = vector.broadcast %sub3A_767 : i32 to vector<16xi32>
            %sub3A_769 = arith.subi %div3A_742, %sub3A_768 : vector<16xi32>
            %select_n3A_770 = arith.select %and3A_766, %sub3A_769, %div3A_742 : vector<16xi1>, vector<16xi32>
            %add3A_771 = arith.addi %mul3A_383, %sub3A_92 : i32
            %add3A_772 = vector.broadcast %add3A_771 : i32 to vector<16xi32>
            %add3A_773 = arith.addi %add3A_772, %select_n3A_770 : vector<16xi32>
            %gather3A_774 = tpu.vector_load_idx %arg15[%add3A_773] : memref<8208xi32, #tpu.memory_space<vmem>>[vector<16xi32>], vector<16xi32>,
            %lt3A_775 = arith.cmpi slt, %gather3A_774, %gather3A_430 : vector<16xi32>
            %add3A_776 = arith.constant 1 : i32
            %add3A_777 = vector.broadcast %add3A_776 : i32 to vector<16xi32>
            %add3A_778 = arith.addi %select_n3A_770, %add3A_777 : vector<16xi32>
            %select_n3A_779 = arith.select %lt3A_775, %add3A_778, %select_n3A_737 : vector<16xi1>, vector<16xi32>
            %select_n3A_780 = arith.select %lt3A_775, %select_n3A_738, %select_n3A_770 : vector<16xi1>, vector<16xi32>
            %add3A_781 = arith.addi %mul3A_383, %sub3A_92 : i32
            %add3A_782 = vector.broadcast %add3A_781 : i32 to vector<16xi32>
            %add3A_783 = arith.addi %add3A_782, %select_n3A_779 : vector<16xi32>
            %gather3A_784 = tpu.vector_load_idx %arg15[%add3A_783] : memref<8208xi32, #tpu.memory_space<vmem>>[vector<16xi32>], vector<16xi32>,
            %lt3A_785 = vector.broadcast %sub3A_72 : i32 to vector<16xi32>
            %lt3A_786 = arith.cmpi slt, %add3A_426, %lt3A_785 : vector<16xi32>
            %lt3A_787 = vector.broadcast %sub3A : i32 to vector<16xi32>
            %lt3A_788 = arith.cmpi slt, %select_n3A_779, %lt3A_787 : vector<16xi32>
            %and3A_789 = arith.andi %lt3A_786, %lt3A_788 : vector<16xi1>
            %eq3A_790 = arith.cmpi eq, %gather3A_784, %gather3A_430 : vector<16xi32>
            %and3A_791 = arith.andi %and3A_789, %eq3A_790 : vector<16xi1>
            %and3A_792 = arith.andi %and3A_791, %or3A_441 : vector<16xi1>
            %while3A_793:2 = scf.while (%while3A_794 = %and3A_792, %while3A_795 = %while3A_422) : (vector<16xi1>, vector<16xf32>) -> (vector<16xi1>, vector<16xf32>) {
              %all_reduce_population_count3A = tpu.all_reduce %while3A_794 {dim = 0 : i64, kind = #tpu.reduction_kind<sum>} : vector<16xi1> -> vector<16xi32>
              %slice3A_796 = vector.extract_strided_slice %all_reduce_population_count3A {offsets = [0], sizes = [1], strides = [1]} : vector<16xi32> to vector<1xi32>
              %squeeze3A_797 = vector.extract %slice3A_796[0] : i32 from vector<1xi32>
              %gt3A_798 = arith.constant 0 : i32
              %gt3A_799 = arith.cmpi sgt, %squeeze3A_797, %gt3A_798 : i32
              scf.condition(%gt3A_799) %while3A_794, %while3A_795 : vector<16xi1>, vector<16xf32>
            } do {
            ^bb0(%while3A_794: vector<16xi1>, %while3A_795: vector<16xf32>):
              %all_reduce_ffs3A = tpu.all_reduce %while3A_794 {dim = 0 : i64, kind = #tpu.reduction_kind<find_first_set>} : vector<16xi1> -> vector<16xi32>
              %slice3A_796 = vector.extract_strided_slice %all_reduce_ffs3A {offsets = [0], sizes = [1], strides = [1]} : vector<16xi32> to vector<1xi32>
              %squeeze3A_797 = vector.extract %slice3A_796[0] : i32 from vector<1xi32>
              %add3A_798 = arith.addi %mul3A_381, %sub3A_119 : i32
              %mul3A_799 = arith.constant 16 : i32
              %mul3A_800 = arith.muli %while3A_421, %mul3A_799 : i32
              %add3A_801 = arith.addi %add3A_798, %mul3A_800 : i32
              %add3A_802 = arith.addi %add3A_801, %squeeze3A_797 : i32
              %get3A_803 = arith.index_cast %add3A_802 : i32 to index
              %get3A_804 = tpu.vector_load %arg16[%get3A_803] {strides = array<i32>} : memref<8208xi32, #tpu.memory_space<vmem>>, vector<16xi32>,
              %slice3A_805 = vector.extract_strided_slice %get3A_804 {offsets = [0], sizes = [1], strides = [1]} : vector<16xi32> to vector<1xi32>
              %squeeze3A_806 = vector.extract %slice3A_805[0] : i32 from vector<1xi32>
              "tpu.region"() ({
                %run_scoped3A = tpu.sem_alloc : memref<!tpu.dma_semaphore, #tpu.memory_space<semaphore_mem>>
                %dma_start3A = arith.constant 0 : i32
                %dma_start3A_906 = tpu.memref_slice %arg2[%squeeze3A_806, %dma_start3A] : memref<10000x256xf32, #tpu.memory_space<hbm>> -> memref<1x256xf32, #tpu.memory_space<hbm>>
                %dma_start3A_907 = tpu.memref_squeeze %dma_start3A_906 : memref<1x256xf32, #tpu.memory_space<hbm>> -> memref<256xf32, #tpu.memory_space<hbm>>
                %dma_start3A_908 = arith.constant 0 : i32
                %dma_start3A_909 = tpu.memref_slice %arg2[%squeeze3A_806, %dma_start3A_908] : memref<10000x256xf32, #tpu.memory_space<hbm>> -> memref<1x256xf32, #tpu.memory_space<hbm>>
                %dma_start3A_910 = tpu.memref_squeeze %dma_start3A_909 : memref<1x256xf32, #tpu.memory_space<hbm>> -> memref<256xf32, #tpu.memory_space<hbm>>
                tpu.enqueue_dma source(%dma_start3A_910 : memref<256xf32, #tpu.memory_space<hbm>>) target(%arg17 : memref<256xf32, #tpu.memory_space<vmem>>) target_semaphore(%run_scoped3A : memref<!tpu.dma_semaphore, #tpu.memory_space<semaphore_mem>>)
                %dma_wait3A = arith.constant 0 : i32
                %dma_wait3A_911 = tpu.memref_slice %arg2[%squeeze3A_806, %dma_wait3A] : memref<10000x256xf32, #tpu.memory_space<hbm>> -> memref<1x256xf32, #tpu.memory_space<hbm>>
                %dma_wait3A_912 = tpu.memref_squeeze %dma_wait3A_911 : memref<1x256xf32, #tpu.memory_space<hbm>> -> memref<256xf32, #tpu.memory_space<hbm>>
                %dma_wait3A_913 = arith.constant 0 : i32
                %dma_wait3A_914 = tpu.memref_slice %arg2[%squeeze3A_806, %dma_wait3A_913] : memref<10000x256xf32, #tpu.memory_space<hbm>> -> memref<1x256xf32, #tpu.memory_space<hbm>>
                %dma_wait3A_915 = tpu.memref_squeeze %dma_wait3A_914 : memref<1x256xf32, #tpu.memory_space<hbm>> -> memref<256xf32, #tpu.memory_space<hbm>>
                tpu.wait_dma2 semaphore(%run_scoped3A : memref<!tpu.dma_semaphore, #tpu.memory_space<semaphore_mem>>) src(%dma_wait3A_915 : memref<256xf32, #tpu.memory_space<hbm>>) dst(%arg17 : memref<256xf32, #tpu.memory_space<vmem>>)
                tpu.yield
              }) : () -> ()
              %get3A_807 = arith.constant 0 : index
              %get3A_808 = tpu.vector_load %arg17[%get3A_807] {strides = array<i32>} : memref<256xf32, #tpu.memory_space<vmem>>, vector<16xf32>,
              %get3A_809 = arith.constant 0 : index
              %get3A_810 = tpu.vector_load %arg19[%get3A_809] {strides = array<i32>} : memref<256xf32, #tpu.memory_space<vmem>>, vector<16xf32>,
              %mul3A_811 = arith.mulf %get3A_808, %get3A_810 : vector<16xf32>
              %add3A_812 = arith.addf %while3A_795, %mul3A_811 : vector<16xf32>
              %get3A_813 = arith.constant 16 : index
              %get3A_814 = tpu.vector_load %arg17[%get3A_813] {strides = array<i32>} : memref<256xf32, #tpu.memory_space<vmem>>, vector<16xf32>,
              %get3A_815 = arith.constant 16 : index
              %get3A_816 = tpu.vector_load %arg19[%get3A_815] {strides = array<i32>} : memref<256xf32, #tpu.memory_space<vmem>>, vector<16xf32>,
              %mul3A_817 = arith.mulf %get3A_814, %get3A_816 : vector<16xf32>
              %add3A_818 = arith.addf %add3A_812, %mul3A_817 : vector<16xf32>
              %get3A_819 = arith.constant 32 : index
              %get3A_820 = tpu.vector_load %arg17[%get3A_819] {strides = array<i32>} : memref<256xf32, #tpu.memory_space<vmem>>, vector<16xf32>,
              %get3A_821 = arith.constant 32 : index
              %get3A_822 = tpu.vector_load %arg19[%get3A_821] {strides = array<i32>} : memref<256xf32, #tpu.memory_space<vmem>>, vector<16xf32>,
              %mul3A_823 = arith.mulf %get3A_820, %get3A_822 : vector<16xf32>
              %add3A_824 = arith.addf %add3A_818, %mul3A_823 : vector<16xf32>
              %get3A_825 = arith.constant 48 : index
              %get3A_826 = tpu.vector_load %arg17[%get3A_825] {strides = array<i32>} : memref<256xf32, #tpu.memory_space<vmem>>, vector<16xf32>,
              %get3A_827 = arith.constant 48 : index
              %get3A_828 = tpu.vector_load %arg19[%get3A_827] {strides = array<i32>} : memref<256xf32, #tpu.memory_space<vmem>>, vector<16xf32>,
              %mul3A_829 = arith.mulf %get3A_826, %get3A_828 : vector<16xf32>
              %add3A_830 = arith.addf %add3A_824, %mul3A_829 : vector<16xf32>
              %get3A_831 = arith.constant 64 : index
              %get3A_832 = tpu.vector_load %arg17[%get3A_831] {strides = array<i32>} : memref<256xf32, #tpu.memory_space<vmem>>, vector<16xf32>,
              %get3A_833 = arith.constant 64 : index
              %get3A_834 = tpu.vector_load %arg19[%get3A_833] {strides = array<i32>} : memref<256xf32, #tpu.memory_space<vmem>>, vector<16xf32>,
              %mul3A_835 = arith.mulf %get3A_832, %get3A_834 : vector<16xf32>
              %add3A_836 = arith.addf %add3A_830, %mul3A_835 : vector<16xf32>
              %get3A_837 = arith.constant 80 : index
              %get3A_838 = tpu.vector_load %arg17[%get3A_837] {strides = array<i32>} : memref<256xf32, #tpu.memory_space<vmem>>, vector<16xf32>,
              %get3A_839 = arith.constant 80 : index
              %get3A_840 = tpu.vector_load %arg19[%get3A_839] {strides = array<i32>} : memref<256xf32, #tpu.memory_space<vmem>>, vector<16xf32>,
              %mul3A_841 = arith.mulf %get3A_838, %get3A_840 : vector<16xf32>
              %add3A_842 = arith.addf %add3A_836, %mul3A_841 : vector<16xf32>
              %get3A_843 = arith.constant 96 : index
              %get3A_844 = tpu.vector_load %arg17[%get3A_843] {strides = array<i32>} : memref<256xf32, #tpu.memory_space<vmem>>, vector<16xf32>,
              %get3A_845 = arith.constant 96 : index
              %get3A_846 = tpu.vector_load %arg19[%get3A_845] {strides = array<i32>} : memref<256xf32, #tpu.memory_space<vmem>>, vector<16xf32>,
              %mul3A_847 = arith.mulf %get3A_844, %get3A_846 : vector<16xf32>
              %add3A_848 = arith.addf %add3A_842, %mul3A_847 : vector<16xf32>
              %get3A_849 = arith.constant 112 : index
              %get3A_850 = tpu.vector_load %arg17[%get3A_849] {strides = array<i32>} : memref<256xf32, #tpu.memory_space<vmem>>, vector<16xf32>,
              %get3A_851 = arith.constant 112 : index
              %get3A_852 = tpu.vector_load %arg19[%get3A_851] {strides = array<i32>} : memref<256xf32, #tpu.memory_space<vmem>>, vector<16xf32>,
              %mul3A_853 = arith.mulf %get3A_850, %get3A_852 : vector<16xf32>
              %add3A_854 = arith.addf %add3A_848, %mul3A_853 : vector<16xf32>
              %get3A_855 = arith.constant 128 : index
              %get3A_856 = tpu.vector_load %arg17[%get3A_855] {strides = array<i32>} : memref<256xf32, #tpu.memory_space<vmem>>, vector<16xf32>,
              %get3A_857 = arith.constant 128 : index
              %get3A_858 = tpu.vector_load %arg19[%get3A_857] {strides = array<i32>} : memref<256xf32, #tpu.memory_space<vmem>>, vector<16xf32>,
              %mul3A_859 = arith.mulf %get3A_856, %get3A_858 : vector<16xf32>
              %add3A_860 = arith.addf %add3A_854, %mul3A_859 : vector<16xf32>
              %get3A_861 = arith.constant 144 : index
              %get3A_862 = tpu.vector_load %arg17[%get3A_861] {strides = array<i32>} : memref<256xf32, #tpu.memory_space<vmem>>, vector<16xf32>,
              %get3A_863 = arith.constant 144 : index
              %get3A_864 = tpu.vector_load %arg19[%get3A_863] {strides = array<i32>} : memref<256xf32, #tpu.memory_space<vmem>>, vector<16xf32>,
              %mul3A_865 = arith.mulf %get3A_862, %get3A_864 : vector<16xf32>
              %add3A_866 = arith.addf %add3A_860, %mul3A_865 : vector<16xf32>
              %get3A_867 = arith.constant 160 : index
              %get3A_868 = tpu.vector_load %arg17[%get3A_867] {strides = array<i32>} : memref<256xf32, #tpu.memory_space<vmem>>, vector<16xf32>,
              %get3A_869 = arith.constant 160 : index
              %get3A_870 = tpu.vector_load %arg19[%get3A_869] {strides = array<i32>} : memref<256xf32, #tpu.memory_space<vmem>>, vector<16xf32>,
              %mul3A_871 = arith.mulf %get3A_868, %get3A_870 : vector<16xf32>
              %add3A_872 = arith.addf %add3A_866, %mul3A_871 : vector<16xf32>
              %get3A_873 = arith.constant 176 : index
              %get3A_874 = tpu.vector_load %arg17[%get3A_873] {strides = array<i32>} : memref<256xf32, #tpu.memory_space<vmem>>, vector<16xf32>,
              %get3A_875 = arith.constant 176 : index
              %get3A_876 = tpu.vector_load %arg19[%get3A_875] {strides = array<i32>} : memref<256xf32, #tpu.memory_space<vmem>>, vector<16xf32>,
              %mul3A_877 = arith.mulf %get3A_874, %get3A_876 : vector<16xf32>
              %add3A_878 = arith.addf %add3A_872, %mul3A_877 : vector<16xf32>
              %get3A_879 = arith.constant 192 : index
              %get3A_880 = tpu.vector_load %arg17[%get3A_879] {strides = array<i32>} : memref<256xf32, #tpu.memory_space<vmem>>, vector<16xf32>,
              %get3A_881 = arith.constant 192 : index
              %get3A_882 = tpu.vector_load %arg19[%get3A_881] {strides = array<i32>} : memref<256xf32, #tpu.memory_space<vmem>>, vector<16xf32>,
              %mul3A_883 = arith.mulf %get3A_880, %get3A_882 : vector<16xf32>
              %add3A_884 = arith.addf %add3A_878, %mul3A_883 : vector<16xf32>
              %get3A_885 = arith.constant 208 : index
              %get3A_886 = tpu.vector_load %arg17[%get3A_885] {strides = array<i32>} : memref<256xf32, #tpu.memory_space<vmem>>, vector<16xf32>,
              %get3A_887 = arith.constant 208 : index
              %get3A_888 = tpu.vector_load %arg19[%get3A_887] {strides = array<i32>} : memref<256xf32, #tpu.memory_space<vmem>>, vector<16xf32>,
              %mul3A_889 = arith.mulf %get3A_886, %get3A_888 : vector<16xf32>
              %add3A_890 = arith.addf %add3A_884, %mul3A_889 : vector<16xf32>
              %get3A_891 = arith.constant 224 : index
              %get3A_892 = tpu.vector_load %arg17[%get3A_891] {strides = array<i32>} : memref<256xf32, #tpu.memory_space<vmem>>, vector<16xf32>,
              %get3A_893 = arith.constant 224 : index
              %get3A_894 = tpu.vector_load %arg19[%get3A_893] {strides = array<i32>} : memref<256xf32, #tpu.memory_space<vmem>>, vector<16xf32>,
              %mul3A_895 = arith.mulf %get3A_892, %get3A_894 : vector<16xf32>
              %add3A_896 = arith.addf %add3A_890, %mul3A_895 : vector<16xf32>
              %get3A_897 = arith.constant 240 : index
              %get3A_898 = tpu.vector_load %arg17[%get3A_897] {strides = array<i32>} : memref<256xf32, #tpu.memory_space<vmem>>, vector<16xf32>,
              %get3A_899 = arith.constant 240 : index
              %get3A_900 = tpu.vector_load %arg19[%get3A_899] {strides = array<i32>} : memref<256xf32, #tpu.memory_space<vmem>>, vector<16xf32>,
              %mul3A_901 = arith.mulf %get3A_898, %get3A_900 : vector<16xf32>
              %add3A_902 = arith.addf %add3A_896, %mul3A_901 : vector<16xf32>
              %ne3A_903 = vector.broadcast %squeeze3A_797 : i32 to vector<16xi32>
              %ne3A_904 = arith.cmpi ne, %iota3A, %ne3A_903 : vector<16xi32>
              %and3A_905 = arith.andi %while3A_794, %ne3A_904 : vector<16xi1>
              scf.yield %and3A_905, %add3A_902 : vector<16xi1>, vector<16xf32>
            }
            scf.yield %while3A_793#1 : vector<16xf32>
          }
          scf.yield %while3A_420 : vector<16xf32>
        }
        %swap3A_337 = arith.constant 0 : index
        %swap3A_338 = tpu.vector_load %arg23[%swap3A_337] {strides = array<i32>} : memref<16xf32, #tpu.memory_space<vmem>>, vector<16xf32>,
        tpu.vector_store %arg23[%swap3A_337], %cond3A_336 {strides = array<i32>} : memref<16xf32, #tpu.memory_space<vmem>>, vector<16xf32>,
        %xor3A = arith.constant 8 : i32
        %xor3A_339 = vector.broadcast %xor3A : i32 to vector<16xi32>
        %xor3A_340 = arith.xori %iota3A, %xor3A_339 : vector<16xi32>
        %gather3A = tpu.vector_load_idx %arg23[%xor3A_340] : memref<16xf32, #tpu.memory_space<vmem>>[vector<16xi32>], vector<16xf32>,
        %add3A_341 = arith.addf %cond3A_336, %gather3A : vector<16xf32>
        %swap3A_342 = arith.constant 0 : index
        %swap3A_343 = tpu.vector_load %arg23[%swap3A_342] {strides = array<i32>} : memref<16xf32, #tpu.memory_space<vmem>>, vector<16xf32>,
        tpu.vector_store %arg23[%swap3A_342], %add3A_341 {strides = array<i32>} : memref<16xf32, #tpu.memory_space<vmem>>, vector<16xf32>,
        %xor3A_344 = arith.constant 4 : i32
        %xor3A_345 = vector.broadcast %xor3A_344 : i32 to vector<16xi32>
        %xor3A_346 = arith.xori %iota3A, %xor3A_345 : vector<16xi32>
        %gather3A_347 = tpu.vector_load_idx %arg23[%xor3A_346] : memref<16xf32, #tpu.memory_space<vmem>>[vector<16xi32>], vector<16xf32>,
        %add3A_348 = arith.addf %add3A_341, %gather3A_347 : vector<16xf32>
        %swap3A_349 = arith.constant 0 : index
        %swap3A_350 = tpu.vector_load %arg23[%swap3A_349] {strides = array<i32>} : memref<16xf32, #tpu.memory_space<vmem>>, vector<16xf32>,
        tpu.vector_store %arg23[%swap3A_349], %add3A_348 {strides = array<i32>} : memref<16xf32, #tpu.memory_space<vmem>>, vector<16xf32>,
        %xor3A_351 = arith.constant 2 : i32
        %xor3A_352 = vector.broadcast %xor3A_351 : i32 to vector<16xi32>
        %xor3A_353 = arith.xori %iota3A, %xor3A_352 : vector<16xi32>
        %gather3A_354 = tpu.vector_load_idx %arg23[%xor3A_353] : memref<16xf32, #tpu.memory_space<vmem>>[vector<16xi32>], vector<16xf32>,
        %add3A_355 = arith.addf %add3A_348, %gather3A_354 : vector<16xf32>
        %swap3A_356 = arith.constant 0 : index
        %swap3A_357 = tpu.vector_load %arg23[%swap3A_356] {strides = array<i32>} : memref<16xf32, #tpu.memory_space<vmem>>, vector<16xf32>,
        tpu.vector_store %arg23[%swap3A_356], %add3A_355 {strides = array<i32>} : memref<16xf32, #tpu.memory_space<vmem>>, vector<16xf32>,
        %xor3A_358 = arith.constant 1 : i32
        %xor3A_359 = vector.broadcast %xor3A_358 : i32 to vector<16xi32>
        %xor3A_360 = arith.xori %iota3A, %xor3A_359 : vector<16xi32>
        %gather3A_361 = tpu.vector_load_idx %arg23[%xor3A_360] : memref<16xf32, #tpu.memory_space<vmem>>[vector<16xi32>], vector<16xf32>,
        %add3A_362 = arith.addf %add3A_355, %gather3A_361 : vector<16xf32>
        %jit3A_363 = arith.constant 16 : i32
        %eq3A = arith.constant 0 : i32
        %eq3A_364 = arith.cmpi eq, %jit3A_363, %eq3A : i32
        %jit3A_365 = arith.constant 1 : i32
        %select_n3A_366 = arith.select %eq3A_364, %jit3A_365, %jit3A_363 : i32
        %rem3A_367 = arith.remsi %while3A_45, %select_n3A_366 : i32
        %ne3A_368 = arith.constant 0 : i32
        %ne3A_369 = arith.cmpi ne, %rem3A_367, %ne3A_368 : i32
        %lt3A = arith.constant 0 : i32
        %lt3A_370 = arith.cmpi slt, %rem3A_367, %lt3A : i32
        %lt3A_371 = arith.constant 0 : i32
        %lt3A_372 = arith.cmpi slt, %select_n3A_366, %lt3A_371 : i32
        %ne3A_373 = arith.xori %lt3A_370, %lt3A_372 : i1
        %and3A_374 = arith.andi %ne3A_373, %ne3A_369 : i1
        %add3A_375 = arith.addi %rem3A_367, %select_n3A_366 : i32
        %select_n3A_376 = arith.select %and3A_374, %add3A_375, %rem3A_367 : i32
        %eq3A_377 = vector.broadcast %select_n3A_376 : i32 to vector<16xi32>
        %eq3A_378 = arith.cmpi eq, %iota3A, %eq3A_377 : vector<16xi32>
        %select_n3A_379 = arith.select %eq3A_378, %add3A_362, %while3A_46 : vector<16xi1>, vector<16xf32>
        scf.yield %select_n3A_379 : vector<16xf32>
      }
      %mul3A_41 = arith.constant 16 : i32
      %mul3A_42 = arith.muli %scan3A_23, %mul3A_41 : i32
      %swap3A = arith.index_cast %mul3A_42 : i32 to index
      %swap3A_43 = tpu.vector_load %arg22[%swap3A] {strides = array<i32>} : memref<64xf32, #tpu.memory_space<vmem>>, vector<16xf32>,
      tpu.vector_store %arg22[%swap3A], %while3A_40 {strides = array<i32>} : memref<64xf32, #tpu.memory_space<vmem>>, vector<16xf32>,
      %scan3A_44 = arith.constant 0 : i32
      scf.yield %scan3A_44 : i32
    }
    %scan3A_22 = arith.constant 4 : i32
    "tpu.region"() ({
      %run_scoped3A = tpu.sem_alloc : memref<!tpu.dma_semaphore, #tpu.memory_space<semaphore_mem>>
      %dma_start3A = tpu.memref_slice %arg9[%mul3A_2] : memref<2048xf32, #tpu.memory_space<hbm>> -> memref<64xf32, #tpu.memory_space<hbm>>
      %dma_start3A_23 = tpu.memref_slice %arg9[%mul3A_2] : memref<2048xf32, #tpu.memory_space<hbm>> -> memref<64xf32, #tpu.memory_space<hbm>>
      tpu.enqueue_dma source(%arg22 : memref<64xf32, #tpu.memory_space<vmem>>) target(%dma_start3A_23 : memref<64xf32, #tpu.memory_space<hbm>>) target_semaphore(%run_scoped3A : memref<!tpu.dma_semaphore, #tpu.memory_space<semaphore_mem>>)
      %dma_wait3A = tpu.memref_slice %arg9[%mul3A_2] : memref<2048xf32, #tpu.memory_space<hbm>> -> memref<64xf32, #tpu.memory_space<hbm>>
      %dma_wait3A_24 = tpu.memref_slice %arg9[%mul3A_2] : memref<2048xf32, #tpu.memory_space<hbm>> -> memref<64xf32, #tpu.memory_space<hbm>>
      tpu.wait_dma2 semaphore(%run_scoped3A : memref<!tpu.dma_semaphore, #tpu.memory_space<semaphore_mem>>) src(%arg22 : memref<64xf32, #tpu.memory_space<vmem>>) dst(%dma_wait3A_24 : memref<64xf32, #tpu.memory_space<hbm>>)
      tpu.yield
    }) : () -> ()
    return
  }
}

</mosaic_0001>

<sc_bundles>
// kernel: _ncn_sc.3.cloned.1.call-start
scs
__scs_entry_jumppad:
0x0: {  	(pc) =	sbr.rel $0x88, $3  }
0x1: {  	(tag) =	ssettag $0x0;
	lr =	simm.s32 $0x1  }
0x2: {  	[smem:$0x3F9A] =	sst lr;
	_ =	strace $0xD0000000  }
0x3: {  	_ = 	snop  }
0x4: {  	_ = 	snop  }
0x5: {  	_ = 	snop  }
0x6: {  	_ = 	snop  }
0x7: {  	_ = 	snop  }
__scs_overlays_trampoline_lowered:
0x8: {  	[smem:$0x3FA9] =	sst s0  }
0x9: {  	[smem:$0x3FAA] =	sst s1  }
0xa: {  	[smem:$0x3FAB] =	sst s2  }
0xb: {  	[smem:$0x3FAC] =	sst s3  }
0xc: {  	[smem:$0x3FAD] =	sst s4  }
0xd: {  	[smem:$0x3FAE] =	sst s5  }
0xe: {  	[smem:$0x3FAF] =	sst s6  }
0xf: {  	[smem:$0x3FB0] =	sst s7  }
0x10: {  	[smem:$0x3FB1] =	sst s8  }
0x11: {  	[smem:$0x3FB2] =	sst s9;
	s0 =	simm.s32 @!p0 $0x0  }
0x12: {  	s1 =	sld [smem:$0x3F98];
	s0 =	simm.s32 @p0 $0x1  }
0x13: {  	[smem:$0x3FB3] =	sst s0;
	s0 =	simm.s32 @!p1 $0x0  }
0x14: {  	s2 =	sld [smem:$0x3F97];
	s0 =	simm.s32 @p1 $0x1  }
0x15: {  	[smem:$0x3FB4] =	sst s0;
	s0 =	simm.s32 @!p2 $0x0  }
0x16: {  	s3 =	sld [smem:$0x3FDB];
	s0 =	simm.s32 @p2 $0x1  }
0x17: {  	s4 =	simm.s32 $0x1BF5;
	[smem:$0x3FB6] =	sst s0  }
0x18: {  	s0 =	sld [smem:$0x3F99];
	_ =	swait.ge [sflag:s4], $0x0  }
0x19: {  	s7 =	sld [smem:$0x3F9A]  }
0x1a: {  	s8 =	sadd.s32 $0xFFFFE003, lr  }
0x1b: {  	s9 =	sadd.s32 $0xFFFFFEF7, lr;
	s5 =	simm.s32 $0xFFFFFFFF;
	p2 =	slt.u32 s8, $0xFFFFF086  }
0x1c: {  	p1 =	slt.u32 s9, $0xF7A;
	s5 =	simm.s32 @!p2 $0x0  }
0x1d: {  	s5 =	simm.s32 @p1 $0x1;
	p0 =	seq.s32 s7, s2  }
0x1e: {  	s7 =	smul.u32 @!p0 $0xF7A, s2;
	p2 =	seq.s32 @!p0 s5, $0x0  }
0x1f: {  	s9 =	smul.u32 $0xF7A, s1;
	s8 =	simm.s32 @!p0 $0x1BF5;
	p2 =	por !p2, p0  }
0x20: {  	[sflag:s8] =	ssyncset.s32 @!p0 $0xFFFFF086;
	s6 =	sadd.s32 @!p0 s3, s7;
	s7 =	simm.s32 @!p0 $0x108  }
0x21: {  	s3 =	sadd.s32 s3, s9;
	s6 =	sadd.s32 @!p0 $0x88, s6;
	s7 =	simm.s32 @p2 $0x1082  }
0x22: {  	[simem:s7], [sflag:s8] =	dma.local @!p0 [hbm:s6], $0xF7A  }
0x23: {  	s9 =	sor.u32 $0xD0000000, s2;
	s6 =	simm.s32 $0x108;
	_ =	swait.ge @!p0 [sflag:s8], $0x0  }
0x24: {  	s3 =	sadd.s32 $0x88, s3;
	s6 =	simm.s32 @!p1 $0x1082;
	[sflag:s4] =	ssyncset.s32 $0xFFFFF086  }
0x25: {  	[simem:s6], [sflag:s4] =	dma.local [hbm:s3], $0xF7A  }
0x26: {  	[smem:$0x3F9A] =	sst s1;
	(tag) =	ssettag s2;
	_ =	strace s9  }
0x27: {  	s1 =	sld [smem:$0x3FAA]  }
0x28: {  	s2 =	sld [smem:$0x3FAB]  }
0x29: {  	s4 =	sld [smem:$0x3FAD]  }
0x2a: {  	p0 =	seq.s32 s5, $0x0;
	s5 =	sld [smem:$0x3FAE]  }
0x2b: {  	s6 =	sld [smem:$0x3FAF]  }
0x2c: {  	s7 =	sld [smem:$0x3FB0]  }
0x2d: {  	s3 =	simm.s32 $0x108;
	s8 =	sld [smem:$0x3FB1]  }
0x2e: {  	s3 =	simm.s32 @!p0 $0x1082;
	s9 =	sld [smem:$0x3FB2]  }
0x2f: {  	lr =	sadd.s32 s0, s3;
	s0 =	sld [smem:$0x3FA9]  }
0x30: {  	s3 =	sld [smem:$0x3FAC]  }
0x31: {  	[smem:$0x3FB5] =	sst s10  }
0x32: {  	s10 =	sld [smem:$0x3FB3];
	_ =	sdelay $0x3  }
0x33: {  	p0 =	seq.s32 s10, $0x1;
	s10 =	sld [smem:$0x3FB5];
	_ =	sdelay $0x3  }
0x34: {  	[smem:$0x3FB5] =	sst s10  }
0x35: {  	s10 =	sld [smem:$0x3FB4];
	_ =	sdelay $0x3  }
0x36: {  	p1 =	seq.s32 s10, $0x1;
	s10 =	sld [smem:$0x3FB5];
	_ =	sdelay $0x3  }
0x37: {  	[smem:$0x3FB5] =	sst s10  }
0x38: {  	s10 =	sld [smem:$0x3FB6]  }
0x39: {  	_ = 	snop;
	(pc) =	sbr.ind lr, $3  }
0x3a: {  	_ = 	snop  }
0x3b: {  	_ = 	snop  }
0x3c: {  	p2 =	seq.s32 s10, $0x1;
	s10 =	sld [smem:$0x3FB5]  }
0x3d: {  	_ =	shalt  }
0x3e: {  	_ =	shalt  }
0x3f: {  	_ =	shalt  }
0x40: {  	_ =	shalt  }
0x41: {  	_ =	shalt  }
0x42: {  	_ =	shalt  }
0x43: {  	_ =	shalt  }
0x44: {  	_ =	shalt  }
0x45: {  	_ =	shalt  }
0x46: {  	_ =	shalt  }
0x47: {  	_ =	shalt  }
0x48: {  	_ =	shalt  }
0x49: {  	_ =	shalt  }
0x4a: {  	_ =	shalt  }
0x4b: {  	_ =	shalt  }
0x4c: {  	_ =	shalt  }
0x4d: {  	_ =	shalt  }
0x4e: {  	_ =	shalt  }
0x4f: {  	_ =	shalt  }
0x50: {  	_ =	shalt  }
0x51: {  	_ =	shalt  }
0x52: {  	_ =	shalt  }
0x53: {  	_ =	shalt  }
0x54: {  	_ =	shalt  }
0x55: {  	_ =	shalt  }
0x56: {  	_ =	shalt  }
0x57: {  	_ =	shalt  }
0x58: {  	_ =	shalt  }
0x59: {  	_ =	shalt  }
0x5a: {  	_ =	shalt  }
0x5b: {  	_ =	shalt  }
0x5c: {  	_ =	shalt  }
0x5d: {  	_ =	shalt  }
0x5e: {  	_ =	shalt  }
0x5f: {  	_ =	shalt  }
0x60: {  	_ =	shalt  }
0x61: {  	_ =	shalt  }
0x62: {  	_ =	shalt  }
0x63: {  	_ =	shalt  }
0x64: {  	_ =	shalt  }
0x65: {  	_ =	shalt  }
0x66: {  	_ =	shalt  }
0x67: {  	_ =	shalt  }
0x68: {  	_ =	shalt  }
0x69: {  	_ =	shalt  }
0x6a: {  	_ =	shalt  }
0x6b: {  	_ =	shalt  }
0x6c: {  	_ =	shalt  }
0x6d: {  	_ =	shalt  }
0x6e: {  	_ =	shalt  }
0x6f: {  	_ =	shalt  }
0x70: {  	_ =	shalt  }
0x71: {  	_ =	shalt  }
0x72: {  	_ =	shalt  }
0x73: {  	_ =	shalt  }
0x74: {  	_ =	shalt  }
0x75: {  	_ =	shalt  }
0x76: {  	_ =	shalt  }
0x77: {  	_ =	shalt  }
0x78: {  	_ =	shalt  }
0x79: {  	_ =	shalt  }
0x7a: {  	_ =	shalt  }
0x7b: {  	_ =	shalt  }
0x7c: {  	_ =	shalt  }
0x7d: {  	_ =	shalt  }
0x7e: {  	_ =	shalt  }
0x7f: {  	_ =	shalt  }
0x80: {  	_ =	shalt  }
0x81: {  	_ =	shalt  }
0x82: {  	_ =	shalt  }
0x83: {  	_ =	shalt  }
0x84: {  	_ =	shalt  }
0x85: {  	_ =	shalt  }
0x86: {  	_ =	shalt  }
0x87: {  	_ =	shalt  }
.Lfunc_end0:
.L_simem_size_0:
called_computation_lowered:
.L_overlay_start_0:
0x88: {  	s2 =	sld [smem:$0x3FD9]  }
0x89: {  	s3 =	sld [smem:$0x3FFE];
	_ =	sdelay $0x1  }
0x8a: {  	s1 =	srdreg.scid  }
0x8b: {  	s0 =	sand.u32 $0x1, s1  }
0x8c: {  	s18 =	sshll.u32 s0, $0xA;
	s2 =	sadd.s32 s3, s2  }
0x8d: {  	s2 =	sadd.s32 s2, s18  }
0x8e: {  	[smem:$0x3FC1] =	sst s2  }
0x8f: {  	_ = 	snop  }
0x90: {  	s2 =	sld [smem:$0x3FC9]  }
0x91: {  	s19 =	sld [smem:$0x3FC8]  }
0x92: {  	s4 =	sld [smem:$0x3FC7]  }
0x93: {  	s5 =	sld [smem:$0x3FC6]  }
0x94: {  	s6 =	sld [smem:$0x3FC5]  }
0x95: {  	s7 =	sld [smem:$0x3FC4]  }
0x96: {  	s8 =	sld [smem:$0x3FC3]  }
0x97: {  	s9 =	sld [smem:$0x3FD0];
	(tm) =	ssettm $0x1  }
0x98: {  	s10 =	sld [smem:$0x3FFB];
	_ =	sdelay $0x3  }
0x99: {  	_ =	strace s10  }
0x9a: {  	s10 =	sld [smem:$0x3FFC];
	_ =	sdelay $0x3  }
0x9b: {  	_ =	strace s10  }
0x9c: {  	s10 =	sld [smem:$0x3FFD];
	_ =	sdelay $0x3  }
0x9d: {  	_ =	strace s10  }
0x9e: {  	_ =	strace $0x8FFFFFFF  }
0x9f: {  	s20 =	sld [smem:$0x3FDB];
	_ =	sdelay $0x1  }
0xa0: {  	s11 =	simm.s32 $_scs_section_size  }
0xa1: {  	s12 =	simm.s32 $_size__tile_overlayer_lowered;
	s13 =	simm.s32 $_tile_overlayer_lowered  }
0xa2: {  	s23 =	simm.s32 $0x1BFF;
	s22 =	sshll.u32 s13, $0x1;
	s10 =	sadd.s32 s11, s20  }
0xa3: {  	s14 =	simm.s32 $0x0;
	s21 =	sshll.u32 s12, $0x1;
	s12 =	sadd.s32 s22, s10  }
0xa4: {  	[timem:s14], [sflag:s23] =	dma.local [hbm:s12], s21  }
0xa5: {  	_ =	swait.ge [sflag:s23], s21  }
0xa6: {  	s11 =	ssub.s32 $0x0, s21;
	[sflag:s23] =	ssyncset.done $0x0  }
0xa7: {  	[sflag:s23] =	ssyncadd.s32 s11;
	_ =	sdelay $0x1  }
0xa8: {  	s24 =	simm.s32 $0x1B8B  }
0xa9: {  	_ =	swait.ge [sflag:s24], $0x1  }
0xaa: {  	[sflag:s24] =	ssyncset.done $0x0  }
0xab: {  	s25 =	simm.s32 $0x1B8E;
	[sflag:s24] =	ssyncadd.s32 $0xFFFFFFFF  }
0xac: {  	s26 =	simm.s32 $execute0_lowered;
	[smem:$0x3FD2] =	sst s25  }
0xad: {  	s11 =	sshll.u32 s26, $0x1;
	_ =	strace $0x80000046;
	[dreg:$0x1] =	wrdreg $0xFFFFFFFF  }
0xae: {  	s28 =	simm.s32 $_size_execute0_lowered;
	s10 =	sadd.s32 s10, s11;
	[dreg:$0x0] =	wrdreg $0x0  }
0xaf: {  	s11 =	sshll.u32 s28, $0x1;
	[dreg:$0x2] =	wrdreg s10  }
0xb0: {  	[dreg:$0x3] =	wrdreg s11  }
0xb1: {  	[dreg:$0x4] =	wrdreg $0xC0  }
0xb2: {  	_ =	task [dreg:s14], $0x5FFFF  }
0xb3: {  	[dreg:$0x1] =	wrdreg $0xFFFFFFFF  }
0xb4: {  	[dreg:$0x0] =	wrdreg $0x60  }
0xb5: {  	[dreg:$0x2] =	wrdreg s2  }
0xb6: {  	[dreg:$0x3] =	wrdreg s19  }
0xb7: {  	[dreg:$0x4] =	wrdreg s4  }
0xb8: {  	[dreg:$0x5] =	wrdreg s5  }
0xb9: {  	[dreg:$0x6] =	wrdreg s6  }
0xba: {  	[dreg:$0x7] =	wrdreg s7  }
0xbb: {  	[dreg:$0x8] =	wrdreg s8  }
0xbc: {  	[dreg:$0x9] =	wrdreg s9  }
0xbd: {  	[dreg:$0xa] =	wrdreg $0x9  }
0xbe: {  	_ =	task.clear_ibuf [dreg:s14], $0xBFFFF;
	_ =	strace $0x90000046  }
0xbf: {  	s29 =	simm.s32 $0x9;
	_ =	strace $0x80000048  }
0xc0: {  	_ =	swait.ge [sflag:s29], $0x1  }
0xc1: {  	[sflag:s29] =	ssyncadd.s32 $0xFFFFFFFF  }
0xc2: {  	_ =	strace $0x90000048  }
0xc3: {  	_ =	sfence  }
0xc4: {  	s30 =	sld [smem:$0x0];
	_ =	sdelay $0x2  }
0xc5: {  	s31 =	sshll.u32 s1, $0xD;
	s1 =	sshrl.u32 s1, $0x2  }
0xc6: {  	s3 =	sand.u32 $0x4000, s31;
	s1 =	sadd.s32 s1, s30  }
0xc7: {  	s0 =	sor.u32 s3, s0;
	s1 =	sshll.u32 s1, $0x11  }
0xc8: {  	s0 =	sor.u32 s1, s0  }
0xc9: {  	s0 =	sadd.s32 $0x8F2B, s0  }
0xca: {  	[sflag:s0] =	ssyncadd.remote.s32 $0x1  }
0xcb: {  	_ =	sfence.sel $0xFFFF  }
0xcc: {  	[dreg:$0x0] =	wrdreg $0xFFFFFFFF;
	(pc) =	sbr.abs _section_cstart, $3  }
0xcd: {  	[dreg:$0x1] =	wrdreg $0xFFFFFFFF  }
0xce: {  	_ =	task.clear_ibuf [dreg:s14], $0x2FFFF;
	_ =	strace $0x9FFFFFFF  }
0xcf: {  	(tm) =	ssettm $0x7FFFFFFF  }
tec
execute0_lowered:
.L_overlay_start_1:
0x0: {  	(tag) =	ssettag $0x1  }
0x1: {  	s0 =	rddreg [dreg:$0x0]  }
0x2: {  	s1 =	rddreg [dreg:$0x1]  }
0x3: {  	s2 =	rddreg [dreg:$0x3];
	v0 =	vimm.s32 $0xFEDCBA98;
	v1 =	vimm.s32 $0x76543210  }
0x4: {  	s3 =	rddreg [dreg:$0x4];
	v2 =	vimm.s32 $0xBA98FEDC;
	v3 =	vimm.s32 $0x32107654;
	v4 =	vimm.s32 $0xDCFE98BA  }
0x5: {  	s4 =	rddreg [dreg:$0x7];
	s6 =	simm.s32 $0x0;
	v5 =	vimm.s32 $0x54761032;
	v6 =	vimm.s32 $0xEFCDAB89;
	v7 =	vimm.s32 $0x67452301  }
0x6: {  	s5 =	srdreg.scid;
	s8 =	stileid.u32;
	s12 =	simm.s32 $0x2;
	v0 =	vunpack.c.l.s4.s8 v0;
	v1 =	vunpack.c.l.s4.s8 v1;
	v2 =	vunpack.c.l.s4.s8 v2  }
0x7: {  	s17 =	simm.s32 $0x1;
	s18 =	simm.s32 $0x80;
	s19 =	simm.s32 $0x400;
	v3 =	vunpack.c.l.s4.s8 v3;
	v4 =	vunpack.c.l.s4.s8 v4;
	v5 =	vunpack.c.l.s4.s8 v5  }
0x8: {  	s20 =	simm.s32 $0x3080;
	s21 =	simm.s32 $0x2800;
	s22 =	simm.s32 $0xFB00;
	v6 =	vunpack.c.l.s4.s8 v6;
	v7 =	vunpack.c.l.s4.s8 v7;
	v0 =	vunpack.c.0.s8.s32 v0  }
0x9: {  	s23 =	simm.s32 $0xFF80;
	s25 =	simm.s32 $0xDA80;
	s26 =	simm.s32 $0xBA00;
	v2 =	vunpack.c.0.s8.s32 v2;
	v3 =	vunpack.c.0.s8.s32 v3;
	v4 =	vunpack.c.0.s8.s32 v4  }
.Ltmp0:
0xa: {  	s28 =	simm.s32 $0x0;
	s5 =	sand.u32 $0x1, s5;
	v5 =	vunpack.c.0.s8.s32 v5;
	v6 =	vunpack.c.0.s8.s32 v6;
	v7 =	vunpack.c.0.s8.s32 v7;
	(pc) =	sbr.rel .LBB2_1-.Ltmp0, $4  }
0xb: {  	s8 =	sshll.u32 s8, $0x4;
	s7 =	ssub.s32 $0x2, s5;
	s5 =	sshll.u32 s5, $0x3;
	v3 =	vcombine.low v3, v2;
	v2 =	vunpack.c.0.s8.s32 v1  }
0xc: {  	[smem:$0x7FF] =	sst s6;
	s9 =	sshrl.u32 s7, $0x1;
	s5 =	sor.u32 s5, s8;
	v8 =	vand.u32 $0xF, v0;
	v4 =	vcombine.low v5, v4;
	v5 =	vcombine.low v7, v6  }
0xd: {  	_ =	strace $0x80000047;
	s7 =	ssub.s32 s7, s9;
	s8 =	sadd.s32 s2, s5;
	v0 =	vimm.s32 $0x0;
	v1 =	vlaneseq.u32;
	v2 =	vcombine.low v8, v2  }
0xe: {  	s9 =	sadd.s32 s3, s5;
	s10 =	sadd.s32 s4, s5;
	s11 =	smax.u32 s7, $0x1;
	v3 =	vand.u32 $0xF, v3;
	v4 =	vand.u32 $0xF, v4;
	v5 =	vand.u32 $0xF, v5  }
.LBB2_30:
0xf: {  	s28 =	sadd.s32 $0x1, s28  }
0x10: {  	p0 =	sne.s32 s28, s11  }
.Ltmp1:
0x11: {  	s2 =	simm.s32 $0xFF00;
	(pc) =	sbr.rel @!p0 .LBB2_31-.Ltmp1, $4  }
0x12: {  	[hbm4b:s10+s6] =	stream.linear.scatter [tilespmem:s2], [sflag:$0x2], $0x40, $0x38;
	[tilespmem:$0x10000] =	vst v63  }
0x13: {  	_ =	swait.ge [sflag:s12], $0x40  }
0x14: {  	[sflag:s12] =	ssyncset.done $0x0  }
0x15: {  	[sflag:s12] =	ssyncadd.s32 $0xFFFFFFC0  }
.LBB2_1:
0x16: {  	s2 =	rddreg [dreg:$0x2]  }
0x17: {  	[tilespmem:s6], [sflag:$0x2] =	stream.linear.gather [hbm4b:s2+s6], $0x2800, $0x38;
	[tilespmem:$0x10000] =	vst v63  }
0x18: {  	_ =	swait.ge [sflag:s12], $0x2800  }
0x19: {  	[sflag:s12] =	ssyncset.done $0x0  }
0x1a: {  	s5 =	simm.s32 $0xFE00;
	[sflag:s12] =	ssyncadd.s32 $0xFFFFD800  }
0x1b: {  	[tilespmem:s5], [sflag:$0x2] =	stream.linear.gather [hbm4b:s8+s6], $0x40, $0x38;
	[tilespmem:$0x10000] =	vst v63  }
0x1c: {  	_ =	swait.ge [sflag:s12], $0x40  }
0x1d: {  	[sflag:s12] =	ssyncset.done $0x0  }
0x1e: {  	s7 =	simm.s32 $0xFE80;
	[sflag:s12] =	ssyncadd.s32 $0xFFFFFFC0  }
0x1f: {  	[tilespmem:s7], [sflag:$0x2] =	stream.linear.gather [hbm4b:s9+s6], $0x40, $0x38;
	[tilespmem:$0x10000] =	vst v63  }
0x20: {  	_ =	swait.ge [sflag:s12], $0x40  }
0x21: {  	[sflag:s12] =	ssyncset.done $0x0  }
0x22: {  	[sflag:s12] =	ssyncadd.s32 $0xFFFFFFC0  }
0x23: {  	s3 =	simm.s32 $0xFC00;
	s13 =	rddreg [dreg:$0x5]  }
0x24: {  	[tilespmem:s3], [sflag:$0x2] =	stream.linear.gather [hbm4b:s13+s6], $0x100, $0x38;
	[tilespmem:$0x10000] =	vst v63  }
0x25: {  	_ =	swait.ge [sflag:s12], $0x100  }
0x26: {  	[sflag:s12] =	ssyncset.done $0x0  }
0x27: {  	[sflag:s12] =	ssyncadd.s32 $0xFFFFFF00  }
0x28: {  	s15 =	simm.s32 $0xFD00;
	s14 =	rddreg [dreg:$0x6]  }
0x29: {  	[tilespmem:s15], [sflag:$0x2] =	stream.linear.gather [hbm4b:s14+s6], $0x100, $0x38;
	[tilespmem:$0x10000] =	vst v63  }
0x2a: {  	_ =	swait.ge [sflag:s12], $0x100  }
0x2b: {  	[sflag:s12] =	ssyncset.done $0x0  }
0x2c: {  	s16 =	simm.s32 $0x0;
	[sflag:s12] =	ssyncadd.s32 $0xFFFFFF00  }
0x2d: {  	v6 =	vld [tilespmem:s16+$0xFE00];
	_ =	sdelay $0x1  }
0x2e: {  	v7 =	vld [tilespmem:s16+$0xFE80];
	_ =	sdelay $0x2  }
0x2f: {  	(v2sf) =	vpush v6, $0x0;
	_ =	sdelay $0x1  }
0x30: {  	(v2sf) =	vpush v7, $0x0;
	_ =	sdelay $0xc  }
0x31: {  	s24 =	spop (v2sf)  }
0x32: {  	v6 =	vld [tilespmem:s24+$0x0]  }
0x33: {  	s30 =	spop (v2sf)  }
0x34: {  	v7 =	vld [tilespmem:s30+$0x0];
	_ =	sdelay $0x2  }
0x35: {  	(v2sf) =	vpush v6, $0x0;
	_ =	sdelay $0x1  }
0x36: {  	(v2sf) =	vpush v7, $0x0;
	_ =	sdelay $0x3  }
0x37: {  	s4 =	sshll.u32 s24, $0x8;
	s2 =	sshll.u32 s24, $0x7  }
0x38: {  	s4 =	sand.u32 $0xFFFFF800, s4;
	s2 =	sand.u32 $0x380, s2  }
0x39: {  	s31 =	sshll.u32 s30, $0x8;
	s3 =	sshll.u32 s30, $0x7;
	s2 =	sor.u32 s2, s4  }
0x3a: {  	s4 =	sand.u32 $0xFFFFF800, s31;
	s3 =	sand.u32 $0x380, s3;
	s2 =	sshrl.u32 s2, $0x3  }
0x3b: {  	s5 =	simm.s32 $0x3900;
	s3 =	sor.u32 s3, s4;
	s2 =	sadd.s32 s0, s2  }
0x3c: {  	[tilespmem:s5], [sflag:$0x1] =	stream.strided.gather [hbm4b:s2+s18], $0x100, s19, s18, $0x38;
	[tilespmem:$0x10000] =	vst v63  }
0x3d: {  	s5 =	sshrl.u32 s3, $0x3  }
0x3e: {  	s7 =	simm.s32 $0x7980;
	s2 =	sadd.s32 s0, s5  }
0x3f: {  	[tilespmem:s7], [sflag:$0x1] =	stream.strided.gather [hbm4b:s2+s18], $0x100, s19, s18, $0x38;
	[tilespmem:$0x10000] =	vst v63  }
0x40: {  	s29 =	simm.s32 $0xBA00;
	s5 =	simm.s32 $0x1;
	s13 =	spop (v2sf)  }
0x41: {  	s2 =	simm.s32 $0x4;
	s14 =	sand.u32 $0x7, s13;
	s15 =	sshra.s32 s13, $0x1F  }
0x42: {  	p0 =	slt.s32 s13, $0x1;
	s24 =	spop (v2sf);
	p1 =	sne.s32 s14, $0x0  }
0x43: {  	s16 =	sshrl.u32 s15, $0x1D;
	s30 =	sshra.s32 s24, $0x1F;
	s7 =	sand.u32 $0x7, s24  }
0x44: {  	p5 =	slt.s32 s24, $0x1;
	p0 =	por !p0, !p1;
	s3 =	sadd.s32 s16, s13  }
0x45: {  	s13 =	simm.s32 $0x1;
	p2 =	sne.s32 s7, $0x0;
	s4 =	sshrl.u32 s30, $0x1D  }
0x46: {  	s7 =	simm.s32 $0xDB00;
	p0 =	por !p0, !p0;
	s3 =	sshrl.u32 s3, $0x3  }
0x47: {  	p6 =	por !p5, !p2;
	s4 =	sadd.s32 s4, s24;
	s13 =	simm.s32 @!p0 $0x0  }
0x48: {  	p0 =	por !p6, !p6;
	s4 =	sshrl.u32 s4, $0x3;
	s3 =	ssub.s32 s3, s13  }
0x49: {  	s5 =	simm.s32 @!p0 $0x0;
	s13 =	simm.s32 $0xDA80;
	s31 =	sand.u32 $0x1FFFFFFF, s3  }
0x4a: {  	s3 =	simm.s32 $0x7A80;
	s5 =	ssub.s32 s4, s5;
	s4 =	simm.s32 $0x3A00  }
0x4b: {  	s14 =	sadd.s32 s1, s31;
	s15 =	sand.u32 $0x1FFFFFFF, s5;
	s5 =	simm.s32 $0xBA80  }
.LBB2_2:
0x4c: {  	[tilespmem:s29], [sflag:$0x1] =	stream.linear.gather [hbm4b:s14+s6], $0x80, $0x38;
	[tilespmem:$0x10000] =	vst v63  }
0x4d: {  	s14 =	sshra.s32 s2, $0x2;
	p0 =	sne.s32 s2, $0xFC;
	s15 =	sadd.s32 s1, s15  }
0x4e: {  	[tilespmem:s13], [sflag:$0x1] =	stream.linear.gather [hbm4b:s15+s6], $0x80, $0x38;
	[tilespmem:$0x10000] =	vst v63  }
0x4f: {  	s2 =	sadd.s32 $0x4, s2;
	s29 =	smov.u32 s5;
	s13 =	smov.u32 s7;
	v6 =	vld [tilespmem:s14+$0xFE00]  }
0x50: {  	_ = 	snop  }
0x51: {  	v7 =	vld [tilespmem:s14+$0xFE80];
	_ =	sdelay $0x2  }
0x52: {  	(v2sf) =	vpush v6, $0x0;
	_ =	sdelay $0x1  }
0x53: {  	(v2sf) =	vpush v7, $0x0;
	_ =	sdelay $0xc  }
0x54: {  	s14 =	spop (v2sf)  }
0x55: {  	v6 =	vld [tilespmem:s14+$0x0];
	s15 =	sshll.u32 s14, $0x8;
	s14 =	sshll.u32 s14, $0x7  }
0x56: {  	s15 =	sand.u32 $0xFFFFF800, s15;
	s14 =	sand.u32 $0x380, s14;
	s16 =	spop (v2sf)  }
0x57: {  	v7 =	vld [tilespmem:s16+$0x0];
	s14 =	sor.u32 s14, s15;
	s15 =	sshll.u32 s16, $0x8;
	s16 =	sshll.u32 s16, $0x7  }
0x58: {  	s14 =	sshrl.u32 s14, $0x3;
	s15 =	sand.u32 $0xFFFFF800, s15;
	s16 =	sand.u32 $0x380, s16  }
0x59: {  	s14 =	sadd.s32 s0, s14;
	s15 =	sor.u32 s16, s15  }
0x5a: {  	[tilespmem:s4], [sflag:$0x1] =	stream.strided.gather [hbm4b:s14+s18], $0x100, s19, s18, $0x38;
	(v2sf) =	vpush v6, $0x0;
	[tilespmem:$0x10000] =	vst v63  }
0x5b: {  	s14 =	sshrl.u32 s15, $0x3  }
0x5c: {  	s14 =	sadd.s32 s0, s14;
	(v2sf) =	vpush v7, $0x0  }
0x5d: {  	[tilespmem:s3], [sflag:$0x1] =	stream.strided.gather [hbm4b:s14+s18], $0x100, s19, s18, $0x38;
	[tilespmem:$0x10000] =	vst v63  }
0x5e: {  	_ =	sdelay $0xa  }
0x5f: {  	s14 =	spop (v2sf)  }
0x60: {  	s3 =	sadd.s32 $0x100, s3;
	s15 =	sshra.s32 s14, $0x1F;
	s16 =	sand.u32 $0x7, s14  }
0x61: {  	p1 =	slt.s32 s14, $0x1;
	s15 =	sshrl.u32 s15, $0x1D;
	p2 =	sne.s32 s16, $0x0  }
0x62: {  	s16 =	spop (v2sf);
	s14 =	sadd.s32 s15, s14;
	p1 =	por !p1, !p2  }
0x63: {  	s15 =	sshra.s32 s16, $0x1F;
	s30 =	sand.u32 $0x7, s16;
	p2 =	slt.s32 s16, $0x1  }
0x64: {  	p1 =	por !p1, !p1;
	p3 =	sne.s32 s30, $0x0;
	s30 =	simm.s32 $0x1  }
0x65: {  	s14 =	sshrl.u32 s14, $0x3;
	s15 =	sshrl.u32 s15, $0x1D;
	s30 =	simm.s32 @!p1 $0x0  }
.Ltmp2:
0x66: {  	p1 =	por !p2, !p3;
	s15 =	sadd.s32 s15, s16;
	(pc) =	sbr.rel @p0 .LBB2_2-.Ltmp2, $4  }
0x67: {  	s16 =	simm.s32 $0x1;
	s14 =	ssub.s32 s14, s30;
	p1 =	por !p1, !p1  }
0x68: {  	s15 =	sshrl.u32 s15, $0x3;
	s14 =	sand.u32 $0x1FFFFFFF, s14;
	s16 =	simm.s32 @!p1 $0x0  }
0x69: {  	s4 =	sadd.s32 $0x100, s4;
	s15 =	ssub.s32 s15, s16;
	s14 =	sadd.s32 s1, s14  }
0x6a: {  	s5 =	sadd.s32 $0x80, s5;
	s7 =	sadd.s32 $0x80, s7;
	s15 =	sand.u32 $0x1FFFFFFF, s15  }
0x6b: {  	[tilespmem:s29], [sflag:$0x1] =	stream.linear.gather [hbm4b:s14+s6], $0x80, $0x38;
	[tilespmem:$0x10000] =	vst v63  }
0x6c: {  	s2 =	sadd.s32 s1, s15  }
0x6d: {  	[tilespmem:s13], [sflag:$0x1] =	stream.linear.gather [hbm4b:s2+s6], $0x80, $0x38;
	[tilespmem:$0x10000] =	vst v63  }
0x6e: {  	_ =	swait.ge [sflag:s17], $0x100  }
0x6f: {  	[sflag:s17] =	ssyncset.done $0x0  }
0x70: {  	[sflag:s17] =	ssyncadd.s32 $0xFFFFFF00  }
0x71: {  	_ =	swait.ge [sflag:s17], $0x100  }
0x72: {  	[sflag:s17] =	ssyncset.done $0x0  }
0x73: {  	[sflag:s17] =	ssyncadd.s32 $0xFFFFFF00  }
0x74: {  	_ =	swait.ge [sflag:s17], $0x80  }
0x75: {  	[sflag:s17] =	ssyncset.done $0x0  }
0x76: {  	[sflag:s17] =	ssyncadd.s32 $0xFFFFFF80  }
0x77: {  	_ =	swait.ge [sflag:s17], $0x80  }
0x78: {  	s2 =	simm.s32 $0x3F;
	[sflag:s17] =	ssyncset.done $0x0  }
.LBB2_4:
0x79: {  	p0 =	sne.s32 s2, $0x1;
	s2 =	sadd.s32 $0xFFFFFFFF, s2;
	[sflag:s17] =	ssyncadd.s32 $0xFFFFFF80  }
0x7a: {  	_ =	swait.ge [sflag:s17], $0x100  }
0x7b: {  	[sflag:s17] =	ssyncset.done $0x0  }
0x7c: {  	[sflag:s17] =	ssyncadd.s32 $0xFFFFFF00  }
0x7d: {  	_ =	swait.ge [sflag:s17], $0x100  }
0x7e: {  	[sflag:s17] =	ssyncset.done $0x0  }
0x7f: {  	[sflag:s17] =	ssyncadd.s32 $0xFFFFFF00  }
.Ltmp3:
0x80: {  	_ =	swait.ge [sflag:s17], $0x80;
	(pc) =	sbr.rel @p0 .LBB2_4-.Ltmp3, $4  }
0x81: {  	[sflag:s17] =	ssyncset.done $0x0  }
0x82: {  	[sflag:s17] =	ssyncadd.s32 $0xFFFFFF80  }
0x83: {  	_ =	swait.ge [sflag:s17], $0x80  }
0x84: {  	[sflag:s17] =	ssyncset.done $0x0  }
.Ltmp4:
0x85: {  	(pc) =	sbr.rel .LBB2_6-.Ltmp4, $2  }
0x86: {  	_ =	sdelay $0x2  }
0x87: {  	[sflag:s17] =	ssyncadd.s32 $0xFFFFFF80;
	s29 =	simm.s32 $0x0;
	s30 =	simm.s32 $0x10  }
.LBB2_29:
0x88: {  	s29 =	sadd.s32 $0x1, s29  }
0x89: {  	p0 =	sne.s32 s29, $0x4  }
.Ltmp5:
0x8a: {  	_ = 	snop;
	(pc) =	sbr.rel @!p0 .LBB2_30-.Ltmp5, $2  }
0x8b: {  	_ =	sdelay $0x2  }
0x8c: {  	[tilespmem:s3+$0xFF00] =	vst v6;
	s30 =	sadd.s32 $0x10, s30  }
.LBB2_6:
.Ltmp6:
0x8d: {  	(pc) =	sbr.rel .LBB2_7-.Ltmp6, $3  }
0x8e: {  	_ =	sdelay $0x1  }
0x8f: {  	s3 =	sshll.u32 s29, $0x4  }
0x90: {  	v6 =	vimm.f32 $0.0e+00;
	s31 =	smov.u32 s3  }
.LBB2_28:
0x91: {  	_ =	sdelay $0x2  }
0x92: {  	[tilespmem:$0xFF80] =	vst v7  }
0x93: {  	v8 =	vld.idx.msk [tilespmem:v2+s23+$0x0], $0xffff;
	_ =	sdelay $0x4  }
0x94: {  	v7 =	vadd.f32 v8, v7;
	_ =	sdelay $0x1  }
0x95: {  	[tilespmem:$0xFF80] =	vst v7  }
0x96: {  	v8 =	vld.idx.msk [tilespmem:v3+s23+$0x0], $0xffff;
	_ =	sdelay $0x4  }
0x97: {  	v7 =	vadd.f32 v8, v7;
	_ =	sdelay $0x1  }
0x98: {  	[tilespmem:$0xFF80] =	vst v7  }
0x99: {  	v8 =	vld.idx.msk [tilespmem:v4+s23+$0x0], $0xffff;
	_ =	sdelay $0x4  }
0x9a: {  	v7 =	vadd.f32 v8, v7;
	_ =	sdelay $0x1  }
0x9b: {  	[tilespmem:$0xFF80] =	vst v7  }
0x9c: {  	v8 =	vld.idx.msk [tilespmem:v5+s23+$0x0], $0xffff  }
0x9d: {  	s2 =	sand.u32 $0xF, s31;
	s31 =	sadd.s32 $0x1, s31  }
0x9e: {  	p0 =	sne.s32 s31, s30  }
.Ltmp7:
0x9f: {  	_ = 	snop;
	(pc) =	sbr.rel @!p0 .LBB2_29-.Ltmp7, $4  }
0xa0: {  	_ = 	snop  }
0xa1: {  	v7 =	vadd.f32 v8, v7;
	v8 =	vmov s2  }
0xa2: {  	vm0 =	veq.s32 v8, v1  }
0xa3: {  	v6 =	vsel vm0, v7, v6  }
.LBB2_7:
0xa4: {  	v7 =	vld [tilespmem:s31+$0xFE00]  }
0xa5: {  	v8 =	vld [tilespmem:s31+$0xFE80]  }
0xa6: {  	v13 =	vld [tilespmem:$0xFC00]  }
0xa7: {  	v16 =	vld [tilespmem:$0xFC10]  }
0xa8: {  	v19 =	vld [tilespmem:$0xFC20]  }
0xa9: {  	v22 =	vld [tilespmem:$0xFC30]  }
0xaa: {  	v25 =	vld [tilespmem:$0xFC40]  }
0xab: {  	v28 =	vld [tilespmem:$0xFC50];
	(v2sf) =	vpush v7, $0x0  }
0xac: {  	v31 =	vld [tilespmem:$0xFC60]  }
0xad: {  	v57 =	vld [tilespmem:$0xFC70]  }
0xae: {  	v60 =	vld [tilespmem:$0xFC80];
	(v2sf) =	vpush v8, $0x0  }
0xaf: {  	v35 =	vld [tilespmem:$0xFC90]  }
0xb0: {  	v40 =	vld [tilespmem:$0xFCA0]  }
0xb1: {  	v46 =	vld [tilespmem:$0xFCB0]  }
0xb2: {  	v49 =	vld [tilespmem:$0xFCC0]  }
0xb3: {  	s16 =	sshll.u32 s31, $0x8;
	v53 =	vld [tilespmem:$0xFCD0]  }
0xb4: {  	v11 =	vld [tilespmem:s16+$0x3900]  }
0xb5: {  	v12 =	vld [tilespmem:s16+$0x7980]  }
0xb6: {  	v14 =	vld [tilespmem:s16+$0x3910]  }
0xb7: {  	v15 =	vld [tilespmem:s16+$0x7990]  }
0xb8: {  	v17 =	vld [tilespmem:s16+$0x3920]  }
0xb9: {  	v18 =	vld [tilespmem:s16+$0x79A0]  }
0xba: {  	v20 =	vld [tilespmem:s16+$0x3930];
	s2 =	spop (v2sf)  }
0xbb: {  	v7 =	vld [tilespmem:s2+$0x0]  }
0xbc: {  	v21 =	vld [tilespmem:s16+$0x79B0]  }
0xbd: {  	v23 =	vld [tilespmem:s16+$0x3940];
	s4 =	spop (v2sf)  }
0xbe: {  	v8 =	vld [tilespmem:s4+$0x0]  }
0xbf: {  	v24 =	vld [tilespmem:s16+$0x79C0];
	v11 =	vmul.f32 v12, v11  }
0xc0: {  	v26 =	vld [tilespmem:s16+$0x3950];
	(v2sf) =	vpush v7, $0x0  }
0xc1: {  	v27 =	vld [tilespmem:s16+$0x79D0];
	v56 =	vmul.f32 v15, v14;
	v11 =	vmul.f32 v13, v11  }
0xc2: {  	v29 =	vld [tilespmem:s16+$0x3960];
	v58 =	vmul.f32 v18, v17  }
0xc3: {  	v30 =	vld [tilespmem:s16+$0x79E0];
	v13 =	vmul.f32 v16, v56;
	v11 =	vadd.f32 $0.0e+00, v11;
	(v2sf) =	vpush v8, $0x0  }
0xc4: {  	v9 =	vld [tilespmem:s2+$0x1]  }
0xc5: {  	v62 =	vmul.f32 v21, v20;
	v61 =	vmul.f32 v19, v58;
	v11 =	vadd.f32 v13, v11;
	v10 =	vld [tilespmem:s4+$0x1]  }
0xc6: {  	v55 =	vld [tilespmem:s16+$0x3970]  }
0xc7: {  	v32 =	vld [tilespmem:s16+$0x79F0];
	v34 =	vmul.f32 v24, v23;
	v33 =	vmul.f32 v22, v62;
	v11 =	vadd.f32 v61, v11  }
0xc8: {  	v59 =	vld [tilespmem:s16+$0x7A00];
	v38 =	vmul.f32 v27, v26  }
0xc9: {  	v63 =	vld [tilespmem:s16+$0x3990];
	v37 =	vmul.f32 v25, v34;
	v11 =	vadd.f32 v33, v11;
	(v2sf) =	vpush v9, $0x0  }
0xca: {  	v7 =	vld [tilespmem:s16+$0x3980];
	(v2sf) =	vpush v10, $0x0  }
0xcb: {  	v36 =	vld [tilespmem:s16+$0x39A0];
	v42 =	vmul.f32 v30, v29;
	v41 =	vmul.f32 v28, v38;
	v11 =	vadd.f32 v37, v11  }
0xcc: {  	v8 =	vld [tilespmem:s16+$0x7A10]  }
0xcd: {  	v39 =	vld [tilespmem:s16+$0x7A20];
	v12 =	vmul.f32 v32, v55;
	v45 =	vmul.f32 v31, v42;
	v11 =	vadd.f32 v41, v11  }
0xce: {  	v43 =	vld [tilespmem:s16+$0x39B0]  }
0xcf: {  	v44 =	vld [tilespmem:s16+$0x7A30];
	v12 =	vmul.f32 v57, v12;
	v11 =	vadd.f32 v45, v11;
	v7 =	vmul.f32 v59, v7;
	s4 =	spop (v2sf)  }
0xd0: {  	s13 =	simm.s32 $0x1;
	v47 =	vld [tilespmem:s16+$0x39C0];
	s5 =	sand.u32 $0x7, s4;
	s7 =	sshra.s32 s4, $0x1F  }
0xd1: {  	v48 =	vld [tilespmem:s16+$0x7A40];
	v11 =	vadd.f32 v12, v11;
	v8 =	vmul.f32 v8, v63;
	v7 =	vmul.f32 v60, v7;
	p0 =	slt.s32 s4, $0x1;
	p1 =	sne.s32 s5, $0x0;
	s7 =	sshrl.u32 s7, $0x1D  }
0xd2: {  	v50 =	vld [tilespmem:s16+$0x39D0];
	s5 =	spop (v2sf);
	p0 =	por !p0, !p1;
	s7 =	sadd.s32 s7, s4  }
0xd3: {  	v51 =	vld [tilespmem:s16+$0x7A50];
	v52 =	vmul.f32 v39, v36;
	v8 =	vmul.f32 v35, v8;
	v7 =	vadd.f32 v7, v11;
	s14 =	sand.u32 $0x7, s5;
	s15 =	sshra.s32 s5, $0x1F;
	p5 =	slt.s32 s5, $0x1  }
0xd4: {  	v54 =	vld [tilespmem:s16+$0x39E0];
	p0 =	por !p0, !p0;
	p6 =	sne.s32 s14, $0x0;
	s24 =	sshrl.u32 s7, $0x3  }
0xd5: {  	v55 =	vld [tilespmem:s16+$0x7A60];
	v9 =	vmul.f32 v44, v43;
	v7 =	vadd.f32 v8, v7;
	v8 =	vmul.f32 v40, v52;
	s14 =	sshrl.u32 s15, $0x1D;
	s13 =	simm.s32 @!p0 $0x0;
	p0 =	por !p5, !p6  }
0xd6: {  	v56 =	vld [tilespmem:$0xFCE0];
	s15 =	simm.s32 $0x1;
	s7 =	sadd.s32 s14, s5;
	p0 =	por !p0, !p0  }
0xd7: {  	v57 =	vmul.f32 v48, v47;
	v58 =	vld [tilespmem:s16+$0x39F0];
	v7 =	vadd.f32 v8, v7;
	v8 =	vmul.f32 v46, v9;
	s2 =	ssub.s32 s24, s13;
	s7 =	sshrl.u32 s7, $0x3;
	s15 =	simm.s32 @!p0 $0x0  }
0xd8: {  	v59 =	vld [tilespmem:s16+$0x7A70];
	s13 =	spop (v2sf);
	s14 =	sshll.u32 s2, $0x3;
	s15 =	ssub.s32 s7, s15  }
0xd9: {  	v60 =	vmul.f32 v51, v50;
	v7 =	vadd.f32 v8, v7;
	v8 =	vmul.f32 v49, v57;
	s16 =	spop (v2sf);
	s24 =	ssub.s32 s13, s14;
	s2 =	sshll.u32 s15, $0x3  }
0xda: {  	v61 =	vld [tilespmem:$0xFCF0];
	p0 =	sgt.s32 s24, $0x80;
	s15 =	ssub.s32 s16, s2  }
0xdb: {  	v62 =	vmul.f32 v55, v54;
	v7 =	vadd.f32 v8, v7;
	v8 =	vmul.f32 v53, v60;
	p1 =	slt.s32 @!p0 s15, $0x81  }
0xdc: {  	p0 =	por p0, !p1  }
.Ltmp8:
0xdd: {  	v63 =	vmul.f32 v59, v58;
	v7 =	vadd.f32 v8, v7;
	v8 =	vmul.f32 v56, v62;
	(pc) =	sbr.rel @p0 .LBB2_8-.Ltmp8, $4  }
0xde: {  	_ = 	snop  }
0xdf: {  	v7 =	vadd.f32 v8, v7;
	v8 =	vmul.f32 v61, v63  }
0xe0: {  	s13 =	ssub.s32 s13, s4  }
0xe1: {  	s7 =	ssub.s32 s16, s5;
	s4 =	ssub.s32 s4, s14;
	v7 =	vadd.f32 v8, v7;
	s5 =	ssub.s32 s5, s2  }
0xe2: {  	s2 =	sadd.s32 $0xF, s7  }
0xe3: {  	s14 =	sand.u32 $0xF, s2  }
0xe4: {  	s15 =	sshra.s32 s2, $0x1F;
	p0 =	slt.s32 s2, $0x1;
	p1 =	sne.s32 s14, $0x0  }
0xe5: {  	s24 =	sshrl.u32 s15, $0x1C;
	p0 =	por !p0, !p1  }
0xe6: {  	s14 =	simm.s32 $0x1;
	s2 =	sadd.s32 s24, s2;
	p0 =	por !p0, !p0  }
0xe7: {  	s2 =	sshra.s32 s2, $0x4;
	s14 =	simm.s32 @!p0 $0x0  }
0xe8: {  	s2 =	ssub.s32 s2, s14  }
0xe9: {  	p0 =	slt.s32 s2, $0x1  }
.Ltmp9:
0xea: {  	_ = 	snop;
	(pc) =	sbr.rel @p0 .LBB2_28-.Ltmp9, $1  }
0xeb: {  	_ =	sdelay $0x3  }
0xec: {  	v8 =	vmov s13  }
0xed: {  	v9 =	vand.u32 $0x1, v8  }
.Ltmp10:
0xee: {  	s14 =	sshll.u32 s31, $0x7;
	v10 =	vshrl.u32 v8, $0x1F;
	vm0 =	vlt.s32 v8, $0x1;
	vm1 =	veq.s32 v9, $0x1;
	(pc) =	sbr.rel .LBB2_24-.Ltmp10, $4  }
0xef: {  	s5 =	sadd.s32 s14, s5;
	v10 =	vadd.s32 s13, v10;
	vm0 =	vmand vm0, vm1  }
0xf0: {  	v9 =	vmov s5;
	v11 =	vshra.s32 v10, $0x1;
	v12 =	vsel vm0, $0xFFFFFFFF, v0  }
0xf1: {  	v15 =	vmov s7;
	s4 =	sadd.s32 s14, s4;
	v10 =	vadd.s32 $0xFFFFFFFF, v9;
	v11 =	vadd.s32 v12, v11  }
0xf2: {  	s7 =	simm.s32 $0x0;
	v12 =	vmov s4;
	v13 =	vadd.s32 s4, v11;
	v14 =	vadd.s32 $0x1, v11;
	s4 =	sadd.s32 $0xDA80, s5  }
.LBB2_27:
0xf3: {  	s7 =	sadd.s32 $0x1, s7  }
0xf4: {  	p0 =	sne.s32 s7, s2  }
.Ltmp11:
0xf5: {  	_ = 	snop;
	(pc) =	sbr.rel @!p0 .LBB2_28-.Ltmp11, $1  }
0xf6: {  	_ =	sdelay $0x3  }
.LBB2_24:
0xf7: {  	s5 =	sshll.u32 s7, $0x4  }
0xf8: {  	v16 =	vor.u32 s5, v1  }
0xf9: {  	v17 =	vadd.s32 v9, v16;
	_ =	sdelay $0x3  }
0xfa: {  	v18 =	vld.idx.msk [tilespmem:v13+s26+$0x0], $0xffff  }
0xfb: {  	v17 =	vld.idx.msk [tilespmem:v17+s25+$0x0], $0xffff;
	_ =	sdelay $0x4  }
0xfc: {  	vm0 =	vlt.s32 v18, v17  }
0xfd: {  	v18 =	vnsel vm0, $0x0, v14;
	v19 =	vsel vm0, v8, v11  }
0xfe: {  	v20 =	vadd.s32 v19, v18  }
0xff: {  	v21 =	vand.u32 $0x1, v20  }
0x100: {  	v35 =	vshrl.u32 v20, $0x1F;
	vm1 =	vlt.s32 v20, $0x1;
	vm0 =	veq.s32 v21, $0x1  }
0x101: {  	v20 =	vadd.s32 v35, v20;
	vm0 =	vmand vm1, vm0  }
0x102: {  	v20 =	vshra.s32 v20, $0x1;
	v36 =	vsel vm0, $0xFFFFFFFF, v0  }
0x103: {  	v20 =	vadd.s32 v36, v20  }
0x104: {  	v21 =	vadd.s32 v12, v20;
	_ =	sdelay $0x4  }
0x105: {  	v21 =	vld.idx.msk [tilespmem:v21+s26+$0x0], $0xffff;
	_ =	sdelay $0x4  }
0x106: {  	v37 =	vadd.s32 $0x1, v20;
	vm0 =	vlt.s32 v21, v17  }
0x107: {  	v18 =	vsel vm0, v37, v18;
	v19 =	vsel vm0, v19, v20  }
0x108: {  	v20 =	vadd.s32 v19, v18  }
0x109: {  	v38 =	vand.u32 $0x1, v20  }
0x10a: {  	v39 =	vshrl.u32 v20, $0x1F;
	vm1 =	vlt.s32 v20, $0x1;
	vm0 =	veq.s32 v38, $0x1  }
0x10b: {  	v20 =	vadd.s32 v39, v20;
	vm0 =	vmand vm1, vm0  }
0x10c: {  	v20 =	vshra.s32 v20, $0x1;
	v40 =	vsel vm0, $0xFFFFFFFF, v0  }
0x10d: {  	v20 =	vadd.s32 v40, v20  }
0x10e: {  	v21 =	vadd.s32 v12, v20;
	_ =	sdelay $0x4  }
0x10f: {  	v21 =	vld.idx.msk [tilespmem:v21+s26+$0x0], $0xffff;
	_ =	sdelay $0x4  }
0x110: {  	v41 =	vadd.s32 $0x1, v20;
	vm0 =	vlt.s32 v21, v17  }
0x111: {  	v18 =	vsel vm0, v41, v18;
	v19 =	vsel vm0, v19, v20  }
0x112: {  	v20 =	vadd.s32 v19, v18  }
0x113: {  	v42 =	vand.u32 $0x1, v20  }
0x114: {  	v43 =	vshrl.u32 v20, $0x1F;
	vm1 =	vlt.s32 v20, $0x1;
	vm0 =	veq.s32 v42, $0x1  }
0x115: {  	v20 =	vadd.s32 v43, v20;
	vm0 =	vmand vm1, vm0  }
0x116: {  	v20 =	vshra.s32 v20, $0x1;
	v44 =	vsel vm0, $0xFFFFFFFF, v0  }
0x117: {  	v20 =	vadd.s32 v44, v20  }
0x118: {  	v21 =	vadd.s32 v12, v20;
	_ =	sdelay $0x4  }
0x119: {  	v21 =	vld.idx.msk [tilespmem:v21+s26+$0x0], $0xffff;
	_ =	sdelay $0x4  }
0x11a: {  	v45 =	vadd.s32 $0x1, v20;
	vm0 =	vlt.s32 v21, v17  }
0x11b: {  	v18 =	vsel vm0, v45, v18;
	v19 =	vsel vm0, v19, v20  }
0x11c: {  	v20 =	vadd.s32 v19, v18  }
0x11d: {  	v46 =	vand.u32 $0x1, v20  }
0x11e: {  	v47 =	vshrl.u32 v20, $0x1F;
	vm1 =	vlt.s32 v20, $0x1;
	vm0 =	veq.s32 v46, $0x1  }
0x11f: {  	v20 =	vadd.s32 v47, v20;
	vm0 =	vmand vm1, vm0  }
0x120: {  	v20 =	vshra.s32 v20, $0x1;
	v48 =	vsel vm0, $0xFFFFFFFF, v0  }
0x121: {  	v20 =	vadd.s32 v48, v20  }
0x122: {  	v21 =	vadd.s32 v12, v20;
	_ =	sdelay $0x4  }
0x123: {  	v21 =	vld.idx.msk [tilespmem:v21+s26+$0x0], $0xffff;
	_ =	sdelay $0x4  }
0x124: {  	v49 =	vadd.s32 $0x1, v20;
	vm0 =	vlt.s32 v21, v17  }
0x125: {  	v18 =	vsel vm0, v49, v18;
	v19 =	vsel vm0, v19, v20  }
0x126: {  	v20 =	vadd.s32 v19, v18  }
0x127: {  	v50 =	vand.u32 $0x1, v20  }
0x128: {  	v51 =	vshrl.u32 v20, $0x1F;
	vm1 =	vlt.s32 v20, $0x1;
	vm0 =	veq.s32 v50, $0x1  }
0x129: {  	v20 =	vadd.s32 v51, v20;
	vm0 =	vmand vm1, vm0  }
0x12a: {  	v20 =	vshra.s32 v20, $0x1;
	v52 =	vsel vm0, $0xFFFFFFFF, v0  }
0x12b: {  	v20 =	vadd.s32 v52, v20  }
0x12c: {  	v21 =	vadd.s32 v12, v20;
	_ =	sdelay $0x4  }
0x12d: {  	v21 =	vld.idx.msk [tilespmem:v21+s26+$0x0], $0xffff;
	_ =	sdelay $0x4  }
0x12e: {  	v53 =	vadd.s32 $0x1, v20;
	vm0 =	vlt.s32 v21, v17  }
0x12f: {  	v18 =	vsel vm0, v53, v18;
	v19 =	vsel vm0, v19, v20  }
0x130: {  	v20 =	vadd.s32 v19, v18  }
0x131: {  	v54 =	vand.u32 $0x1, v20  }
0x132: {  	v55 =	vshrl.u32 v20, $0x1F;
	vm1 =	vlt.s32 v20, $0x1;
	vm0 =	veq.s32 v54, $0x1  }
0x133: {  	v20 =	vadd.s32 v55, v20;
	vm0 =	vmand vm1, vm0  }
0x134: {  	v20 =	vshra.s32 v20, $0x1;
	v56 =	vsel vm0, $0xFFFFFFFF, v0  }
0x135: {  	v20 =	vadd.s32 v56, v20  }
0x136: {  	v21 =	vadd.s32 v12, v20;
	_ =	sdelay $0x4  }
0x137: {  	v21 =	vld.idx.msk [tilespmem:v21+s26+$0x0], $0xffff;
	_ =	sdelay $0x4  }
0x138: {  	v57 =	vadd.s32 $0x1, v20;
	vm0 =	vlt.s32 v21, v17  }
0x139: {  	v18 =	vsel vm0, v57, v18;
	v19 =	vsel vm0, v19, v20  }
0x13a: {  	v19 =	vadd.s32 v19, v18  }
0x13b: {  	v58 =	vand.u32 $0x1, v19  }
0x13c: {  	v59 =	vshrl.u32 v19, $0x1F;
	vm0 =	vlt.s32 v19, $0x1;
	vm1 =	veq.s32 v58, $0x1  }
0x13d: {  	v19 =	vadd.s32 v59, v19;
	vm0 =	vmand vm0, vm1  }
0x13e: {  	v19 =	vshra.s32 v19, $0x1;
	v60 =	vsel vm0, $0xFFFFFFFF, v0  }
0x13f: {  	v19 =	vadd.s32 v60, v19  }
0x140: {  	v20 =	vadd.s32 v12, v19;
	_ =	sdelay $0x4  }
0x141: {  	v20 =	vld.idx.msk [tilespmem:v20+s26+$0x0], $0xffff;
	_ =	sdelay $0x3  }
0x142: {  	v61 =	vadd.s32 v10, v16  }
0x143: {  	vm0 =	vgt.s32 v61, $0x0;
	v19 =	vadd.s32 $0x1, v19;
	vm1 =	vlt.s32 v20, v17  }
0x144: {  	v62 =	vnsel vm0, $0x0, v61;
	v18 =	vsel vm1, v19, v18  }
0x145: {  	v19 =	vadd.s32 v12, v18;
	_ =	sdelay $0x3  }
0x146: {  	v20 =	vld.idx.msk [tilespmem:v62+s25+$0x0], $0xffff  }
0x147: {  	v19 =	vld.idx.msk [tilespmem:v19+s26+$0x0], $0xffff;
	_ =	sdelay $0x2  }
0x148: {  	v63 =	vmov s5  }
0x149: {  	vm3 =	veq.s32 v63, v1;
	vm1 =	vlt.s32 v16, v15;
	vm2 =	vlt.s32 v18, v8  }
0x14a: {  	vm1 =	vmand vm1, vm2;
	vm0 =	vne.s32 v17, v20;
	vm2 =	veq.s32 v19, v17  }
0x14b: {  	vm0 =	vmor vm3, vm0;
	vm1 =	vmand vm2, vm1  }
0x14c: {  	vm0 =	vmand vm0, vm1  }
0x14d: {  	v16 =	vmpcnt.ones.xlane vm0;
	_ =	sdelay $0x1  }
0x14e: {  	(v2sf) =	vpush v16, $0x0;
	_ =	sdelay $0xe  }
0x14f: {  	s13 =	spop (v2sf)  }
0x150: {  	p0 =	slt.s32 s13, $0x1  }
.Ltmp12:
0x151: {  	_ = 	snop;
	(pc) =	sbr.rel @p0 .LBB2_27-.Ltmp12, $1  }
0x152: {  	_ =	sdelay $0x3  }
0x153: {  	s5 =	sadd.s32 s5, s4  }
0x154: {  	v16 =	vmov s5  }
.LBB2_26:
0x155: {  	v17 =	vmctz.xlane vm0;
	_ =	sdelay $0x1  }
0x156: {  	(v2sf) =	vpush v17, $0x0;
	_ =	sdelay $0xe  }
0x157: {  	s5 =	spop (v2sf)  }
0x158: {  	v18 =	vld.idx.msk [tilespmem:v16+s5+$0x0 ss:$0x1], $0xffff;
	_ =	sdelay $0x4  }
0x159: {  	(v2sf) =	vpush v18, $0x0;
	_ =	sdelay $0xe  }
0x15a: {  	s16 =	spop (v2sf)  }
0x15b: {  	s13 =	sshll.u32 s16, $0x8;
	s5 =	sshll.u32 s16, $0x7  }
0x15c: {  	s13 =	sand.u32 $0xFFFFF800, s13;
	s5 =	sand.u32 $0x380, s5  }
0x15d: {  	s5 =	sor.u32 s5, s13  }
0x15e: {  	s5 =	sshrl.u32 s5, $0x3  }
0x15f: {  	s5 =	sadd.s32 s0, s5  }
0x160: {  	[tilespmem:s22], [sflag:$0x2] =	stream.strided.gather [hbm4b:s5+s18], $0x100, s19, s18, $0x38;
	[tilespmem:$0x10000] =	vst v63  }
0x161: {  	_ =	swait.ge [sflag:s12], $0x100  }
0x162: {  	[sflag:s12] =	ssyncset.done $0x0  }
0x163: {  	[sflag:s12] =	ssyncadd.s32 $0xFFFFFF00  }
0x164: {  	v18 =	vld [tilespmem:$0xFB00]  }
0x165: {  	v19 =	vld [tilespmem:$0xFD00]  }
0x166: {  	v20 =	vld [tilespmem:$0xFB10]  }
0x167: {  	v21 =	vld [tilespmem:$0xFD10]  }
0x168: {  	v22 =	vld [tilespmem:$0xFB20]  }
0x169: {  	v23 =	vld [tilespmem:$0xFD20]  }
0x16a: {  	v24 =	vld [tilespmem:$0xFD30];
	v18 =	vmul.f32 v19, v18  }
0x16b: {  	v19 =	vld [tilespmem:$0xFB30]  }
0x16c: {  	v46 =	vld [tilespmem:$0xFB40];
	v7 =	vadd.f32 v18, v7;
	v18 =	vmul.f32 v21, v20  }
0x16d: {  	v47 =	vld [tilespmem:$0xFD40]  }
0x16e: {  	v48 =	vld [tilespmem:$0xFB50];
	v7 =	vadd.f32 v18, v7;
	v18 =	vmul.f32 v23, v22  }
0x16f: {  	v17 =	vbroadcast v17, $0x0;
	v49 =	vld [tilespmem:$0xFD50]  }
0x170: {  	v50 =	vld [tilespmem:$0xFD60];
	v7 =	vadd.f32 v18, v7;
	v18 =	vmul.f32 v24, v19  }
0x171: {  	vm1 =	vne.s32 v17, v1;
	v19 =	vld [tilespmem:$0xFB60]  }
0x172: {  	vm0 =	vmand vm0, vm1;
	v51 =	vld [tilespmem:$0xFB70];
	v7 =	vadd.f32 v18, v7;
	v18 =	vmul.f32 v47, v46  }
0x173: {  	v55 =	vmpcnt.ones.xlane vm0;
	v52 =	vld [tilespmem:$0xFD70]  }
0x174: {  	v53 =	vld [tilespmem:$0xFB80];
	v7 =	vadd.f32 v18, v7;
	v18 =	vmul.f32 v49, v48  }
0x175: {  	(v2sf) =	vpush v55, $0x0;
	v54 =	vld [tilespmem:$0xFD80]  }
0x176: {  	v17 =	vmul.f32 v50, v19;
	v19 =	vld [tilespmem:$0xFD90];
	v7 =	vadd.f32 v18, v7  }
0x177: {  	v18 =	vld [tilespmem:$0xFB90]  }
0x178: {  	v56 =	vld [tilespmem:$0xFBA0];
	v7 =	vadd.f32 v17, v7;
	v17 =	vmul.f32 v52, v51  }
0x179: {  	v57 =	vld [tilespmem:$0xFDA0]  }
0x17a: {  	v58 =	vld [tilespmem:$0xFBB0];
	v7 =	vadd.f32 v17, v7;
	v17 =	vmul.f32 v54, v53  }
0x17b: {  	v59 =	vld [tilespmem:$0xFDB0]  }
0x17c: {  	v7 =	vadd.f32 v17, v7;
	v17 =	vmul.f32 v19, v18;
	v18 =	vld [tilespmem:$0xFBC0]  }
0x17d: {  	v19 =	vld [tilespmem:$0xFDC0]  }
0x17e: {  	v60 =	vld [tilespmem:$0xFBD0];
	v7 =	vadd.f32 v17, v7;
	v17 =	vmul.f32 v57, v56  }
0x17f: {  	v61 =	vld [tilespmem:$0xFDD0]  }
0x180: {  	v62 =	vld [tilespmem:$0xFBE0];
	v7 =	vadd.f32 v17, v7;
	v17 =	vmul.f32 v59, v58  }
0x181: {  	v63 =	vld [tilespmem:$0xFDE0]  }
0x182: {  	v7 =	vadd.f32 v17, v7;
	v17 =	vmul.f32 v19, v18;
	v18 =	vld [tilespmem:$0xFBF0]  }
0x183: {  	v19 =	vld [tilespmem:$0xFDF0]  }
0x184: {  	s24 =	spop (v2sf);
	v7 =	vadd.f32 v17, v7;
	v17 =	vmul.f32 v61, v60  }
0x185: {  	p0 =	sgt.s32 s24, $0x0  }
.Ltmp13:
0x186: {  	v7 =	vadd.f32 v17, v7;
	v17 =	vmul.f32 v63, v62;
	(pc) =	sbr.rel @p0 .LBB2_26-.Ltmp13, $3  }
0x187: {  	_ = 	snop  }
0x188: {  	v7 =	vadd.f32 v17, v7;
	v17 =	vmul.f32 v19, v18;
	_ =	sdelay $0x1  }
0x189: {  	v7 =	vadd.f32 v17, v7  }
.Ltmp14:
0x18a: {  	_ = 	snop;
	(pc) =	sbr.rel .LBB2_27-.Ltmp14, $1  }
0x18b: {  	_ =	sdelay $0x3  }
.LBB2_8:
0x18c: {  	p0 =	slt.s32 s13, $0x800  }
0x18d: {  	s13 =	simm.s32 @!p0 $0x800  }
0x18e: {  	s15 =	sadd.s32 s4, s13  }
0x18f: {  	s15 =	sadd.s32 $0x7F, s15  }
0x190: {  	s16 =	sand.u32 $0x7F, s15  }
0x191: {  	s24 =	sshra.s32 s15, $0x1F;
	p1 =	slt.s32 s15, $0x1;
	p6 =	sne.s32 s16, $0x0  }
0x192: {  	s16 =	sshrl.u32 s24, $0x19;
	p0 =	por !p1, !p6  }
0x193: {  	s15 =	sadd.s32 s16, s15;
	s16 =	simm.s32 $0x1;
	p0 =	por !p0, !p0  }
0x194: {  	s15 =	sshra.s32 s15, $0x7;
	s16 =	simm.s32 @!p0 $0x0  }
0x195: {  	s16 =	ssub.s32 s15, s16  }
0x196: {  	p0 =	slt.s32 s16, $0x1  }
.Ltmp15:
0x197: {  	_ = 	snop;
	(pc) =	sbr.rel @p0 .LBB2_12-.Ltmp15, $2  }
0x198: {  	_ =	sdelay $0x2  }
0x199: {  	s15 =	simm.s32 $0x2800  }
0x19a: {  	p0 =	sne.s32 s16, $0x1  }
.Ltmp16:
0x19b: {  	_ = 	snop;
	(pc) =	sbr.rel @!p0 .LBB2_11-.Ltmp16, $4  }
0x19c: {  	s24 =	sshrl.u32 s14, $0x3  }
0x19d: {  	s24 =	sadd.s32 s1, s24  }
0x19e: {  	[tilespmem:s15], [sflag:$0x2] =	stream.linear.gather [hbm4b:s24+s6], $0x80, $0x38;
	[tilespmem:$0x10000] =	vst v63  }
0x19f: {  	s16 =	sadd.s32 $0xFFFFFFFF, s16;
	s14 =	sadd.s32 $0x80, s14;
	_ =	swait.ge [sflag:s12], $0x80  }
.LBB2_10:
0x1a0: {  	s24 =	sshrl.u32 s14, $0x3  }
0x1a1: {  	[sflag:s12] =	ssyncset.done $0x0;
	s15 =	sadd.s32 $0x80, s15;
	p0 =	sne.s32 s16, $0x1  }
.Ltmp17:
0x1a2: {  	s24 =	sadd.s32 s1, s24;
	[sflag:s12] =	ssyncadd.s32 $0xFFFFFF80;
	(pc) =	sbr.rel @p0 .LBB2_10-.Ltmp17, $3  }
0x1a3: {  	[tilespmem:s15], [sflag:$0x2] =	stream.linear.gather [hbm4b:s24+s6], $0x80, $0x38;
	[tilespmem:$0x10000] =	vst v63  }
0x1a4: {  	s16 =	sadd.s32 $0xFFFFFFFF, s16;
	_ =	sdelay $0x1  }
0x1a5: {  	s14 =	sadd.s32 $0x80, s14;
	_ =	swait.ge [sflag:s12], $0x80  }
.LBB2_11:
0x1a6: {  	[sflag:s12] =	ssyncset.done $0x0  }
0x1a7: {  	[sflag:s12] =	ssyncadd.s32 $0xFFFFFF80  }
.LBB2_12:
0x1a8: {  	p0 =	slt.s32 s7, $0x800;
	s14 =	smov.u32 s7  }
0x1a9: {  	s14 =	simm.s32 @!p0 $0x800  }
0x1aa: {  	s15 =	sadd.s32 s5, s14  }
0x1ab: {  	s15 =	sadd.s32 $0x7F, s15  }
0x1ac: {  	s16 =	sand.u32 $0x7F, s15  }
0x1ad: {  	s24 =	sshra.s32 s15, $0x1F;
	p1 =	slt.s32 s15, $0x1;
	p6 =	sne.s32 s16, $0x0  }
0x1ae: {  	s16 =	sshrl.u32 s24, $0x19;
	p0 =	por !p1, !p6  }
0x1af: {  	s15 =	sadd.s32 s16, s15;
	s16 =	simm.s32 $0x1;
	p0 =	por !p0, !p0  }
0x1b0: {  	s15 =	sshra.s32 s15, $0x7;
	s16 =	simm.s32 @!p0 $0x0  }
0x1b1: {  	s16 =	ssub.s32 s15, s16  }
0x1b2: {  	p0 =	slt.s32 s16, $0x1  }
.Ltmp18:
0x1b3: {  	_ = 	snop;
	(pc) =	sbr.rel @p0 .LBB2_16-.Ltmp18, $2  }
0x1b4: {  	_ =	sdelay $0x2  }
0x1b5: {  	s15 =	simm.s32 $0x3080  }
0x1b6: {  	p0 =	sne.s32 s16, $0x1  }
.Ltmp19:
0x1b7: {  	_ = 	snop;
	(pc) =	sbr.rel @!p0 .LBB2_15-.Ltmp19, $4  }
0x1b8: {  	s24 =	sshrl.u32 s2, $0x3  }
0x1b9: {  	s24 =	sadd.s32 s1, s24  }
0x1ba: {  	[tilespmem:s15], [sflag:$0x2] =	stream.linear.gather [hbm4b:s24+s6], $0x80, $0x38;
	[tilespmem:$0x10000] =	vst v63  }
0x1bb: {  	s16 =	sadd.s32 $0xFFFFFFFF, s16;
	s2 =	sadd.s32 $0x80, s2;
	_ =	swait.ge [sflag:s12], $0x80  }
.LBB2_14:
0x1bc: {  	s24 =	sshrl.u32 s2, $0x3  }
0x1bd: {  	[sflag:s12] =	ssyncset.done $0x0;
	s15 =	sadd.s32 $0x80, s15;
	p0 =	sne.s32 s16, $0x1  }
.Ltmp20:
0x1be: {  	s24 =	sadd.s32 s1, s24;
	[sflag:s12] =	ssyncadd.s32 $0xFFFFFF80;
	(pc) =	sbr.rel @p0 .LBB2_14-.Ltmp20, $3  }
0x1bf: {  	[tilespmem:s15], [sflag:$0x2] =	stream.linear.gather [hbm4b:s24+s6], $0x80, $0x38;
	[tilespmem:$0x10000] =	vst v63  }
0x1c0: {  	s16 =	sadd.s32 $0xFFFFFFFF, s16;
	_ =	sdelay $0x1  }
0x1c1: {  	s2 =	sadd.s32 $0x80, s2;
	_ =	swait.ge [sflag:s12], $0x80  }
.LBB2_15:
0x1c2: {  	[sflag:s12] =	ssyncset.done $0x0  }
0x1c3: {  	[sflag:s12] =	ssyncadd.s32 $0xFFFFFF80  }
.LBB2_16:
0x1c4: {  	s2 =	sadd.s32 $0xF, s14  }
0x1c5: {  	s15 =	sand.u32 $0xF, s2  }
0x1c6: {  	p0 =	slt.s32 s7, $0xFFFFFFF2;
	s16 =	sshra.s32 s2, $0x1F;
	p1 =	sne.s32 s15, $0x0  }
0x1c7: {  	s24 =	sshrl.u32 s16, $0x1C;
	p0 =	por !p0, !p1  }
0x1c8: {  	s7 =	simm.s32 $0x1;
	s2 =	sadd.s32 s24, s2;
	p0 =	por !p0, !p0  }
0x1c9: {  	s2 =	sshra.s32 s2, $0x4;
	s7 =	simm.s32 @!p0 $0x0  }
0x1ca: {  	s7 =	ssub.s32 s2, s7  }
0x1cb: {  	p0 =	slt.s32 s7, $0x1  }
.Ltmp21:
0x1cc: {  	_ = 	snop;
	(pc) =	sbr.rel @p0 .LBB2_28-.Ltmp21, $1  }
0x1cd: {  	_ =	sdelay $0x3  }
0x1ce: {  	v8 =	vmov s13  }
0x1cf: {  	v9 =	vand.u32 $0x1, v8  }
.Ltmp22:
0x1d0: {  	v10 =	vshrl.u32 v8, $0x1F;
	vm0 =	vlt.s32 v8, $0x1;
	vm1 =	veq.s32 v9, $0x1;
	(pc) =	sbr.rel .LBB2_18-.Ltmp22, $4  }
0x1d1: {  	v10 =	vadd.s32 s13, v10;
	vm0 =	vmand vm0, vm1  }
0x1d2: {  	v9 =	vmov s5;
	v11 =	vshra.s32 v10, $0x1;
	v12 =	vsel vm0, $0xFFFFFFFF, v0  }
0x1d3: {  	v15 =	vmov s14;
	v10 =	vadd.s32 $0xFFFFFFFF, v9;
	v11 =	vadd.s32 v12, v11  }
0x1d4: {  	s2 =	sadd.s32 $0x3080, s5;
	v12 =	vmov s4;
	v13 =	vadd.s32 s4, v11;
	v14 =	vadd.s32 $0x1, v11;
	s4 =	simm.s32 $0x0  }
.LBB2_21:
0x1d5: {  	s4 =	sadd.s32 $0x1, s4  }
0x1d6: {  	p0 =	seq.s32 s4, s7  }
.Ltmp23:
0x1d7: {  	_ = 	snop;
	(pc) =	sbr.rel @p0 .LBB2_28-.Ltmp23, $1  }
0x1d8: {  	_ =	sdelay $0x3  }
.LBB2_18:
0x1d9: {  	s5 =	sshll.u32 s4, $0x4  }
0x1da: {  	v17 =	vor.u32 s5, v1  }
0x1db: {  	v16 =	vadd.s32 v9, v17;
	_ =	sdelay $0x3  }
0x1dc: {  	v18 =	vld.idx.msk [tilespmem:v13+s21+$0x0], $0xffff  }
0x1dd: {  	v16 =	vld.idx.msk [tilespmem:v16+s20+$0x0], $0xffff;
	_ =	sdelay $0x4  }
0x1de: {  	vm0 =	vlt.s32 v18, v16  }
0x1df: {  	v18 =	vnsel vm0, $0x0, v14;
	v19 =	vsel vm0, v8, v11  }
0x1e0: {  	v20 =	vadd.s32 v19, v18  }
0x1e1: {  	v21 =	vand.u32 $0x1, v20  }
0x1e2: {  	v59 =	vshrl.u32 v20, $0x1F;
	vm1 =	vlt.s32 v20, $0x1;
	vm0 =	veq.s32 v21, $0x1  }
0x1e3: {  	v20 =	vadd.s32 v59, v20;
	vm0 =	vmand vm1, vm0  }
0x1e4: {  	v20 =	vshra.s32 v20, $0x1;
	v60 =	vsel vm0, $0xFFFFFFFF, v0  }
0x1e5: {  	v20 =	vadd.s32 v60, v20  }
0x1e6: {  	v21 =	vadd.s32 v12, v20;
	_ =	sdelay $0x4  }
0x1e7: {  	v21 =	vld.idx.msk [tilespmem:v21+s21+$0x0], $0xffff;
	_ =	sdelay $0x4  }
0x1e8: {  	v61 =	vadd.s32 $0x1, v20;
	vm0 =	vlt.s32 v21, v16  }
0x1e9: {  	v18 =	vsel vm0, v61, v18;
	v19 =	vsel vm0, v19, v20  }
0x1ea: {  	v20 =	vadd.s32 v19, v18  }
0x1eb: {  	v62 =	vand.u32 $0x1, v20  }
0x1ec: {  	v63 =	vshrl.u32 v20, $0x1F;
	vm1 =	vlt.s32 v20, $0x1;
	vm0 =	veq.s32 v62, $0x1  }
0x1ed: {  	v20 =	vadd.s32 v63, v20;
	vm0 =	vmand vm1, vm0  }
0x1ee: {  	v20 =	vshra.s32 v20, $0x1;
	v24 =	vsel vm0, $0xFFFFFFFF, v0  }
0x1ef: {  	v20 =	vadd.s32 v24, v20  }
0x1f0: {  	v21 =	vadd.s32 v12, v20;
	_ =	sdelay $0x4  }
0x1f1: {  	v21 =	vld.idx.msk [tilespmem:v21+s21+$0x0], $0xffff;
	_ =	sdelay $0x4  }
0x1f2: {  	v25 =	vadd.s32 $0x1, v20;
	vm0 =	vlt.s32 v21, v16  }
0x1f3: {  	v18 =	vsel vm0, v25, v18;
	v19 =	vsel vm0, v19, v20  }
0x1f4: {  	v20 =	vadd.s32 v19, v18  }
0x1f5: {  	v26 =	vand.u32 $0x1, v20  }
0x1f6: {  	v27 =	vshrl.u32 v20, $0x1F;
	vm1 =	vlt.s32 v20, $0x1;
	vm0 =	veq.s32 v26, $0x1  }
0x1f7: {  	v20 =	vadd.s32 v27, v20;
	vm0 =	vmand vm1, vm0  }
0x1f8: {  	v20 =	vshra.s32 v20, $0x1;
	v28 =	vsel vm0, $0xFFFFFFFF, v0  }
0x1f9: {  	v20 =	vadd.s32 v28, v20  }
0x1fa: {  	v21 =	vadd.s32 v12, v20;
	_ =	sdelay $0x4  }
0x1fb: {  	v21 =	vld.idx.msk [tilespmem:v21+s21+$0x0], $0xffff;
	_ =	sdelay $0x4  }
0x1fc: {  	v29 =	vadd.s32 $0x1, v20;
	vm0 =	vlt.s32 v21, v16  }
0x1fd: {  	v18 =	vsel vm0, v29, v18;
	v19 =	vsel vm0, v19, v20  }
0x1fe: {  	v20 =	vadd.s32 v19, v18  }
0x1ff: {  	v30 =	vand.u32 $0x1, v20  }
0x200: {  	v31 =	vshrl.u32 v20, $0x1F;
	vm1 =	vlt.s32 v20, $0x1;
	vm0 =	veq.s32 v30, $0x1  }
0x201: {  	v20 =	vadd.s32 v31, v20;
	vm0 =	vmand vm1, vm0  }
0x202: {  	v20 =	vshra.s32 v20, $0x1;
	v32 =	vsel vm0, $0xFFFFFFFF, v0  }
0x203: {  	v20 =	vadd.s32 v32, v20  }
0x204: {  	v21 =	vadd.s32 v12, v20;
	_ =	sdelay $0x4  }
0x205: {  	v21 =	vld.idx.msk [tilespmem:v21+s21+$0x0], $0xffff;
	_ =	sdelay $0x4  }
0x206: {  	v33 =	vadd.s32 $0x1, v20;
	vm0 =	vlt.s32 v21, v16  }
0x207: {  	v18 =	vsel vm0, v33, v18;
	v19 =	vsel vm0, v19, v20  }
0x208: {  	v20 =	vadd.s32 v19, v18  }
0x209: {  	v34 =	vand.u32 $0x1, v20  }
0x20a: {  	v35 =	vshrl.u32 v20, $0x1F;
	vm1 =	vlt.s32 v20, $0x1;
	vm0 =	veq.s32 v34, $0x1  }
0x20b: {  	v20 =	vadd.s32 v35, v20;
	vm0 =	vmand vm1, vm0  }
0x20c: {  	v20 =	vshra.s32 v20, $0x1;
	v36 =	vsel vm0, $0xFFFFFFFF, v0  }
0x20d: {  	v20 =	vadd.s32 v36, v20  }
0x20e: {  	v21 =	vadd.s32 v12, v20;
	_ =	sdelay $0x4  }
0x20f: {  	v21 =	vld.idx.msk [tilespmem:v21+s21+$0x0], $0xffff;
	_ =	sdelay $0x4  }
0x210: {  	v37 =	vadd.s32 $0x1, v20;
	vm0 =	vlt.s32 v21, v16  }
0x211: {  	v18 =	vsel vm0, v37, v18;
	v19 =	vsel vm0, v19, v20  }
0x212: {  	v20 =	vadd.s32 v19, v18  }
0x213: {  	v38 =	vand.u32 $0x1, v20  }
0x214: {  	v39 =	vshrl.u32 v20, $0x1F;
	vm1 =	vlt.s32 v20, $0x1;
	vm0 =	veq.s32 v38, $0x1  }
0x215: {  	v20 =	vadd.s32 v39, v20;
	vm0 =	vmand vm1, vm0  }
0x216: {  	v20 =	vshra.s32 v20, $0x1;
	v40 =	vsel vm0, $0xFFFFFFFF, v0  }
0x217: {  	v20 =	vadd.s32 v40, v20  }
0x218: {  	v21 =	vadd.s32 v12, v20;
	_ =	sdelay $0x4  }
0x219: {  	v21 =	vld.idx.msk [tilespmem:v21+s21+$0x0], $0xffff;
	_ =	sdelay $0x4  }
0x21a: {  	v41 =	vadd.s32 $0x1, v20;
	vm0 =	vlt.s32 v21, v16  }
0x21b: {  	v18 =	vsel vm0, v41, v18;
	v19 =	vsel vm0, v19, v20  }
0x21c: {  	v20 =	vadd.s32 v19, v18  }
0x21d: {  	v42 =	vand.u32 $0x1, v20  }
0x21e: {  	v43 =	vshrl.u32 v20, $0x1F;
	vm1 =	vlt.s32 v20, $0x1;
	vm0 =	veq.s32 v42, $0x1  }
0x21f: {  	v20 =	vadd.s32 v43, v20;
	vm0 =	vmand vm1, vm0  }
0x220: {  	v20 =	vshra.s32 v20, $0x1;
	v44 =	vsel vm0, $0xFFFFFFFF, v0  }
0x221: {  	v20 =	vadd.s32 v44, v20  }
0x222: {  	v21 =	vadd.s32 v12, v20;
	_ =	sdelay $0x4  }
0x223: {  	v21 =	vld.idx.msk [tilespmem:v21+s21+$0x0], $0xffff;
	_ =	sdelay $0x4  }
0x224: {  	v45 =	vadd.s32 $0x1, v20;
	vm0 =	vlt.s32 v21, v16  }
0x225: {  	v18 =	vsel vm0, v45, v18;
	v19 =	vsel vm0, v19, v20  }
0x226: {  	v20 =	vadd.s32 v19, v18  }
0x227: {  	v46 =	vand.u32 $0x1, v20  }
0x228: {  	v47 =	vshrl.u32 v20, $0x1F;
	vm1 =	vlt.s32 v20, $0x1;
	vm0 =	veq.s32 v46, $0x1  }
0x229: {  	v20 =	vadd.s32 v47, v20;
	vm0 =	vmand vm1, vm0  }
0x22a: {  	v20 =	vshra.s32 v20, $0x1;
	v48 =	vsel vm0, $0xFFFFFFFF, v0  }
0x22b: {  	v20 =	vadd.s32 v48, v20  }
0x22c: {  	v21 =	vadd.s32 v12, v20;
	_ =	sdelay $0x4  }
0x22d: {  	v21 =	vld.idx.msk [tilespmem:v21+s21+$0x0], $0xffff;
	_ =	sdelay $0x4  }
0x22e: {  	v49 =	vadd.s32 $0x1, v20;
	vm0 =	vlt.s32 v21, v16  }
0x22f: {  	v18 =	vsel vm0, v49, v18;
	v19 =	vsel vm0, v19, v20  }
0x230: {  	v20 =	vadd.s32 v19, v18  }
0x231: {  	v50 =	vand.u32 $0x1, v20  }
0x232: {  	v51 =	vshrl.u32 v20, $0x1F;
	vm1 =	vlt.s32 v20, $0x1;
	vm0 =	veq.s32 v50, $0x1  }
0x233: {  	v20 =	vadd.s32 v51, v20;
	vm0 =	vmand vm1, vm0  }
0x234: {  	v20 =	vshra.s32 v20, $0x1;
	v52 =	vsel vm0, $0xFFFFFFFF, v0  }
0x235: {  	v20 =	vadd.s32 v52, v20  }
0x236: {  	v21 =	vadd.s32 v12, v20;
	_ =	sdelay $0x4  }
0x237: {  	v21 =	vld.idx.msk [tilespmem:v21+s21+$0x0], $0xffff;
	_ =	sdelay $0x4  }
0x238: {  	v53 =	vadd.s32 $0x1, v20;
	vm0 =	vlt.s32 v21, v16  }
0x239: {  	v18 =	vsel vm0, v53, v18;
	v19 =	vsel vm0, v19, v20  }
0x23a: {  	v20 =	vadd.s32 v19, v18  }
0x23b: {  	v54 =	vand.u32 $0x1, v20  }
0x23c: {  	v55 =	vshrl.u32 v20, $0x1F;
	vm1 =	vlt.s32 v20, $0x1;
	vm0 =	veq.s32 v54, $0x1  }
0x23d: {  	v20 =	vadd.s32 v55, v20;
	vm0 =	vmand vm1, vm0  }
0x23e: {  	v20 =	vshra.s32 v20, $0x1;
	v56 =	vsel vm0, $0xFFFFFFFF, v0  }
0x23f: {  	v20 =	vadd.s32 v56, v20  }
0x240: {  	v21 =	vadd.s32 v12, v20;
	_ =	sdelay $0x4  }
0x241: {  	v21 =	vld.idx.msk [tilespmem:v21+s21+$0x0], $0xffff;
	_ =	sdelay $0x4  }
0x242: {  	v57 =	vadd.s32 $0x1, v20;
	vm0 =	vlt.s32 v21, v16  }
0x243: {  	v18 =	vsel vm0, v57, v18;
	v19 =	vsel vm0, v19, v20  }
0x244: {  	v19 =	vadd.s32 v19, v18  }
0x245: {  	v58 =	vand.u32 $0x1, v19  }
0x246: {  	v59 =	vshrl.u32 v19, $0x1F;
	vm0 =	vlt.s32 v19, $0x1;
	vm1 =	veq.s32 v58, $0x1  }
0x247: {  	v19 =	vadd.s32 v59, v19;
	vm0 =	vmand vm0, vm1  }
0x248: {  	v19 =	vshra.s32 v19, $0x1;
	v60 =	vsel vm0, $0xFFFFFFFF, v0  }
0x249: {  	v19 =	vadd.s32 v60, v19  }
0x24a: {  	v20 =	vadd.s32 v12, v19;
	_ =	sdelay $0x4  }
0x24b: {  	v20 =	vld.idx.msk [tilespmem:v20+s21+$0x0], $0xffff;
	_ =	sdelay $0x3  }
0x24c: {  	v61 =	vadd.s32 v10, v17  }
0x24d: {  	vm0 =	vgt.s32 v61, $0x0;
	v19 =	vadd.s32 $0x1, v19;
	vm1 =	vlt.s32 v20, v16  }
0x24e: {  	v62 =	vnsel vm0, $0x0, v61;
	v18 =	vsel vm1, v19, v18  }
0x24f: {  	v19 =	vadd.s32 v12, v18;
	_ =	sdelay $0x3  }
0x250: {  	v20 =	vld.idx.msk [tilespmem:v62+s20+$0x0], $0xffff  }
0x251: {  	v19 =	vld.idx.msk [tilespmem:v19+s21+$0x0], $0xffff;
	_ =	sdelay $0x2  }
0x252: {  	v63 =	vmov s5  }
0x253: {  	vm3 =	veq.s32 v63, v1;
	vm1 =	vlt.s32 v17, v15;
	vm2 =	vlt.s32 v18, v8  }
0x254: {  	vm1 =	vmand vm1, vm2;
	vm0 =	vne.s32 v16, v20;
	vm2 =	veq.s32 v19, v16  }
0x255: {  	vm0 =	vmor vm3, vm0;
	vm1 =	vmand vm2, vm1  }
0x256: {  	vm0 =	vmand vm0, vm1  }
0x257: {  	v16 =	vmpcnt.ones.xlane vm0;
	_ =	sdelay $0x1  }
0x258: {  	(v2sf) =	vpush v16, $0x0;
	_ =	sdelay $0xe  }
0x259: {  	s13 =	spop (v2sf)  }
0x25a: {  	p0 =	slt.s32 s13, $0x1  }
.Ltmp24:
0x25b: {  	_ = 	snop;
	(pc) =	sbr.rel @p0 .LBB2_21-.Ltmp24, $1  }
0x25c: {  	_ =	sdelay $0x3  }
0x25d: {  	s5 =	sadd.s32 s5, s2  }
0x25e: {  	v16 =	vmov s5  }
.LBB2_20:
0x25f: {  	v17 =	vmctz.xlane vm0;
	_ =	sdelay $0x1  }
0x260: {  	(v2sf) =	vpush v17, $0x0;
	_ =	sdelay $0xe  }
0x261: {  	s5 =	spop (v2sf)  }
0x262: {  	v18 =	vld.idx.msk [tilespmem:v16+s5+$0x0 ss:$0x1], $0xffff;
	_ =	sdelay $0x4  }
0x263: {  	(v2sf) =	vpush v18, $0x0;
	_ =	sdelay $0xe  }
0x264: {  	s16 =	spop (v2sf)  }
0x265: {  	s13 =	sshll.u32 s16, $0x8;
	s5 =	sshll.u32 s16, $0x7  }
0x266: {  	s13 =	sand.u32 $0xFFFFF800, s13;
	s5 =	sand.u32 $0x380, s5  }
0x267: {  	s5 =	sor.u32 s5, s13  }
0x268: {  	s5 =	sshrl.u32 s5, $0x3  }
0x269: {  	s5 =	sadd.s32 s0, s5  }
0x26a: {  	[tilespmem:s22], [sflag:$0x2] =	stream.strided.gather [hbm4b:s5+s18], $0x100, s19, s18, $0x38;
	[tilespmem:$0x10000] =	vst v63  }
0x26b: {  	_ =	swait.ge [sflag:s12], $0x100  }
0x26c: {  	[sflag:s12] =	ssyncset.done $0x0  }
0x26d: {  	[sflag:s12] =	ssyncadd.s32 $0xFFFFFF00  }
0x26e: {  	v18 =	vld [tilespmem:$0xFB00]  }
0x26f: {  	v19 =	vld [tilespmem:$0xFD00]  }
0x270: {  	v20 =	vld [tilespmem:$0xFB10]  }
0x271: {  	v21 =	vld [tilespmem:$0xFD10]  }
0x272: {  	v22 =	vld [tilespmem:$0xFB20]  }
0x273: {  	v23 =	vld [tilespmem:$0xFD20]  }
0x274: {  	v24 =	vld [tilespmem:$0xFD30];
	v18 =	vmul.f32 v19, v18  }
0x275: {  	v19 =	vld [tilespmem:$0xFB30]  }
0x276: {  	v46 =	vld [tilespmem:$0xFB40];
	v7 =	vadd.f32 v18, v7;
	v18 =	vmul.f32 v21, v20  }
0x277: {  	v47 =	vld [tilespmem:$0xFD40]  }
0x278: {  	v48 =	vld [tilespmem:$0xFB50];
	v7 =	vadd.f32 v18, v7;
	v18 =	vmul.f32 v23, v22  }
0x279: {  	v17 =	vbroadcast v17, $0x0;
	v49 =	vld [tilespmem:$0xFD50]  }
0x27a: {  	v50 =	vld [tilespmem:$0xFD60];
	v7 =	vadd.f32 v18, v7;
	v18 =	vmul.f32 v24, v19  }
0x27b: {  	vm1 =	vne.s32 v17, v1;
	v19 =	vld [tilespmem:$0xFB60]  }
0x27c: {  	vm0 =	vmand vm0, vm1;
	v51 =	vld [tilespmem:$0xFB70];
	v7 =	vadd.f32 v18, v7;
	v18 =	vmul.f32 v47, v46  }
0x27d: {  	v55 =	vmpcnt.ones.xlane vm0;
	v52 =	vld [tilespmem:$0xFD70]  }
0x27e: {  	v53 =	vld [tilespmem:$0xFB80];
	v7 =	vadd.f32 v18, v7;
	v18 =	vmul.f32 v49, v48  }
0x27f: {  	(v2sf) =	vpush v55, $0x0;
	v54 =	vld [tilespmem:$0xFD80]  }
0x280: {  	v17 =	vmul.f32 v50, v19;
	v19 =	vld [tilespmem:$0xFD90];
	v7 =	vadd.f32 v18, v7  }
0x281: {  	v18 =	vld [tilespmem:$0xFB90]  }
0x282: {  	v56 =	vld [tilespmem:$0xFBA0];
	v7 =	vadd.f32 v17, v7;
	v17 =	vmul.f32 v52, v51  }
0x283: {  	v57 =	vld [tilespmem:$0xFDA0]  }
0x284: {  	v58 =	vld [tilespmem:$0xFBB0];
	v7 =	vadd.f32 v17, v7;
	v17 =	vmul.f32 v54, v53  }
0x285: {  	v59 =	vld [tilespmem:$0xFDB0]  }
0x286: {  	v7 =	vadd.f32 v17, v7;
	v17 =	vmul.f32 v19, v18;
	v18 =	vld [tilespmem:$0xFBC0]  }
0x287: {  	v19 =	vld [tilespmem:$0xFDC0]  }
0x288: {  	v60 =	vld [tilespmem:$0xFBD0];
	v7 =	vadd.f32 v17, v7;
	v17 =	vmul.f32 v57, v56  }
0x289: {  	v61 =	vld [tilespmem:$0xFDD0]  }
0x28a: {  	v62 =	vld [tilespmem:$0xFBE0];
	v7 =	vadd.f32 v17, v7;
	v17 =	vmul.f32 v59, v58  }
0x28b: {  	v63 =	vld [tilespmem:$0xFDE0]  }
0x28c: {  	v7 =	vadd.f32 v17, v7;
	v17 =	vmul.f32 v19, v18;
	v18 =	vld [tilespmem:$0xFBF0]  }
0x28d: {  	v19 =	vld [tilespmem:$0xFDF0]  }
0x28e: {  	s24 =	spop (v2sf);
	v7 =	vadd.f32 v17, v7;
	v17 =	vmul.f32 v61, v60  }
0x28f: {  	p0 =	sgt.s32 s24, $0x0  }
.Ltmp25:
0x290: {  	v7 =	vadd.f32 v17, v7;
	v17 =	vmul.f32 v63, v62;
	(pc) =	sbr.rel @p0 .LBB2_20-.Ltmp25, $3  }
0x291: {  	_ = 	snop  }
0x292: {  	v7 =	vadd.f32 v17, v7;
	v17 =	vmul.f32 v19, v18;
	_ =	sdelay $0x1  }
0x293: {  	v7 =	vadd.f32 v17, v7  }
.Ltmp26:
0x294: {  	_ = 	snop;
	(pc) =	sbr.rel .LBB2_21-.Ltmp26, $1  }
0x295: {  	_ =	sdelay $0x3  }
.LBB2_31:
0x296: {  	_ =	sfence.sel $0x180000  }
0x297: {  	[bflag:$0x0] =	sbarrier.arrive $0xFFFF  }
0x298: {  	_ =	strace $0x90000047  }
0x299: {  	s0 =	stileid.u32;
	[bflag:$0x2] =	sbarrier.arrive $0xFFFF  }
0x29a: {  	p0 =	sne.s32 s0, $0x0;
	s0 =	rddreg [dreg:$0x8]  }
0x29b: {  	s0 =	sadd.s32 @!p0 $0x100000, s0  }
0x29c: {  	[sflag:s0] =	ssyncadd.tile.s32 @!p0 $0x1;
	_ =	shalt  }
.Lfunc_end2:
_tile_overlayer_lowered:
.L_overlay_start_2:
0x29d: {  	(tag) =	ssettag $0x2  }
0x29e: {  	s0 =	rddreg [dreg:$0x0];
	s2 =	stileid.u32  }
0x29f: {  	s1 =	rddreg [dreg:$0x1];
	p0 =	sne.s32 s2, $0x0  }
0x2a0: {  	s3 =	rddreg [dreg:$0x2];
	[bflag:$0x3] =	sbarrier.arrive $0xFFFF;
	s2 =	simm.s32 @!p0 $0x1C02  }
0x2a1: {  	[timem:s3], [sflag:s2] =	dma.local @!p0 [hbm:s0], s1  }
0x2a2: {  	s0 =	simm.s32 @!p0 $0x2  }
0x2a3: {  	_ =	swait.ge @!p0 [sflag:s0], s1  }
0x2a4: {  	s1 =	ssub.s32 @!p0 $0x0, s1;
	[sflag:s0] =	ssyncset.done @!p0 $0x0  }
0x2a5: {  	[sflag:s0] =	ssyncadd.s32 @!p0 s1  }
0x2a6: {  	[bflag:$0x3] =	sbarrier.arrive $0xFFFF  }
0x2a7: {  	_ =	shalt  }

</sc_bundles>
